<compile_context>
chip_gen: v7x
topology: tpu7x:2x2x1
jax: 0.10.2.dev20260603
libtpu: 0.0.44.dev20260713+nightly
codegen_flags: <defaults>
</compile_context>

<pallas_src>
import jax
import jax.numpy as jnp
from jax import lax
from jax.experimental import pallas as pl
from jax.experimental.pallas import tpu as pltpu
from jax.experimental.pallas import tpu_sc as plsc

N = 10000
NPAD = 10240
E = 160000
F = 35
FP = 128
ONE_COL = 35
CHUNK = 128
NC, NS = 2, 16
NW = NC * NS
NK = 40
EPT = NK * CHUNK
EPAD = EPT * NW
ROWS_PER_TILE = NPAD // NS
P3R = NPAD // FP


def _sc_wide_body(xpad_hbm, eidx_hbm, eaf_hbm, zeros_hbm, out_hbm,
                  idx_v, ea_v, rows0, rows1, acc_sh, g0, g1, s0, s1):
    c = lax.axis_index("c")
    s = lax.axis_index("s")
    wid = s * NC + c

    pltpu.sync_copy(zeros_hbm.at[pl.ds(s * ROWS_PER_TILE, ROWS_PER_TILE)],
                    acc_sh.at[pl.ds(s * ROWS_PER_TILE, ROWS_PER_TILE)])
    for t in range(2):
        pltpu.sync_copy(eidx_hbm.at[pl.ds(t * NW * NK + wid * NK, NK)],
                        idx_v.at[pl.ds(t * NK, NK)])
    pltpu.sync_copy(eaf_hbm.at[pl.ds(wid * NK, NK)], ea_v)
    plsc.subcore_barrier()

    lane = lax.iota(jnp.int32, 16)
    is_one_col = lane == (ONE_COL - 32)
    rows = (rows0, rows1)
    gsem = (g0, g1)
    ssem = (s0, s1)
    def start_gather(k, b):
        pltpu.async_copy(xpad_hbm.at[idx_v.at[k]], rows[b], gsem[b])

    def wait_gather(b):
        pltpu.make_async_copy(xpad_hbm.at[idx_v.at[0]], rows[b],
                              gsem[b]).wait()

    def start_scatter(k, b):
        pltpu.async_copy(rows[b], acc_sh.at[idx_v.at[NK + k]], ssem[b],
                         add=True)

    def wait_scatter(b):
        pltpu.make_async_copy(rows[b], acc_sh.at[idx_v.at[NK]],
                              ssem[b]).wait()

    def scale(k, b):
        rb = rows[b]

        def grp(g, carry):
            eav = ea_v[k, pl.ds(g * 16, 16)]
            for j in range(16):
                a = eav[j]
                e = g * 16 + j
                rb[e, pl.ds(0, 16)] = rb[e, pl.ds(0, 16)] * a
                rb[e, pl.ds(16, 16)] = rb[e, pl.ds(16, 16)] * a
                m = jnp.where(is_one_col, 1.0, a)
                rb[e, pl.ds(32, 16)] = rb[e, pl.ds(32, 16)] * m
            return carry

        lax.fori_loop(0, CHUNK // 16, grp, 0)

    start_gather(0, 0)

    def pair_body(p, carry):
        k0 = 2 * p
        k1 = k0 + 1

        @pl.when(k0 >= 1)
        def _():
            wait_scatter(1)
        start_gather(k1, 1)
        wait_gather(0)
        scale(k0, 0)
        start_scatter(k0, 0)

        wait_scatter(0)

        @pl.when(k1 + 1 < NK)
        def _():
            start_gather(k1 + 1, 0)
        wait_gather(1)
        scale(k1, 1)
        start_scatter(k1, 1)
        return carry

    lax.fori_loop(0, NK // 2, pair_body, 0)
    wait_scatter(1)
    plsc.subcore_barrier()

    pltpu.sync_copy(acc_sh.at[pl.ds(s * ROWS_PER_TILE, ROWS_PER_TILE)],
                    out_hbm.at[c, pl.ds(s * ROWS_PER_TILE, ROWS_PER_TILE)])


def _sc_scalar_body(x2_hbm, eidx_hbm, eaf_hbm, zflat_hbm, out_hbm,
                    idx_v, ea_v, vals0, acc_sh, p0):
    c = lax.axis_index("c")
    s = lax.axis_index("s")
    wid = s * NC + c

    for t in range(2):
        pltpu.sync_copy(eidx_hbm.at[pl.ds(t * NW * NK + wid * NK, NK)],
                        idx_v.at[pl.ds(t * NK, NK)])
    pltpu.sync_copy(eaf_hbm.at[pl.ds(wid * NK, NK)], ea_v)
    pltpu.sync_copy(zflat_hbm.at[pl.ds(s * ROWS_PER_TILE, ROWS_PER_TILE)],
                    acc_sh.at[pl.ds(s * ROWS_PER_TILE, ROWS_PER_TILE)])
    plsc.subcore_barrier()

    def ch(k, carry):
        pltpu.async_copy(x2_hbm.at[idx_v.at[k]], vals0, p0).wait()

        def sgrp(g, carry2):
            vals0[pl.ds(g * 16, 16)] = (vals0[pl.ds(g * 16, 16)]
                                        * ea_v[k, pl.ds(g * 16, 16)])
            return carry2

        lax.fori_loop(0, CHUNK // 16, sgrp, 0)
        pltpu.sync_copy(vals0, acc_sh.at[idx_v.at[NK + k]], add=True)
        return carry

    lax.fori_loop(0, NK, ch, 0)
    plsc.subcore_barrier()

    pltpu.sync_copy(acc_sh.at[pl.ds(s * ROWS_PER_TILE, ROWS_PER_TILE)],
                    out_hbm.at[c, pl.ds(s * ROWS_PER_TILE, ROWS_PER_TILE)])


_SC_CACHE = {}


def _get_sc_wide():
    if "wide" not in _SC_CACHE:
        _SC_CACHE["wide"] = pl.kernel(
            _sc_wide_body,
            out_type=jax.ShapeDtypeStruct((NC, NPAD, FP), jnp.float32),
            mesh=plsc.VectorSubcoreMesh(core_axis_name="c",
                                        subcore_axis_name="s",
                                        num_cores=NC, num_subcores=NS),
            scratch_types=[
                pltpu.VMEM((2 * NK, CHUNK), jnp.int32),
                pltpu.VMEM((NK, CHUNK), jnp.float32),
                pltpu.VMEM((CHUNK, FP), jnp.float32),
                pltpu.VMEM((CHUNK, FP), jnp.float32),
                pltpu.VMEM_SHARED((NPAD, FP), jnp.float32),
            ] + [pltpu.SemaphoreType.DMA] * 4,
        )
    return _SC_CACHE["wide"]


def _get_sc_scalar():
    if "scalar" not in _SC_CACHE:
        _SC_CACHE["scalar"] = pl.kernel(
            _sc_scalar_body,
            out_type=jax.ShapeDtypeStruct((NC, NPAD), jnp.float32),
            mesh=plsc.VectorSubcoreMesh(core_axis_name="c",
                                        subcore_axis_name="s",
                                        num_cores=NC, num_subcores=NS),
            scratch_types=[
                pltpu.VMEM((2 * NK, CHUNK), jnp.int32),
                pltpu.VMEM((NK, CHUNK), jnp.float32),
                pltpu.VMEM((CHUNK,), jnp.float32),
                pltpu.VMEM_SHARED((NPAD,), jnp.float32),
                pltpu.SemaphoreType.DMA,
            ],
        )
    return _SC_CACHE["scalar"]


BLK = 1000


def _dense1_body(sa, sb, xp, w1, r1, b1, g1, bt1, m1, v1, out, cnt_out):
    s = sa[...] + sb[...]
    cnt = s[:, ONE_COL:ONE_COL + 1]
    mean = s * (1.0 / jnp.maximum(cnt, 1.0))
    z = (jnp.dot(mean, jax.nn.relu(w1[...]), preferred_element_type=jnp.float32)
         + jnp.dot(xp[...], r1[...], preferred_element_type=jnp.float32)
         + b1[...])
    z = (z - m1[...]) / jnp.sqrt(v1[...] + 1e-3) * g1[...] + bt1[...]
    x1 = jax.nn.sigmoid(z)
    lanes = lax.broadcasted_iota(jnp.int32, (BLK, FP), 1)
    out[...] = jnp.where(lanes < F, x1,
                         jnp.where(lanes == ONE_COL, 1.0, 0.0))
    cnt_out[...] = cnt


def _dense2_body(sa, sb, x1p, w2, r2, b2, g2, bt2, m2, v2, out):
    s = sa[...] + sb[...]
    cnt = s[:, ONE_COL:ONE_COL + 1]
    mean = s * (1.0 / jnp.maximum(cnt, 1.0))
    z = (jnp.sum(mean * jax.nn.relu(w2[...]), axis=1, keepdims=True)
         + jnp.sum(x1p[...] * r2[...], axis=1, keepdims=True)
         + b2[:, 0:1])
    z = (z - m2[:, 0:1]) / jnp.sqrt(v2[:, 0:1] + 1e-3) * g2[:, 0:1] \
        + bt2[:, 0:1]
    out[...] = jax.nn.sigmoid(z)


def _dense3_body(s3a, s3b, cnt, x1p, x2, w3, r3, b3, g3, bt3, m3, v3, out):
    mean = (s3a[...] + s3b[...]) * (1.0 / jnp.maximum(cnt[...], 1.0))
    z = mean * jax.nn.relu(w3[...]) + x2[...] * r3[...] + b3[...]
    z = (z - m3[...]) / jnp.sqrt(v3[...] + 1e-3) * g3[...] + bt3[...]
    x3a = jax.nn.sigmoid(z)
    out[...] = (x3a + x1p[...]) * 0.5


def _row_spec():
    return pl.BlockSpec((BLK, FP), lambda i: (i, 0))


def _col_spec():
    return pl.BlockSpec((BLK, 1), lambda i: (i, 0))


def _full_spec(shape):
    return pl.BlockSpec(shape, lambda i: tuple(0 for _ in shape))


def _pad_row(v, fill=0.0):
    return jnp.pad(v.reshape(1, -1), ((0, 0), (0, FP - v.size)),
                   constant_values=fill)


def kernel(x, edge_index, edge_attr, lin1_W, lin1_b, root1, bias1, bn1_g,
           bn1_b, bn1_m, bn1_v, lin2_W, lin2_b, root2, bias2, bn2_g, bn2_b,
           bn2_m, bn2_v, lin3_W, lin3_b, root3, bias3, bn3_g, bn3_b, bn3_m,
           bn3_v):
    pad = EPAD - E
    pad_src = jnp.arange(pad, dtype=jnp.int32) % N
    src = jnp.concatenate([edge_index[0], pad_src])
    pad_dst = N + (jnp.arange(pad, dtype=jnp.int32) % (NPAD - N))
    dst = jnp.concatenate([edge_index[1], pad_dst])
    ea = jnp.concatenate([edge_attr[:, 0], jnp.zeros((pad,), jnp.float32)])
    eidx = jnp.stack([src, dst]).reshape(2 * NK * NW, CHUNK)
    eaf = ea.reshape(NK * NW, CHUNK)
    zeros = jnp.zeros((NPAD, FP), jnp.float32)
    zflat = jnp.zeros((NPAD,), jnp.float32)

    onecol = jnp.zeros((1, FP), jnp.float32).at[0, ONE_COL].set(1.0)
    xpad = jnp.pad(x, ((0, 0), (0, FP - F))) + onecol

    w1p = jnp.pad(lin1_W.reshape(F, F), ((0, FP - F), (0, FP - F)))
    r1p = jnp.pad(root1, ((0, FP - F), (0, FP - F)))
    b1p = _pad_row(bias1)
    g1p, bt1p, m1p = _pad_row(bn1_g), _pad_row(bn1_b), _pad_row(bn1_m)
    v1p = _pad_row(bn1_v, fill=1.0)
    w2p = _pad_row(lin2_W[0])
    r2p = _pad_row(root2[:, 0])
    w3p = _pad_row(lin3_W[0])
    r3p = _pad_row(root3[0])
    b3p = _pad_row(bias3)
    g3p, bt3p, m3p = _pad_row(bn3_g), _pad_row(bn3_b), _pad_row(bn3_m)
    v3p = _pad_row(bn3_v, fill=1.0)
    sc2 = lambda v: jnp.broadcast_to(v.reshape(1, 1), (1, FP))

    grid = (N // BLK,)
    small = [(1, FP)] * 7

    s1 = _get_sc_wide()(xpad, eidx, eaf, zeros)
    x1p, cnt = pl.pallas_call(
        _dense1_body, grid=grid,
        in_specs=[_row_spec()] * 3 + [_full_spec((FP, FP))] * 2
        + [_full_spec((1, FP))] * 5,
        out_specs=[_row_spec(), _col_spec()],
        out_shape=[jax.ShapeDtypeStruct((N, FP), jnp.float32),
                   jax.ShapeDtypeStruct((N, 1), jnp.float32)],
    )(s1[0], s1[1], xpad, w1p, r1p, b1p, g1p, bt1p, m1p, v1p)

    s2 = _get_sc_wide()(x1p, eidx, eaf, zeros)
    x2 = pl.pallas_call(
        _dense2_body, grid=grid,
        in_specs=[_row_spec()] * 3 + [_full_spec(sh) for sh in small],
        out_specs=_col_spec(),
        out_shape=jax.ShapeDtypeStruct((N, 1), jnp.float32),
    )(s2[0], s2[1], x1p, w2p, r2p, sc2(bias2), sc2(bn2_g), sc2(bn2_b),
      sc2(bn2_m), sc2(bn2_v))

    x2flat = jnp.pad(x2.reshape(N), (0, NPAD - N))
    s3f = _get_sc_scalar()(x2flat, eidx, eaf, zflat)
    out = pl.pallas_call(
        _dense3_body, grid=grid,
        in_specs=[_col_spec()] * 3 + [_row_spec(), _col_spec()]
        + [_full_spec(sh) for sh in small],
        out_specs=_row_spec(),
        out_shape=jax.ShapeDtypeStruct((N, FP), jnp.float32),
    )(s3f[0, :N, None], s3f[1, :N, None], cnt, x1p, x2, w3p, r3p, b3p, g3p,
      bt3p, m3p, v3p)

    return out[:, :F]

# --- scband reference (transcript-rebuilt; emitter-appended) ---
"""Pipeline reference for scband-generator-25151328485495 (READ-ONLY COPY).

The authoritative reference and input builder live on the scoring server;
editing this copy changes nothing except your own understanding.
"""

import jax, jax.numpy as jnp
import numpy as np

N = 10000
E = 160000

def _glorot(k, shape):
    lim = (6.0 / (shape[0] + shape[-1])) ** 0.5
    return jax.random.uniform(k, shape, jnp.float32, -lim, lim)

def setup_inputs(seed: int = 0):
    key = jax.random.key(seed)
    ks = jax.random.split(key, 12)
    inp = {}
    inp["x"] = jax.random.normal(ks[0], (N, 35), dtype=jnp.float32)
    inp["edge_index"] = jax.random.randint(ks[1], (2, E), 0, N, dtype=jnp.int32)
    inp["edge_attr"] = jax.random.uniform(ks[2], (E, 1), dtype=jnp.float32)
    inp["lin1_W"] = _glorot(ks[3], (1, 1225)); inp["lin1_b"] = jnp.zeros((1225,), jnp.float32)
    inp["root1"] = _glorot(ks[4], (35, 35)); inp["bias1"] = jnp.zeros((35,), jnp.float32)
    inp["bn1_g"] = jnp.ones((35,), jnp.float32); inp["bn1_b"] = jnp.zeros((35,), jnp.float32)
    inp["bn1_m"] = jnp.zeros((35,), jnp.float32); inp["bn1_v"] = jnp.ones((35,), jnp.float32)
    inp["lin2_W"] = _glorot(ks[5], (1, 35)); inp["lin2_b"] = jnp.zeros((35,), jnp.float32)
    inp["root2"] = _glorot(ks[6], (35, 1)); inp["bias2"] = jnp.zeros((1,), jnp.float32)
    inp["bn2_g"] = jnp.ones((1,), jnp.float32); inp["bn2_b"] = jnp.zeros((1,), jnp.float32)
    inp["bn2_m"] = jnp.zeros((1,), jnp.float32); inp["bn2_v"] = jnp.ones((1,), jnp.float32)
    inp["lin3_W"] = _glorot(ks[7], (1, 35)); inp["lin3_b"] = jnp.zeros((35,), jnp.float32)
    inp["root3"] = _glorot(ks[8], (1, 35)); inp["bias3"] = jnp.zeros((35,), jnp.float32)
    inp["bn3_g"] = jnp.ones((35,), jnp.float32); inp["bn3_b"] = jnp.zeros((35,), jnp.float32)
    inp["bn3_m"] = jnp.zeros((35,), jnp.float32); inp["bn3_v"] = jnp.ones((35,), jnp.float32)
    return inp

def _nnconv(x, src, dst, ea, linW, linb, root, bias, in_c, out_c, n):
    W = jax.nn.relu(ea @ linW + linb).reshape(-1, in_c, out_c)
    msg = jnp.einsum('ei,eio->eo', x[src], W)
    s = jax.ops.segment_sum(msg, dst, num_segments=n)
    cnt = jax.ops.segment_sum(jnp.ones((src.shape[0],), jnp.float32), dst, num_segments=n)
    mean = s / jnp.clip(cnt, 1.0)[:, None]
    return mean + x @ root + bias

def _bn(x, g, b, m, v, eps=1e-3):
    return (x - m) / jnp.sqrt(v + eps) * g + b

def reference(x, edge_index, edge_attr, lin1_W, lin1_b, root1, bias1, bn1_g, bn1_b, bn1_m, bn1_v, lin2_W, lin2_b, root2, bias2, bn2_g, bn2_b, bn2_m, bn2_v, lin3_W, lin3_b, root3, bias3, bn3_g, bn3_b, bn3_m, bn3_v):
    src, dst = edge_index[0], edge_index[1]
    n = x.shape[0]
    x1 = jax.nn.sigmoid(_bn(_nnconv(x, src, dst, edge_attr, lin1_W, lin1_b, root1, bias1, 35, 35, n), bn1_g, bn1_b, bn1_m, bn1_v))
    x2 = jax.nn.sigmoid(_bn(_nnconv(x1, src, dst, edge_attr, lin2_W, lin2_b, root2, bias2, 35, 1, n), bn2_g, bn2_b, bn2_m, bn2_v))
    x3a = jax.nn.sigmoid(_bn(_nnconv(x2, src, dst, edge_attr, lin3_W, lin3_b, root3, bias3, 1, 35, n), bn3_g, bn3_b, bn3_m, bn3_v))
    x3 = jnp.concatenate([x3a, x1], axis=1)
    x4 = x3[:, 0:35]
    x5 = x3[:, 35:70]
    return (x4 + x5) / 2.0

if __name__ == "__main__":
    import jax
    _d = setup_inputs()
    print(jax.jit(kernel)(*tuple(_d.values())))

</pallas_src>

<mosaic_0001>
#map = affine_map<(d0, d1) -> (0, 0)>
#map1 = affine_map<(d0, d1) -> (0, 0, 0)>
module attributes {stable_mosaic.version = 14 : i64} {
  func.func @_sc_wide_body(%arg0: i32, %arg1: i32, %arg2: memref<10000x128xf32, #tpu.memory_space<hbm>>, %arg3: memref<2560x128xi32, #tpu.memory_space<hbm>>, %arg4: memref<1280x128xf32, #tpu.memory_space<hbm>>, %arg5: memref<10240x128xf32, #tpu.memory_space<hbm>>, %arg6: memref<2x10240x128xf32, #tpu.memory_space<hbm>>, %arg7: memref<80x128xi32, #tpu.memory_space<vmem>>, %arg8: memref<40x128xf32, #tpu.memory_space<vmem>>, %arg9: memref<128x128xf32, #tpu.memory_space<vmem>>, %arg10: memref<128x128xf32, #tpu.memory_space<vmem>>, %arg11: memref<10240x128xf32, #tpu.memory_space<vmem_shared>>, %arg12: memref<!tpu.dma_semaphore, #tpu.memory_space<semaphore_mem>>, %arg13: memref<!tpu.dma_semaphore, #tpu.memory_space<semaphore_mem>>, %arg14: memref<!tpu.dma_semaphore, #tpu.memory_space<semaphore_mem>>, %arg15: memref<!tpu.dma_semaphore, #tpu.memory_space<semaphore_mem>>) attributes {dimension_semantics = [#tpu.dimension_semantics<core_parallel>, #tpu.dimension_semantics<subcore_parallel>], iteration_bounds = array<i64: 2, 16>, scalar_prefetch = 0 : i64, scratch_operands = 9 : i64, tpu.core_type = #tpu.core_type<sc_vector_subcore>, window_params = [{transform_indices = #map}, {transform_indices = #map}, {transform_indices = #map}, {transform_indices = #map}, {transform_indices = #map1}]} {
    %mul3A = arith.constant 2 : i32
    %mul3A_0 = arith.muli %arg1, %mul3A : i32
    %add3A = arith.addi %mul3A_0, %arg0 : i32
    %mul3A_1 = arith.constant 640 : i32
    %mul3A_2 = arith.muli %arg1, %mul3A_1 : i32
    %mul3A_3 = arith.constant 640 : i32
    %mul3A_4 = arith.muli %arg1, %mul3A_3 : i32
    "tpu.region"() ({
      %run_scoped3A = tpu.sem_alloc : memref<!tpu.dma_semaphore, #tpu.memory_space<semaphore_mem>>
      %dma_start3A_39 = arith.constant 0 : i32
      %dma_start3A_40 = tpu.memref_slice %arg11[%mul3A_4, %dma_start3A_39] : memref<10240x128xf32, #tpu.memory_space<vmem_shared>> -> memref<640x128xf32, #tpu.memory_space<vmem_shared>>
      %dma_start3A_41 = arith.constant 0 : i32
      %dma_start3A_42 = tpu.memref_slice %arg5[%mul3A_2, %dma_start3A_41] : memref<10240x128xf32, #tpu.memory_space<hbm>> -> memref<640x128xf32, #tpu.memory_space<hbm>>
      tpu.enqueue_dma source(%dma_start3A_42 : memref<640x128xf32, #tpu.memory_space<hbm>>) target(%dma_start3A_40 : memref<640x128xf32, #tpu.memory_space<vmem_shared>>) target_semaphore(%run_scoped3A : memref<!tpu.dma_semaphore, #tpu.memory_space<semaphore_mem>>)
      %dma_wait3A_43 = arith.constant 0 : i32
      %dma_wait3A_44 = tpu.memref_slice %arg11[%mul3A_4, %dma_wait3A_43] : memref<10240x128xf32, #tpu.memory_space<vmem_shared>> -> memref<640x128xf32, #tpu.memory_space<vmem_shared>>
      %dma_wait3A_45 = arith.constant 0 : i32
      %dma_wait3A_46 = tpu.memref_slice %arg5[%mul3A_2, %dma_wait3A_45] : memref<10240x128xf32, #tpu.memory_space<hbm>> -> memref<640x128xf32, #tpu.memory_space<hbm>>
      tpu.wait_dma2 semaphore(%run_scoped3A : memref<!tpu.dma_semaphore, #tpu.memory_space<semaphore_mem>>) src(%dma_wait3A_46 : memref<640x128xf32, #tpu.memory_space<hbm>>) dst(%dma_wait3A_44 : memref<640x128xf32, #tpu.memory_space<vmem_shared>>)
      tpu.yield
    }) : () -> ()
    %mul3A_5 = arith.constant 40 : i32
    %mul3A_6 = arith.muli %add3A, %mul3A_5 : i32
    %add3A_7 = arith.constant 0 : i32
    %add3A_8 = arith.addi %add3A_7, %mul3A_6 : i32
    "tpu.region"() ({
      %run_scoped3A = tpu.sem_alloc : memref<!tpu.dma_semaphore, #tpu.memory_space<semaphore_mem>>
      %dma_start3A_39 = arith.constant 0 : i32
      %dma_start3A_40 = arith.constant 0 : i32
      %dma_start3A_41 = tpu.memref_slice %arg7[%dma_start3A_39, %dma_start3A_40] : memref<80x128xi32, #tpu.memory_space<vmem>> -> memref<40x128xi32, #tpu.memory_space<vmem>>
      %dma_start3A_42 = arith.constant 0 : i32
      %dma_start3A_43 = tpu.memref_slice %arg3[%add3A_8, %dma_start3A_42] : memref<2560x128xi32, #tpu.memory_space<hbm>> -> memref<40x128xi32, #tpu.memory_space<hbm>>
      %dma_start3A_44 = arith.constant 0 : i32
      %dma_start3A_45 = arith.constant 0 : i32
      %dma_start3A_46 = tpu.memref_slice %arg7[%dma_start3A_44, %dma_start3A_45] : memref<80x128xi32, #tpu.memory_space<vmem>> -> memref<40x128xi32, #tpu.memory_space<vmem>>
      %dma_start3A_47 = arith.constant 0 : i32
      %dma_start3A_48 = tpu.memref_slice %arg3[%add3A_8, %dma_start3A_47] : memref<2560x128xi32, #tpu.memory_space<hbm>> -> memref<40x128xi32, #tpu.memory_space<hbm>>
      tpu.enqueue_dma source(%dma_start3A_48 : memref<40x128xi32, #tpu.memory_space<hbm>>) target(%dma_start3A_46 : memref<40x128xi32, #tpu.memory_space<vmem>>) target_semaphore(%run_scoped3A : memref<!tpu.dma_semaphore, #tpu.memory_space<semaphore_mem>>)
      %dma_wait3A_49 = arith.constant 0 : i32
      %dma_wait3A_50 = arith.constant 0 : i32
      %dma_wait3A_51 = tpu.memref_slice %arg7[%dma_wait3A_49, %dma_wait3A_50] : memref<80x128xi32, #tpu.memory_space<vmem>> -> memref<40x128xi32, #tpu.memory_space<vmem>>
      %dma_wait3A_52 = arith.constant 0 : i32
      %dma_wait3A_53 = tpu.memref_slice %arg3[%add3A_8, %dma_wait3A_52] : memref<2560x128xi32, #tpu.memory_space<hbm>> -> memref<40x128xi32, #tpu.memory_space<hbm>>
      %dma_wait3A_54 = arith.constant 0 : i32
      %dma_wait3A_55 = arith.constant 0 : i32
      %dma_wait3A_56 = tpu.memref_slice %arg7[%dma_wait3A_54, %dma_wait3A_55] : memref<80x128xi32, #tpu.memory_space<vmem>> -> memref<40x128xi32, #tpu.memory_space<vmem>>
      %dma_wait3A_57 = arith.constant 0 : i32
      %dma_wait3A_58 = tpu.memref_slice %arg3[%add3A_8, %dma_wait3A_57] : memref<2560x128xi32, #tpu.memory_space<hbm>> -> memref<40x128xi32, #tpu.memory_space<hbm>>
      tpu.wait_dma2 semaphore(%run_scoped3A : memref<!tpu.dma_semaphore, #tpu.memory_space<semaphore_mem>>) src(%dma_wait3A_58 : memref<40x128xi32, #tpu.memory_space<hbm>>) dst(%dma_wait3A_56 : memref<40x128xi32, #tpu.memory_space<vmem>>)
      tpu.yield
    }) : () -> ()
    %mul3A_9 = arith.constant 40 : i32
    %mul3A_10 = arith.muli %add3A, %mul3A_9 : i32
    %add3A_11 = arith.constant 1280 : i32
    %add3A_12 = arith.addi %add3A_11, %mul3A_10 : i32
    "tpu.region"() ({
      %run_scoped3A = tpu.sem_alloc : memref<!tpu.dma_semaphore, #tpu.memory_space<semaphore_mem>>
      %dma_start3A_39 = arith.constant 40 : i32
      %dma_start3A_40 = arith.constant 0 : i32
      %dma_start3A_41 = tpu.memref_slice %arg7[%dma_start3A_39, %dma_start3A_40] : memref<80x128xi32, #tpu.memory_space<vmem>> -> memref<40x128xi32, #tpu.memory_space<vmem>>
      %dma_start3A_42 = arith.constant 0 : i32
      %dma_start3A_43 = tpu.memref_slice %arg3[%add3A_12, %dma_start3A_42] : memref<2560x128xi32, #tpu.memory_space<hbm>> -> memref<40x128xi32, #tpu.memory_space<hbm>>
      %dma_start3A_44 = arith.constant 40 : i32
      %dma_start3A_45 = arith.constant 0 : i32
      %dma_start3A_46 = tpu.memref_slice %arg7[%dma_start3A_44, %dma_start3A_45] : memref<80x128xi32, #tpu.memory_space<vmem>> -> memref<40x128xi32, #tpu.memory_space<vmem>>
      %dma_start3A_47 = arith.constant 0 : i32
      %dma_start3A_48 = tpu.memref_slice %arg3[%add3A_12, %dma_start3A_47] : memref<2560x128xi32, #tpu.memory_space<hbm>> -> memref<40x128xi32, #tpu.memory_space<hbm>>
      tpu.enqueue_dma source(%dma_start3A_48 : memref<40x128xi32, #tpu.memory_space<hbm>>) target(%dma_start3A_46 : memref<40x128xi32, #tpu.memory_space<vmem>>) target_semaphore(%run_scoped3A : memref<!tpu.dma_semaphore, #tpu.memory_space<semaphore_mem>>)
      %dma_wait3A_49 = arith.constant 40 : i32
      %dma_wait3A_50 = arith.constant 0 : i32
      %dma_wait3A_51 = tpu.memref_slice %arg7[%dma_wait3A_49, %dma_wait3A_50] : memref<80x128xi32, #tpu.memory_space<vmem>> -> memref<40x128xi32, #tpu.memory_space<vmem>>
      %dma_wait3A_52 = arith.constant 0 : i32
      %dma_wait3A_53 = tpu.memref_slice %arg3[%add3A_12, %dma_wait3A_52] : memref<2560x128xi32, #tpu.memory_space<hbm>> -> memref<40x128xi32, #tpu.memory_space<hbm>>
      %dma_wait3A_54 = arith.constant 40 : i32
      %dma_wait3A_55 = arith.constant 0 : i32
      %dma_wait3A_56 = tpu.memref_slice %arg7[%dma_wait3A_54, %dma_wait3A_55] : memref<80x128xi32, #tpu.memory_space<vmem>> -> memref<40x128xi32, #tpu.memory_space<vmem>>
      %dma_wait3A_57 = arith.constant 0 : i32
      %dma_wait3A_58 = tpu.memref_slice %arg3[%add3A_12, %dma_wait3A_57] : memref<2560x128xi32, #tpu.memory_space<hbm>> -> memref<40x128xi32, #tpu.memory_space<hbm>>
      tpu.wait_dma2 semaphore(%run_scoped3A : memref<!tpu.dma_semaphore, #tpu.memory_space<semaphore_mem>>) src(%dma_wait3A_58 : memref<40x128xi32, #tpu.memory_space<hbm>>) dst(%dma_wait3A_56 : memref<40x128xi32, #tpu.memory_space<vmem>>)
      tpu.yield
    }) : () -> ()
    %mul3A_13 = arith.constant 40 : i32
    %mul3A_14 = arith.muli %add3A, %mul3A_13 : i32
    "tpu.region"() ({
      %run_scoped3A = tpu.sem_alloc : memref<!tpu.dma_semaphore, #tpu.memory_space<semaphore_mem>>
      %dma_start3A_39 = arith.constant 0 : i32
      %dma_start3A_40 = tpu.memref_slice %arg4[%mul3A_14, %dma_start3A_39] : memref<1280x128xf32, #tpu.memory_space<hbm>> -> memref<40x128xf32, #tpu.memory_space<hbm>>
      %dma_start3A_41 = arith.constant 0 : i32
      %dma_start3A_42 = tpu.memref_slice %arg4[%mul3A_14, %dma_start3A_41] : memref<1280x128xf32, #tpu.memory_space<hbm>> -> memref<40x128xf32, #tpu.memory_space<hbm>>
      tpu.enqueue_dma source(%dma_start3A_42 : memref<40x128xf32, #tpu.memory_space<hbm>>) target(%arg8 : memref<40x128xf32, #tpu.memory_space<vmem>>) target_semaphore(%run_scoped3A : memref<!tpu.dma_semaphore, #tpu.memory_space<semaphore_mem>>)
      %dma_wait3A_43 = arith.constant 0 : i32
      %dma_wait3A_44 = tpu.memref_slice %arg4[%mul3A_14, %dma_wait3A_43] : memref<1280x128xf32, #tpu.memory_space<hbm>> -> memref<40x128xf32, #tpu.memory_space<hbm>>
      %dma_wait3A_45 = arith.constant 0 : i32
      %dma_wait3A_46 = tpu.memref_slice %arg4[%mul3A_14, %dma_wait3A_45] : memref<1280x128xf32, #tpu.memory_space<hbm>> -> memref<40x128xf32, #tpu.memory_space<hbm>>
      tpu.wait_dma2 semaphore(%run_scoped3A : memref<!tpu.dma_semaphore, #tpu.memory_space<semaphore_mem>>) src(%dma_wait3A_46 : memref<40x128xf32, #tpu.memory_space<hbm>>) dst(%arg8 : memref<40x128xf32, #tpu.memory_space<vmem>>)
      tpu.yield
    }) : () -> ()
    %barrier3A = arith.constant 0 : index
    tpu.barrier barrier_id(%barrier3A)
    %iota3A = tpu.iota {dimensions = array<i32: 0>} : vector<16xi32>
    %eq3A = arith.constant 3 : i32
    %eq3A_15 = vector.broadcast %eq3A : i32 to vector<16xi32>
    %eq3A_16 = arith.cmpi eq, %iota3A, %eq3A_15 : vector<16xi32>
    %dma_start3A = arith.constant 0 : i32
    %dma_start3A_17 = arith.constant 0 : i32
    %dma_start3A_18 = tpu.memref_slice %arg7[%dma_start3A, %dma_start3A_17] : memref<80x128xi32, #tpu.memory_space<vmem>> -> memref<1x128xi32, #tpu.memory_space<vmem>>
    %dma_start3A_19 = tpu.memref_squeeze %dma_start3A_18 : memref<1x128xi32, #tpu.memory_space<vmem>> -> memref<128xi32, #tpu.memory_space<vmem>>
    %dma_start3A_20 = arith.constant 0 : i32
    %dma_start3A_21 = arith.constant 0 : i32
    %dma_start3A_22 = tpu.memref_slice %arg2[%dma_start3A_20, %dma_start3A_21] : memref<10000x128xf32, #tpu.memory_space<hbm>> -> memref<10000x128xf32, #tpu.memory_space<hbm>>
    tpu.enqueue_indirect_dma source(%dma_start3A_22 : memref<10000x128xf32, #tpu.memory_space<hbm>>) target(%arg9 : memref<128x128xf32, #tpu.memory_space<vmem>>) offsets(%dma_start3A_19 : memref<128xi32, #tpu.memory_space<vmem>>) semaphore(%arg12 : memref<!tpu.dma_semaphore, #tpu.memory_space<semaphore_mem>>)
    %scan3A = arith.constant 0 : i32
    %scan3A_23 = arith.constant 0 : i32
    %scan3A_24 = arith.constant 20 : i32
    %scan3A_25 = arith.addi %scan3A_23, %scan3A_24 : i32
    %scan3A_26 = arith.constant 1 : i32
    scf.for %scan3A_39 = %scan3A_23 to %scan3A_25 step %scan3A_26  : i32 {
      %mul3A_40 = arith.constant 2 : i32
      %mul3A_41 = arith.muli %mul3A_40, %scan3A_39 : i32
      %add3A_42 = arith.constant 1 : i32
      %add3A_43 = arith.addi %mul3A_41, %add3A_42 : i32
      %ge3A = arith.constant 1 : i32
      %ge3A_44 = arith.cmpi sge, %mul3A_41, %ge3A : i32
      %convert_element_type3A = arith.extui %ge3A_44 : i1 to i32
      %cond3A = arith.constant 0 : i32
      %cond3A_45 = arith.cmpi ne, %convert_element_type3A, %cond3A : i32
      scf.if %cond3A_45 {
        %dma_wait3A_107 = arith.constant 40 : i32
        %dma_wait3A_108 = arith.constant 0 : i32
        %dma_wait3A_109 = tpu.memref_slice %arg7[%dma_wait3A_107, %dma_wait3A_108] : memref<80x128xi32, #tpu.memory_space<vmem>> -> memref<1x128xi32, #tpu.memory_space<vmem>>
        %dma_wait3A_110 = tpu.memref_squeeze %dma_wait3A_109 : memref<1x128xi32, #tpu.memory_space<vmem>> -> memref<128xi32, #tpu.memory_space<vmem>>
        %dma_wait3A_111 = arith.constant 0 : i32
        %dma_wait3A_112 = arith.constant 0 : i32
        %dma_wait3A_113 = tpu.memref_slice %arg11[%dma_wait3A_111, %dma_wait3A_112] : memref<10240x128xf32, #tpu.memory_space<vmem_shared>> -> memref<10240x128xf32, #tpu.memory_space<vmem_shared>>
        tpu.wait_indirect_dma semaphore(%arg15 : memref<!tpu.dma_semaphore, #tpu.memory_space<semaphore_mem>>) src(%arg10 : memref<128x128xf32, #tpu.memory_space<vmem>>) dst(%dma_wait3A_113 : memref<10240x128xf32, #tpu.memory_space<vmem_shared>>)
      } else {
      }
      %dma_start3A_46 = arith.constant 0 : i32
      %dma_start3A_47 = tpu.memref_slice %arg7[%add3A_43, %dma_start3A_46] : memref<80x128xi32, #tpu.memory_space<vmem>> -> memref<1x128xi32, #tpu.memory_space<vmem>>
      %dma_start3A_48 = tpu.memref_squeeze %dma_start3A_47 : memref<1x128xi32, #tpu.memory_space<vmem>> -> memref<128xi32, #tpu.memory_space<vmem>>
      %dma_start3A_49 = arith.constant 0 : i32
      %dma_start3A_50 = arith.constant 0 : i32
      %dma_start3A_51 = tpu.memref_slice %arg2[%dma_start3A_49, %dma_start3A_50] : memref<10000x128xf32, #tpu.memory_space<hbm>> -> memref<10000x128xf32, #tpu.memory_space<hbm>>
      tpu.enqueue_indirect_dma source(%dma_start3A_51 : memref<10000x128xf32, #tpu.memory_space<hbm>>) target(%arg10 : memref<128x128xf32, #tpu.memory_space<vmem>>) offsets(%dma_start3A_48 : memref<128xi32, #tpu.memory_space<vmem>>) semaphore(%arg13 : memref<!tpu.dma_semaphore, #tpu.memory_space<semaphore_mem>>)
      %dma_wait3A_52 = arith.constant 0 : i32
      %dma_wait3A_53 = arith.constant 0 : i32
      %dma_wait3A_54 = tpu.memref_slice %arg7[%dma_wait3A_52, %dma_wait3A_53] : memref<80x128xi32, #tpu.memory_space<vmem>> -> memref<1x128xi32, #tpu.memory_space<vmem>>
      %dma_wait3A_55 = tpu.memref_squeeze %dma_wait3A_54 : memref<1x128xi32, #tpu.memory_space<vmem>> -> memref<128xi32, #tpu.memory_space<vmem>>
      %dma_wait3A_56 = arith.constant 0 : i32
      %dma_wait3A_57 = arith.constant 0 : i32
      %dma_wait3A_58 = tpu.memref_slice %arg2[%dma_wait3A_56, %dma_wait3A_57] : memref<10000x128xf32, #tpu.memory_space<hbm>> -> memref<10000x128xf32, #tpu.memory_space<hbm>>
      tpu.wait_indirect_dma semaphore(%arg12 : memref<!tpu.dma_semaphore, #tpu.memory_space<semaphore_mem>>) src(%dma_wait3A_58 : memref<10000x128xf32, #tpu.memory_space<hbm>>) dst(%arg9 : memref<128x128xf32, #tpu.memory_space<vmem>>)
      %scan3A_59 = arith.constant 0 : i32
      %scan3A_60 = arith.constant 0 : i32
      %scan3A_61 = arith.constant 8 : i32
      %scan3A_62 = arith.addi %scan3A_60, %scan3A_61 : i32
      %scan3A_63 = arith.constant 1 : i32
      scf.for %scan3A_107 = %scan3A_60 to %scan3A_62 step %scan3A_63  : i32 {
        %mul3A_108 = arith.constant 16 : i32
        %mul3A_109 = arith.muli %scan3A_107, %mul3A_108 : i32
        %get3A = arith.index_cast %mul3A_41 : i32 to index
        %get3A_110 = arith.index_cast %mul3A_109 : i32 to index
        %get3A_111 = tpu.vector_load %arg8[%get3A, %get3A_110] {strides = array<i32>} : memref<40x128xf32, #tpu.memory_space<vmem>>, vector<1x16xf32>,
        %get3A_112 = vector.shape_cast %get3A_111 : vector<1x16xf32> to vector<16xf32>
        %slice3A = vector.extract_strided_slice %get3A_112 {offsets = [0], sizes = [1], strides = [1]} : vector<16xf32> to vector<1xf32>
        %squeeze3A = vector.extract %slice3A[0] : f32 from vector<1xf32>
        %mul3A_113 = arith.constant 16 : i32
        %mul3A_114 = arith.muli %scan3A_107, %mul3A_113 : i32
        %add3A_115 = arith.constant 0 : i32
        %add3A_116 = arith.addi %mul3A_114, %add3A_115 : i32
        %get3A_117 = arith.index_cast %add3A_116 : i32 to index
        %get3A_118 = arith.constant 0 : index
        %get3A_119 = tpu.vector_load %arg9[%get3A_117, %get3A_118] {strides = array<i32>} : memref<128x128xf32, #tpu.memory_space<vmem>>, vector<1x16xf32>,
        %get3A_120 = vector.shape_cast %get3A_119 : vector<1x16xf32> to vector<16xf32>
        %mul3A_121 = vector.broadcast %squeeze3A : f32 to vector<16xf32>
        %mul3A_122 = arith.mulf %get3A_120, %mul3A_121 : vector<16xf32>
        %swap3A = arith.index_cast %add3A_116 : i32 to index
        %swap3A_123 = arith.constant 0 : index
        %swap3A_124 = tpu.vector_load %arg9[%swap3A, %swap3A_123] {strides = array<i32>} : memref<128x128xf32, #tpu.memory_space<vmem>>, vector<1x16xf32>,
        %swap3A_125 = vector.shape_cast %swap3A_124 : vector<1x16xf32> to vector<16xf32>
        %swap3A_126 = vector.shape_cast %mul3A_122 : vector<16xf32> to vector<1x16xf32>
        tpu.vector_store %arg9[%swap3A, %swap3A_123], %swap3A_126 {strides = array<i32>} : memref<128x128xf32, #tpu.memory_space<vmem>>, vector<1x16xf32>,
        %get3A_127 = arith.index_cast %add3A_116 : i32 to index
        %get3A_128 = arith.constant 16 : index
        %get3A_129 = tpu.vector_load %arg9[%get3A_127, %get3A_128] {strides = array<i32>} : memref<128x128xf32, #tpu.memory_space<vmem>>, vector<1x16xf32>,
        %get3A_130 = vector.shape_cast %get3A_129 : vector<1x16xf32> to vector<16xf32>
        %mul3A_131 = vector.broadcast %squeeze3A : f32 to vector<16xf32>
        %mul3A_132 = arith.mulf %get3A_130, %mul3A_131 : vector<16xf32>
        %swap3A_133 = arith.index_cast %add3A_116 : i32 to index
        %swap3A_134 = arith.constant 16 : index
        %swap3A_135 = tpu.vector_load %arg9[%swap3A_133, %swap3A_134] {strides = array<i32>} : memref<128x128xf32, #tpu.memory_space<vmem>>, vector<1x16xf32>,
        %swap3A_136 = vector.shape_cast %swap3A_135 : vector<1x16xf32> to vector<16xf32>
        %swap3A_137 = vector.shape_cast %mul3A_132 : vector<16xf32> to vector<1x16xf32>
        tpu.vector_store %arg9[%swap3A_133, %swap3A_134], %swap3A_137 {strides = array<i32>} : memref<128x128xf32, #tpu.memory_space<vmem>>, vector<1x16xf32>,
        %jit3A = arith.constant 1.000000e+00 : f32
        %broadcast_in_dim3A = vector.broadcast %jit3A : f32 to vector<16xf32>
        %broadcast_in_dim3A_138 = vector.broadcast %squeeze3A : f32 to vector<16xf32>
        %select_n3A = arith.select %eq3A_16, %broadcast_in_dim3A, %broadcast_in_dim3A_138 : vector<16xi1>, vector<16xf32>
        %get3A_139 = arith.index_cast %add3A_116 : i32 to index
        %get3A_140 = arith.constant 32 : index
        %get3A_141 = tpu.vector_load %arg9[%get3A_139, %get3A_140] {strides = array<i32>} : memref<128x128xf32, #tpu.memory_space<vmem>>, vector<1x16xf32>,
        %get3A_142 = vector.shape_cast %get3A_141 : vector<1x16xf32> to vector<16xf32>
        %mul3A_143 = arith.mulf %get3A_142, %select_n3A : vector<16xf32>
        %swap3A_144 = arith.index_cast %add3A_116 : i32 to index
        %swap3A_145 = arith.constant 32 : index
        %swap3A_146 = tpu.vector_load %arg9[%swap3A_144, %swap3A_145] {strides = array<i32>} : memref<128x128xf32, #tpu.memory_space<vmem>>, vector<1x16xf32>,
        %swap3A_147 = vector.shape_cast %swap3A_146 : vector<1x16xf32> to vector<16xf32>
        %swap3A_148 = vector.shape_cast %mul3A_143 : vector<16xf32> to vector<1x16xf32>
        tpu.vector_store %arg9[%swap3A_144, %swap3A_145], %swap3A_148 {strides = array<i32>} : memref<128x128xf32, #tpu.memory_space<vmem>>, vector<1x16xf32>,
        %slice3A_149 = vector.extract_strided_slice %get3A_112 {offsets = [1], sizes = [1], strides = [1]} : vector<16xf32> to vector<1xf32>
        %squeeze3A_150 = vector.extract %slice3A_149[0] : f32 from vector<1xf32>
        %mul3A_151 = arith.constant 16 : i32
        %mul3A_152 = arith.muli %scan3A_107, %mul3A_151 : i32
        %add3A_153 = arith.constant 1 : i32
        %add3A_154 = arith.addi %mul3A_152, %add3A_153 : i32
        %get3A_155 = arith.index_cast %add3A_154 : i32 to index
        %get3A_156 = arith.constant 0 : index
        %get3A_157 = tpu.vector_load %arg9[%get3A_155, %get3A_156] {strides = array<i32>} : memref<128x128xf32, #tpu.memory_space<vmem>>, vector<1x16xf32>,
        %get3A_158 = vector.shape_cast %get3A_157 : vector<1x16xf32> to vector<16xf32>
        %mul3A_159 = vector.broadcast %squeeze3A_150 : f32 to vector<16xf32>
        %mul3A_160 = arith.mulf %get3A_158, %mul3A_159 : vector<16xf32>
        %swap3A_161 = arith.index_cast %add3A_154 : i32 to index
        %swap3A_162 = arith.constant 0 : index
        %swap3A_163 = tpu.vector_load %arg9[%swap3A_161, %swap3A_162] {strides = array<i32>} : memref<128x128xf32, #tpu.memory_space<vmem>>, vector<1x16xf32>,
        %swap3A_164 = vector.shape_cast %swap3A_163 : vector<1x16xf32> to vector<16xf32>
        %swap3A_165 = vector.shape_cast %mul3A_160 : vector<16xf32> to vector<1x16xf32>
        tpu.vector_store %arg9[%swap3A_161, %swap3A_162], %swap3A_165 {strides = array<i32>} : memref<128x128xf32, #tpu.memory_space<vmem>>, vector<1x16xf32>,
        %get3A_166 = arith.index_cast %add3A_154 : i32 to index
        %get3A_167 = arith.constant 16 : index
        %get3A_168 = tpu.vector_load %arg9[%get3A_166, %get3A_167] {strides = array<i32>} : memref<128x128xf32, #tpu.memory_space<vmem>>, vector<1x16xf32>,
        %get3A_169 = vector.shape_cast %get3A_168 : vector<1x16xf32> to vector<16xf32>
        %mul3A_170 = vector.broadcast %squeeze3A_150 : f32 to vector<16xf32>
        %mul3A_171 = arith.mulf %get3A_169, %mul3A_170 : vector<16xf32>
        %swap3A_172 = arith.index_cast %add3A_154 : i32 to index
        %swap3A_173 = arith.constant 16 : index
        %swap3A_174 = tpu.vector_load %arg9[%swap3A_172, %swap3A_173] {strides = array<i32>} : memref<128x128xf32, #tpu.memory_space<vmem>>, vector<1x16xf32>,
        %swap3A_175 = vector.shape_cast %swap3A_174 : vector<1x16xf32> to vector<16xf32>
        %swap3A_176 = vector.shape_cast %mul3A_171 : vector<16xf32> to vector<1x16xf32>
        tpu.vector_store %arg9[%swap3A_172, %swap3A_173], %swap3A_176 {strides = array<i32>} : memref<128x128xf32, #tpu.memory_space<vmem>>, vector<1x16xf32>,
        %jit3A_177 = arith.constant 1.000000e+00 : f32
        %broadcast_in_dim3A_178 = vector.broadcast %jit3A_177 : f32 to vector<16xf32>
        %broadcast_in_dim3A_179 = vector.broadcast %squeeze3A_150 : f32 to vector<16xf32>
        %select_n3A_180 = arith.select %eq3A_16, %broadcast_in_dim3A_178, %broadcast_in_dim3A_179 : vector<16xi1>, vector<16xf32>
        %get3A_181 = arith.index_cast %add3A_154 : i32 to index
        %get3A_182 = arith.constant 32 : index
        %get3A_183 = tpu.vector_load %arg9[%get3A_181, %get3A_182] {strides = array<i32>} : memref<128x128xf32, #tpu.memory_space<vmem>>, vector<1x16xf32>,
        %get3A_184 = vector.shape_cast %get3A_183 : vector<1x16xf32> to vector<16xf32>
        %mul3A_185 = arith.mulf %get3A_184, %select_n3A_180 : vector<16xf32>
        %swap3A_186 = arith.index_cast %add3A_154 : i32 to index
        %swap3A_187 = arith.constant 32 : index
        %swap3A_188 = tpu.vector_load %arg9[%swap3A_186, %swap3A_187] {strides = array<i32>} : memref<128x128xf32, #tpu.memory_space<vmem>>, vector<1x16xf32>,
        %swap3A_189 = vector.shape_cast %swap3A_188 : vector<1x16xf32> to vector<16xf32>
        %swap3A_190 = vector.shape_cast %mul3A_185 : vector<16xf32> to vector<1x16xf32>
        tpu.vector_store %arg9[%swap3A_186, %swap3A_187], %swap3A_190 {strides = array<i32>} : memref<128x128xf32, #tpu.memory_space<vmem>>, vector<1x16xf32>,
        %slice3A_191 = vector.extract_strided_slice %get3A_112 {offsets = [2], sizes = [1], strides = [1]} : vector<16xf32> to vector<1xf32>
        %squeeze3A_192 = vector.extract %slice3A_191[0] : f32 from vector<1xf32>
        %mul3A_193 = arith.constant 16 : i32
        %mul3A_194 = arith.muli %scan3A_107, %mul3A_193 : i32
        %add3A_195 = arith.constant 2 : i32
        %add3A_196 = arith.addi %mul3A_194, %add3A_195 : i32
        %get3A_197 = arith.index_cast %add3A_196 : i32 to index
        %get3A_198 = arith.constant 0 : index
        %get3A_199 = tpu.vector_load %arg9[%get3A_197, %get3A_198] {strides = array<i32>} : memref<128x128xf32, #tpu.memory_space<vmem>>, vector<1x16xf32>,
        %get3A_200 = vector.shape_cast %get3A_199 : vector<1x16xf32> to vector<16xf32>
        %mul3A_201 = vector.broadcast %squeeze3A_192 : f32 to vector<16xf32>
        %mul3A_202 = arith.mulf %get3A_200, %mul3A_201 : vector<16xf32>
        %swap3A_203 = arith.index_cast %add3A_196 : i32 to index
        %swap3A_204 = arith.constant 0 : index
        %swap3A_205 = tpu.vector_load %arg9[%swap3A_203, %swap3A_204] {strides = array<i32>} : memref<128x128xf32, #tpu.memory_space<vmem>>, vector<1x16xf32>,
        %swap3A_206 = vector.shape_cast %swap3A_205 : vector<1x16xf32> to vector<16xf32>
        %swap3A_207 = vector.shape_cast %mul3A_202 : vector<16xf32> to vector<1x16xf32>
        tpu.vector_store %arg9[%swap3A_203, %swap3A_204], %swap3A_207 {strides = array<i32>} : memref<128x128xf32, #tpu.memory_space<vmem>>, vector<1x16xf32>,
        %get3A_208 = arith.index_cast %add3A_196 : i32 to index
        %get3A_209 = arith.constant 16 : index
        %get3A_210 = tpu.vector_load %arg9[%get3A_208, %get3A_209] {strides = array<i32>} : memref<128x128xf32, #tpu.memory_space<vmem>>, vector<1x16xf32>,
        %get3A_211 = vector.shape_cast %get3A_210 : vector<1x16xf32> to vector<16xf32>
        %mul3A_212 = vector.broadcast %squeeze3A_192 : f32 to vector<16xf32>
        %mul3A_213 = arith.mulf %get3A_211, %mul3A_212 : vector<16xf32>
        %swap3A_214 = arith.index_cast %add3A_196 : i32 to index
        %swap3A_215 = arith.constant 16 : index
        %swap3A_216 = tpu.vector_load %arg9[%swap3A_214, %swap3A_215] {strides = array<i32>} : memref<128x128xf32, #tpu.memory_space<vmem>>, vector<1x16xf32>,
        %swap3A_217 = vector.shape_cast %swap3A_216 : vector<1x16xf32> to vector<16xf32>
        %swap3A_218 = vector.shape_cast %mul3A_213 : vector<16xf32> to vector<1x16xf32>
        tpu.vector_store %arg9[%swap3A_214, %swap3A_215], %swap3A_218 {strides = array<i32>} : memref<128x128xf32, #tpu.memory_space<vmem>>, vector<1x16xf32>,
        %jit3A_219 = arith.constant 1.000000e+00 : f32
        %broadcast_in_dim3A_220 = vector.broadcast %jit3A_219 : f32 to vector<16xf32>
        %broadcast_in_dim3A_221 = vector.broadcast %squeeze3A_192 : f32 to vector<16xf32>
        %select_n3A_222 = arith.select %eq3A_16, %broadcast_in_dim3A_220, %broadcast_in_dim3A_221 : vector<16xi1>, vector<16xf32>
        %get3A_223 = arith.index_cast %add3A_196 : i32 to index
        %get3A_224 = arith.constant 32 : index
        %get3A_225 = tpu.vector_load %arg9[%get3A_223, %get3A_224] {strides = array<i32>} : memref<128x128xf32, #tpu.memory_space<vmem>>, vector<1x16xf32>,
        %get3A_226 = vector.shape_cast %get3A_225 : vector<1x16xf32> to vector<16xf32>
        %mul3A_227 = arith.mulf %get3A_226, %select_n3A_222 : vector<16xf32>
        %swap3A_228 = arith.index_cast %add3A_196 : i32 to index
        %swap3A_229 = arith.constant 32 : index
        %swap3A_230 = tpu.vector_load %arg9[%swap3A_228, %swap3A_229] {strides = array<i32>} : memref<128x128xf32, #tpu.memory_space<vmem>>, vector<1x16xf32>,
        %swap3A_231 = vector.shape_cast %swap3A_230 : vector<1x16xf32> to vector<16xf32>
        %swap3A_232 = vector.shape_cast %mul3A_227 : vector<16xf32> to vector<1x16xf32>
        tpu.vector_store %arg9[%swap3A_228, %swap3A_229], %swap3A_232 {strides = array<i32>} : memref<128x128xf32, #tpu.memory_space<vmem>>, vector<1x16xf32>,
        %slice3A_233 = vector.extract_strided_slice %get3A_112 {offsets = [3], sizes = [1], strides = [1]} : vector<16xf32> to vector<1xf32>
        %squeeze3A_234 = vector.extract %slice3A_233[0] : f32 from vector<1xf32>
        %mul3A_235 = arith.constant 16 : i32
        %mul3A_236 = arith.muli %scan3A_107, %mul3A_235 : i32
        %add3A_237 = arith.constant 3 : i32
        %add3A_238 = arith.addi %mul3A_236, %add3A_237 : i32
        %get3A_239 = arith.index_cast %add3A_238 : i32 to index
        %get3A_240 = arith.constant 0 : index
        %get3A_241 = tpu.vector_load %arg9[%get3A_239, %get3A_240] {strides = array<i32>} : memref<128x128xf32, #tpu.memory_space<vmem>>, vector<1x16xf32>,
        %get3A_242 = vector.shape_cast %get3A_241 : vector<1x16xf32> to vector<16xf32>
        %mul3A_243 = vector.broadcast %squeeze3A_234 : f32 to vector<16xf32>
        %mul3A_244 = arith.mulf %get3A_242, %mul3A_243 : vector<16xf32>
        %swap3A_245 = arith.index_cast %add3A_238 : i32 to index
        %swap3A_246 = arith.constant 0 : index
        %swap3A_247 = tpu.vector_load %arg9[%swap3A_245, %swap3A_246] {strides = array<i32>} : memref<128x128xf32, #tpu.memory_space<vmem>>, vector<1x16xf32>,
        %swap3A_248 = vector.shape_cast %swap3A_247 : vector<1x16xf32> to vector<16xf32>
        %swap3A_249 = vector.shape_cast %mul3A_244 : vector<16xf32> to vector<1x16xf32>
        tpu.vector_store %arg9[%swap3A_245, %swap3A_246], %swap3A_249 {strides = array<i32>} : memref<128x128xf32, #tpu.memory_space<vmem>>, vector<1x16xf32>,
        %get3A_250 = arith.index_cast %add3A_238 : i32 to index
        %get3A_251 = arith.constant 16 : index
        %get3A_252 = tpu.vector_load %arg9[%get3A_250, %get3A_251] {strides = array<i32>} : memref<128x128xf32, #tpu.memory_space<vmem>>, vector<1x16xf32>,
        %get3A_253 = vector.shape_cast %get3A_252 : vector<1x16xf32> to vector<16xf32>
        %mul3A_254 = vector.broadcast %squeeze3A_234 : f32 to vector<16xf32>
        %mul3A_255 = arith.mulf %get3A_253, %mul3A_254 : vector<16xf32>
        %swap3A_256 = arith.index_cast %add3A_238 : i32 to index
        %swap3A_257 = arith.constant 16 : index
        %swap3A_258 = tpu.vector_load %arg9[%swap3A_256, %swap3A_257] {strides = array<i32>} : memref<128x128xf32, #tpu.memory_space<vmem>>, vector<1x16xf32>,
        %swap3A_259 = vector.shape_cast %swap3A_258 : vector<1x16xf32> to vector<16xf32>
        %swap3A_260 = vector.shape_cast %mul3A_255 : vector<16xf32> to vector<1x16xf32>
        tpu.vector_store %arg9[%swap3A_256, %swap3A_257], %swap3A_260 {strides = array<i32>} : memref<128x128xf32, #tpu.memory_space<vmem>>, vector<1x16xf32>,
        %jit3A_261 = arith.constant 1.000000e+00 : f32
        %broadcast_in_dim3A_262 = vector.broadcast %jit3A_261 : f32 to vector<16xf32>
        %broadcast_in_dim3A_263 = vector.broadcast %squeeze3A_234 : f32 to vector<16xf32>
        %select_n3A_264 = arith.select %eq3A_16, %broadcast_in_dim3A_262, %broadcast_in_dim3A_263 : vector<16xi1>, vector<16xf32>
        %get3A_265 = arith.index_cast %add3A_238 : i32 to index
        %get3A_266 = arith.constant 32 : index
        %get3A_267 = tpu.vector_load %arg9[%get3A_265, %get3A_266] {strides = array<i32>} : memref<128x128xf32, #tpu.memory_space<vmem>>, vector<1x16xf32>,
        %get3A_268 = vector.shape_cast %get3A_267 : vector<1x16xf32> to vector<16xf32>
        %mul3A_269 = arith.mulf %get3A_268, %select_n3A_264 : vector<16xf32>
        %swap3A_270 = arith.index_cast %add3A_238 : i32 to index
        %swap3A_271 = arith.constant 32 : index
        %swap3A_272 = tpu.vector_load %arg9[%swap3A_270, %swap3A_271] {strides = array<i32>} : memref<128x128xf32, #tpu.memory_space<vmem>>, vector<1x16xf32>,
        %swap3A_273 = vector.shape_cast %swap3A_272 : vector<1x16xf32> to vector<16xf32>
        %swap3A_274 = vector.shape_cast %mul3A_269 : vector<16xf32> to vector<1x16xf32>
        tpu.vector_store %arg9[%swap3A_270, %swap3A_271], %swap3A_274 {strides = array<i32>} : memref<128x128xf32, #tpu.memory_space<vmem>>, vector<1x16xf32>,
        %slice3A_275 = vector.extract_strided_slice %get3A_112 {offsets = [4], sizes = [1], strides = [1]} : vector<16xf32> to vector<1xf32>
        %squeeze3A_276 = vector.extract %slice3A_275[0] : f32 from vector<1xf32>
        %mul3A_277 = arith.constant 16 : i32
        %mul3A_278 = arith.muli %scan3A_107, %mul3A_277 : i32
        %add3A_279 = arith.constant 4 : i32
        %add3A_280 = arith.addi %mul3A_278, %add3A_279 : i32
        %get3A_281 = arith.index_cast %add3A_280 : i32 to index
        %get3A_282 = arith.constant 0 : index
        %get3A_283 = tpu.vector_load %arg9[%get3A_281, %get3A_282] {strides = array<i32>} : memref<128x128xf32, #tpu.memory_space<vmem>>, vector<1x16xf32>,
        %get3A_284 = vector.shape_cast %get3A_283 : vector<1x16xf32> to vector<16xf32>
        %mul3A_285 = vector.broadcast %squeeze3A_276 : f32 to vector<16xf32>
        %mul3A_286 = arith.mulf %get3A_284, %mul3A_285 : vector<16xf32>
        %swap3A_287 = arith.index_cast %add3A_280 : i32 to index
        %swap3A_288 = arith.constant 0 : index
        %swap3A_289 = tpu.vector_load %arg9[%swap3A_287, %swap3A_288] {strides = array<i32>} : memref<128x128xf32, #tpu.memory_space<vmem>>, vector<1x16xf32>,
        %swap3A_290 = vector.shape_cast %swap3A_289 : vector<1x16xf32> to vector<16xf32>
        %swap3A_291 = vector.shape_cast %mul3A_286 : vector<16xf32> to vector<1x16xf32>
        tpu.vector_store %arg9[%swap3A_287, %swap3A_288], %swap3A_291 {strides = array<i32>} : memref<128x128xf32, #tpu.memory_space<vmem>>, vector<1x16xf32>,
        %get3A_292 = arith.index_cast %add3A_280 : i32 to index
        %get3A_293 = arith.constant 16 : index
        %get3A_294 = tpu.vector_load %arg9[%get3A_292, %get3A_293] {strides = array<i32>} : memref<128x128xf32, #tpu.memory_space<vmem>>, vector<1x16xf32>,
        %get3A_295 = vector.shape_cast %get3A_294 : vector<1x16xf32> to vector<16xf32>
        %mul3A_296 = vector.broadcast %squeeze3A_276 : f32 to vector<16xf32>
        %mul3A_297 = arith.mulf %get3A_295, %mul3A_296 : vector<16xf32>
        %swap3A_298 = arith.index_cast %add3A_280 : i32 to index
        %swap3A_299 = arith.constant 16 : index
        %swap3A_300 = tpu.vector_load %arg9[%swap3A_298, %swap3A_299] {strides = array<i32>} : memref<128x128xf32, #tpu.memory_space<vmem>>, vector<1x16xf32>,
        %swap3A_301 = vector.shape_cast %swap3A_300 : vector<1x16xf32> to vector<16xf32>
        %swap3A_302 = vector.shape_cast %mul3A_297 : vector<16xf32> to vector<1x16xf32>
        tpu.vector_store %arg9[%swap3A_298, %swap3A_299], %swap3A_302 {strides = array<i32>} : memref<128x128xf32, #tpu.memory_space<vmem>>, vector<1x16xf32>,
        %jit3A_303 = arith.constant 1.000000e+00 : f32
        %broadcast_in_dim3A_304 = vector.broadcast %jit3A_303 : f32 to vector<16xf32>
        %broadcast_in_dim3A_305 = vector.broadcast %squeeze3A_276 : f32 to vector<16xf32>
        %select_n3A_306 = arith.select %eq3A_16, %broadcast_in_dim3A_304, %broadcast_in_dim3A_305 : vector<16xi1>, vector<16xf32>
        %get3A_307 = arith.index_cast %add3A_280 : i32 to index
        %get3A_308 = arith.constant 32 : index
        %get3A_309 = tpu.vector_load %arg9[%get3A_307, %get3A_308] {strides = array<i32>} : memref<128x128xf32, #tpu.memory_space<vmem>>, vector<1x16xf32>,
        %get3A_310 = vector.shape_cast %get3A_309 : vector<1x16xf32> to vector<16xf32>
        %mul3A_311 = arith.mulf %get3A_310, %select_n3A_306 : vector<16xf32>
        %swap3A_312 = arith.index_cast %add3A_280 : i32 to index
        %swap3A_313 = arith.constant 32 : index
        %swap3A_314 = tpu.vector_load %arg9[%swap3A_312, %swap3A_313] {strides = array<i32>} : memref<128x128xf32, #tpu.memory_space<vmem>>, vector<1x16xf32>,
        %swap3A_315 = vector.shape_cast %swap3A_314 : vector<1x16xf32> to vector<16xf32>
        %swap3A_316 = vector.shape_cast %mul3A_311 : vector<16xf32> to vector<1x16xf32>
        tpu.vector_store %arg9[%swap3A_312, %swap3A_313], %swap3A_316 {strides = array<i32>} : memref<128x128xf32, #tpu.memory_space<vmem>>, vector<1x16xf32>,
        %slice3A_317 = vector.extract_strided_slice %get3A_112 {offsets = [5], sizes = [1], strides = [1]} : vector<16xf32> to vector<1xf32>
        %squeeze3A_318 = vector.extract %slice3A_317[0] : f32 from vector<1xf32>
        %mul3A_319 = arith.constant 16 : i32
        %mul3A_320 = arith.muli %scan3A_107, %mul3A_319 : i32
        %add3A_321 = arith.constant 5 : i32
        %add3A_322 = arith.addi %mul3A_320, %add3A_321 : i32
        %get3A_323 = arith.index_cast %add3A_322 : i32 to index
        %get3A_324 = arith.constant 0 : index
        %get3A_325 = tpu.vector_load %arg9[%get3A_323, %get3A_324] {strides = array<i32>} : memref<128x128xf32, #tpu.memory_space<vmem>>, vector<1x16xf32>,
        %get3A_326 = vector.shape_cast %get3A_325 : vector<1x16xf32> to vector<16xf32>
        %mul3A_327 = vector.broadcast %squeeze3A_318 : f32 to vector<16xf32>
        %mul3A_328 = arith.mulf %get3A_326, %mul3A_327 : vector<16xf32>
        %swap3A_329 = arith.index_cast %add3A_322 : i32 to index
        %swap3A_330 = arith.constant 0 : index
        %swap3A_331 = tpu.vector_load %arg9[%swap3A_329, %swap3A_330] {strides = array<i32>} : memref<128x128xf32, #tpu.memory_space<vmem>>, vector<1x16xf32>,
        %swap3A_332 = vector.shape_cast %swap3A_331 : vector<1x16xf32> to vector<16xf32>
        %swap3A_333 = vector.shape_cast %mul3A_328 : vector<16xf32> to vector<1x16xf32>
        tpu.vector_store %arg9[%swap3A_329, %swap3A_330], %swap3A_333 {strides = array<i32>} : memref<128x128xf32, #tpu.memory_space<vmem>>, vector<1x16xf32>,
        %get3A_334 = arith.index_cast %add3A_322 : i32 to index
        %get3A_335 = arith.constant 16 : index
        %get3A_336 = tpu.vector_load %arg9[%get3A_334, %get3A_335] {strides = array<i32>} : memref<128x128xf32, #tpu.memory_space<vmem>>, vector<1x16xf32>,
        %get3A_337 = vector.shape_cast %get3A_336 : vector<1x16xf32> to vector<16xf32>
        %mul3A_338 = vector.broadcast %squeeze3A_318 : f32 to vector<16xf32>
        %mul3A_339 = arith.mulf %get3A_337, %mul3A_338 : vector<16xf32>
        %swap3A_340 = arith.index_cast %add3A_322 : i32 to index
        %swap3A_341 = arith.constant 16 : index
        %swap3A_342 = tpu.vector_load %arg9[%swap3A_340, %swap3A_341] {strides = array<i32>} : memref<128x128xf32, #tpu.memory_space<vmem>>, vector<1x16xf32>,
        %swap3A_343 = vector.shape_cast %swap3A_342 : vector<1x16xf32> to vector<16xf32>
        %swap3A_344 = vector.shape_cast %mul3A_339 : vector<16xf32> to vector<1x16xf32>
        tpu.vector_store %arg9[%swap3A_340, %swap3A_341], %swap3A_344 {strides = array<i32>} : memref<128x128xf32, #tpu.memory_space<vmem>>, vector<1x16xf32>,
        %jit3A_345 = arith.constant 1.000000e+00 : f32
        %broadcast_in_dim3A_346 = vector.broadcast %jit3A_345 : f32 to vector<16xf32>
        %broadcast_in_dim3A_347 = vector.broadcast %squeeze3A_318 : f32 to vector<16xf32>
        %select_n3A_348 = arith.select %eq3A_16, %broadcast_in_dim3A_346, %broadcast_in_dim3A_347 : vector<16xi1>, vector<16xf32>
        %get3A_349 = arith.index_cast %add3A_322 : i32 to index
        %get3A_350 = arith.constant 32 : index
        %get3A_351 = tpu.vector_load %arg9[%get3A_349, %get3A_350] {strides = array<i32>} : memref<128x128xf32, #tpu.memory_space<vmem>>, vector<1x16xf32>,
        %get3A_352 = vector.shape_cast %get3A_351 : vector<1x16xf32> to vector<16xf32>
        %mul3A_353 = arith.mulf %get3A_352, %select_n3A_348 : vector<16xf32>
        %swap3A_354 = arith.index_cast %add3A_322 : i32 to index
        %swap3A_355 = arith.constant 32 : index
        %swap3A_356 = tpu.vector_load %arg9[%swap3A_354, %swap3A_355] {strides = array<i32>} : memref<128x128xf32, #tpu.memory_space<vmem>>, vector<1x16xf32>,
        %swap3A_357 = vector.shape_cast %swap3A_356 : vector<1x16xf32> to vector<16xf32>
        %swap3A_358 = vector.shape_cast %mul3A_353 : vector<16xf32> to vector<1x16xf32>
        tpu.vector_store %arg9[%swap3A_354, %swap3A_355], %swap3A_358 {strides = array<i32>} : memref<128x128xf32, #tpu.memory_space<vmem>>, vector<1x16xf32>,
        %slice3A_359 = vector.extract_strided_slice %get3A_112 {offsets = [6], sizes = [1], strides = [1]} : vector<16xf32> to vector<1xf32>
        %squeeze3A_360 = vector.extract %slice3A_359[0] : f32 from vector<1xf32>
        %mul3A_361 = arith.constant 16 : i32
        %mul3A_362 = arith.muli %scan3A_107, %mul3A_361 : i32
        %add3A_363 = arith.constant 6 : i32
        %add3A_364 = arith.addi %mul3A_362, %add3A_363 : i32
        %get3A_365 = arith.index_cast %add3A_364 : i32 to index
        %get3A_366 = arith.constant 0 : index
        %get3A_367 = tpu.vector_load %arg9[%get3A_365, %get3A_366] {strides = array<i32>} : memref<128x128xf32, #tpu.memory_space<vmem>>, vector<1x16xf32>,
        %get3A_368 = vector.shape_cast %get3A_367 : vector<1x16xf32> to vector<16xf32>
        %mul3A_369 = vector.broadcast %squeeze3A_360 : f32 to vector<16xf32>
        %mul3A_370 = arith.mulf %get3A_368, %mul3A_369 : vector<16xf32>
        %swap3A_371 = arith.index_cast %add3A_364 : i32 to index
        %swap3A_372 = arith.constant 0 : index
        %swap3A_373 = tpu.vector_load %arg9[%swap3A_371, %swap3A_372] {strides = array<i32>} : memref<128x128xf32, #tpu.memory_space<vmem>>, vector<1x16xf32>,
        %swap3A_374 = vector.shape_cast %swap3A_373 : vector<1x16xf32> to vector<16xf32>
        %swap3A_375 = vector.shape_cast %mul3A_370 : vector<16xf32> to vector<1x16xf32>
        tpu.vector_store %arg9[%swap3A_371, %swap3A_372], %swap3A_375 {strides = array<i32>} : memref<128x128xf32, #tpu.memory_space<vmem>>, vector<1x16xf32>,
        %get3A_376 = arith.index_cast %add3A_364 : i32 to index
        %get3A_377 = arith.constant 16 : index
        %get3A_378 = tpu.vector_load %arg9[%get3A_376, %get3A_377] {strides = array<i32>} : memref<128x128xf32, #tpu.memory_space<vmem>>, vector<1x16xf32>,
        %get3A_379 = vector.shape_cast %get3A_378 : vector<1x16xf32> to vector<16xf32>
        %mul3A_380 = vector.broadcast %squeeze3A_360 : f32 to vector<16xf32>
        %mul3A_381 = arith.mulf %get3A_379, %mul3A_380 : vector<16xf32>
        %swap3A_382 = arith.index_cast %add3A_364 : i32 to index
        %swap3A_383 = arith.constant 16 : index
        %swap3A_384 = tpu.vector_load %arg9[%swap3A_382, %swap3A_383] {strides = array<i32>} : memref<128x128xf32, #tpu.memory_space<vmem>>, vector<1x16xf32>,
        %swap3A_385 = vector.shape_cast %swap3A_384 : vector<1x16xf32> to vector<16xf32>
        %swap3A_386 = vector.shape_cast %mul3A_381 : vector<16xf32> to vector<1x16xf32>
        tpu.vector_store %arg9[%swap3A_382, %swap3A_383], %swap3A_386 {strides = array<i32>} : memref<128x128xf32, #tpu.memory_space<vmem>>, vector<1x16xf32>,
        %jit3A_387 = arith.constant 1.000000e+00 : f32
        %broadcast_in_dim3A_388 = vector.broadcast %jit3A_387 : f32 to vector<16xf32>
        %broadcast_in_dim3A_389 = vector.broadcast %squeeze3A_360 : f32 to vector<16xf32>
        %select_n3A_390 = arith.select %eq3A_16, %broadcast_in_dim3A_388, %broadcast_in_dim3A_389 : vector<16xi1>, vector<16xf32>
        %get3A_391 = arith.index_cast %add3A_364 : i32 to index
        %get3A_392 = arith.constant 32 : index
        %get3A_393 = tpu.vector_load %arg9[%get3A_391, %get3A_392] {strides = array<i32>} : memref<128x128xf32, #tpu.memory_space<vmem>>, vector<1x16xf32>,
        %get3A_394 = vector.shape_cast %get3A_393 : vector<1x16xf32> to vector<16xf32>
        %mul3A_395 = arith.mulf %get3A_394, %select_n3A_390 : vector<16xf32>
        %swap3A_396 = arith.index_cast %add3A_364 : i32 to index
        %swap3A_397 = arith.constant 32 : index
        %swap3A_398 = tpu.vector_load %arg9[%swap3A_396, %swap3A_397] {strides = array<i32>} : memref<128x128xf32, #tpu.memory_space<vmem>>, vector<1x16xf32>,
        %swap3A_399 = vector.shape_cast %swap3A_398 : vector<1x16xf32> to vector<16xf32>
        %swap3A_400 = vector.shape_cast %mul3A_395 : vector<16xf32> to vector<1x16xf32>
        tpu.vector_store %arg9[%swap3A_396, %swap3A_397], %swap3A_400 {strides = array<i32>} : memref<128x128xf32, #tpu.memory_space<vmem>>, vector<1x16xf32>,
        %slice3A_401 = vector.extract_strided_slice %get3A_112 {offsets = [7], sizes = [1], strides = [1]} : vector<16xf32> to vector<1xf32>
        %squeeze3A_402 = vector.extract %slice3A_401[0] : f32 from vector<1xf32>
        %mul3A_403 = arith.constant 16 : i32
        %mul3A_404 = arith.muli %scan3A_107, %mul3A_403 : i32
        %add3A_405 = arith.constant 7 : i32
        %add3A_406 = arith.addi %mul3A_404, %add3A_405 : i32
        %get3A_407 = arith.index_cast %add3A_406 : i32 to index
        %get3A_408 = arith.constant 0 : index
        %get3A_409 = tpu.vector_load %arg9[%get3A_407, %get3A_408] {strides = array<i32>} : memref<128x128xf32, #tpu.memory_space<vmem>>, vector<1x16xf32>,
        %get3A_410 = vector.shape_cast %get3A_409 : vector<1x16xf32> to vector<16xf32>
        %mul3A_411 = vector.broadcast %squeeze3A_402 : f32 to vector<16xf32>
        %mul3A_412 = arith.mulf %get3A_410, %mul3A_411 : vector<16xf32>
        %swap3A_413 = arith.index_cast %add3A_406 : i32 to index
        %swap3A_414 = arith.constant 0 : index
        %swap3A_415 = tpu.vector_load %arg9[%swap3A_413, %swap3A_414] {strides = array<i32>} : memref<128x128xf32, #tpu.memory_space<vmem>>, vector<1x16xf32>,
        %swap3A_416 = vector.shape_cast %swap3A_415 : vector<1x16xf32> to vector<16xf32>
        %swap3A_417 = vector.shape_cast %mul3A_412 : vector<16xf32> to vector<1x16xf32>
        tpu.vector_store %arg9[%swap3A_413, %swap3A_414], %swap3A_417 {strides = array<i32>} : memref<128x128xf32, #tpu.memory_space<vmem>>, vector<1x16xf32>,
        %get3A_418 = arith.index_cast %add3A_406 : i32 to index
        %get3A_419 = arith.constant 16 : index
        %get3A_420 = tpu.vector_load %arg9[%get3A_418, %get3A_419] {strides = array<i32>} : memref<128x128xf32, #tpu.memory_space<vmem>>, vector<1x16xf32>,
        %get3A_421 = vector.shape_cast %get3A_420 : vector<1x16xf32> to vector<16xf32>
        %mul3A_422 = vector.broadcast %squeeze3A_402 : f32 to vector<16xf32>
        %mul3A_423 = arith.mulf %get3A_421, %mul3A_422 : vector<16xf32>
        %swap3A_424 = arith.index_cast %add3A_406 : i32 to index
        %swap3A_425 = arith.constant 16 : index
        %swap3A_426 = tpu.vector_load %arg9[%swap3A_424, %swap3A_425] {strides = array<i32>} : memref<128x128xf32, #tpu.memory_space<vmem>>, vector<1x16xf32>,
        %swap3A_427 = vector.shape_cast %swap3A_426 : vector<1x16xf32> to vector<16xf32>
        %swap3A_428 = vector.shape_cast %mul3A_423 : vector<16xf32> to vector<1x16xf32>
        tpu.vector_store %arg9[%swap3A_424, %swap3A_425], %swap3A_428 {strides = array<i32>} : memref<128x128xf32, #tpu.memory_space<vmem>>, vector<1x16xf32>,
        %jit3A_429 = arith.constant 1.000000e+00 : f32
        %broadcast_in_dim3A_430 = vector.broadcast %jit3A_429 : f32 to vector<16xf32>
        %broadcast_in_dim3A_431 = vector.broadcast %squeeze3A_402 : f32 to vector<16xf32>
        %select_n3A_432 = arith.select %eq3A_16, %broadcast_in_dim3A_430, %broadcast_in_dim3A_431 : vector<16xi1>, vector<16xf32>
        %get3A_433 = arith.index_cast %add3A_406 : i32 to index
        %get3A_434 = arith.constant 32 : index
        %get3A_435 = tpu.vector_load %arg9[%get3A_433, %get3A_434] {strides = array<i32>} : memref<128x128xf32, #tpu.memory_space<vmem>>, vector<1x16xf32>,
        %get3A_436 = vector.shape_cast %get3A_435 : vector<1x16xf32> to vector<16xf32>
        %mul3A_437 = arith.mulf %get3A_436, %select_n3A_432 : vector<16xf32>
        %swap3A_438 = arith.index_cast %add3A_406 : i32 to index
        %swap3A_439 = arith.constant 32 : index
        %swap3A_440 = tpu.vector_load %arg9[%swap3A_438, %swap3A_439] {strides = array<i32>} : memref<128x128xf32, #tpu.memory_space<vmem>>, vector<1x16xf32>,
        %swap3A_441 = vector.shape_cast %swap3A_440 : vector<1x16xf32> to vector<16xf32>
        %swap3A_442 = vector.shape_cast %mul3A_437 : vector<16xf32> to vector<1x16xf32>
        tpu.vector_store %arg9[%swap3A_438, %swap3A_439], %swap3A_442 {strides = array<i32>} : memref<128x128xf32, #tpu.memory_space<vmem>>, vector<1x16xf32>,
        %slice3A_443 = vector.extract_strided_slice %get3A_112 {offsets = [8], sizes = [1], strides = [1]} : vector<16xf32> to vector<1xf32>
        %squeeze3A_444 = vector.extract %slice3A_443[0] : f32 from vector<1xf32>
        %mul3A_445 = arith.constant 16 : i32
        %mul3A_446 = arith.muli %scan3A_107, %mul3A_445 : i32
        %add3A_447 = arith.constant 8 : i32
        %add3A_448 = arith.addi %mul3A_446, %add3A_447 : i32
        %get3A_449 = arith.index_cast %add3A_448 : i32 to index
        %get3A_450 = arith.constant 0 : index
        %get3A_451 = tpu.vector_load %arg9[%get3A_449, %get3A_450] {strides = array<i32>} : memref<128x128xf32, #tpu.memory_space<vmem>>, vector<1x16xf32>,
        %get3A_452 = vector.shape_cast %get3A_451 : vector<1x16xf32> to vector<16xf32>
        %mul3A_453 = vector.broadcast %squeeze3A_444 : f32 to vector<16xf32>
        %mul3A_454 = arith.mulf %get3A_452, %mul3A_453 : vector<16xf32>
        %swap3A_455 = arith.index_cast %add3A_448 : i32 to index
        %swap3A_456 = arith.constant 0 : index
        %swap3A_457 = tpu.vector_load %arg9[%swap3A_455, %swap3A_456] {strides = array<i32>} : memref<128x128xf32, #tpu.memory_space<vmem>>, vector<1x16xf32>,
        %swap3A_458 = vector.shape_cast %swap3A_457 : vector<1x16xf32> to vector<16xf32>
        %swap3A_459 = vector.shape_cast %mul3A_454 : vector<16xf32> to vector<1x16xf32>
        tpu.vector_store %arg9[%swap3A_455, %swap3A_456], %swap3A_459 {strides = array<i32>} : memref<128x128xf32, #tpu.memory_space<vmem>>, vector<1x16xf32>,
        %get3A_460 = arith.index_cast %add3A_448 : i32 to index
        %get3A_461 = arith.constant 16 : index
        %get3A_462 = tpu.vector_load %arg9[%get3A_460, %get3A_461] {strides = array<i32>} : memref<128x128xf32, #tpu.memory_space<vmem>>, vector<1x16xf32>,
        %get3A_463 = vector.shape_cast %get3A_462 : vector<1x16xf32> to vector<16xf32>
        %mul3A_464 = vector.broadcast %squeeze3A_444 : f32 to vector<16xf32>
        %mul3A_465 = arith.mulf %get3A_463, %mul3A_464 : vector<16xf32>
        %swap3A_466 = arith.index_cast %add3A_448 : i32 to index
        %swap3A_467 = arith.constant 16 : index
        %swap3A_468 = tpu.vector_load %arg9[%swap3A_466, %swap3A_467] {strides = array<i32>} : memref<128x128xf32, #tpu.memory_space<vmem>>, vector<1x16xf32>,
        %swap3A_469 = vector.shape_cast %swap3A_468 : vector<1x16xf32> to vector<16xf32>
        %swap3A_470 = vector.shape_cast %mul3A_465 : vector<16xf32> to vector<1x16xf32>
        tpu.vector_store %arg9[%swap3A_466, %swap3A_467], %swap3A_470 {strides = array<i32>} : memref<128x128xf32, #tpu.memory_space<vmem>>, vector<1x16xf32>,
        %jit3A_471 = arith.constant 1.000000e+00 : f32
        %broadcast_in_dim3A_472 = vector.broadcast %jit3A_471 : f32 to vector<16xf32>
        %broadcast_in_dim3A_473 = vector.broadcast %squeeze3A_444 : f32 to vector<16xf32>
        %select_n3A_474 = arith.select %eq3A_16, %broadcast_in_dim3A_472, %broadcast_in_dim3A_473 : vector<16xi1>, vector<16xf32>
        %get3A_475 = arith.index_cast %add3A_448 : i32 to index
        %get3A_476 = arith.constant 32 : index
        %get3A_477 = tpu.vector_load %arg9[%get3A_475, %get3A_476] {strides = array<i32>} : memref<128x128xf32, #tpu.memory_space<vmem>>, vector<1x16xf32>,
        %get3A_478 = vector.shape_cast %get3A_477 : vector<1x16xf32> to vector<16xf32>
        %mul3A_479 = arith.mulf %get3A_478, %select_n3A_474 : vector<16xf32>
        %swap3A_480 = arith.index_cast %add3A_448 : i32 to index
        %swap3A_481 = arith.constant 32 : index
        %swap3A_482 = tpu.vector_load %arg9[%swap3A_480, %swap3A_481] {strides = array<i32>} : memref<128x128xf32, #tpu.memory_space<vmem>>, vector<1x16xf32>,
        %swap3A_483 = vector.shape_cast %swap3A_482 : vector<1x16xf32> to vector<16xf32>
        %swap3A_484 = vector.shape_cast %mul3A_479 : vector<16xf32> to vector<1x16xf32>
        tpu.vector_store %arg9[%swap3A_480, %swap3A_481], %swap3A_484 {strides = array<i32>} : memref<128x128xf32, #tpu.memory_space<vmem>>, vector<1x16xf32>,
        %slice3A_485 = vector.extract_strided_slice %get3A_112 {offsets = [9], sizes = [1], strides = [1]} : vector<16xf32> to vector<1xf32>
        %squeeze3A_486 = vector.extract %slice3A_485[0] : f32 from vector<1xf32>
        %mul3A_487 = arith.constant 16 : i32
        %mul3A_488 = arith.muli %scan3A_107, %mul3A_487 : i32
        %add3A_489 = arith.constant 9 : i32
        %add3A_490 = arith.addi %mul3A_488, %add3A_489 : i32
        %get3A_491 = arith.index_cast %add3A_490 : i32 to index
        %get3A_492 = arith.constant 0 : index
        %get3A_493 = tpu.vector_load %arg9[%get3A_491, %get3A_492] {strides = array<i32>} : memref<128x128xf32, #tpu.memory_space<vmem>>, vector<1x16xf32>,
        %get3A_494 = vector.shape_cast %get3A_493 : vector<1x16xf32> to vector<16xf32>
        %mul3A_495 = vector.broadcast %squeeze3A_486 : f32 to vector<16xf32>
        %mul3A_496 = arith.mulf %get3A_494, %mul3A_495 : vector<16xf32>
        %swap3A_497 = arith.index_cast %add3A_490 : i32 to index
        %swap3A_498 = arith.constant 0 : index
        %swap3A_499 = tpu.vector_load %arg9[%swap3A_497, %swap3A_498] {strides = array<i32>} : memref<128x128xf32, #tpu.memory_space<vmem>>, vector<1x16xf32>,
        %swap3A_500 = vector.shape_cast %swap3A_499 : vector<1x16xf32> to vector<16xf32>
        %swap3A_501 = vector.shape_cast %mul3A_496 : vector<16xf32> to vector<1x16xf32>
        tpu.vector_store %arg9[%swap3A_497, %swap3A_498], %swap3A_501 {strides = array<i32>} : memref<128x128xf32, #tpu.memory_space<vmem>>, vector<1x16xf32>,
        %get3A_502 = arith.index_cast %add3A_490 : i32 to index
        %get3A_503 = arith.constant 16 : index
        %get3A_504 = tpu.vector_load %arg9[%get3A_502, %get3A_503] {strides = array<i32>} : memref<128x128xf32, #tpu.memory_space<vmem>>, vector<1x16xf32>,
        %get3A_505 = vector.shape_cast %get3A_504 : vector<1x16xf32> to vector<16xf32>
        %mul3A_506 = vector.broadcast %squeeze3A_486 : f32 to vector<16xf32>
        %mul3A_507 = arith.mulf %get3A_505, %mul3A_506 : vector<16xf32>
        %swap3A_508 = arith.index_cast %add3A_490 : i32 to index
        %swap3A_509 = arith.constant 16 : index
        %swap3A_510 = tpu.vector_load %arg9[%swap3A_508, %swap3A_509] {strides = array<i32>} : memref<128x128xf32, #tpu.memory_space<vmem>>, vector<1x16xf32>,
        %swap3A_511 = vector.shape_cast %swap3A_510 : vector<1x16xf32> to vector<16xf32>
        %swap3A_512 = vector.shape_cast %mul3A_507 : vector<16xf32> to vector<1x16xf32>
        tpu.vector_store %arg9[%swap3A_508, %swap3A_509], %swap3A_512 {strides = array<i32>} : memref<128x128xf32, #tpu.memory_space<vmem>>, vector<1x16xf32>,
        %jit3A_513 = arith.constant 1.000000e+00 : f32
        %broadcast_in_dim3A_514 = vector.broadcast %jit3A_513 : f32 to vector<16xf32>
        %broadcast_in_dim3A_515 = vector.broadcast %squeeze3A_486 : f32 to vector<16xf32>
        %select_n3A_516 = arith.select %eq3A_16, %broadcast_in_dim3A_514, %broadcast_in_dim3A_515 : vector<16xi1>, vector<16xf32>
        %get3A_517 = arith.index_cast %add3A_490 : i32 to index
        %get3A_518 = arith.constant 32 : index
        %get3A_519 = tpu.vector_load %arg9[%get3A_517, %get3A_518] {strides = array<i32>} : memref<128x128xf32, #tpu.memory_space<vmem>>, vector<1x16xf32>,
        %get3A_520 = vector.shape_cast %get3A_519 : vector<1x16xf32> to vector<16xf32>
        %mul3A_521 = arith.mulf %get3A_520, %select_n3A_516 : vector<16xf32>
        %swap3A_522 = arith.index_cast %add3A_490 : i32 to index
        %swap3A_523 = arith.constant 32 : index
        %swap3A_524 = tpu.vector_load %arg9[%swap3A_522, %swap3A_523] {strides = array<i32>} : memref<128x128xf32, #tpu.memory_space<vmem>>, vector<1x16xf32>,
        %swap3A_525 = vector.shape_cast %swap3A_524 : vector<1x16xf32> to vector<16xf32>
        %swap3A_526 = vector.shape_cast %mul3A_521 : vector<16xf32> to vector<1x16xf32>
        tpu.vector_store %arg9[%swap3A_522, %swap3A_523], %swap3A_526 {strides = array<i32>} : memref<128x128xf32, #tpu.memory_space<vmem>>, vector<1x16xf32>,
        %slice3A_527 = vector.extract_strided_slice %get3A_112 {offsets = [10], sizes = [1], strides = [1]} : vector<16xf32> to vector<1xf32>
        %squeeze3A_528 = vector.extract %slice3A_527[0] : f32 from vector<1xf32>
        %mul3A_529 = arith.constant 16 : i32
        %mul3A_530 = arith.muli %scan3A_107, %mul3A_529 : i32
        %add3A_531 = arith.constant 10 : i32
        %add3A_532 = arith.addi %mul3A_530, %add3A_531 : i32
        %get3A_533 = arith.index_cast %add3A_532 : i32 to index
        %get3A_534 = arith.constant 0 : index
        %get3A_535 = tpu.vector_load %arg9[%get3A_533, %get3A_534] {strides = array<i32>} : memref<128x128xf32, #tpu.memory_space<vmem>>, vector<1x16xf32>,
        %get3A_536 = vector.shape_cast %get3A_535 : vector<1x16xf32> to vector<16xf32>
        %mul3A_537 = vector.broadcast %squeeze3A_528 : f32 to vector<16xf32>
        %mul3A_538 = arith.mulf %get3A_536, %mul3A_537 : vector<16xf32>
        %swap3A_539 = arith.index_cast %add3A_532 : i32 to index
        %swap3A_540 = arith.constant 0 : index
        %swap3A_541 = tpu.vector_load %arg9[%swap3A_539, %swap3A_540] {strides = array<i32>} : memref<128x128xf32, #tpu.memory_space<vmem>>, vector<1x16xf32>,
        %swap3A_542 = vector.shape_cast %swap3A_541 : vector<1x16xf32> to vector<16xf32>
        %swap3A_543 = vector.shape_cast %mul3A_538 : vector<16xf32> to vector<1x16xf32>
        tpu.vector_store %arg9[%swap3A_539, %swap3A_540], %swap3A_543 {strides = array<i32>} : memref<128x128xf32, #tpu.memory_space<vmem>>, vector<1x16xf32>,
        %get3A_544 = arith.index_cast %add3A_532 : i32 to index
        %get3A_545 = arith.constant 16 : index
        %get3A_546 = tpu.vector_load %arg9[%get3A_544, %get3A_545] {strides = array<i32>} : memref<128x128xf32, #tpu.memory_space<vmem>>, vector<1x16xf32>,
        %get3A_547 = vector.shape_cast %get3A_546 : vector<1x16xf32> to vector<16xf32>
        %mul3A_548 = vector.broadcast %squeeze3A_528 : f32 to vector<16xf32>
        %mul3A_549 = arith.mulf %get3A_547, %mul3A_548 : vector<16xf32>
        %swap3A_550 = arith.index_cast %add3A_532 : i32 to index
        %swap3A_551 = arith.constant 16 : index
        %swap3A_552 = tpu.vector_load %arg9[%swap3A_550, %swap3A_551] {strides = array<i32>} : memref<128x128xf32, #tpu.memory_space<vmem>>, vector<1x16xf32>,
        %swap3A_553 = vector.shape_cast %swap3A_552 : vector<1x16xf32> to vector<16xf32>
        %swap3A_554 = vector.shape_cast %mul3A_549 : vector<16xf32> to vector<1x16xf32>
        tpu.vector_store %arg9[%swap3A_550, %swap3A_551], %swap3A_554 {strides = array<i32>} : memref<128x128xf32, #tpu.memory_space<vmem>>, vector<1x16xf32>,
        %jit3A_555 = arith.constant 1.000000e+00 : f32
        %broadcast_in_dim3A_556 = vector.broadcast %jit3A_555 : f32 to vector<16xf32>
        %broadcast_in_dim3A_557 = vector.broadcast %squeeze3A_528 : f32 to vector<16xf32>
        %select_n3A_558 = arith.select %eq3A_16, %broadcast_in_dim3A_556, %broadcast_in_dim3A_557 : vector<16xi1>, vector<16xf32>
        %get3A_559 = arith.index_cast %add3A_532 : i32 to index
        %get3A_560 = arith.constant 32 : index
        %get3A_561 = tpu.vector_load %arg9[%get3A_559, %get3A_560] {strides = array<i32>} : memref<128x128xf32, #tpu.memory_space<vmem>>, vector<1x16xf32>,
        %get3A_562 = vector.shape_cast %get3A_561 : vector<1x16xf32> to vector<16xf32>
        %mul3A_563 = arith.mulf %get3A_562, %select_n3A_558 : vector<16xf32>
        %swap3A_564 = arith.index_cast %add3A_532 : i32 to index
        %swap3A_565 = arith.constant 32 : index
        %swap3A_566 = tpu.vector_load %arg9[%swap3A_564, %swap3A_565] {strides = array<i32>} : memref<128x128xf32, #tpu.memory_space<vmem>>, vector<1x16xf32>,
        %swap3A_567 = vector.shape_cast %swap3A_566 : vector<1x16xf32> to vector<16xf32>
        %swap3A_568 = vector.shape_cast %mul3A_563 : vector<16xf32> to vector<1x16xf32>
        tpu.vector_store %arg9[%swap3A_564, %swap3A_565], %swap3A_568 {strides = array<i32>} : memref<128x128xf32, #tpu.memory_space<vmem>>, vector<1x16xf32>,
        %slice3A_569 = vector.extract_strided_slice %get3A_112 {offsets = [11], sizes = [1], strides = [1]} : vector<16xf32> to vector<1xf32>
        %squeeze3A_570 = vector.extract %slice3A_569[0] : f32 from vector<1xf32>
        %mul3A_571 = arith.constant 16 : i32
        %mul3A_572 = arith.muli %scan3A_107, %mul3A_571 : i32
        %add3A_573 = arith.constant 11 : i32
        %add3A_574 = arith.addi %mul3A_572, %add3A_573 : i32
        %get3A_575 = arith.index_cast %add3A_574 : i32 to index
        %get3A_576 = arith.constant 0 : index
        %get3A_577 = tpu.vector_load %arg9[%get3A_575, %get3A_576] {strides = array<i32>} : memref<128x128xf32, #tpu.memory_space<vmem>>, vector<1x16xf32>,
        %get3A_578 = vector.shape_cast %get3A_577 : vector<1x16xf32> to vector<16xf32>
        %mul3A_579 = vector.broadcast %squeeze3A_570 : f32 to vector<16xf32>
        %mul3A_580 = arith.mulf %get3A_578, %mul3A_579 : vector<16xf32>
        %swap3A_581 = arith.index_cast %add3A_574 : i32 to index
        %swap3A_582 = arith.constant 0 : index
        %swap3A_583 = tpu.vector_load %arg9[%swap3A_581, %swap3A_582] {strides = array<i32>} : memref<128x128xf32, #tpu.memory_space<vmem>>, vector<1x16xf32>,
        %swap3A_584 = vector.shape_cast %swap3A_583 : vector<1x16xf32> to vector<16xf32>
        %swap3A_585 = vector.shape_cast %mul3A_580 : vector<16xf32> to vector<1x16xf32>
        tpu.vector_store %arg9[%swap3A_581, %swap3A_582], %swap3A_585 {strides = array<i32>} : memref<128x128xf32, #tpu.memory_space<vmem>>, vector<1x16xf32>,
        %get3A_586 = arith.index_cast %add3A_574 : i32 to index
        %get3A_587 = arith.constant 16 : index
        %get3A_588 = tpu.vector_load %arg9[%get3A_586, %get3A_587] {strides = array<i32>} : memref<128x128xf32, #tpu.memory_space<vmem>>, vector<1x16xf32>,
        %get3A_589 = vector.shape_cast %get3A_588 : vector<1x16xf32> to vector<16xf32>
        %mul3A_590 = vector.broadcast %squeeze3A_570 : f32 to vector<16xf32>
        %mul3A_591 = arith.mulf %get3A_589, %mul3A_590 : vector<16xf32>
        %swap3A_592 = arith.index_cast %add3A_574 : i32 to index
        %swap3A_593 = arith.constant 16 : index
        %swap3A_594 = tpu.vector_load %arg9[%swap3A_592, %swap3A_593] {strides = array<i32>} : memref<128x128xf32, #tpu.memory_space<vmem>>, vector<1x16xf32>,
        %swap3A_595 = vector.shape_cast %swap3A_594 : vector<1x16xf32> to vector<16xf32>
        %swap3A_596 = vector.shape_cast %mul3A_591 : vector<16xf32> to vector<1x16xf32>
        tpu.vector_store %arg9[%swap3A_592, %swap3A_593], %swap3A_596 {strides = array<i32>} : memref<128x128xf32, #tpu.memory_space<vmem>>, vector<1x16xf32>,
        %jit3A_597 = arith.constant 1.000000e+00 : f32
        %broadcast_in_dim3A_598 = vector.broadcast %jit3A_597 : f32 to vector<16xf32>
        %broadcast_in_dim3A_599 = vector.broadcast %squeeze3A_570 : f32 to vector<16xf32>
        %select_n3A_600 = arith.select %eq3A_16, %broadcast_in_dim3A_598, %broadcast_in_dim3A_599 : vector<16xi1>, vector<16xf32>
        %get3A_601 = arith.index_cast %add3A_574 : i32 to index
        %get3A_602 = arith.constant 32 : index
        %get3A_603 = tpu.vector_load %arg9[%get3A_601, %get3A_602] {strides = array<i32>} : memref<128x128xf32, #tpu.memory_space<vmem>>, vector<1x16xf32>,
        %get3A_604 = vector.shape_cast %get3A_603 : vector<1x16xf32> to vector<16xf32>
        %mul3A_605 = arith.mulf %get3A_604, %select_n3A_600 : vector<16xf32>
        %swap3A_606 = arith.index_cast %add3A_574 : i32 to index
        %swap3A_607 = arith.constant 32 : index
        %swap3A_608 = tpu.vector_load %arg9[%swap3A_606, %swap3A_607] {strides = array<i32>} : memref<128x128xf32, #tpu.memory_space<vmem>>, vector<1x16xf32>,
        %swap3A_609 = vector.shape_cast %swap3A_608 : vector<1x16xf32> to vector<16xf32>
        %swap3A_610 = vector.shape_cast %mul3A_605 : vector<16xf32> to vector<1x16xf32>
        tpu.vector_store %arg9[%swap3A_606, %swap3A_607], %swap3A_610 {strides = array<i32>} : memref<128x128xf32, #tpu.memory_space<vmem>>, vector<1x16xf32>,
        %slice3A_611 = vector.extract_strided_slice %get3A_112 {offsets = [12], sizes = [1], strides = [1]} : vector<16xf32> to vector<1xf32>
        %squeeze3A_612 = vector.extract %slice3A_611[0] : f32 from vector<1xf32>
        %mul3A_613 = arith.constant 16 : i32
        %mul3A_614 = arith.muli %scan3A_107, %mul3A_613 : i32
        %add3A_615 = arith.constant 12 : i32
        %add3A_616 = arith.addi %mul3A_614, %add3A_615 : i32
        %get3A_617 = arith.index_cast %add3A_616 : i32 to index
        %get3A_618 = arith.constant 0 : index
        %get3A_619 = tpu.vector_load %arg9[%get3A_617, %get3A_618] {strides = array<i32>} : memref<128x128xf32, #tpu.memory_space<vmem>>, vector<1x16xf32>,
        %get3A_620 = vector.shape_cast %get3A_619 : vector<1x16xf32> to vector<16xf32>
        %mul3A_621 = vector.broadcast %squeeze3A_612 : f32 to vector<16xf32>
        %mul3A_622 = arith.mulf %get3A_620, %mul3A_621 : vector<16xf32>
        %swap3A_623 = arith.index_cast %add3A_616 : i32 to index
        %swap3A_624 = arith.constant 0 : index
        %swap3A_625 = tpu.vector_load %arg9[%swap3A_623, %swap3A_624] {strides = array<i32>} : memref<128x128xf32, #tpu.memory_space<vmem>>, vector<1x16xf32>,
        %swap3A_626 = vector.shape_cast %swap3A_625 : vector<1x16xf32> to vector<16xf32>
        %swap3A_627 = vector.shape_cast %mul3A_622 : vector<16xf32> to vector<1x16xf32>
        tpu.vector_store %arg9[%swap3A_623, %swap3A_624], %swap3A_627 {strides = array<i32>} : memref<128x128xf32, #tpu.memory_space<vmem>>, vector<1x16xf32>,
        %get3A_628 = arith.index_cast %add3A_616 : i32 to index
        %get3A_629 = arith.constant 16 : index
        %get3A_630 = tpu.vector_load %arg9[%get3A_628, %get3A_629] {strides = array<i32>} : memref<128x128xf32, #tpu.memory_space<vmem>>, vector<1x16xf32>,
        %get3A_631 = vector.shape_cast %get3A_630 : vector<1x16xf32> to vector<16xf32>
        %mul3A_632 = vector.broadcast %squeeze3A_612 : f32 to vector<16xf32>
        %mul3A_633 = arith.mulf %get3A_631, %mul3A_632 : vector<16xf32>
        %swap3A_634 = arith.index_cast %add3A_616 : i32 to index
        %swap3A_635 = arith.constant 16 : index
        %swap3A_636 = tpu.vector_load %arg9[%swap3A_634, %swap3A_635] {strides = array<i32>} : memref<128x128xf32, #tpu.memory_space<vmem>>, vector<1x16xf32>,
        %swap3A_637 = vector.shape_cast %swap3A_636 : vector<1x16xf32> to vector<16xf32>
        %swap3A_638 = vector.shape_cast %mul3A_633 : vector<16xf32> to vector<1x16xf32>
        tpu.vector_store %arg9[%swap3A_634, %swap3A_635], %swap3A_638 {strides = array<i32>} : memref<128x128xf32, #tpu.memory_space<vmem>>, vector<1x16xf32>,
        %jit3A_639 = arith.constant 1.000000e+00 : f32
        %broadcast_in_dim3A_640 = vector.broadcast %jit3A_639 : f32 to vector<16xf32>
        %broadcast_in_dim3A_641 = vector.broadcast %squeeze3A_612 : f32 to vector<16xf32>
        %select_n3A_642 = arith.select %eq3A_16, %broadcast_in_dim3A_640, %broadcast_in_dim3A_641 : vector<16xi1>, vector<16xf32>
        %get3A_643 = arith.index_cast %add3A_616 : i32 to index
        %get3A_644 = arith.constant 32 : index
        %get3A_645 = tpu.vector_load %arg9[%get3A_643, %get3A_644] {strides = array<i32>} : memref<128x128xf32, #tpu.memory_space<vmem>>, vector<1x16xf32>,
        %get3A_646 = vector.shape_cast %get3A_645 : vector<1x16xf32> to vector<16xf32>
        %mul3A_647 = arith.mulf %get3A_646, %select_n3A_642 : vector<16xf32>
        %swap3A_648 = arith.index_cast %add3A_616 : i32 to index
        %swap3A_649 = arith.constant 32 : index
        %swap3A_650 = tpu.vector_load %arg9[%swap3A_648, %swap3A_649] {strides = array<i32>} : memref<128x128xf32, #tpu.memory_space<vmem>>, vector<1x16xf32>,
        %swap3A_651 = vector.shape_cast %swap3A_650 : vector<1x16xf32> to vector<16xf32>
        %swap3A_652 = vector.shape_cast %mul3A_647 : vector<16xf32> to vector<1x16xf32>
        tpu.vector_store %arg9[%swap3A_648, %swap3A_649], %swap3A_652 {strides = array<i32>} : memref<128x128xf32, #tpu.memory_space<vmem>>, vector<1x16xf32>,
        %slice3A_653 = vector.extract_strided_slice %get3A_112 {offsets = [13], sizes = [1], strides = [1]} : vector<16xf32> to vector<1xf32>
        %squeeze3A_654 = vector.extract %slice3A_653[0] : f32 from vector<1xf32>
        %mul3A_655 = arith.constant 16 : i32
        %mul3A_656 = arith.muli %scan3A_107, %mul3A_655 : i32
        %add3A_657 = arith.constant 13 : i32
        %add3A_658 = arith.addi %mul3A_656, %add3A_657 : i32
        %get3A_659 = arith.index_cast %add3A_658 : i32 to index
        %get3A_660 = arith.constant 0 : index
        %get3A_661 = tpu.vector_load %arg9[%get3A_659, %get3A_660] {strides = array<i32>} : memref<128x128xf32, #tpu.memory_space<vmem>>, vector<1x16xf32>,
        %get3A_662 = vector.shape_cast %get3A_661 : vector<1x16xf32> to vector<16xf32>
        %mul3A_663 = vector.broadcast %squeeze3A_654 : f32 to vector<16xf32>
        %mul3A_664 = arith.mulf %get3A_662, %mul3A_663 : vector<16xf32>
        %swap3A_665 = arith.index_cast %add3A_658 : i32 to index
        %swap3A_666 = arith.constant 0 : index
        %swap3A_667 = tpu.vector_load %arg9[%swap3A_665, %swap3A_666] {strides = array<i32>} : memref<128x128xf32, #tpu.memory_space<vmem>>, vector<1x16xf32>,
        %swap3A_668 = vector.shape_cast %swap3A_667 : vector<1x16xf32> to vector<16xf32>
        %swap3A_669 = vector.shape_cast %mul3A_664 : vector<16xf32> to vector<1x16xf32>
        tpu.vector_store %arg9[%swap3A_665, %swap3A_666], %swap3A_669 {strides = array<i32>} : memref<128x128xf32, #tpu.memory_space<vmem>>, vector<1x16xf32>,
        %get3A_670 = arith.index_cast %add3A_658 : i32 to index
        %get3A_671 = arith.constant 16 : index
        %get3A_672 = tpu.vector_load %arg9[%get3A_670, %get3A_671] {strides = array<i32>} : memref<128x128xf32, #tpu.memory_space<vmem>>, vector<1x16xf32>,
        %get3A_673 = vector.shape_cast %get3A_672 : vector<1x16xf32> to vector<16xf32>
        %mul3A_674 = vector.broadcast %squeeze3A_654 : f32 to vector<16xf32>
        %mul3A_675 = arith.mulf %get3A_673, %mul3A_674 : vector<16xf32>
        %swap3A_676 = arith.index_cast %add3A_658 : i32 to index
        %swap3A_677 = arith.constant 16 : index
        %swap3A_678 = tpu.vector_load %arg9[%swap3A_676, %swap3A_677] {strides = array<i32>} : memref<128x128xf32, #tpu.memory_space<vmem>>, vector<1x16xf32>,
        %swap3A_679 = vector.shape_cast %swap3A_678 : vector<1x16xf32> to vector<16xf32>
        %swap3A_680 = vector.shape_cast %mul3A_675 : vector<16xf32> to vector<1x16xf32>
        tpu.vector_store %arg9[%swap3A_676, %swap3A_677], %swap3A_680 {strides = array<i32>} : memref<128x128xf32, #tpu.memory_space<vmem>>, vector<1x16xf32>,
        %jit3A_681 = arith.constant 1.000000e+00 : f32
        %broadcast_in_dim3A_682 = vector.broadcast %jit3A_681 : f32 to vector<16xf32>
        %broadcast_in_dim3A_683 = vector.broadcast %squeeze3A_654 : f32 to vector<16xf32>
        %select_n3A_684 = arith.select %eq3A_16, %broadcast_in_dim3A_682, %broadcast_in_dim3A_683 : vector<16xi1>, vector<16xf32>
        %get3A_685 = arith.index_cast %add3A_658 : i32 to index
        %get3A_686 = arith.constant 32 : index
        %get3A_687 = tpu.vector_load %arg9[%get3A_685, %get3A_686] {strides = array<i32>} : memref<128x128xf32, #tpu.memory_space<vmem>>, vector<1x16xf32>,
        %get3A_688 = vector.shape_cast %get3A_687 : vector<1x16xf32> to vector<16xf32>
        %mul3A_689 = arith.mulf %get3A_688, %select_n3A_684 : vector<16xf32>
        %swap3A_690 = arith.index_cast %add3A_658 : i32 to index
        %swap3A_691 = arith.constant 32 : index
        %swap3A_692 = tpu.vector_load %arg9[%swap3A_690, %swap3A_691] {strides = array<i32>} : memref<128x128xf32, #tpu.memory_space<vmem>>, vector<1x16xf32>,
        %swap3A_693 = vector.shape_cast %swap3A_692 : vector<1x16xf32> to vector<16xf32>
        %swap3A_694 = vector.shape_cast %mul3A_689 : vector<16xf32> to vector<1x16xf32>
        tpu.vector_store %arg9[%swap3A_690, %swap3A_691], %swap3A_694 {strides = array<i32>} : memref<128x128xf32, #tpu.memory_space<vmem>>, vector<1x16xf32>,
        %slice3A_695 = vector.extract_strided_slice %get3A_112 {offsets = [14], sizes = [1], strides = [1]} : vector<16xf32> to vector<1xf32>
        %squeeze3A_696 = vector.extract %slice3A_695[0] : f32 from vector<1xf32>
        %mul3A_697 = arith.constant 16 : i32
        %mul3A_698 = arith.muli %scan3A_107, %mul3A_697 : i32
        %add3A_699 = arith.constant 14 : i32
        %add3A_700 = arith.addi %mul3A_698, %add3A_699 : i32
        %get3A_701 = arith.index_cast %add3A_700 : i32 to index
        %get3A_702 = arith.constant 0 : index
        %get3A_703 = tpu.vector_load %arg9[%get3A_701, %get3A_702] {strides = array<i32>} : memref<128x128xf32, #tpu.memory_space<vmem>>, vector<1x16xf32>,
        %get3A_704 = vector.shape_cast %get3A_703 : vector<1x16xf32> to vector<16xf32>
        %mul3A_705 = vector.broadcast %squeeze3A_696 : f32 to vector<16xf32>
        %mul3A_706 = arith.mulf %get3A_704, %mul3A_705 : vector<16xf32>
        %swap3A_707 = arith.index_cast %add3A_700 : i32 to index
        %swap3A_708 = arith.constant 0 : index
        %swap3A_709 = tpu.vector_load %arg9[%swap3A_707, %swap3A_708] {strides = array<i32>} : memref<128x128xf32, #tpu.memory_space<vmem>>, vector<1x16xf32>,
        %swap3A_710 = vector.shape_cast %swap3A_709 : vector<1x16xf32> to vector<16xf32>
        %swap3A_711 = vector.shape_cast %mul3A_706 : vector<16xf32> to vector<1x16xf32>
        tpu.vector_store %arg9[%swap3A_707, %swap3A_708], %swap3A_711 {strides = array<i32>} : memref<128x128xf32, #tpu.memory_space<vmem>>, vector<1x16xf32>,
        %get3A_712 = arith.index_cast %add3A_700 : i32 to index
        %get3A_713 = arith.constant 16 : index
        %get3A_714 = tpu.vector_load %arg9[%get3A_712, %get3A_713] {strides = array<i32>} : memref<128x128xf32, #tpu.memory_space<vmem>>, vector<1x16xf32>,
        %get3A_715 = vector.shape_cast %get3A_714 : vector<1x16xf32> to vector<16xf32>
        %mul3A_716 = vector.broadcast %squeeze3A_696 : f32 to vector<16xf32>
        %mul3A_717 = arith.mulf %get3A_715, %mul3A_716 : vector<16xf32>
        %swap3A_718 = arith.index_cast %add3A_700 : i32 to index
        %swap3A_719 = arith.constant 16 : index
        %swap3A_720 = tpu.vector_load %arg9[%swap3A_718, %swap3A_719] {strides = array<i32>} : memref<128x128xf32, #tpu.memory_space<vmem>>, vector<1x16xf32>,
        %swap3A_721 = vector.shape_cast %swap3A_720 : vector<1x16xf32> to vector<16xf32>
        %swap3A_722 = vector.shape_cast %mul3A_717 : vector<16xf32> to vector<1x16xf32>
        tpu.vector_store %arg9[%swap3A_718, %swap3A_719], %swap3A_722 {strides = array<i32>} : memref<128x128xf32, #tpu.memory_space<vmem>>, vector<1x16xf32>,
        %jit3A_723 = arith.constant 1.000000e+00 : f32
        %broadcast_in_dim3A_724 = vector.broadcast %jit3A_723 : f32 to vector<16xf32>
        %broadcast_in_dim3A_725 = vector.broadcast %squeeze3A_696 : f32 to vector<16xf32>
        %select_n3A_726 = arith.select %eq3A_16, %broadcast_in_dim3A_724, %broadcast_in_dim3A_725 : vector<16xi1>, vector<16xf32>
        %get3A_727 = arith.index_cast %add3A_700 : i32 to index
        %get3A_728 = arith.constant 32 : index
        %get3A_729 = tpu.vector_load %arg9[%get3A_727, %get3A_728] {strides = array<i32>} : memref<128x128xf32, #tpu.memory_space<vmem>>, vector<1x16xf32>,
        %get3A_730 = vector.shape_cast %get3A_729 : vector<1x16xf32> to vector<16xf32>
        %mul3A_731 = arith.mulf %get3A_730, %select_n3A_726 : vector<16xf32>
        %swap3A_732 = arith.index_cast %add3A_700 : i32 to index
        %swap3A_733 = arith.constant 32 : index
        %swap3A_734 = tpu.vector_load %arg9[%swap3A_732, %swap3A_733] {strides = array<i32>} : memref<128x128xf32, #tpu.memory_space<vmem>>, vector<1x16xf32>,
        %swap3A_735 = vector.shape_cast %swap3A_734 : vector<1x16xf32> to vector<16xf32>
        %swap3A_736 = vector.shape_cast %mul3A_731 : vector<16xf32> to vector<1x16xf32>
        tpu.vector_store %arg9[%swap3A_732, %swap3A_733], %swap3A_736 {strides = array<i32>} : memref<128x128xf32, #tpu.memory_space<vmem>>, vector<1x16xf32>,
        %slice3A_737 = vector.extract_strided_slice %get3A_112 {offsets = [15], sizes = [1], strides = [1]} : vector<16xf32> to vector<1xf32>
        %squeeze3A_738 = vector.extract %slice3A_737[0] : f32 from vector<1xf32>
        %mul3A_739 = arith.constant 16 : i32
        %mul3A_740 = arith.muli %scan3A_107, %mul3A_739 : i32
        %add3A_741 = arith.constant 15 : i32
        %add3A_742 = arith.addi %mul3A_740, %add3A_741 : i32
        %get3A_743 = arith.index_cast %add3A_742 : i32 to index
        %get3A_744 = arith.constant 0 : index
        %get3A_745 = tpu.vector_load %arg9[%get3A_743, %get3A_744] {strides = array<i32>} : memref<128x128xf32, #tpu.memory_space<vmem>>, vector<1x16xf32>,
        %get3A_746 = vector.shape_cast %get3A_745 : vector<1x16xf32> to vector<16xf32>
        %mul3A_747 = vector.broadcast %squeeze3A_738 : f32 to vector<16xf32>
        %mul3A_748 = arith.mulf %get3A_746, %mul3A_747 : vector<16xf32>
        %swap3A_749 = arith.index_cast %add3A_742 : i32 to index
        %swap3A_750 = arith.constant 0 : index
        %swap3A_751 = tpu.vector_load %arg9[%swap3A_749, %swap3A_750] {strides = array<i32>} : memref<128x128xf32, #tpu.memory_space<vmem>>, vector<1x16xf32>,
        %swap3A_752 = vector.shape_cast %swap3A_751 : vector<1x16xf32> to vector<16xf32>
        %swap3A_753 = vector.shape_cast %mul3A_748 : vector<16xf32> to vector<1x16xf32>
        tpu.vector_store %arg9[%swap3A_749, %swap3A_750], %swap3A_753 {strides = array<i32>} : memref<128x128xf32, #tpu.memory_space<vmem>>, vector<1x16xf32>,
        %get3A_754 = arith.index_cast %add3A_742 : i32 to index
        %get3A_755 = arith.constant 16 : index
        %get3A_756 = tpu.vector_load %arg9[%get3A_754, %get3A_755] {strides = array<i32>} : memref<128x128xf32, #tpu.memory_space<vmem>>, vector<1x16xf32>,
        %get3A_757 = vector.shape_cast %get3A_756 : vector<1x16xf32> to vector<16xf32>
        %mul3A_758 = vector.broadcast %squeeze3A_738 : f32 to vector<16xf32>
        %mul3A_759 = arith.mulf %get3A_757, %mul3A_758 : vector<16xf32>
        %swap3A_760 = arith.index_cast %add3A_742 : i32 to index
        %swap3A_761 = arith.constant 16 : index
        %swap3A_762 = tpu.vector_load %arg9[%swap3A_760, %swap3A_761] {strides = array<i32>} : memref<128x128xf32, #tpu.memory_space<vmem>>, vector<1x16xf32>,
        %swap3A_763 = vector.shape_cast %swap3A_762 : vector<1x16xf32> to vector<16xf32>
        %swap3A_764 = vector.shape_cast %mul3A_759 : vector<16xf32> to vector<1x16xf32>
        tpu.vector_store %arg9[%swap3A_760, %swap3A_761], %swap3A_764 {strides = array<i32>} : memref<128x128xf32, #tpu.memory_space<vmem>>, vector<1x16xf32>,
        %jit3A_765 = arith.constant 1.000000e+00 : f32
        %broadcast_in_dim3A_766 = vector.broadcast %jit3A_765 : f32 to vector<16xf32>
        %broadcast_in_dim3A_767 = vector.broadcast %squeeze3A_738 : f32 to vector<16xf32>
        %select_n3A_768 = arith.select %eq3A_16, %broadcast_in_dim3A_766, %broadcast_in_dim3A_767 : vector<16xi1>, vector<16xf32>
        %get3A_769 = arith.index_cast %add3A_742 : i32 to index
        %get3A_770 = arith.constant 32 : index
        %get3A_771 = tpu.vector_load %arg9[%get3A_769, %get3A_770] {strides = array<i32>} : memref<128x128xf32, #tpu.memory_space<vmem>>, vector<1x16xf32>,
        %get3A_772 = vector.shape_cast %get3A_771 : vector<1x16xf32> to vector<16xf32>
        %mul3A_773 = arith.mulf %get3A_772, %select_n3A_768 : vector<16xf32>
        %swap3A_774 = arith.index_cast %add3A_742 : i32 to index
        %swap3A_775 = arith.constant 32 : index
        %swap3A_776 = tpu.vector_load %arg9[%swap3A_774, %swap3A_775] {strides = array<i32>} : memref<128x128xf32, #tpu.memory_space<vmem>>, vector<1x16xf32>,
        %swap3A_777 = vector.shape_cast %swap3A_776 : vector<1x16xf32> to vector<16xf32>
        %swap3A_778 = vector.shape_cast %mul3A_773 : vector<16xf32> to vector<1x16xf32>
        tpu.vector_store %arg9[%swap3A_774, %swap3A_775], %swap3A_778 {strides = array<i32>} : memref<128x128xf32, #tpu.memory_space<vmem>>, vector<1x16xf32>,
      }
      %scan3A_64 = arith.constant 8 : i32
      %add3A_65 = arith.constant 40 : i32
      %add3A_66 = arith.addi %add3A_65, %mul3A_41 : i32
      %dma_start3A_67 = arith.constant 0 : i32
      %dma_start3A_68 = tpu.memref_slice %arg7[%add3A_66, %dma_start3A_67] : memref<80x128xi32, #tpu.memory_space<vmem>> -> memref<1x128xi32, #tpu.memory_space<vmem>>
      %dma_start3A_69 = tpu.memref_squeeze %dma_start3A_68 : memref<1x128xi32, #tpu.memory_space<vmem>> -> memref<128xi32, #tpu.memory_space<vmem>>
      %dma_start3A_70 = arith.constant 0 : i32
      %dma_start3A_71 = arith.constant 0 : i32
      %dma_start3A_72 = tpu.memref_slice %arg11[%dma_start3A_70, %dma_start3A_71] : memref<10240x128xf32, #tpu.memory_space<vmem_shared>> -> memref<10240x128xf32, #tpu.memory_space<vmem_shared>>
      tpu.enqueue_indirect_dma source(%arg9 : memref<128x128xf32, #tpu.memory_space<vmem>>) target(%dma_start3A_72 : memref<10240x128xf32, #tpu.memory_space<vmem_shared>>) offsets(%dma_start3A_69 : memref<128xi32, #tpu.memory_space<vmem>>) semaphore(%arg14 : memref<!tpu.dma_semaphore, #tpu.memory_space<semaphore_mem>>) {add = true}
      %dma_wait3A_73 = arith.constant 40 : i32
      %dma_wait3A_74 = arith.constant 0 : i32
      %dma_wait3A_75 = tpu.memref_slice %arg7[%dma_wait3A_73, %dma_wait3A_74] : memref<80x128xi32, #tpu.memory_space<vmem>> -> memref<1x128xi32, #tpu.memory_space<vmem>>
      %dma_wait3A_76 = tpu.memref_squeeze %dma_wait3A_75 : memref<1x128xi32, #tpu.memory_space<vmem>> -> memref<128xi32, #tpu.memory_space<vmem>>
      %dma_wait3A_77 = arith.constant 0 : i32
      %dma_wait3A_78 = arith.constant 0 : i32
      %dma_wait3A_79 = tpu.memref_slice %arg11[%dma_wait3A_77, %dma_wait3A_78] : memref<10240x128xf32, #tpu.memory_space<vmem_shared>> -> memref<10240x128xf32, #tpu.memory_space<vmem_shared>>
      tpu.wait_indirect_dma semaphore(%arg14 : memref<!tpu.dma_semaphore, #tpu.memory_space<semaphore_mem>>) src(%arg9 : memref<128x128xf32, #tpu.memory_space<vmem>>) dst(%dma_wait3A_79 : memref<10240x128xf32, #tpu.memory_space<vmem_shared>>)
      %add3A_80 = arith.constant 1 : i32
      %add3A_81 = arith.addi %add3A_43, %add3A_80 : i32
      %lt3A = arith.constant 40 : i32
      %lt3A_82 = arith.cmpi slt, %add3A_81, %lt3A : i32
      %convert_element_type3A_83 = arith.extui %lt3A_82 : i1 to i32
      %cond3A_84 = arith.constant 0 : i32
      %cond3A_85 = arith.cmpi ne, %convert_element_type3A_83, %cond3A_84 : i32
      scf.if %cond3A_85 {
        %add3A_107 = arith.constant 1 : i32
        %add3A_108 = arith.addi %add3A_43, %add3A_107 : i32
        %dma_start3A_109 = arith.constant 0 : i32
        %dma_start3A_110 = tpu.memref_slice %arg7[%add3A_108, %dma_start3A_109] : memref<80x128xi32, #tpu.memory_space<vmem>> -> memref<1x128xi32, #tpu.memory_space<vmem>>
        %dma_start3A_111 = tpu.memref_squeeze %dma_start3A_110 : memref<1x128xi32, #tpu.memory_space<vmem>> -> memref<128xi32, #tpu.memory_space<vmem>>
        %dma_start3A_112 = arith.constant 0 : i32
        %dma_start3A_113 = arith.constant 0 : i32
        %dma_start3A_114 = tpu.memref_slice %arg2[%dma_start3A_112, %dma_start3A_113] : memref<10000x128xf32, #tpu.memory_space<hbm>> -> memref<10000x128xf32, #tpu.memory_space<hbm>>
        tpu.enqueue_indirect_dma source(%dma_start3A_114 : memref<10000x128xf32, #tpu.memory_space<hbm>>) target(%arg9 : memref<128x128xf32, #tpu.memory_space<vmem>>) offsets(%dma_start3A_111 : memref<128xi32, #tpu.memory_space<vmem>>) semaphore(%arg12 : memref<!tpu.dma_semaphore, #tpu.memory_space<semaphore_mem>>)
      } else {
      }
      %dma_wait3A_86 = arith.constant 0 : i32
      %dma_wait3A_87 = arith.constant 0 : i32
      %dma_wait3A_88 = tpu.memref_slice %arg7[%dma_wait3A_86, %dma_wait3A_87] : memref<80x128xi32, #tpu.memory_space<vmem>> -> memref<1x128xi32, #tpu.memory_space<vmem>>
      %dma_wait3A_89 = tpu.memref_squeeze %dma_wait3A_88 : memref<1x128xi32, #tpu.memory_space<vmem>> -> memref<128xi32, #tpu.memory_space<vmem>>
      %dma_wait3A_90 = arith.constant 0 : i32
      %dma_wait3A_91 = arith.constant 0 : i32
      %dma_wait3A_92 = tpu.memref_slice %arg2[%dma_wait3A_90, %dma_wait3A_91] : memref<10000x128xf32, #tpu.memory_space<hbm>> -> memref<10000x128xf32, #tpu.memory_space<hbm>>
      tpu.wait_indirect_dma semaphore(%arg13 : memref<!tpu.dma_semaphore, #tpu.memory_space<semaphore_mem>>) src(%dma_wait3A_92 : memref<10000x128xf32, #tpu.memory_space<hbm>>) dst(%arg10 : memref<128x128xf32, #tpu.memory_space<vmem>>)
      %scan3A_93 = arith.constant 0 : i32
      %scan3A_94 = arith.constant 0 : i32
      %scan3A_95 = arith.constant 8 : i32
      %scan3A_96 = arith.addi %scan3A_94, %scan3A_95 : i32
      %scan3A_97 = arith.constant 1 : i32
      scf.for %scan3A_107 = %scan3A_94 to %scan3A_96 step %scan3A_97  : i32 {
        %mul3A_108 = arith.constant 16 : i32
        %mul3A_109 = arith.muli %scan3A_107, %mul3A_108 : i32
        %get3A = arith.index_cast %add3A_43 : i32 to index
        %get3A_110 = arith.index_cast %mul3A_109 : i32 to index
        %get3A_111 = tpu.vector_load %arg8[%get3A, %get3A_110] {strides = array<i32>} : memref<40x128xf32, #tpu.memory_space<vmem>>, vector<1x16xf32>,
        %get3A_112 = vector.shape_cast %get3A_111 : vector<1x16xf32> to vector<16xf32>
        %slice3A = vector.extract_strided_slice %get3A_112 {offsets = [0], sizes = [1], strides = [1]} : vector<16xf32> to vector<1xf32>
        %squeeze3A = vector.extract %slice3A[0] : f32 from vector<1xf32>
        %mul3A_113 = arith.constant 16 : i32
        %mul3A_114 = arith.muli %scan3A_107, %mul3A_113 : i32
        %add3A_115 = arith.constant 0 : i32
        %add3A_116 = arith.addi %mul3A_114, %add3A_115 : i32
        %get3A_117 = arith.index_cast %add3A_116 : i32 to index
        %get3A_118 = arith.constant 0 : index
        %get3A_119 = tpu.vector_load %arg10[%get3A_117, %get3A_118] {strides = array<i32>} : memref<128x128xf32, #tpu.memory_space<vmem>>, vector<1x16xf32>,
        %get3A_120 = vector.shape_cast %get3A_119 : vector<1x16xf32> to vector<16xf32>
        %mul3A_121 = vector.broadcast %squeeze3A : f32 to vector<16xf32>
        %mul3A_122 = arith.mulf %get3A_120, %mul3A_121 : vector<16xf32>
        %swap3A = arith.index_cast %add3A_116 : i32 to index
        %swap3A_123 = arith.constant 0 : index
        %swap3A_124 = tpu.vector_load %arg10[%swap3A, %swap3A_123] {strides = array<i32>} : memref<128x128xf32, #tpu.memory_space<vmem>>, vector<1x16xf32>,
        %swap3A_125 = vector.shape_cast %swap3A_124 : vector<1x16xf32> to vector<16xf32>
        %swap3A_126 = vector.shape_cast %mul3A_122 : vector<16xf32> to vector<1x16xf32>
        tpu.vector_store %arg10[%swap3A, %swap3A_123], %swap3A_126 {strides = array<i32>} : memref<128x128xf32, #tpu.memory_space<vmem>>, vector<1x16xf32>,
        %get3A_127 = arith.index_cast %add3A_116 : i32 to index
        %get3A_128 = arith.constant 16 : index
        %get3A_129 = tpu.vector_load %arg10[%get3A_127, %get3A_128] {strides = array<i32>} : memref<128x128xf32, #tpu.memory_space<vmem>>, vector<1x16xf32>,
        %get3A_130 = vector.shape_cast %get3A_129 : vector<1x16xf32> to vector<16xf32>
        %mul3A_131 = vector.broadcast %squeeze3A : f32 to vector<16xf32>
        %mul3A_132 = arith.mulf %get3A_130, %mul3A_131 : vector<16xf32>
        %swap3A_133 = arith.index_cast %add3A_116 : i32 to index
        %swap3A_134 = arith.constant 16 : index
        %swap3A_135 = tpu.vector_load %arg10[%swap3A_133, %swap3A_134] {strides = array<i32>} : memref<128x128xf32, #tpu.memory_space<vmem>>, vector<1x16xf32>,
        %swap3A_136 = vector.shape_cast %swap3A_135 : vector<1x16xf32> to vector<16xf32>
        %swap3A_137 = vector.shape_cast %mul3A_132 : vector<16xf32> to vector<1x16xf32>
        tpu.vector_store %arg10[%swap3A_133, %swap3A_134], %swap3A_137 {strides = array<i32>} : memref<128x128xf32, #tpu.memory_space<vmem>>, vector<1x16xf32>,
        %jit3A = arith.constant 1.000000e+00 : f32
        %broadcast_in_dim3A = vector.broadcast %jit3A : f32 to vector<16xf32>
        %broadcast_in_dim3A_138 = vector.broadcast %squeeze3A : f32 to vector<16xf32>
        %select_n3A = arith.select %eq3A_16, %broadcast_in_dim3A, %broadcast_in_dim3A_138 : vector<16xi1>, vector<16xf32>
        %get3A_139 = arith.index_cast %add3A_116 : i32 to index
        %get3A_140 = arith.constant 32 : index
        %get3A_141 = tpu.vector_load %arg10[%get3A_139, %get3A_140] {strides = array<i32>} : memref<128x128xf32, #tpu.memory_space<vmem>>, vector<1x16xf32>,
        %get3A_142 = vector.shape_cast %get3A_141 : vector<1x16xf32> to vector<16xf32>
        %mul3A_143 = arith.mulf %get3A_142, %select_n3A : vector<16xf32>
        %swap3A_144 = arith.index_cast %add3A_116 : i32 to index
        %swap3A_145 = arith.constant 32 : index
        %swap3A_146 = tpu.vector_load %arg10[%swap3A_144, %swap3A_145] {strides = array<i32>} : memref<128x128xf32, #tpu.memory_space<vmem>>, vector<1x16xf32>,
        %swap3A_147 = vector.shape_cast %swap3A_146 : vector<1x16xf32> to vector<16xf32>
        %swap3A_148 = vector.shape_cast %mul3A_143 : vector<16xf32> to vector<1x16xf32>
        tpu.vector_store %arg10[%swap3A_144, %swap3A_145], %swap3A_148 {strides = array<i32>} : memref<128x128xf32, #tpu.memory_space<vmem>>, vector<1x16xf32>,
        %slice3A_149 = vector.extract_strided_slice %get3A_112 {offsets = [1], sizes = [1], strides = [1]} : vector<16xf32> to vector<1xf32>
        %squeeze3A_150 = vector.extract %slice3A_149[0] : f32 from vector<1xf32>
        %mul3A_151 = arith.constant 16 : i32
        %mul3A_152 = arith.muli %scan3A_107, %mul3A_151 : i32
        %add3A_153 = arith.constant 1 : i32
        %add3A_154 = arith.addi %mul3A_152, %add3A_153 : i32
        %get3A_155 = arith.index_cast %add3A_154 : i32 to index
        %get3A_156 = arith.constant 0 : index
        %get3A_157 = tpu.vector_load %arg10[%get3A_155, %get3A_156] {strides = array<i32>} : memref<128x128xf32, #tpu.memory_space<vmem>>, vector<1x16xf32>,
        %get3A_158 = vector.shape_cast %get3A_157 : vector<1x16xf32> to vector<16xf32>
        %mul3A_159 = vector.broadcast %squeeze3A_150 : f32 to vector<16xf32>
        %mul3A_160 = arith.mulf %get3A_158, %mul3A_159 : vector<16xf32>
        %swap3A_161 = arith.index_cast %add3A_154 : i32 to index
        %swap3A_162 = arith.constant 0 : index
        %swap3A_163 = tpu.vector_load %arg10[%swap3A_161, %swap3A_162] {strides = array<i32>} : memref<128x128xf32, #tpu.memory_space<vmem>>, vector<1x16xf32>,
        %swap3A_164 = vector.shape_cast %swap3A_163 : vector<1x16xf32> to vector<16xf32>
        %swap3A_165 = vector.shape_cast %mul3A_160 : vector<16xf32> to vector<1x16xf32>
        tpu.vector_store %arg10[%swap3A_161, %swap3A_162], %swap3A_165 {strides = array<i32>} : memref<128x128xf32, #tpu.memory_space<vmem>>, vector<1x16xf32>,
        %get3A_166 = arith.index_cast %add3A_154 : i32 to index
        %get3A_167 = arith.constant 16 : index
        %get3A_168 = tpu.vector_load %arg10[%get3A_166, %get3A_167] {strides = array<i32>} : memref<128x128xf32, #tpu.memory_space<vmem>>, vector<1x16xf32>,
        %get3A_169 = vector.shape_cast %get3A_168 : vector<1x16xf32> to vector<16xf32>
        %mul3A_170 = vector.broadcast %squeeze3A_150 : f32 to vector<16xf32>
        %mul3A_171 = arith.mulf %get3A_169, %mul3A_170 : vector<16xf32>
        %swap3A_172 = arith.index_cast %add3A_154 : i32 to index
        %swap3A_173 = arith.constant 16 : index
        %swap3A_174 = tpu.vector_load %arg10[%swap3A_172, %swap3A_173] {strides = array<i32>} : memref<128x128xf32, #tpu.memory_space<vmem>>, vector<1x16xf32>,
        %swap3A_175 = vector.shape_cast %swap3A_174 : vector<1x16xf32> to vector<16xf32>
        %swap3A_176 = vector.shape_cast %mul3A_171 : vector<16xf32> to vector<1x16xf32>
        tpu.vector_store %arg10[%swap3A_172, %swap3A_173], %swap3A_176 {strides = array<i32>} : memref<128x128xf32, #tpu.memory_space<vmem>>, vector<1x16xf32>,
        %jit3A_177 = arith.constant 1.000000e+00 : f32
        %broadcast_in_dim3A_178 = vector.broadcast %jit3A_177 : f32 to vector<16xf32>
        %broadcast_in_dim3A_179 = vector.broadcast %squeeze3A_150 : f32 to vector<16xf32>
        %select_n3A_180 = arith.select %eq3A_16, %broadcast_in_dim3A_178, %broadcast_in_dim3A_179 : vector<16xi1>, vector<16xf32>
        %get3A_181 = arith.index_cast %add3A_154 : i32 to index
        %get3A_182 = arith.constant 32 : index
        %get3A_183 = tpu.vector_load %arg10[%get3A_181, %get3A_182] {strides = array<i32>} : memref<128x128xf32, #tpu.memory_space<vmem>>, vector<1x16xf32>,
        %get3A_184 = vector.shape_cast %get3A_183 : vector<1x16xf32> to vector<16xf32>
        %mul3A_185 = arith.mulf %get3A_184, %select_n3A_180 : vector<16xf32>
        %swap3A_186 = arith.index_cast %add3A_154 : i32 to index
        %swap3A_187 = arith.constant 32 : index
        %swap3A_188 = tpu.vector_load %arg10[%swap3A_186, %swap3A_187] {strides = array<i32>} : memref<128x128xf32, #tpu.memory_space<vmem>>, vector<1x16xf32>,
        %swap3A_189 = vector.shape_cast %swap3A_188 : vector<1x16xf32> to vector<16xf32>
        %swap3A_190 = vector.shape_cast %mul3A_185 : vector<16xf32> to vector<1x16xf32>
        tpu.vector_store %arg10[%swap3A_186, %swap3A_187], %swap3A_190 {strides = array<i32>} : memref<128x128xf32, #tpu.memory_space<vmem>>, vector<1x16xf32>,
        %slice3A_191 = vector.extract_strided_slice %get3A_112 {offsets = [2], sizes = [1], strides = [1]} : vector<16xf32> to vector<1xf32>
        %squeeze3A_192 = vector.extract %slice3A_191[0] : f32 from vector<1xf32>
        %mul3A_193 = arith.constant 16 : i32
        %mul3A_194 = arith.muli %scan3A_107, %mul3A_193 : i32
        %add3A_195 = arith.constant 2 : i32
        %add3A_196 = arith.addi %mul3A_194, %add3A_195 : i32
        %get3A_197 = arith.index_cast %add3A_196 : i32 to index
        %get3A_198 = arith.constant 0 : index
        %get3A_199 = tpu.vector_load %arg10[%get3A_197, %get3A_198] {strides = array<i32>} : memref<128x128xf32, #tpu.memory_space<vmem>>, vector<1x16xf32>,
        %get3A_200 = vector.shape_cast %get3A_199 : vector<1x16xf32> to vector<16xf32>
        %mul3A_201 = vector.broadcast %squeeze3A_192 : f32 to vector<16xf32>
        %mul3A_202 = arith.mulf %get3A_200, %mul3A_201 : vector<16xf32>
        %swap3A_203 = arith.index_cast %add3A_196 : i32 to index
        %swap3A_204 = arith.constant 0 : index
        %swap3A_205 = tpu.vector_load %arg10[%swap3A_203, %swap3A_204] {strides = array<i32>} : memref<128x128xf32, #tpu.memory_space<vmem>>, vector<1x16xf32>,
        %swap3A_206 = vector.shape_cast %swap3A_205 : vector<1x16xf32> to vector<16xf32>
        %swap3A_207 = vector.shape_cast %mul3A_202 : vector<16xf32> to vector<1x16xf32>
        tpu.vector_store %arg10[%swap3A_203, %swap3A_204], %swap3A_207 {strides = array<i32>} : memref<128x128xf32, #tpu.memory_space<vmem>>, vector<1x16xf32>,
        %get3A_208 = arith.index_cast %add3A_196 : i32 to index
        %get3A_209 = arith.constant 16 : index
        %get3A_210 = tpu.vector_load %arg10[%get3A_208, %get3A_209] {strides = array<i32>} : memref<128x128xf32, #tpu.memory_space<vmem>>, vector<1x16xf32>,
        %get3A_211 = vector.shape_cast %get3A_210 : vector<1x16xf32> to vector<16xf32>
        %mul3A_212 = vector.broadcast %squeeze3A_192 : f32 to vector<16xf32>
        %mul3A_213 = arith.mulf %get3A_211, %mul3A_212 : vector<16xf32>
        %swap3A_214 = arith.index_cast %add3A_196 : i32 to index
        %swap3A_215 = arith.constant 16 : index
        %swap3A_216 = tpu.vector_load %arg10[%swap3A_214, %swap3A_215] {strides = array<i32>} : memref<128x128xf32, #tpu.memory_space<vmem>>, vector<1x16xf32>,
        %swap3A_217 = vector.shape_cast %swap3A_216 : vector<1x16xf32> to vector<16xf32>
        %swap3A_218 = vector.shape_cast %mul3A_213 : vector<16xf32> to vector<1x16xf32>
        tpu.vector_store %arg10[%swap3A_214, %swap3A_215], %swap3A_218 {strides = array<i32>} : memref<128x128xf32, #tpu.memory_space<vmem>>, vector<1x16xf32>,
        %jit3A_219 = arith.constant 1.000000e+00 : f32
        %broadcast_in_dim3A_220 = vector.broadcast %jit3A_219 : f32 to vector<16xf32>
        %broadcast_in_dim3A_221 = vector.broadcast %squeeze3A_192 : f32 to vector<16xf32>
        %select_n3A_222 = arith.select %eq3A_16, %broadcast_in_dim3A_220, %broadcast_in_dim3A_221 : vector<16xi1>, vector<16xf32>
        %get3A_223 = arith.index_cast %add3A_196 : i32 to index
        %get3A_224 = arith.constant 32 : index
        %get3A_225 = tpu.vector_load %arg10[%get3A_223, %get3A_224] {strides = array<i32>} : memref<128x128xf32, #tpu.memory_space<vmem>>, vector<1x16xf32>,
        %get3A_226 = vector.shape_cast %get3A_225 : vector<1x16xf32> to vector<16xf32>
        %mul3A_227 = arith.mulf %get3A_226, %select_n3A_222 : vector<16xf32>
        %swap3A_228 = arith.index_cast %add3A_196 : i32 to index
        %swap3A_229 = arith.constant 32 : index
        %swap3A_230 = tpu.vector_load %arg10[%swap3A_228, %swap3A_229] {strides = array<i32>} : memref<128x128xf32, #tpu.memory_space<vmem>>, vector<1x16xf32>,
        %swap3A_231 = vector.shape_cast %swap3A_230 : vector<1x16xf32> to vector<16xf32>
        %swap3A_232 = vector.shape_cast %mul3A_227 : vector<16xf32> to vector<1x16xf32>
        tpu.vector_store %arg10[%swap3A_228, %swap3A_229], %swap3A_232 {strides = array<i32>} : memref<128x128xf32, #tpu.memory_space<vmem>>, vector<1x16xf32>,
        %slice3A_233 = vector.extract_strided_slice %get3A_112 {offsets = [3], sizes = [1], strides = [1]} : vector<16xf32> to vector<1xf32>
        %squeeze3A_234 = vector.extract %slice3A_233[0] : f32 from vector<1xf32>
        %mul3A_235 = arith.constant 16 : i32
        %mul3A_236 = arith.muli %scan3A_107, %mul3A_235 : i32
        %add3A_237 = arith.constant 3 : i32
        %add3A_238 = arith.addi %mul3A_236, %add3A_237 : i32
        %get3A_239 = arith.index_cast %add3A_238 : i32 to index
        %get3A_240 = arith.constant 0 : index
        %get3A_241 = tpu.vector_load %arg10[%get3A_239, %get3A_240] {strides = array<i32>} : memref<128x128xf32, #tpu.memory_space<vmem>>, vector<1x16xf32>,
        %get3A_242 = vector.shape_cast %get3A_241 : vector<1x16xf32> to vector<16xf32>
        %mul3A_243 = vector.broadcast %squeeze3A_234 : f32 to vector<16xf32>
        %mul3A_244 = arith.mulf %get3A_242, %mul3A_243 : vector<16xf32>
        %swap3A_245 = arith.index_cast %add3A_238 : i32 to index
        %swap3A_246 = arith.constant 0 : index
        %swap3A_247 = tpu.vector_load %arg10[%swap3A_245, %swap3A_246] {strides = array<i32>} : memref<128x128xf32, #tpu.memory_space<vmem>>, vector<1x16xf32>,
        %swap3A_248 = vector.shape_cast %swap3A_247 : vector<1x16xf32> to vector<16xf32>
        %swap3A_249 = vector.shape_cast %mul3A_244 : vector<16xf32> to vector<1x16xf32>
        tpu.vector_store %arg10[%swap3A_245, %swap3A_246], %swap3A_249 {strides = array<i32>} : memref<128x128xf32, #tpu.memory_space<vmem>>, vector<1x16xf32>,
        %get3A_250 = arith.index_cast %add3A_238 : i32 to index
        %get3A_251 = arith.constant 16 : index
        %get3A_252 = tpu.vector_load %arg10[%get3A_250, %get3A_251] {strides = array<i32>} : memref<128x128xf32, #tpu.memory_space<vmem>>, vector<1x16xf32>,
        %get3A_253 = vector.shape_cast %get3A_252 : vector<1x16xf32> to vector<16xf32>
        %mul3A_254 = vector.broadcast %squeeze3A_234 : f32 to vector<16xf32>
        %mul3A_255 = arith.mulf %get3A_253, %mul3A_254 : vector<16xf32>
        %swap3A_256 = arith.index_cast %add3A_238 : i32 to index
        %swap3A_257 = arith.constant 16 : index
        %swap3A_258 = tpu.vector_load %arg10[%swap3A_256, %swap3A_257] {strides = array<i32>} : memref<128x128xf32, #tpu.memory_space<vmem>>, vector<1x16xf32>,
        %swap3A_259 = vector.shape_cast %swap3A_258 : vector<1x16xf32> to vector<16xf32>
        %swap3A_260 = vector.shape_cast %mul3A_255 : vector<16xf32> to vector<1x16xf32>
        tpu.vector_store %arg10[%swap3A_256, %swap3A_257], %swap3A_260 {strides = array<i32>} : memref<128x128xf32, #tpu.memory_space<vmem>>, vector<1x16xf32>,
        %jit3A_261 = arith.constant 1.000000e+00 : f32
        %broadcast_in_dim3A_262 = vector.broadcast %jit3A_261 : f32 to vector<16xf32>
        %broadcast_in_dim3A_263 = vector.broadcast %squeeze3A_234 : f32 to vector<16xf32>
        %select_n3A_264 = arith.select %eq3A_16, %broadcast_in_dim3A_262, %broadcast_in_dim3A_263 : vector<16xi1>, vector<16xf32>
        %get3A_265 = arith.index_cast %add3A_238 : i32 to index
        %get3A_266 = arith.constant 32 : index
        %get3A_267 = tpu.vector_load %arg10[%get3A_265, %get3A_266] {strides = array<i32>} : memref<128x128xf32, #tpu.memory_space<vmem>>, vector<1x16xf32>,
        %get3A_268 = vector.shape_cast %get3A_267 : vector<1x16xf32> to vector<16xf32>
        %mul3A_269 = arith.mulf %get3A_268, %select_n3A_264 : vector<16xf32>
        %swap3A_270 = arith.index_cast %add3A_238 : i32 to index
        %swap3A_271 = arith.constant 32 : index
        %swap3A_272 = tpu.vector_load %arg10[%swap3A_270, %swap3A_271] {strides = array<i32>} : memref<128x128xf32, #tpu.memory_space<vmem>>, vector<1x16xf32>,
        %swap3A_273 = vector.shape_cast %swap3A_272 : vector<1x16xf32> to vector<16xf32>
        %swap3A_274 = vector.shape_cast %mul3A_269 : vector<16xf32> to vector<1x16xf32>
        tpu.vector_store %arg10[%swap3A_270, %swap3A_271], %swap3A_274 {strides = array<i32>} : memref<128x128xf32, #tpu.memory_space<vmem>>, vector<1x16xf32>,
        %slice3A_275 = vector.extract_strided_slice %get3A_112 {offsets = [4], sizes = [1], strides = [1]} : vector<16xf32> to vector<1xf32>
        %squeeze3A_276 = vector.extract %slice3A_275[0] : f32 from vector<1xf32>
        %mul3A_277 = arith.constant 16 : i32
        %mul3A_278 = arith.muli %scan3A_107, %mul3A_277 : i32
        %add3A_279 = arith.constant 4 : i32
        %add3A_280 = arith.addi %mul3A_278, %add3A_279 : i32
        %get3A_281 = arith.index_cast %add3A_280 : i32 to index
        %get3A_282 = arith.constant 0 : index
        %get3A_283 = tpu.vector_load %arg10[%get3A_281, %get3A_282] {strides = array<i32>} : memref<128x128xf32, #tpu.memory_space<vmem>>, vector<1x16xf32>,
        %get3A_284 = vector.shape_cast %get3A_283 : vector<1x16xf32> to vector<16xf32>
        %mul3A_285 = vector.broadcast %squeeze3A_276 : f32 to vector<16xf32>
        %mul3A_286 = arith.mulf %get3A_284, %mul3A_285 : vector<16xf32>
        %swap3A_287 = arith.index_cast %add3A_280 : i32 to index
        %swap3A_288 = arith.constant 0 : index
        %swap3A_289 = tpu.vector_load %arg10[%swap3A_287, %swap3A_288] {strides = array<i32>} : memref<128x128xf32, #tpu.memory_space<vmem>>, vector<1x16xf32>,
        %swap3A_290 = vector.shape_cast %swap3A_289 : vector<1x16xf32> to vector<16xf32>
        %swap3A_291 = vector.shape_cast %mul3A_286 : vector<16xf32> to vector<1x16xf32>
        tpu.vector_store %arg10[%swap3A_287, %swap3A_288], %swap3A_291 {strides = array<i32>} : memref<128x128xf32, #tpu.memory_space<vmem>>, vector<1x16xf32>,
        %get3A_292 = arith.index_cast %add3A_280 : i32 to index
        %get3A_293 = arith.constant 16 : index
        %get3A_294 = tpu.vector_load %arg10[%get3A_292, %get3A_293] {strides = array<i32>} : memref<128x128xf32, #tpu.memory_space<vmem>>, vector<1x16xf32>,
        %get3A_295 = vector.shape_cast %get3A_294 : vector<1x16xf32> to vector<16xf32>
        %mul3A_296 = vector.broadcast %squeeze3A_276 : f32 to vector<16xf32>
        %mul3A_297 = arith.mulf %get3A_295, %mul3A_296 : vector<16xf32>
        %swap3A_298 = arith.index_cast %add3A_280 : i32 to index
        %swap3A_299 = arith.constant 16 : index
        %swap3A_300 = tpu.vector_load %arg10[%swap3A_298, %swap3A_299] {strides = array<i32>} : memref<128x128xf32, #tpu.memory_space<vmem>>, vector<1x16xf32>,
        %swap3A_301 = vector.shape_cast %swap3A_300 : vector<1x16xf32> to vector<16xf32>
        %swap3A_302 = vector.shape_cast %mul3A_297 : vector<16xf32> to vector<1x16xf32>
        tpu.vector_store %arg10[%swap3A_298, %swap3A_299], %swap3A_302 {strides = array<i32>} : memref<128x128xf32, #tpu.memory_space<vmem>>, vector<1x16xf32>,
        %jit3A_303 = arith.constant 1.000000e+00 : f32
        %broadcast_in_dim3A_304 = vector.broadcast %jit3A_303 : f32 to vector<16xf32>
        %broadcast_in_dim3A_305 = vector.broadcast %squeeze3A_276 : f32 to vector<16xf32>
        %select_n3A_306 = arith.select %eq3A_16, %broadcast_in_dim3A_304, %broadcast_in_dim3A_305 : vector<16xi1>, vector<16xf32>
        %get3A_307 = arith.index_cast %add3A_280 : i32 to index
        %get3A_308 = arith.constant 32 : index
        %get3A_309 = tpu.vector_load %arg10[%get3A_307, %get3A_308] {strides = array<i32>} : memref<128x128xf32, #tpu.memory_space<vmem>>, vector<1x16xf32>,
        %get3A_310 = vector.shape_cast %get3A_309 : vector<1x16xf32> to vector<16xf32>
        %mul3A_311 = arith.mulf %get3A_310, %select_n3A_306 : vector<16xf32>
        %swap3A_312 = arith.index_cast %add3A_280 : i32 to index
        %swap3A_313 = arith.constant 32 : index
        %swap3A_314 = tpu.vector_load %arg10[%swap3A_312, %swap3A_313] {strides = array<i32>} : memref<128x128xf32, #tpu.memory_space<vmem>>, vector<1x16xf32>,
        %swap3A_315 = vector.shape_cast %swap3A_314 : vector<1x16xf32> to vector<16xf32>
        %swap3A_316 = vector.shape_cast %mul3A_311 : vector<16xf32> to vector<1x16xf32>
        tpu.vector_store %arg10[%swap3A_312, %swap3A_313], %swap3A_316 {strides = array<i32>} : memref<128x128xf32, #tpu.memory_space<vmem>>, vector<1x16xf32>,
        %slice3A_317 = vector.extract_strided_slice %get3A_112 {offsets = [5], sizes = [1], strides = [1]} : vector<16xf32> to vector<1xf32>
        %squeeze3A_318 = vector.extract %slice3A_317[0] : f32 from vector<1xf32>
        %mul3A_319 = arith.constant 16 : i32
        %mul3A_320 = arith.muli %scan3A_107, %mul3A_319 : i32
        %add3A_321 = arith.constant 5 : i32
        %add3A_322 = arith.addi %mul3A_320, %add3A_321 : i32
        %get3A_323 = arith.index_cast %add3A_322 : i32 to index
        %get3A_324 = arith.constant 0 : index
        %get3A_325 = tpu.vector_load %arg10[%get3A_323, %get3A_324] {strides = array<i32>} : memref<128x128xf32, #tpu.memory_space<vmem>>, vector<1x16xf32>,
        %get3A_326 = vector.shape_cast %get3A_325 : vector<1x16xf32> to vector<16xf32>
        %mul3A_327 = vector.broadcast %squeeze3A_318 : f32 to vector<16xf32>
        %mul3A_328 = arith.mulf %get3A_326, %mul3A_327 : vector<16xf32>
        %swap3A_329 = arith.index_cast %add3A_322 : i32 to index
        %swap3A_330 = arith.constant 0 : index
        %swap3A_331 = tpu.vector_load %arg10[%swap3A_329, %swap3A_330] {strides = array<i32>} : memref<128x128xf32, #tpu.memory_space<vmem>>, vector<1x16xf32>,
        %swap3A_332 = vector.shape_cast %swap3A_331 : vector<1x16xf32> to vector<16xf32>
        %swap3A_333 = vector.shape_cast %mul3A_328 : vector<16xf32> to vector<1x16xf32>
        tpu.vector_store %arg10[%swap3A_329, %swap3A_330], %swap3A_333 {strides = array<i32>} : memref<128x128xf32, #tpu.memory_space<vmem>>, vector<1x16xf32>,
        %get3A_334 = arith.index_cast %add3A_322 : i32 to index
        %get3A_335 = arith.constant 16 : index
        %get3A_336 = tpu.vector_load %arg10[%get3A_334, %get3A_335] {strides = array<i32>} : memref<128x128xf32, #tpu.memory_space<vmem>>, vector<1x16xf32>,
        %get3A_337 = vector.shape_cast %get3A_336 : vector<1x16xf32> to vector<16xf32>
        %mul3A_338 = vector.broadcast %squeeze3A_318 : f32 to vector<16xf32>
        %mul3A_339 = arith.mulf %get3A_337, %mul3A_338 : vector<16xf32>
        %swap3A_340 = arith.index_cast %add3A_322 : i32 to index
        %swap3A_341 = arith.constant 16 : index
        %swap3A_342 = tpu.vector_load %arg10[%swap3A_340, %swap3A_341] {strides = array<i32>} : memref<128x128xf32, #tpu.memory_space<vmem>>, vector<1x16xf32>,
        %swap3A_343 = vector.shape_cast %swap3A_342 : vector<1x16xf32> to vector<16xf32>
        %swap3A_344 = vector.shape_cast %mul3A_339 : vector<16xf32> to vector<1x16xf32>
        tpu.vector_store %arg10[%swap3A_340, %swap3A_341], %swap3A_344 {strides = array<i32>} : memref<128x128xf32, #tpu.memory_space<vmem>>, vector<1x16xf32>,
        %jit3A_345 = arith.constant 1.000000e+00 : f32
        %broadcast_in_dim3A_346 = vector.broadcast %jit3A_345 : f32 to vector<16xf32>
        %broadcast_in_dim3A_347 = vector.broadcast %squeeze3A_318 : f32 to vector<16xf32>
        %select_n3A_348 = arith.select %eq3A_16, %broadcast_in_dim3A_346, %broadcast_in_dim3A_347 : vector<16xi1>, vector<16xf32>
        %get3A_349 = arith.index_cast %add3A_322 : i32 to index
        %get3A_350 = arith.constant 32 : index
        %get3A_351 = tpu.vector_load %arg10[%get3A_349, %get3A_350] {strides = array<i32>} : memref<128x128xf32, #tpu.memory_space<vmem>>, vector<1x16xf32>,
        %get3A_352 = vector.shape_cast %get3A_351 : vector<1x16xf32> to vector<16xf32>
        %mul3A_353 = arith.mulf %get3A_352, %select_n3A_348 : vector<16xf32>
        %swap3A_354 = arith.index_cast %add3A_322 : i32 to index
        %swap3A_355 = arith.constant 32 : index
        %swap3A_356 = tpu.vector_load %arg10[%swap3A_354, %swap3A_355] {strides = array<i32>} : memref<128x128xf32, #tpu.memory_space<vmem>>, vector<1x16xf32>,
        %swap3A_357 = vector.shape_cast %swap3A_356 : vector<1x16xf32> to vector<16xf32>
        %swap3A_358 = vector.shape_cast %mul3A_353 : vector<16xf32> to vector<1x16xf32>
        tpu.vector_store %arg10[%swap3A_354, %swap3A_355], %swap3A_358 {strides = array<i32>} : memref<128x128xf32, #tpu.memory_space<vmem>>, vector<1x16xf32>,
        %slice3A_359 = vector.extract_strided_slice %get3A_112 {offsets = [6], sizes = [1], strides = [1]} : vector<16xf32> to vector<1xf32>
        %squeeze3A_360 = vector.extract %slice3A_359[0] : f32 from vector<1xf32>
        %mul3A_361 = arith.constant 16 : i32
        %mul3A_362 = arith.muli %scan3A_107, %mul3A_361 : i32
        %add3A_363 = arith.constant 6 : i32
        %add3A_364 = arith.addi %mul3A_362, %add3A_363 : i32
        %get3A_365 = arith.index_cast %add3A_364 : i32 to index
        %get3A_366 = arith.constant 0 : index
        %get3A_367 = tpu.vector_load %arg10[%get3A_365, %get3A_366] {strides = array<i32>} : memref<128x128xf32, #tpu.memory_space<vmem>>, vector<1x16xf32>,
        %get3A_368 = vector.shape_cast %get3A_367 : vector<1x16xf32> to vector<16xf32>
        %mul3A_369 = vector.broadcast %squeeze3A_360 : f32 to vector<16xf32>
        %mul3A_370 = arith.mulf %get3A_368, %mul3A_369 : vector<16xf32>
        %swap3A_371 = arith.index_cast %add3A_364 : i32 to index
        %swap3A_372 = arith.constant 0 : index
        %swap3A_373 = tpu.vector_load %arg10[%swap3A_371, %swap3A_372] {strides = array<i32>} : memref<128x128xf32, #tpu.memory_space<vmem>>, vector<1x16xf32>,
        %swap3A_374 = vector.shape_cast %swap3A_373 : vector<1x16xf32> to vector<16xf32>
        %swap3A_375 = vector.shape_cast %mul3A_370 : vector<16xf32> to vector<1x16xf32>
        tpu.vector_store %arg10[%swap3A_371, %swap3A_372], %swap3A_375 {strides = array<i32>} : memref<128x128xf32, #tpu.memory_space<vmem>>, vector<1x16xf32>,
        %get3A_376 = arith.index_cast %add3A_364 : i32 to index
        %get3A_377 = arith.constant 16 : index
        %get3A_378 = tpu.vector_load %arg10[%get3A_376, %get3A_377] {strides = array<i32>} : memref<128x128xf32, #tpu.memory_space<vmem>>, vector<1x16xf32>,
        %get3A_379 = vector.shape_cast %get3A_378 : vector<1x16xf32> to vector<16xf32>
        %mul3A_380 = vector.broadcast %squeeze3A_360 : f32 to vector<16xf32>
        %mul3A_381 = arith.mulf %get3A_379, %mul3A_380 : vector<16xf32>
        %swap3A_382 = arith.index_cast %add3A_364 : i32 to index
        %swap3A_383 = arith.constant 16 : index
        %swap3A_384 = tpu.vector_load %arg10[%swap3A_382, %swap3A_383] {strides = array<i32>} : memref<128x128xf32, #tpu.memory_space<vmem>>, vector<1x16xf32>,
        %swap3A_385 = vector.shape_cast %swap3A_384 : vector<1x16xf32> to vector<16xf32>
        %swap3A_386 = vector.shape_cast %mul3A_381 : vector<16xf32> to vector<1x16xf32>
        tpu.vector_store %arg10[%swap3A_382, %swap3A_383], %swap3A_386 {strides = array<i32>} : memref<128x128xf32, #tpu.memory_space<vmem>>, vector<1x16xf32>,
        %jit3A_387 = arith.constant 1.000000e+00 : f32
        %broadcast_in_dim3A_388 = vector.broadcast %jit3A_387 : f32 to vector<16xf32>
        %broadcast_in_dim3A_389 = vector.broadcast %squeeze3A_360 : f32 to vector<16xf32>
        %select_n3A_390 = arith.select %eq3A_16, %broadcast_in_dim3A_388, %broadcast_in_dim3A_389 : vector<16xi1>, vector<16xf32>
        %get3A_391 = arith.index_cast %add3A_364 : i32 to index
        %get3A_392 = arith.constant 32 : index
        %get3A_393 = tpu.vector_load %arg10[%get3A_391, %get3A_392] {strides = array<i32>} : memref<128x128xf32, #tpu.memory_space<vmem>>, vector<1x16xf32>,
        %get3A_394 = vector.shape_cast %get3A_393 : vector<1x16xf32> to vector<16xf32>
        %mul3A_395 = arith.mulf %get3A_394, %select_n3A_390 : vector<16xf32>
        %swap3A_396 = arith.index_cast %add3A_364 : i32 to index
        %swap3A_397 = arith.constant 32 : index
        %swap3A_398 = tpu.vector_load %arg10[%swap3A_396, %swap3A_397] {strides = array<i32>} : memref<128x128xf32, #tpu.memory_space<vmem>>, vector<1x16xf32>,
        %swap3A_399 = vector.shape_cast %swap3A_398 : vector<1x16xf32> to vector<16xf32>
        %swap3A_400 = vector.shape_cast %mul3A_395 : vector<16xf32> to vector<1x16xf32>
        tpu.vector_store %arg10[%swap3A_396, %swap3A_397], %swap3A_400 {strides = array<i32>} : memref<128x128xf32, #tpu.memory_space<vmem>>, vector<1x16xf32>,
        %slice3A_401 = vector.extract_strided_slice %get3A_112 {offsets = [7], sizes = [1], strides = [1]} : vector<16xf32> to vector<1xf32>
        %squeeze3A_402 = vector.extract %slice3A_401[0] : f32 from vector<1xf32>
        %mul3A_403 = arith.constant 16 : i32
        %mul3A_404 = arith.muli %scan3A_107, %mul3A_403 : i32
        %add3A_405 = arith.constant 7 : i32
        %add3A_406 = arith.addi %mul3A_404, %add3A_405 : i32
        %get3A_407 = arith.index_cast %add3A_406 : i32 to index
        %get3A_408 = arith.constant 0 : index
        %get3A_409 = tpu.vector_load %arg10[%get3A_407, %get3A_408] {strides = array<i32>} : memref<128x128xf32, #tpu.memory_space<vmem>>, vector<1x16xf32>,
        %get3A_410 = vector.shape_cast %get3A_409 : vector<1x16xf32> to vector<16xf32>
        %mul3A_411 = vector.broadcast %squeeze3A_402 : f32 to vector<16xf32>
        %mul3A_412 = arith.mulf %get3A_410, %mul3A_411 : vector<16xf32>
        %swap3A_413 = arith.index_cast %add3A_406 : i32 to index
        %swap3A_414 = arith.constant 0 : index
        %swap3A_415 = tpu.vector_load %arg10[%swap3A_413, %swap3A_414] {strides = array<i32>} : memref<128x128xf32, #tpu.memory_space<vmem>>, vector<1x16xf32>,
        %swap3A_416 = vector.shape_cast %swap3A_415 : vector<1x16xf32> to vector<16xf32>
        %swap3A_417 = vector.shape_cast %mul3A_412 : vector<16xf32> to vector<1x16xf32>
        tpu.vector_store %arg10[%swap3A_413, %swap3A_414], %swap3A_417 {strides = array<i32>} : memref<128x128xf32, #tpu.memory_space<vmem>>, vector<1x16xf32>,
        %get3A_418 = arith.index_cast %add3A_406 : i32 to index
        %get3A_419 = arith.constant 16 : index
        %get3A_420 = tpu.vector_load %arg10[%get3A_418, %get3A_419] {strides = array<i32>} : memref<128x128xf32, #tpu.memory_space<vmem>>, vector<1x16xf32>,
        %get3A_421 = vector.shape_cast %get3A_420 : vector<1x16xf32> to vector<16xf32>
        %mul3A_422 = vector.broadcast %squeeze3A_402 : f32 to vector<16xf32>
        %mul3A_423 = arith.mulf %get3A_421, %mul3A_422 : vector<16xf32>
        %swap3A_424 = arith.index_cast %add3A_406 : i32 to index
        %swap3A_425 = arith.constant 16 : index
        %swap3A_426 = tpu.vector_load %arg10[%swap3A_424, %swap3A_425] {strides = array<i32>} : memref<128x128xf32, #tpu.memory_space<vmem>>, vector<1x16xf32>,
        %swap3A_427 = vector.shape_cast %swap3A_426 : vector<1x16xf32> to vector<16xf32>
        %swap3A_428 = vector.shape_cast %mul3A_423 : vector<16xf32> to vector<1x16xf32>
        tpu.vector_store %arg10[%swap3A_424, %swap3A_425], %swap3A_428 {strides = array<i32>} : memref<128x128xf32, #tpu.memory_space<vmem>>, vector<1x16xf32>,
        %jit3A_429 = arith.constant 1.000000e+00 : f32
        %broadcast_in_dim3A_430 = vector.broadcast %jit3A_429 : f32 to vector<16xf32>
        %broadcast_in_dim3A_431 = vector.broadcast %squeeze3A_402 : f32 to vector<16xf32>
        %select_n3A_432 = arith.select %eq3A_16, %broadcast_in_dim3A_430, %broadcast_in_dim3A_431 : vector<16xi1>, vector<16xf32>
        %get3A_433 = arith.index_cast %add3A_406 : i32 to index
        %get3A_434 = arith.constant 32 : index
        %get3A_435 = tpu.vector_load %arg10[%get3A_433, %get3A_434] {strides = array<i32>} : memref<128x128xf32, #tpu.memory_space<vmem>>, vector<1x16xf32>,
        %get3A_436 = vector.shape_cast %get3A_435 : vector<1x16xf32> to vector<16xf32>
        %mul3A_437 = arith.mulf %get3A_436, %select_n3A_432 : vector<16xf32>
        %swap3A_438 = arith.index_cast %add3A_406 : i32 to index
        %swap3A_439 = arith.constant 32 : index
        %swap3A_440 = tpu.vector_load %arg10[%swap3A_438, %swap3A_439] {strides = array<i32>} : memref<128x128xf32, #tpu.memory_space<vmem>>, vector<1x16xf32>,
        %swap3A_441 = vector.shape_cast %swap3A_440 : vector<1x16xf32> to vector<16xf32>
        %swap3A_442 = vector.shape_cast %mul3A_437 : vector<16xf32> to vector<1x16xf32>
        tpu.vector_store %arg10[%swap3A_438, %swap3A_439], %swap3A_442 {strides = array<i32>} : memref<128x128xf32, #tpu.memory_space<vmem>>, vector<1x16xf32>,
        %slice3A_443 = vector.extract_strided_slice %get3A_112 {offsets = [8], sizes = [1], strides = [1]} : vector<16xf32> to vector<1xf32>
        %squeeze3A_444 = vector.extract %slice3A_443[0] : f32 from vector<1xf32>
        %mul3A_445 = arith.constant 16 : i32
        %mul3A_446 = arith.muli %scan3A_107, %mul3A_445 : i32
        %add3A_447 = arith.constant 8 : i32
        %add3A_448 = arith.addi %mul3A_446, %add3A_447 : i32
        %get3A_449 = arith.index_cast %add3A_448 : i32 to index
        %get3A_450 = arith.constant 0 : index
        %get3A_451 = tpu.vector_load %arg10[%get3A_449, %get3A_450] {strides = array<i32>} : memref<128x128xf32, #tpu.memory_space<vmem>>, vector<1x16xf32>,
        %get3A_452 = vector.shape_cast %get3A_451 : vector<1x16xf32> to vector<16xf32>
        %mul3A_453 = vector.broadcast %squeeze3A_444 : f32 to vector<16xf32>
        %mul3A_454 = arith.mulf %get3A_452, %mul3A_453 : vector<16xf32>
        %swap3A_455 = arith.index_cast %add3A_448 : i32 to index
        %swap3A_456 = arith.constant 0 : index
        %swap3A_457 = tpu.vector_load %arg10[%swap3A_455, %swap3A_456] {strides = array<i32>} : memref<128x128xf32, #tpu.memory_space<vmem>>, vector<1x16xf32>,
        %swap3A_458 = vector.shape_cast %swap3A_457 : vector<1x16xf32> to vector<16xf32>
        %swap3A_459 = vector.shape_cast %mul3A_454 : vector<16xf32> to vector<1x16xf32>
        tpu.vector_store %arg10[%swap3A_455, %swap3A_456], %swap3A_459 {strides = array<i32>} : memref<128x128xf32, #tpu.memory_space<vmem>>, vector<1x16xf32>,
        %get3A_460 = arith.index_cast %add3A_448 : i32 to index
        %get3A_461 = arith.constant 16 : index
        %get3A_462 = tpu.vector_load %arg10[%get3A_460, %get3A_461] {strides = array<i32>} : memref<128x128xf32, #tpu.memory_space<vmem>>, vector<1x16xf32>,
        %get3A_463 = vector.shape_cast %get3A_462 : vector<1x16xf32> to vector<16xf32>
        %mul3A_464 = vector.broadcast %squeeze3A_444 : f32 to vector<16xf32>
        %mul3A_465 = arith.mulf %get3A_463, %mul3A_464 : vector<16xf32>
        %swap3A_466 = arith.index_cast %add3A_448 : i32 to index
        %swap3A_467 = arith.constant 16 : index
        %swap3A_468 = tpu.vector_load %arg10[%swap3A_466, %swap3A_467] {strides = array<i32>} : memref<128x128xf32, #tpu.memory_space<vmem>>, vector<1x16xf32>,
        %swap3A_469 = vector.shape_cast %swap3A_468 : vector<1x16xf32> to vector<16xf32>
        %swap3A_470 = vector.shape_cast %mul3A_465 : vector<16xf32> to vector<1x16xf32>
        tpu.vector_store %arg10[%swap3A_466, %swap3A_467], %swap3A_470 {strides = array<i32>} : memref<128x128xf32, #tpu.memory_space<vmem>>, vector<1x16xf32>,
        %jit3A_471 = arith.constant 1.000000e+00 : f32
        %broadcast_in_dim3A_472 = vector.broadcast %jit3A_471 : f32 to vector<16xf32>
        %broadcast_in_dim3A_473 = vector.broadcast %squeeze3A_444 : f32 to vector<16xf32>
        %select_n3A_474 = arith.select %eq3A_16, %broadcast_in_dim3A_472, %broadcast_in_dim3A_473 : vector<16xi1>, vector<16xf32>
        %get3A_475 = arith.index_cast %add3A_448 : i32 to index
        %get3A_476 = arith.constant 32 : index
        %get3A_477 = tpu.vector_load %arg10[%get3A_475, %get3A_476] {strides = array<i32>} : memref<128x128xf32, #tpu.memory_space<vmem>>, vector<1x16xf32>,
        %get3A_478 = vector.shape_cast %get3A_477 : vector<1x16xf32> to vector<16xf32>
        %mul3A_479 = arith.mulf %get3A_478, %select_n3A_474 : vector<16xf32>
        %swap3A_480 = arith.index_cast %add3A_448 : i32 to index
        %swap3A_481 = arith.constant 32 : index
        %swap3A_482 = tpu.vector_load %arg10[%swap3A_480, %swap3A_481] {strides = array<i32>} : memref<128x128xf32, #tpu.memory_space<vmem>>, vector<1x16xf32>,
        %swap3A_483 = vector.shape_cast %swap3A_482 : vector<1x16xf32> to vector<16xf32>
        %swap3A_484 = vector.shape_cast %mul3A_479 : vector<16xf32> to vector<1x16xf32>
        tpu.vector_store %arg10[%swap3A_480, %swap3A_481], %swap3A_484 {strides = array<i32>} : memref<128x128xf32, #tpu.memory_space<vmem>>, vector<1x16xf32>,
        %slice3A_485 = vector.extract_strided_slice %get3A_112 {offsets = [9], sizes = [1], strides = [1]} : vector<16xf32> to vector<1xf32>
        %squeeze3A_486 = vector.extract %slice3A_485[0] : f32 from vector<1xf32>
        %mul3A_487 = arith.constant 16 : i32
        %mul3A_488 = arith.muli %scan3A_107, %mul3A_487 : i32
        %add3A_489 = arith.constant 9 : i32
        %add3A_490 = arith.addi %mul3A_488, %add3A_489 : i32
        %get3A_491 = arith.index_cast %add3A_490 : i32 to index
        %get3A_492 = arith.constant 0 : index
        %get3A_493 = tpu.vector_load %arg10[%get3A_491, %get3A_492] {strides = array<i32>} : memref<128x128xf32, #tpu.memory_space<vmem>>, vector<1x16xf32>,
        %get3A_494 = vector.shape_cast %get3A_493 : vector<1x16xf32> to vector<16xf32>
        %mul3A_495 = vector.broadcast %squeeze3A_486 : f32 to vector<16xf32>
        %mul3A_496 = arith.mulf %get3A_494, %mul3A_495 : vector<16xf32>
        %swap3A_497 = arith.index_cast %add3A_490 : i32 to index
        %swap3A_498 = arith.constant 0 : index
        %swap3A_499 = tpu.vector_load %arg10[%swap3A_497, %swap3A_498] {strides = array<i32>} : memref<128x128xf32, #tpu.memory_space<vmem>>, vector<1x16xf32>,
        %swap3A_500 = vector.shape_cast %swap3A_499 : vector<1x16xf32> to vector<16xf32>
        %swap3A_501 = vector.shape_cast %mul3A_496 : vector<16xf32> to vector<1x16xf32>
        tpu.vector_store %arg10[%swap3A_497, %swap3A_498], %swap3A_501 {strides = array<i32>} : memref<128x128xf32, #tpu.memory_space<vmem>>, vector<1x16xf32>,
        %get3A_502 = arith.index_cast %add3A_490 : i32 to index
        %get3A_503 = arith.constant 16 : index
        %get3A_504 = tpu.vector_load %arg10[%get3A_502, %get3A_503] {strides = array<i32>} : memref<128x128xf32, #tpu.memory_space<vmem>>, vector<1x16xf32>,
        %get3A_505 = vector.shape_cast %get3A_504 : vector<1x16xf32> to vector<16xf32>
        %mul3A_506 = vector.broadcast %squeeze3A_486 : f32 to vector<16xf32>
        %mul3A_507 = arith.mulf %get3A_505, %mul3A_506 : vector<16xf32>
        %swap3A_508 = arith.index_cast %add3A_490 : i32 to index
        %swap3A_509 = arith.constant 16 : index
        %swap3A_510 = tpu.vector_load %arg10[%swap3A_508, %swap3A_509] {strides = array<i32>} : memref<128x128xf32, #tpu.memory_space<vmem>>, vector<1x16xf32>,
        %swap3A_511 = vector.shape_cast %swap3A_510 : vector<1x16xf32> to vector<16xf32>
        %swap3A_512 = vector.shape_cast %mul3A_507 : vector<16xf32> to vector<1x16xf32>
        tpu.vector_store %arg10[%swap3A_508, %swap3A_509], %swap3A_512 {strides = array<i32>} : memref<128x128xf32, #tpu.memory_space<vmem>>, vector<1x16xf32>,
        %jit3A_513 = arith.constant 1.000000e+00 : f32
        %broadcast_in_dim3A_514 = vector.broadcast %jit3A_513 : f32 to vector<16xf32>
        %broadcast_in_dim3A_515 = vector.broadcast %squeeze3A_486 : f32 to vector<16xf32>
        %select_n3A_516 = arith.select %eq3A_16, %broadcast_in_dim3A_514, %broadcast_in_dim3A_515 : vector<16xi1>, vector<16xf32>
        %get3A_517 = arith.index_cast %add3A_490 : i32 to index
        %get3A_518 = arith.constant 32 : index
        %get3A_519 = tpu.vector_load %arg10[%get3A_517, %get3A_518] {strides = array<i32>} : memref<128x128xf32, #tpu.memory_space<vmem>>, vector<1x16xf32>,
        %get3A_520 = vector.shape_cast %get3A_519 : vector<1x16xf32> to vector<16xf32>
        %mul3A_521 = arith.mulf %get3A_520, %select_n3A_516 : vector<16xf32>
        %swap3A_522 = arith.index_cast %add3A_490 : i32 to index
        %swap3A_523 = arith.constant 32 : index
        %swap3A_524 = tpu.vector_load %arg10[%swap3A_522, %swap3A_523] {strides = array<i32>} : memref<128x128xf32, #tpu.memory_space<vmem>>, vector<1x16xf32>,
        %swap3A_525 = vector.shape_cast %swap3A_524 : vector<1x16xf32> to vector<16xf32>
        %swap3A_526 = vector.shape_cast %mul3A_521 : vector<16xf32> to vector<1x16xf32>
        tpu.vector_store %arg10[%swap3A_522, %swap3A_523], %swap3A_526 {strides = array<i32>} : memref<128x128xf32, #tpu.memory_space<vmem>>, vector<1x16xf32>,
        %slice3A_527 = vector.extract_strided_slice %get3A_112 {offsets = [10], sizes = [1], strides = [1]} : vector<16xf32> to vector<1xf32>
        %squeeze3A_528 = vector.extract %slice3A_527[0] : f32 from vector<1xf32>
        %mul3A_529 = arith.constant 16 : i32
        %mul3A_530 = arith.muli %scan3A_107, %mul3A_529 : i32
        %add3A_531 = arith.constant 10 : i32
        %add3A_532 = arith.addi %mul3A_530, %add3A_531 : i32
        %get3A_533 = arith.index_cast %add3A_532 : i32 to index
        %get3A_534 = arith.constant 0 : index
        %get3A_535 = tpu.vector_load %arg10[%get3A_533, %get3A_534] {strides = array<i32>} : memref<128x128xf32, #tpu.memory_space<vmem>>, vector<1x16xf32>,
        %get3A_536 = vector.shape_cast %get3A_535 : vector<1x16xf32> to vector<16xf32>
        %mul3A_537 = vector.broadcast %squeeze3A_528 : f32 to vector<16xf32>
        %mul3A_538 = arith.mulf %get3A_536, %mul3A_537 : vector<16xf32>
        %swap3A_539 = arith.index_cast %add3A_532 : i32 to index
        %swap3A_540 = arith.constant 0 : index
        %swap3A_541 = tpu.vector_load %arg10[%swap3A_539, %swap3A_540] {strides = array<i32>} : memref<128x128xf32, #tpu.memory_space<vmem>>, vector<1x16xf32>,
        %swap3A_542 = vector.shape_cast %swap3A_541 : vector<1x16xf32> to vector<16xf32>
        %swap3A_543 = vector.shape_cast %mul3A_538 : vector<16xf32> to vector<1x16xf32>
        tpu.vector_store %arg10[%swap3A_539, %swap3A_540], %swap3A_543 {strides = array<i32>} : memref<128x128xf32, #tpu.memory_space<vmem>>, vector<1x16xf32>,
        %get3A_544 = arith.index_cast %add3A_532 : i32 to index
        %get3A_545 = arith.constant 16 : index
        %get3A_546 = tpu.vector_load %arg10[%get3A_544, %get3A_545] {strides = array<i32>} : memref<128x128xf32, #tpu.memory_space<vmem>>, vector<1x16xf32>,
        %get3A_547 = vector.shape_cast %get3A_546 : vector<1x16xf32> to vector<16xf32>
        %mul3A_548 = vector.broadcast %squeeze3A_528 : f32 to vector<16xf32>
        %mul3A_549 = arith.mulf %get3A_547, %mul3A_548 : vector<16xf32>
        %swap3A_550 = arith.index_cast %add3A_532 : i32 to index
        %swap3A_551 = arith.constant 16 : index
        %swap3A_552 = tpu.vector_load %arg10[%swap3A_550, %swap3A_551] {strides = array<i32>} : memref<128x128xf32, #tpu.memory_space<vmem>>, vector<1x16xf32>,
        %swap3A_553 = vector.shape_cast %swap3A_552 : vector<1x16xf32> to vector<16xf32>
        %swap3A_554 = vector.shape_cast %mul3A_549 : vector<16xf32> to vector<1x16xf32>
        tpu.vector_store %arg10[%swap3A_550, %swap3A_551], %swap3A_554 {strides = array<i32>} : memref<128x128xf32, #tpu.memory_space<vmem>>, vector<1x16xf32>,
        %jit3A_555 = arith.constant 1.000000e+00 : f32
        %broadcast_in_dim3A_556 = vector.broadcast %jit3A_555 : f32 to vector<16xf32>
        %broadcast_in_dim3A_557 = vector.broadcast %squeeze3A_528 : f32 to vector<16xf32>
        %select_n3A_558 = arith.select %eq3A_16, %broadcast_in_dim3A_556, %broadcast_in_dim3A_557 : vector<16xi1>, vector<16xf32>
        %get3A_559 = arith.index_cast %add3A_532 : i32 to index
        %get3A_560 = arith.constant 32 : index
        %get3A_561 = tpu.vector_load %arg10[%get3A_559, %get3A_560] {strides = array<i32>} : memref<128x128xf32, #tpu.memory_space<vmem>>, vector<1x16xf32>,
        %get3A_562 = vector.shape_cast %get3A_561 : vector<1x16xf32> to vector<16xf32>
        %mul3A_563 = arith.mulf %get3A_562, %select_n3A_558 : vector<16xf32>
        %swap3A_564 = arith.index_cast %add3A_532 : i32 to index
        %swap3A_565 = arith.constant 32 : index
        %swap3A_566 = tpu.vector_load %arg10[%swap3A_564, %swap3A_565] {strides = array<i32>} : memref<128x128xf32, #tpu.memory_space<vmem>>, vector<1x16xf32>,
        %swap3A_567 = vector.shape_cast %swap3A_566 : vector<1x16xf32> to vector<16xf32>
        %swap3A_568 = vector.shape_cast %mul3A_563 : vector<16xf32> to vector<1x16xf32>
        tpu.vector_store %arg10[%swap3A_564, %swap3A_565], %swap3A_568 {strides = array<i32>} : memref<128x128xf32, #tpu.memory_space<vmem>>, vector<1x16xf32>,
        %slice3A_569 = vector.extract_strided_slice %get3A_112 {offsets = [11], sizes = [1], strides = [1]} : vector<16xf32> to vector<1xf32>
        %squeeze3A_570 = vector.extract %slice3A_569[0] : f32 from vector<1xf32>
        %mul3A_571 = arith.constant 16 : i32
        %mul3A_572 = arith.muli %scan3A_107, %mul3A_571 : i32
        %add3A_573 = arith.constant 11 : i32
        %add3A_574 = arith.addi %mul3A_572, %add3A_573 : i32
        %get3A_575 = arith.index_cast %add3A_574 : i32 to index
        %get3A_576 = arith.constant 0 : index
        %get3A_577 = tpu.vector_load %arg10[%get3A_575, %get3A_576] {strides = array<i32>} : memref<128x128xf32, #tpu.memory_space<vmem>>, vector<1x16xf32>,
        %get3A_578 = vector.shape_cast %get3A_577 : vector<1x16xf32> to vector<16xf32>
        %mul3A_579 = vector.broadcast %squeeze3A_570 : f32 to vector<16xf32>
        %mul3A_580 = arith.mulf %get3A_578, %mul3A_579 : vector<16xf32>
        %swap3A_581 = arith.index_cast %add3A_574 : i32 to index
        %swap3A_582 = arith.constant 0 : index
        %swap3A_583 = tpu.vector_load %arg10[%swap3A_581, %swap3A_582] {strides = array<i32>} : memref<128x128xf32, #tpu.memory_space<vmem>>, vector<1x16xf32>,
        %swap3A_584 = vector.shape_cast %swap3A_583 : vector<1x16xf32> to vector<16xf32>
        %swap3A_585 = vector.shape_cast %mul3A_580 : vector<16xf32> to vector<1x16xf32>
        tpu.vector_store %arg10[%swap3A_581, %swap3A_582], %swap3A_585 {strides = array<i32>} : memref<128x128xf32, #tpu.memory_space<vmem>>, vector<1x16xf32>,
        %get3A_586 = arith.index_cast %add3A_574 : i32 to index
        %get3A_587 = arith.constant 16 : index
        %get3A_588 = tpu.vector_load %arg10[%get3A_586, %get3A_587] {strides = array<i32>} : memref<128x128xf32, #tpu.memory_space<vmem>>, vector<1x16xf32>,
        %get3A_589 = vector.shape_cast %get3A_588 : vector<1x16xf32> to vector<16xf32>
        %mul3A_590 = vector.broadcast %squeeze3A_570 : f32 to vector<16xf32>
        %mul3A_591 = arith.mulf %get3A_589, %mul3A_590 : vector<16xf32>
        %swap3A_592 = arith.index_cast %add3A_574 : i32 to index
        %swap3A_593 = arith.constant 16 : index
        %swap3A_594 = tpu.vector_load %arg10[%swap3A_592, %swap3A_593] {strides = array<i32>} : memref<128x128xf32, #tpu.memory_space<vmem>>, vector<1x16xf32>,
        %swap3A_595 = vector.shape_cast %swap3A_594 : vector<1x16xf32> to vector<16xf32>
        %swap3A_596 = vector.shape_cast %mul3A_591 : vector<16xf32> to vector<1x16xf32>
        tpu.vector_store %arg10[%swap3A_592, %swap3A_593], %swap3A_596 {strides = array<i32>} : memref<128x128xf32, #tpu.memory_space<vmem>>, vector<1x16xf32>,
        %jit3A_597 = arith.constant 1.000000e+00 : f32
        %broadcast_in_dim3A_598 = vector.broadcast %jit3A_597 : f32 to vector<16xf32>
        %broadcast_in_dim3A_599 = vector.broadcast %squeeze3A_570 : f32 to vector<16xf32>
        %select_n3A_600 = arith.select %eq3A_16, %broadcast_in_dim3A_598, %broadcast_in_dim3A_599 : vector<16xi1>, vector<16xf32>
        %get3A_601 = arith.index_cast %add3A_574 : i32 to index
        %get3A_602 = arith.constant 32 : index
        %get3A_603 = tpu.vector_load %arg10[%get3A_601, %get3A_602] {strides = array<i32>} : memref<128x128xf32, #tpu.memory_space<vmem>>, vector<1x16xf32>,
        %get3A_604 = vector.shape_cast %get3A_603 : vector<1x16xf32> to vector<16xf32>
        %mul3A_605 = arith.mulf %get3A_604, %select_n3A_600 : vector<16xf32>
        %swap3A_606 = arith.index_cast %add3A_574 : i32 to index
        %swap3A_607 = arith.constant 32 : index
        %swap3A_608 = tpu.vector_load %arg10[%swap3A_606, %swap3A_607] {strides = array<i32>} : memref<128x128xf32, #tpu.memory_space<vmem>>, vector<1x16xf32>,
        %swap3A_609 = vector.shape_cast %swap3A_608 : vector<1x16xf32> to vector<16xf32>
        %swap3A_610 = vector.shape_cast %mul3A_605 : vector<16xf32> to vector<1x16xf32>
        tpu.vector_store %arg10[%swap3A_606, %swap3A_607], %swap3A_610 {strides = array<i32>} : memref<128x128xf32, #tpu.memory_space<vmem>>, vector<1x16xf32>,
        %slice3A_611 = vector.extract_strided_slice %get3A_112 {offsets = [12], sizes = [1], strides = [1]} : vector<16xf32> to vector<1xf32>
        %squeeze3A_612 = vector.extract %slice3A_611[0] : f32 from vector<1xf32>
        %mul3A_613 = arith.constant 16 : i32
        %mul3A_614 = arith.muli %scan3A_107, %mul3A_613 : i32
        %add3A_615 = arith.constant 12 : i32
        %add3A_616 = arith.addi %mul3A_614, %add3A_615 : i32
        %get3A_617 = arith.index_cast %add3A_616 : i32 to index
        %get3A_618 = arith.constant 0 : index
        %get3A_619 = tpu.vector_load %arg10[%get3A_617, %get3A_618] {strides = array<i32>} : memref<128x128xf32, #tpu.memory_space<vmem>>, vector<1x16xf32>,
        %get3A_620 = vector.shape_cast %get3A_619 : vector<1x16xf32> to vector<16xf32>
        %mul3A_621 = vector.broadcast %squeeze3A_612 : f32 to vector<16xf32>
        %mul3A_622 = arith.mulf %get3A_620, %mul3A_621 : vector<16xf32>
        %swap3A_623 = arith.index_cast %add3A_616 : i32 to index
        %swap3A_624 = arith.constant 0 : index
        %swap3A_625 = tpu.vector_load %arg10[%swap3A_623, %swap3A_624] {strides = array<i32>} : memref<128x128xf32, #tpu.memory_space<vmem>>, vector<1x16xf32>,
        %swap3A_626 = vector.shape_cast %swap3A_625 : vector<1x16xf32> to vector<16xf32>
        %swap3A_627 = vector.shape_cast %mul3A_622 : vector<16xf32> to vector<1x16xf32>
        tpu.vector_store %arg10[%swap3A_623, %swap3A_624], %swap3A_627 {strides = array<i32>} : memref<128x128xf32, #tpu.memory_space<vmem>>, vector<1x16xf32>,
        %get3A_628 = arith.index_cast %add3A_616 : i32 to index
        %get3A_629 = arith.constant 16 : index
        %get3A_630 = tpu.vector_load %arg10[%get3A_628, %get3A_629] {strides = array<i32>} : memref<128x128xf32, #tpu.memory_space<vmem>>, vector<1x16xf32>,
        %get3A_631 = vector.shape_cast %get3A_630 : vector<1x16xf32> to vector<16xf32>
        %mul3A_632 = vector.broadcast %squeeze3A_612 : f32 to vector<16xf32>
        %mul3A_633 = arith.mulf %get3A_631, %mul3A_632 : vector<16xf32>
        %swap3A_634 = arith.index_cast %add3A_616 : i32 to index
        %swap3A_635 = arith.constant 16 : index
        %swap3A_636 = tpu.vector_load %arg10[%swap3A_634, %swap3A_635] {strides = array<i32>} : memref<128x128xf32, #tpu.memory_space<vmem>>, vector<1x16xf32>,
        %swap3A_637 = vector.shape_cast %swap3A_636 : vector<1x16xf32> to vector<16xf32>
        %swap3A_638 = vector.shape_cast %mul3A_633 : vector<16xf32> to vector<1x16xf32>
        tpu.vector_store %arg10[%swap3A_634, %swap3A_635], %swap3A_638 {strides = array<i32>} : memref<128x128xf32, #tpu.memory_space<vmem>>, vector<1x16xf32>,
        %jit3A_639 = arith.constant 1.000000e+00 : f32
        %broadcast_in_dim3A_640 = vector.broadcast %jit3A_639 : f32 to vector<16xf32>
        %broadcast_in_dim3A_641 = vector.broadcast %squeeze3A_612 : f32 to vector<16xf32>
        %select_n3A_642 = arith.select %eq3A_16, %broadcast_in_dim3A_640, %broadcast_in_dim3A_641 : vector<16xi1>, vector<16xf32>
        %get3A_643 = arith.index_cast %add3A_616 : i32 to index
        %get3A_644 = arith.constant 32 : index
        %get3A_645 = tpu.vector_load %arg10[%get3A_643, %get3A_644] {strides = array<i32>} : memref<128x128xf32, #tpu.memory_space<vmem>>, vector<1x16xf32>,
        %get3A_646 = vector.shape_cast %get3A_645 : vector<1x16xf32> to vector<16xf32>
        %mul3A_647 = arith.mulf %get3A_646, %select_n3A_642 : vector<16xf32>
        %swap3A_648 = arith.index_cast %add3A_616 : i32 to index
        %swap3A_649 = arith.constant 32 : index
        %swap3A_650 = tpu.vector_load %arg10[%swap3A_648, %swap3A_649] {strides = array<i32>} : memref<128x128xf32, #tpu.memory_space<vmem>>, vector<1x16xf32>,
        %swap3A_651 = vector.shape_cast %swap3A_650 : vector<1x16xf32> to vector<16xf32>
        %swap3A_652 = vector.shape_cast %mul3A_647 : vector<16xf32> to vector<1x16xf32>
        tpu.vector_store %arg10[%swap3A_648, %swap3A_649], %swap3A_652 {strides = array<i32>} : memref<128x128xf32, #tpu.memory_space<vmem>>, vector<1x16xf32>,
        %slice3A_653 = vector.extract_strided_slice %get3A_112 {offsets = [13], sizes = [1], strides = [1]} : vector<16xf32> to vector<1xf32>
        %squeeze3A_654 = vector.extract %slice3A_653[0] : f32 from vector<1xf32>
        %mul3A_655 = arith.constant 16 : i32
        %mul3A_656 = arith.muli %scan3A_107, %mul3A_655 : i32
        %add3A_657 = arith.constant 13 : i32
        %add3A_658 = arith.addi %mul3A_656, %add3A_657 : i32
        %get3A_659 = arith.index_cast %add3A_658 : i32 to index
        %get3A_660 = arith.constant 0 : index
        %get3A_661 = tpu.vector_load %arg10[%get3A_659, %get3A_660] {strides = array<i32>} : memref<128x128xf32, #tpu.memory_space<vmem>>, vector<1x16xf32>,
        %get3A_662 = vector.shape_cast %get3A_661 : vector<1x16xf32> to vector<16xf32>
        %mul3A_663 = vector.broadcast %squeeze3A_654 : f32 to vector<16xf32>
        %mul3A_664 = arith.mulf %get3A_662, %mul3A_663 : vector<16xf32>
        %swap3A_665 = arith.index_cast %add3A_658 : i32 to index
        %swap3A_666 = arith.constant 0 : index
        %swap3A_667 = tpu.vector_load %arg10[%swap3A_665, %swap3A_666] {strides = array<i32>} : memref<128x128xf32, #tpu.memory_space<vmem>>, vector<1x16xf32>,
        %swap3A_668 = vector.shape_cast %swap3A_667 : vector<1x16xf32> to vector<16xf32>
        %swap3A_669 = vector.shape_cast %mul3A_664 : vector<16xf32> to vector<1x16xf32>
        tpu.vector_store %arg10[%swap3A_665, %swap3A_666], %swap3A_669 {strides = array<i32>} : memref<128x128xf32, #tpu.memory_space<vmem>>, vector<1x16xf32>,
        %get3A_670 = arith.index_cast %add3A_658 : i32 to index
        %get3A_671 = arith.constant 16 : index
        %get3A_672 = tpu.vector_load %arg10[%get3A_670, %get3A_671] {strides = array<i32>} : memref<128x128xf32, #tpu.memory_space<vmem>>, vector<1x16xf32>,
        %get3A_673 = vector.shape_cast %get3A_672 : vector<1x16xf32> to vector<16xf32>
        %mul3A_674 = vector.broadcast %squeeze3A_654 : f32 to vector<16xf32>
        %mul3A_675 = arith.mulf %get3A_673, %mul3A_674 : vector<16xf32>
        %swap3A_676 = arith.index_cast %add3A_658 : i32 to index
        %swap3A_677 = arith.constant 16 : index
        %swap3A_678 = tpu.vector_load %arg10[%swap3A_676, %swap3A_677] {strides = array<i32>} : memref<128x128xf32, #tpu.memory_space<vmem>>, vector<1x16xf32>,
        %swap3A_679 = vector.shape_cast %swap3A_678 : vector<1x16xf32> to vector<16xf32>
        %swap3A_680 = vector.shape_cast %mul3A_675 : vector<16xf32> to vector<1x16xf32>
        tpu.vector_store %arg10[%swap3A_676, %swap3A_677], %swap3A_680 {strides = array<i32>} : memref<128x128xf32, #tpu.memory_space<vmem>>, vector<1x16xf32>,
        %jit3A_681 = arith.constant 1.000000e+00 : f32
        %broadcast_in_dim3A_682 = vector.broadcast %jit3A_681 : f32 to vector<16xf32>
        %broadcast_in_dim3A_683 = vector.broadcast %squeeze3A_654 : f32 to vector<16xf32>
        %select_n3A_684 = arith.select %eq3A_16, %broadcast_in_dim3A_682, %broadcast_in_dim3A_683 : vector<16xi1>, vector<16xf32>
        %get3A_685 = arith.index_cast %add3A_658 : i32 to index
        %get3A_686 = arith.constant 32 : index
        %get3A_687 = tpu.vector_load %arg10[%get3A_685, %get3A_686] {strides = array<i32>} : memref<128x128xf32, #tpu.memory_space<vmem>>, vector<1x16xf32>,
        %get3A_688 = vector.shape_cast %get3A_687 : vector<1x16xf32> to vector<16xf32>
        %mul3A_689 = arith.mulf %get3A_688, %select_n3A_684 : vector<16xf32>
        %swap3A_690 = arith.index_cast %add3A_658 : i32 to index
        %swap3A_691 = arith.constant 32 : index
        %swap3A_692 = tpu.vector_load %arg10[%swap3A_690, %swap3A_691] {strides = array<i32>} : memref<128x128xf32, #tpu.memory_space<vmem>>, vector<1x16xf32>,
        %swap3A_693 = vector.shape_cast %swap3A_692 : vector<1x16xf32> to vector<16xf32>
        %swap3A_694 = vector.shape_cast %mul3A_689 : vector<16xf32> to vector<1x16xf32>
        tpu.vector_store %arg10[%swap3A_690, %swap3A_691], %swap3A_694 {strides = array<i32>} : memref<128x128xf32, #tpu.memory_space<vmem>>, vector<1x16xf32>,
        %slice3A_695 = vector.extract_strided_slice %get3A_112 {offsets = [14], sizes = [1], strides = [1]} : vector<16xf32> to vector<1xf32>
        %squeeze3A_696 = vector.extract %slice3A_695[0] : f32 from vector<1xf32>
        %mul3A_697 = arith.constant 16 : i32
        %mul3A_698 = arith.muli %scan3A_107, %mul3A_697 : i32
        %add3A_699 = arith.constant 14 : i32
        %add3A_700 = arith.addi %mul3A_698, %add3A_699 : i32
        %get3A_701 = arith.index_cast %add3A_700 : i32 to index
        %get3A_702 = arith.constant 0 : index
        %get3A_703 = tpu.vector_load %arg10[%get3A_701, %get3A_702] {strides = array<i32>} : memref<128x128xf32, #tpu.memory_space<vmem>>, vector<1x16xf32>,
        %get3A_704 = vector.shape_cast %get3A_703 : vector<1x16xf32> to vector<16xf32>
        %mul3A_705 = vector.broadcast %squeeze3A_696 : f32 to vector<16xf32>
        %mul3A_706 = arith.mulf %get3A_704, %mul3A_705 : vector<16xf32>
        %swap3A_707 = arith.index_cast %add3A_700 : i32 to index
        %swap3A_708 = arith.constant 0 : index
        %swap3A_709 = tpu.vector_load %arg10[%swap3A_707, %swap3A_708] {strides = array<i32>} : memref<128x128xf32, #tpu.memory_space<vmem>>, vector<1x16xf32>,
        %swap3A_710 = vector.shape_cast %swap3A_709 : vector<1x16xf32> to vector<16xf32>
        %swap3A_711 = vector.shape_cast %mul3A_706 : vector<16xf32> to vector<1x16xf32>
        tpu.vector_store %arg10[%swap3A_707, %swap3A_708], %swap3A_711 {strides = array<i32>} : memref<128x128xf32, #tpu.memory_space<vmem>>, vector<1x16xf32>,
        %get3A_712 = arith.index_cast %add3A_700 : i32 to index
        %get3A_713 = arith.constant 16 : index
        %get3A_714 = tpu.vector_load %arg10[%get3A_712, %get3A_713] {strides = array<i32>} : memref<128x128xf32, #tpu.memory_space<vmem>>, vector<1x16xf32>,
        %get3A_715 = vector.shape_cast %get3A_714 : vector<1x16xf32> to vector<16xf32>
        %mul3A_716 = vector.broadcast %squeeze3A_696 : f32 to vector<16xf32>
        %mul3A_717 = arith.mulf %get3A_715, %mul3A_716 : vector<16xf32>
        %swap3A_718 = arith.index_cast %add3A_700 : i32 to index
        %swap3A_719 = arith.constant 16 : index
        %swap3A_720 = tpu.vector_load %arg10[%swap3A_718, %swap3A_719] {strides = array<i32>} : memref<128x128xf32, #tpu.memory_space<vmem>>, vector<1x16xf32>,
        %swap3A_721 = vector.shape_cast %swap3A_720 : vector<1x16xf32> to vector<16xf32>
        %swap3A_722 = vector.shape_cast %mul3A_717 : vector<16xf32> to vector<1x16xf32>
        tpu.vector_store %arg10[%swap3A_718, %swap3A_719], %swap3A_722 {strides = array<i32>} : memref<128x128xf32, #tpu.memory_space<vmem>>, vector<1x16xf32>,
        %jit3A_723 = arith.constant 1.000000e+00 : f32
        %broadcast_in_dim3A_724 = vector.broadcast %jit3A_723 : f32 to vector<16xf32>
        %broadcast_in_dim3A_725 = vector.broadcast %squeeze3A_696 : f32 to vector<16xf32>
        %select_n3A_726 = arith.select %eq3A_16, %broadcast_in_dim3A_724, %broadcast_in_dim3A_725 : vector<16xi1>, vector<16xf32>
        %get3A_727 = arith.index_cast %add3A_700 : i32 to index
        %get3A_728 = arith.constant 32 : index
        %get3A_729 = tpu.vector_load %arg10[%get3A_727, %get3A_728] {strides = array<i32>} : memref<128x128xf32, #tpu.memory_space<vmem>>, vector<1x16xf32>,
        %get3A_730 = vector.shape_cast %get3A_729 : vector<1x16xf32> to vector<16xf32>
        %mul3A_731 = arith.mulf %get3A_730, %select_n3A_726 : vector<16xf32>
        %swap3A_732 = arith.index_cast %add3A_700 : i32 to index
        %swap3A_733 = arith.constant 32 : index
        %swap3A_734 = tpu.vector_load %arg10[%swap3A_732, %swap3A_733] {strides = array<i32>} : memref<128x128xf32, #tpu.memory_space<vmem>>, vector<1x16xf32>,
        %swap3A_735 = vector.shape_cast %swap3A_734 : vector<1x16xf32> to vector<16xf32>
        %swap3A_736 = vector.shape_cast %mul3A_731 : vector<16xf32> to vector<1x16xf32>
        tpu.vector_store %arg10[%swap3A_732, %swap3A_733], %swap3A_736 {strides = array<i32>} : memref<128x128xf32, #tpu.memory_space<vmem>>, vector<1x16xf32>,
        %slice3A_737 = vector.extract_strided_slice %get3A_112 {offsets = [15], sizes = [1], strides = [1]} : vector<16xf32> to vector<1xf32>
        %squeeze3A_738 = vector.extract %slice3A_737[0] : f32 from vector<1xf32>
        %mul3A_739 = arith.constant 16 : i32
        %mul3A_740 = arith.muli %scan3A_107, %mul3A_739 : i32
        %add3A_741 = arith.constant 15 : i32
        %add3A_742 = arith.addi %mul3A_740, %add3A_741 : i32
        %get3A_743 = arith.index_cast %add3A_742 : i32 to index
        %get3A_744 = arith.constant 0 : index
        %get3A_745 = tpu.vector_load %arg10[%get3A_743, %get3A_744] {strides = array<i32>} : memref<128x128xf32, #tpu.memory_space<vmem>>, vector<1x16xf32>,
        %get3A_746 = vector.shape_cast %get3A_745 : vector<1x16xf32> to vector<16xf32>
        %mul3A_747 = vector.broadcast %squeeze3A_738 : f32 to vector<16xf32>
        %mul3A_748 = arith.mulf %get3A_746, %mul3A_747 : vector<16xf32>
        %swap3A_749 = arith.index_cast %add3A_742 : i32 to index
        %swap3A_750 = arith.constant 0 : index
        %swap3A_751 = tpu.vector_load %arg10[%swap3A_749, %swap3A_750] {strides = array<i32>} : memref<128x128xf32, #tpu.memory_space<vmem>>, vector<1x16xf32>,
        %swap3A_752 = vector.shape_cast %swap3A_751 : vector<1x16xf32> to vector<16xf32>
        %swap3A_753 = vector.shape_cast %mul3A_748 : vector<16xf32> to vector<1x16xf32>
        tpu.vector_store %arg10[%swap3A_749, %swap3A_750], %swap3A_753 {strides = array<i32>} : memref<128x128xf32, #tpu.memory_space<vmem>>, vector<1x16xf32>,
        %get3A_754 = arith.index_cast %add3A_742 : i32 to index
        %get3A_755 = arith.constant 16 : index
        %get3A_756 = tpu.vector_load %arg10[%get3A_754, %get3A_755] {strides = array<i32>} : memref<128x128xf32, #tpu.memory_space<vmem>>, vector<1x16xf32>,
        %get3A_757 = vector.shape_cast %get3A_756 : vector<1x16xf32> to vector<16xf32>
        %mul3A_758 = vector.broadcast %squeeze3A_738 : f32 to vector<16xf32>
        %mul3A_759 = arith.mulf %get3A_757, %mul3A_758 : vector<16xf32>
        %swap3A_760 = arith.index_cast %add3A_742 : i32 to index
        %swap3A_761 = arith.constant 16 : index
        %swap3A_762 = tpu.vector_load %arg10[%swap3A_760, %swap3A_761] {strides = array<i32>} : memref<128x128xf32, #tpu.memory_space<vmem>>, vector<1x16xf32>,
        %swap3A_763 = vector.shape_cast %swap3A_762 : vector<1x16xf32> to vector<16xf32>
        %swap3A_764 = vector.shape_cast %mul3A_759 : vector<16xf32> to vector<1x16xf32>
        tpu.vector_store %arg10[%swap3A_760, %swap3A_761], %swap3A_764 {strides = array<i32>} : memref<128x128xf32, #tpu.memory_space<vmem>>, vector<1x16xf32>,
        %jit3A_765 = arith.constant 1.000000e+00 : f32
        %broadcast_in_dim3A_766 = vector.broadcast %jit3A_765 : f32 to vector<16xf32>
        %broadcast_in_dim3A_767 = vector.broadcast %squeeze3A_738 : f32 to vector<16xf32>
        %select_n3A_768 = arith.select %eq3A_16, %broadcast_in_dim3A_766, %broadcast_in_dim3A_767 : vector<16xi1>, vector<16xf32>
        %get3A_769 = arith.index_cast %add3A_742 : i32 to index
        %get3A_770 = arith.constant 32 : index
        %get3A_771 = tpu.vector_load %arg10[%get3A_769, %get3A_770] {strides = array<i32>} : memref<128x128xf32, #tpu.memory_space<vmem>>, vector<1x16xf32>,
        %get3A_772 = vector.shape_cast %get3A_771 : vector<1x16xf32> to vector<16xf32>
        %mul3A_773 = arith.mulf %get3A_772, %select_n3A_768 : vector<16xf32>
        %swap3A_774 = arith.index_cast %add3A_742 : i32 to index
        %swap3A_775 = arith.constant 32 : index
        %swap3A_776 = tpu.vector_load %arg10[%swap3A_774, %swap3A_775] {strides = array<i32>} : memref<128x128xf32, #tpu.memory_space<vmem>>, vector<1x16xf32>,
        %swap3A_777 = vector.shape_cast %swap3A_776 : vector<1x16xf32> to vector<16xf32>
        %swap3A_778 = vector.shape_cast %mul3A_773 : vector<16xf32> to vector<1x16xf32>
        tpu.vector_store %arg10[%swap3A_774, %swap3A_775], %swap3A_778 {strides = array<i32>} : memref<128x128xf32, #tpu.memory_space<vmem>>, vector<1x16xf32>,
      }
      %scan3A_98 = arith.constant 8 : i32
      %add3A_99 = arith.constant 40 : i32
      %add3A_100 = arith.addi %add3A_99, %add3A_43 : i32
      %dma_start3A_101 = arith.constant 0 : i32
      %dma_start3A_102 = tpu.memref_slice %arg7[%add3A_100, %dma_start3A_101] : memref<80x128xi32, #tpu.memory_space<vmem>> -> memref<1x128xi32, #tpu.memory_space<vmem>>
      %dma_start3A_103 = tpu.memref_squeeze %dma_start3A_102 : memref<1x128xi32, #tpu.memory_space<vmem>> -> memref<128xi32, #tpu.memory_space<vmem>>
      %dma_start3A_104 = arith.constant 0 : i32
      %dma_start3A_105 = arith.constant 0 : i32
      %dma_start3A_106 = tpu.memref_slice %arg11[%dma_start3A_104, %dma_start3A_105] : memref<10240x128xf32, #tpu.memory_space<vmem_shared>> -> memref<10240x128xf32, #tpu.memory_space<vmem_shared>>
      tpu.enqueue_indirect_dma source(%arg10 : memref<128x128xf32, #tpu.memory_space<vmem>>) target(%dma_start3A_106 : memref<10240x128xf32, #tpu.memory_space<vmem_shared>>) offsets(%dma_start3A_103 : memref<128xi32, #tpu.memory_space<vmem>>) semaphore(%arg15 : memref<!tpu.dma_semaphore, #tpu.memory_space<semaphore_mem>>) {add = true}
    }
    %scan3A_27 = arith.constant 20 : i32
    %dma_wait3A = arith.constant 40 : i32
    %dma_wait3A_28 = arith.constant 0 : i32
    %dma_wait3A_29 = tpu.memref_slice %arg7[%dma_wait3A, %dma_wait3A_28] : memref<80x128xi32, #tpu.memory_space<vmem>> -> memref<1x128xi32, #tpu.memory_space<vmem>>
    %dma_wait3A_30 = tpu.memref_squeeze %dma_wait3A_29 : memref<1x128xi32, #tpu.memory_space<vmem>> -> memref<128xi32, #tpu.memory_space<vmem>>
    %dma_wait3A_31 = arith.constant 0 : i32
    %dma_wait3A_32 = arith.constant 0 : i32
    %dma_wait3A_33 = tpu.memref_slice %arg11[%dma_wait3A_31, %dma_wait3A_32] : memref<10240x128xf32, #tpu.memory_space<vmem_shared>> -> memref<10240x128xf32, #tpu.memory_space<vmem_shared>>
    tpu.wait_indirect_dma semaphore(%arg15 : memref<!tpu.dma_semaphore, #tpu.memory_space<semaphore_mem>>) src(%arg10 : memref<128x128xf32, #tpu.memory_space<vmem>>) dst(%dma_wait3A_33 : memref<10240x128xf32, #tpu.memory_space<vmem_shared>>)
    %barrier3A_34 = arith.constant 0 : index
    tpu.barrier barrier_id(%barrier3A_34)
    %mul3A_35 = arith.constant 640 : i32
    %mul3A_36 = arith.muli %arg1, %mul3A_35 : i32
    %mul3A_37 = arith.constant 640 : i32
    %mul3A_38 = arith.muli %arg1, %mul3A_37 : i32
    "tpu.region"() ({
      %run_scoped3A = tpu.sem_alloc : memref<!tpu.dma_semaphore, #tpu.memory_space<semaphore_mem>>
      %dma_start3A_39 = arith.constant 0 : i32
      %dma_start3A_40 = tpu.memref_slice %arg6[%arg0, %mul3A_38, %dma_start3A_39] : memref<2x10240x128xf32, #tpu.memory_space<hbm>> -> memref<1x640x128xf32, #tpu.memory_space<hbm>>
      %dma_start3A_41 = tpu.memref_squeeze %dma_start3A_40 : memref<1x640x128xf32, #tpu.memory_space<hbm>> -> memref<640x128xf32, #tpu.memory_space<hbm>>
      %dma_start3A_42 = arith.constant 0 : i32
      %dma_start3A_43 = tpu.memref_slice %arg11[%mul3A_36, %dma_start3A_42] : memref<10240x128xf32, #tpu.memory_space<vmem_shared>> -> memref<640x128xf32, #tpu.memory_space<vmem_shared>>
      tpu.enqueue_dma source(%dma_start3A_43 : memref<640x128xf32, #tpu.memory_space<vmem_shared>>) target(%dma_start3A_41 : memref<640x128xf32, #tpu.memory_space<hbm>>) target_semaphore(%run_scoped3A : memref<!tpu.dma_semaphore, #tpu.memory_space<semaphore_mem>>)
      %dma_wait3A_44 = arith.constant 0 : i32
      %dma_wait3A_45 = tpu.memref_slice %arg6[%arg0, %mul3A_38, %dma_wait3A_44] : memref<2x10240x128xf32, #tpu.memory_space<hbm>> -> memref<1x640x128xf32, #tpu.memory_space<hbm>>
      %dma_wait3A_46 = tpu.memref_squeeze %dma_wait3A_45 : memref<1x640x128xf32, #tpu.memory_space<hbm>> -> memref<640x128xf32, #tpu.memory_space<hbm>>
      %dma_wait3A_47 = arith.constant 0 : i32
      %dma_wait3A_48 = tpu.memref_slice %arg11[%mul3A_36, %dma_wait3A_47] : memref<10240x128xf32, #tpu.memory_space<vmem_shared>> -> memref<640x128xf32, #tpu.memory_space<vmem_shared>>
      tpu.wait_dma2 semaphore(%run_scoped3A : memref<!tpu.dma_semaphore, #tpu.memory_space<semaphore_mem>>) src(%dma_wait3A_48 : memref<640x128xf32, #tpu.memory_space<vmem_shared>>) dst(%dma_wait3A_46 : memref<640x128xf32, #tpu.memory_space<hbm>>)
      tpu.yield
    }) : () -> ()
    return
  }
}

#map = affine_map<(d0, d1) -> (0, 0)>
#map1 = affine_map<(d0, d1) -> (0, 0, 0)>
module attributes {stable_mosaic.version = 14 : i64} {
  func.func @_sc_wide_body(%arg0: i32, %arg1: i32, %arg2: memref<10000x128xf32, #tpu.memory_space<hbm>>, %arg3: memref<2560x128xi32, #tpu.memory_space<hbm>>, %arg4: memref<1280x128xf32, #tpu.memory_space<hbm>>, %arg5: memref<10240x128xf32, #tpu.memory_space<hbm>>, %arg6: memref<2x10240x128xf32, #tpu.memory_space<hbm>>, %arg7: memref<80x128xi32, #tpu.memory_space<vmem>>, %arg8: memref<40x128xf32, #tpu.memory_space<vmem>>, %arg9: memref<128x128xf32, #tpu.memory_space<vmem>>, %arg10: memref<128x128xf32, #tpu.memory_space<vmem>>, %arg11: memref<10240x128xf32, #tpu.memory_space<vmem_shared>>, %arg12: memref<!tpu.dma_semaphore, #tpu.memory_space<semaphore_mem>>, %arg13: memref<!tpu.dma_semaphore, #tpu.memory_space<semaphore_mem>>, %arg14: memref<!tpu.dma_semaphore, #tpu.memory_space<semaphore_mem>>, %arg15: memref<!tpu.dma_semaphore, #tpu.memory_space<semaphore_mem>>) attributes {dimension_semantics = [#tpu.dimension_semantics<core_parallel>, #tpu.dimension_semantics<subcore_parallel>], iteration_bounds = array<i64: 2, 16>, scalar_prefetch = 0 : i64, scratch_operands = 9 : i64, tpu.core_type = #tpu.core_type<sc_vector_subcore>, window_params = [{transform_indices = #map}, {transform_indices = #map}, {transform_indices = #map}, {transform_indices = #map}, {transform_indices = #map1}]} {
    %mul3A = arith.constant 2 : i32
    %mul3A_0 = arith.muli %arg1, %mul3A : i32
    %add3A = arith.addi %mul3A_0, %arg0 : i32
    %mul3A_1 = arith.constant 640 : i32
    %mul3A_2 = arith.muli %arg1, %mul3A_1 : i32
    %mul3A_3 = arith.constant 640 : i32
    %mul3A_4 = arith.muli %arg1, %mul3A_3 : i32
    "tpu.region"() ({
      %run_scoped3A = tpu.sem_alloc : memref<!tpu.dma_semaphore, #tpu.memory_space<semaphore_mem>>
      %dma_start3A_39 = arith.constant 0 : i32
      %dma_start3A_40 = tpu.memref_slice %arg11[%mul3A_4, %dma_start3A_39] : memref<10240x128xf32, #tpu.memory_space<vmem_shared>> -> memref<640x128xf32, #tpu.memory_space<vmem_shared>>
      %dma_start3A_41 = arith.constant 0 : i32
      %dma_start3A_42 = tpu.memref_slice %arg5[%mul3A_2, %dma_start3A_41] : memref<10240x128xf32, #tpu.memory_space<hbm>> -> memref<640x128xf32, #tpu.memory_space<hbm>>
      tpu.enqueue_dma source(%dma_start3A_42 : memref<640x128xf32, #tpu.memory_space<hbm>>) target(%dma_start3A_40 : memref<640x128xf32, #tpu.memory_space<vmem_shared>>) target_semaphore(%run_scoped3A : memref<!tpu.dma_semaphore, #tpu.memory_space<semaphore_mem>>)
      %dma_wait3A_43 = arith.constant 0 : i32
      %dma_wait3A_44 = tpu.memref_slice %arg11[%mul3A_4, %dma_wait3A_43] : memref<10240x128xf32, #tpu.memory_space<vmem_shared>> -> memref<640x128xf32, #tpu.memory_space<vmem_shared>>
      %dma_wait3A_45 = arith.constant 0 : i32
      %dma_wait3A_46 = tpu.memref_slice %arg5[%mul3A_2, %dma_wait3A_45] : memref<10240x128xf32, #tpu.memory_space<hbm>> -> memref<640x128xf32, #tpu.memory_space<hbm>>
      tpu.wait_dma2 semaphore(%run_scoped3A : memref<!tpu.dma_semaphore, #tpu.memory_space<semaphore_mem>>) src(%dma_wait3A_46 : memref<640x128xf32, #tpu.memory_space<hbm>>) dst(%dma_wait3A_44 : memref<640x128xf32, #tpu.memory_space<vmem_shared>>)
      tpu.yield
    }) : () -> ()
    %mul3A_5 = arith.constant 40 : i32
    %mul3A_6 = arith.muli %add3A, %mul3A_5 : i32
    %add3A_7 = arith.constant 0 : i32
    %add3A_8 = arith.addi %add3A_7, %mul3A_6 : i32
    "tpu.region"() ({
      %run_scoped3A = tpu.sem_alloc : memref<!tpu.dma_semaphore, #tpu.memory_space<semaphore_mem>>
      %dma_start3A_39 = arith.constant 0 : i32
      %dma_start3A_40 = arith.constant 0 : i32
      %dma_start3A_41 = tpu.memref_slice %arg7[%dma_start3A_39, %dma_start3A_40] : memref<80x128xi32, #tpu.memory_space<vmem>> -> memref<40x128xi32, #tpu.memory_space<vmem>>
      %dma_start3A_42 = arith.constant 0 : i32
      %dma_start3A_43 = tpu.memref_slice %arg3[%add3A_8, %dma_start3A_42] : memref<2560x128xi32, #tpu.memory_space<hbm>> -> memref<40x128xi32, #tpu.memory_space<hbm>>
      %dma_start3A_44 = arith.constant 0 : i32
      %dma_start3A_45 = arith.constant 0 : i32
      %dma_start3A_46 = tpu.memref_slice %arg7[%dma_start3A_44, %dma_start3A_45] : memref<80x128xi32, #tpu.memory_space<vmem>> -> memref<40x128xi32, #tpu.memory_space<vmem>>
      %dma_start3A_47 = arith.constant 0 : i32
      %dma_start3A_48 = tpu.memref_slice %arg3[%add3A_8, %dma_start3A_47] : memref<2560x128xi32, #tpu.memory_space<hbm>> -> memref<40x128xi32, #tpu.memory_space<hbm>>
      tpu.enqueue_dma source(%dma_start3A_48 : memref<40x128xi32, #tpu.memory_space<hbm>>) target(%dma_start3A_46 : memref<40x128xi32, #tpu.memory_space<vmem>>) target_semaphore(%run_scoped3A : memref<!tpu.dma_semaphore, #tpu.memory_space<semaphore_mem>>)
      %dma_wait3A_49 = arith.constant 0 : i32
      %dma_wait3A_50 = arith.constant 0 : i32
      %dma_wait3A_51 = tpu.memref_slice %arg7[%dma_wait3A_49, %dma_wait3A_50] : memref<80x128xi32, #tpu.memory_space<vmem>> -> memref<40x128xi32, #tpu.memory_space<vmem>>
      %dma_wait3A_52 = arith.constant 0 : i32
      %dma_wait3A_53 = tpu.memref_slice %arg3[%add3A_8, %dma_wait3A_52] : memref<2560x128xi32, #tpu.memory_space<hbm>> -> memref<40x128xi32, #tpu.memory_space<hbm>>
      %dma_wait3A_54 = arith.constant 0 : i32
      %dma_wait3A_55 = arith.constant 0 : i32
      %dma_wait3A_56 = tpu.memref_slice %arg7[%dma_wait3A_54, %dma_wait3A_55] : memref<80x128xi32, #tpu.memory_space<vmem>> -> memref<40x128xi32, #tpu.memory_space<vmem>>
      %dma_wait3A_57 = arith.constant 0 : i32
      %dma_wait3A_58 = tpu.memref_slice %arg3[%add3A_8, %dma_wait3A_57] : memref<2560x128xi32, #tpu.memory_space<hbm>> -> memref<40x128xi32, #tpu.memory_space<hbm>>
      tpu.wait_dma2 semaphore(%run_scoped3A : memref<!tpu.dma_semaphore, #tpu.memory_space<semaphore_mem>>) src(%dma_wait3A_58 : memref<40x128xi32, #tpu.memory_space<hbm>>) dst(%dma_wait3A_56 : memref<40x128xi32, #tpu.memory_space<vmem>>)
      tpu.yield
    }) : () -> ()
    %mul3A_9 = arith.constant 40 : i32
    %mul3A_10 = arith.muli %add3A, %mul3A_9 : i32
    %add3A_11 = arith.constant 1280 : i32
    %add3A_12 = arith.addi %add3A_11, %mul3A_10 : i32
    "tpu.region"() ({
      %run_scoped3A = tpu.sem_alloc : memref<!tpu.dma_semaphore, #tpu.memory_space<semaphore_mem>>
      %dma_start3A_39 = arith.constant 40 : i32
      %dma_start3A_40 = arith.constant 0 : i32
      %dma_start3A_41 = tpu.memref_slice %arg7[%dma_start3A_39, %dma_start3A_40] : memref<80x128xi32, #tpu.memory_space<vmem>> -> memref<40x128xi32, #tpu.memory_space<vmem>>
      %dma_start3A_42 = arith.constant 0 : i32
      %dma_start3A_43 = tpu.memref_slice %arg3[%add3A_12, %dma_start3A_42] : memref<2560x128xi32, #tpu.memory_space<hbm>> -> memref<40x128xi32, #tpu.memory_space<hbm>>
      %dma_start3A_44 = arith.constant 40 : i32
      %dma_start3A_45 = arith.constant 0 : i32
      %dma_start3A_46 = tpu.memref_slice %arg7[%dma_start3A_44, %dma_start3A_45] : memref<80x128xi32, #tpu.memory_space<vmem>> -> memref<40x128xi32, #tpu.memory_space<vmem>>
      %dma_start3A_47 = arith.constant 0 : i32
      %dma_start3A_48 = tpu.memref_slice %arg3[%add3A_12, %dma_start3A_47] : memref<2560x128xi32, #tpu.memory_space<hbm>> -> memref<40x128xi32, #tpu.memory_space<hbm>>
      tpu.enqueue_dma source(%dma_start3A_48 : memref<40x128xi32, #tpu.memory_space<hbm>>) target(%dma_start3A_46 : memref<40x128xi32, #tpu.memory_space<vmem>>) target_semaphore(%run_scoped3A : memref<!tpu.dma_semaphore, #tpu.memory_space<semaphore_mem>>)
      %dma_wait3A_49 = arith.constant 40 : i32
      %dma_wait3A_50 = arith.constant 0 : i32
      %dma_wait3A_51 = tpu.memref_slice %arg7[%dma_wait3A_49, %dma_wait3A_50] : memref<80x128xi32, #tpu.memory_space<vmem>> -> memref<40x128xi32, #tpu.memory_space<vmem>>
      %dma_wait3A_52 = arith.constant 0 : i32
      %dma_wait3A_53 = tpu.memref_slice %arg3[%add3A_12, %dma_wait3A_52] : memref<2560x128xi32, #tpu.memory_space<hbm>> -> memref<40x128xi32, #tpu.memory_space<hbm>>
      %dma_wait3A_54 = arith.constant 40 : i32
      %dma_wait3A_55 = arith.constant 0 : i32
      %dma_wait3A_56 = tpu.memref_slice %arg7[%dma_wait3A_54, %dma_wait3A_55] : memref<80x128xi32, #tpu.memory_space<vmem>> -> memref<40x128xi32, #tpu.memory_space<vmem>>
      %dma_wait3A_57 = arith.constant 0 : i32
      %dma_wait3A_58 = tpu.memref_slice %arg3[%add3A_12, %dma_wait3A_57] : memref<2560x128xi32, #tpu.memory_space<hbm>> -> memref<40x128xi32, #tpu.memory_space<hbm>>
      tpu.wait_dma2 semaphore(%run_scoped3A : memref<!tpu.dma_semaphore, #tpu.memory_space<semaphore_mem>>) src(%dma_wait3A_58 : memref<40x128xi32, #tpu.memory_space<hbm>>) dst(%dma_wait3A_56 : memref<40x128xi32, #tpu.memory_space<vmem>>)
      tpu.yield
    }) : () -> ()
    %mul3A_13 = arith.constant 40 : i32
    %mul3A_14 = arith.muli %add3A, %mul3A_13 : i32
    "tpu.region"() ({
      %run_scoped3A = tpu.sem_alloc : memref<!tpu.dma_semaphore, #tpu.memory_space<semaphore_mem>>
      %dma_start3A_39 = arith.constant 0 : i32
      %dma_start3A_40 = tpu.memref_slice %arg4[%mul3A_14, %dma_start3A_39] : memref<1280x128xf32, #tpu.memory_space<hbm>> -> memref<40x128xf32, #tpu.memory_space<hbm>>
      %dma_start3A_41 = arith.constant 0 : i32
      %dma_start3A_42 = tpu.memref_slice %arg4[%mul3A_14, %dma_start3A_41] : memref<1280x128xf32, #tpu.memory_space<hbm>> -> memref<40x128xf32, #tpu.memory_space<hbm>>
      tpu.enqueue_dma source(%dma_start3A_42 : memref<40x128xf32, #tpu.memory_space<hbm>>) target(%arg8 : memref<40x128xf32, #tpu.memory_space<vmem>>) target_semaphore(%run_scoped3A : memref<!tpu.dma_semaphore, #tpu.memory_space<semaphore_mem>>)
      %dma_wait3A_43 = arith.constant 0 : i32
      %dma_wait3A_44 = tpu.memref_slice %arg4[%mul3A_14, %dma_wait3A_43] : memref<1280x128xf32, #tpu.memory_space<hbm>> -> memref<40x128xf32, #tpu.memory_space<hbm>>
      %dma_wait3A_45 = arith.constant 0 : i32
      %dma_wait3A_46 = tpu.memref_slice %arg4[%mul3A_14, %dma_wait3A_45] : memref<1280x128xf32, #tpu.memory_space<hbm>> -> memref<40x128xf32, #tpu.memory_space<hbm>>
      tpu.wait_dma2 semaphore(%run_scoped3A : memref<!tpu.dma_semaphore, #tpu.memory_space<semaphore_mem>>) src(%dma_wait3A_46 : memref<40x128xf32, #tpu.memory_space<hbm>>) dst(%arg8 : memref<40x128xf32, #tpu.memory_space<vmem>>)
      tpu.yield
    }) : () -> ()
    %barrier3A = arith.constant 0 : index
    tpu.barrier barrier_id(%barrier3A)
    %iota3A = tpu.iota {dimensions = array<i32: 0>} : vector<16xi32>
    %eq3A = arith.constant 3 : i32
    %eq3A_15 = vector.broadcast %eq3A : i32 to vector<16xi32>
    %eq3A_16 = arith.cmpi eq, %iota3A, %eq3A_15 : vector<16xi32>
    %dma_start3A = arith.constant 0 : i32
    %dma_start3A_17 = arith.constant 0 : i32
    %dma_start3A_18 = tpu.memref_slice %arg7[%dma_start3A, %dma_start3A_17] : memref<80x128xi32, #tpu.memory_space<vmem>> -> memref<1x128xi32, #tpu.memory_space<vmem>>
    %dma_start3A_19 = tpu.memref_squeeze %dma_start3A_18 : memref<1x128xi32, #tpu.memory_space<vmem>> -> memref<128xi32, #tpu.memory_space<vmem>>
    %dma_start3A_20 = arith.constant 0 : i32
    %dma_start3A_21 = arith.constant 0 : i32
    %dma_start3A_22 = tpu.memref_slice %arg2[%dma_start3A_20, %dma_start3A_21] : memref<10000x128xf32, #tpu.memory_space<hbm>> -> memref<10000x128xf32, #tpu.memory_space<hbm>>
    tpu.enqueue_indirect_dma source(%dma_start3A_22 : memref<10000x128xf32, #tpu.memory_space<hbm>>) target(%arg9 : memref<128x128xf32, #tpu.memory_space<vmem>>) offsets(%dma_start3A_19 : memref<128xi32, #tpu.memory_space<vmem>>) semaphore(%arg12 : memref<!tpu.dma_semaphore, #tpu.memory_space<semaphore_mem>>)
    %scan3A = arith.constant 0 : i32
    %scan3A_23 = arith.constant 0 : i32
    %scan3A_24 = arith.constant 20 : i32
    %scan3A_25 = arith.addi %scan3A_23, %scan3A_24 : i32
    %scan3A_26 = arith.constant 1 : i32
    scf.for %scan3A_39 = %scan3A_23 to %scan3A_25 step %scan3A_26  : i32 {
      %mul3A_40 = arith.constant 2 : i32
      %mul3A_41 = arith.muli %mul3A_40, %scan3A_39 : i32
      %add3A_42 = arith.constant 1 : i32
      %add3A_43 = arith.addi %mul3A_41, %add3A_42 : i32
      %ge3A = arith.constant 1 : i32
      %ge3A_44 = arith.cmpi sge, %mul3A_41, %ge3A : i32
      %convert_element_type3A = arith.extui %ge3A_44 : i1 to i32
      %cond3A = arith.constant 0 : i32
      %cond3A_45 = arith.cmpi ne, %convert_element_type3A, %cond3A : i32
      scf.if %cond3A_45 {
        %dma_wait3A_107 = arith.constant 40 : i32
        %dma_wait3A_108 = arith.constant 0 : i32
        %dma_wait3A_109 = tpu.memref_slice %arg7[%dma_wait3A_107, %dma_wait3A_108] : memref<80x128xi32, #tpu.memory_space<vmem>> -> memref<1x128xi32, #tpu.memory_space<vmem>>
        %dma_wait3A_110 = tpu.memref_squeeze %dma_wait3A_109 : memref<1x128xi32, #tpu.memory_space<vmem>> -> memref<128xi32, #tpu.memory_space<vmem>>
        %dma_wait3A_111 = arith.constant 0 : i32
        %dma_wait3A_112 = arith.constant 0 : i32
        %dma_wait3A_113 = tpu.memref_slice %arg11[%dma_wait3A_111, %dma_wait3A_112] : memref<10240x128xf32, #tpu.memory_space<vmem_shared>> -> memref<10240x128xf32, #tpu.memory_space<vmem_shared>>
        tpu.wait_indirect_dma semaphore(%arg15 : memref<!tpu.dma_semaphore, #tpu.memory_space<semaphore_mem>>) src(%arg10 : memref<128x128xf32, #tpu.memory_space<vmem>>) dst(%dma_wait3A_113 : memref<10240x128xf32, #tpu.memory_space<vmem_shared>>)
      } else {
      }
      %dma_start3A_46 = arith.constant 0 : i32
      %dma_start3A_47 = tpu.memref_slice %arg7[%add3A_43, %dma_start3A_46] : memref<80x128xi32, #tpu.memory_space<vmem>> -> memref<1x128xi32, #tpu.memory_space<vmem>>
      %dma_start3A_48 = tpu.memref_squeeze %dma_start3A_47 : memref<1x128xi32, #tpu.memory_space<vmem>> -> memref<128xi32, #tpu.memory_space<vmem>>
      %dma_start3A_49 = arith.constant 0 : i32
      %dma_start3A_50 = arith.constant 0 : i32
      %dma_start3A_51 = tpu.memref_slice %arg2[%dma_start3A_49, %dma_start3A_50] : memref<10000x128xf32, #tpu.memory_space<hbm>> -> memref<10000x128xf32, #tpu.memory_space<hbm>>
      tpu.enqueue_indirect_dma source(%dma_start3A_51 : memref<10000x128xf32, #tpu.memory_space<hbm>>) target(%arg10 : memref<128x128xf32, #tpu.memory_space<vmem>>) offsets(%dma_start3A_48 : memref<128xi32, #tpu.memory_space<vmem>>) semaphore(%arg13 : memref<!tpu.dma_semaphore, #tpu.memory_space<semaphore_mem>>)
      %dma_wait3A_52 = arith.constant 0 : i32
      %dma_wait3A_53 = arith.constant 0 : i32
      %dma_wait3A_54 = tpu.memref_slice %arg7[%dma_wait3A_52, %dma_wait3A_53] : memref<80x128xi32, #tpu.memory_space<vmem>> -> memref<1x128xi32, #tpu.memory_space<vmem>>
      %dma_wait3A_55 = tpu.memref_squeeze %dma_wait3A_54 : memref<1x128xi32, #tpu.memory_space<vmem>> -> memref<128xi32, #tpu.memory_space<vmem>>
      %dma_wait3A_56 = arith.constant 0 : i32
      %dma_wait3A_57 = arith.constant 0 : i32
      %dma_wait3A_58 = tpu.memref_slice %arg2[%dma_wait3A_56, %dma_wait3A_57] : memref<10000x128xf32, #tpu.memory_space<hbm>> -> memref<10000x128xf32, #tpu.memory_space<hbm>>
      tpu.wait_indirect_dma semaphore(%arg12 : memref<!tpu.dma_semaphore, #tpu.memory_space<semaphore_mem>>) src(%dma_wait3A_58 : memref<10000x128xf32, #tpu.memory_space<hbm>>) dst(%arg9 : memref<128x128xf32, #tpu.memory_space<vmem>>)
      %scan3A_59 = arith.constant 0 : i32
      %scan3A_60 = arith.constant 0 : i32
      %scan3A_61 = arith.constant 8 : i32
      %scan3A_62 = arith.addi %scan3A_60, %scan3A_61 : i32
      %scan3A_63 = arith.constant 1 : i32
      scf.for %scan3A_107 = %scan3A_60 to %scan3A_62 step %scan3A_63  : i32 {
        %mul3A_108 = arith.constant 16 : i32
        %mul3A_109 = arith.muli %scan3A_107, %mul3A_108 : i32
        %get3A = arith.index_cast %mul3A_41 : i32 to index
        %get3A_110 = arith.index_cast %mul3A_109 : i32 to index
        %get3A_111 = tpu.vector_load %arg8[%get3A, %get3A_110] {strides = array<i32>} : memref<40x128xf32, #tpu.memory_space<vmem>>, vector<1x16xf32>,
        %get3A_112 = vector.shape_cast %get3A_111 : vector<1x16xf32> to vector<16xf32>
        %slice3A = vector.extract_strided_slice %get3A_112 {offsets = [0], sizes = [1], strides = [1]} : vector<16xf32> to vector<1xf32>
        %squeeze3A = vector.extract %slice3A[0] : f32 from vector<1xf32>
        %mul3A_113 = arith.constant 16 : i32
        %mul3A_114 = arith.muli %scan3A_107, %mul3A_113 : i32
        %add3A_115 = arith.constant 0 : i32
        %add3A_116 = arith.addi %mul3A_114, %add3A_115 : i32
        %get3A_117 = arith.index_cast %add3A_116 : i32 to index
        %get3A_118 = arith.constant 0 : index
        %get3A_119 = tpu.vector_load %arg9[%get3A_117, %get3A_118] {strides = array<i32>} : memref<128x128xf32, #tpu.memory_space<vmem>>, vector<1x16xf32>,
        %get3A_120 = vector.shape_cast %get3A_119 : vector<1x16xf32> to vector<16xf32>
        %mul3A_121 = vector.broadcast %squeeze3A : f32 to vector<16xf32>
        %mul3A_122 = arith.mulf %get3A_120, %mul3A_121 : vector<16xf32>
        %swap3A = arith.index_cast %add3A_116 : i32 to index
        %swap3A_123 = arith.constant 0 : index
        %swap3A_124 = tpu.vector_load %arg9[%swap3A, %swap3A_123] {strides = array<i32>} : memref<128x128xf32, #tpu.memory_space<vmem>>, vector<1x16xf32>,
        %swap3A_125 = vector.shape_cast %swap3A_124 : vector<1x16xf32> to vector<16xf32>
        %swap3A_126 = vector.shape_cast %mul3A_122 : vector<16xf32> to vector<1x16xf32>
        tpu.vector_store %arg9[%swap3A, %swap3A_123], %swap3A_126 {strides = array<i32>} : memref<128x128xf32, #tpu.memory_space<vmem>>, vector<1x16xf32>,
        %get3A_127 = arith.index_cast %add3A_116 : i32 to index
        %get3A_128 = arith.constant 16 : index
        %get3A_129 = tpu.vector_load %arg9[%get3A_127, %get3A_128] {strides = array<i32>} : memref<128x128xf32, #tpu.memory_space<vmem>>, vector<1x16xf32>,
        %get3A_130 = vector.shape_cast %get3A_129 : vector<1x16xf32> to vector<16xf32>
        %mul3A_131 = vector.broadcast %squeeze3A : f32 to vector<16xf32>
        %mul3A_132 = arith.mulf %get3A_130, %mul3A_131 : vector<16xf32>
        %swap3A_133 = arith.index_cast %add3A_116 : i32 to index
        %swap3A_134 = arith.constant 16 : index
        %swap3A_135 = tpu.vector_load %arg9[%swap3A_133, %swap3A_134] {strides = array<i32>} : memref<128x128xf32, #tpu.memory_space<vmem>>, vector<1x16xf32>,
        %swap3A_136 = vector.shape_cast %swap3A_135 : vector<1x16xf32> to vector<16xf32>
        %swap3A_137 = vector.shape_cast %mul3A_132 : vector<16xf32> to vector<1x16xf32>
        tpu.vector_store %arg9[%swap3A_133, %swap3A_134], %swap3A_137 {strides = array<i32>} : memref<128x128xf32, #tpu.memory_space<vmem>>, vector<1x16xf32>,
        %jit3A = arith.constant 1.000000e+00 : f32
        %broadcast_in_dim3A = vector.broadcast %jit3A : f32 to vector<16xf32>
        %broadcast_in_dim3A_138 = vector.broadcast %squeeze3A : f32 to vector<16xf32>
        %select_n3A = arith.select %eq3A_16, %broadcast_in_dim3A, %broadcast_in_dim3A_138 : vector<16xi1>, vector<16xf32>
        %get3A_139 = arith.index_cast %add3A_116 : i32 to index
        %get3A_140 = arith.constant 32 : index
        %get3A_141 = tpu.vector_load %arg9[%get3A_139, %get3A_140] {strides = array<i32>} : memref<128x128xf32, #tpu.memory_space<vmem>>, vector<1x16xf32>,
        %get3A_142 = vector.shape_cast %get3A_141 : vector<1x16xf32> to vector<16xf32>
        %mul3A_143 = arith.mulf %get3A_142, %select_n3A : vector<16xf32>
        %swap3A_144 = arith.index_cast %add3A_116 : i32 to index
        %swap3A_145 = arith.constant 32 : index
        %swap3A_146 = tpu.vector_load %arg9[%swap3A_144, %swap3A_145] {strides = array<i32>} : memref<128x128xf32, #tpu.memory_space<vmem>>, vector<1x16xf32>,
        %swap3A_147 = vector.shape_cast %swap3A_146 : vector<1x16xf32> to vector<16xf32>
        %swap3A_148 = vector.shape_cast %mul3A_143 : vector<16xf32> to vector<1x16xf32>
        tpu.vector_store %arg9[%swap3A_144, %swap3A_145], %swap3A_148 {strides = array<i32>} : memref<128x128xf32, #tpu.memory_space<vmem>>, vector<1x16xf32>,
        %slice3A_149 = vector.extract_strided_slice %get3A_112 {offsets = [1], sizes = [1], strides = [1]} : vector<16xf32> to vector<1xf32>
        %squeeze3A_150 = vector.extract %slice3A_149[0] : f32 from vector<1xf32>
        %mul3A_151 = arith.constant 16 : i32
        %mul3A_152 = arith.muli %scan3A_107, %mul3A_151 : i32
        %add3A_153 = arith.constant 1 : i32
        %add3A_154 = arith.addi %mul3A_152, %add3A_153 : i32
        %get3A_155 = arith.index_cast %add3A_154 : i32 to index
        %get3A_156 = arith.constant 0 : index
        %get3A_157 = tpu.vector_load %arg9[%get3A_155, %get3A_156] {strides = array<i32>} : memref<128x128xf32, #tpu.memory_space<vmem>>, vector<1x16xf32>,
        %get3A_158 = vector.shape_cast %get3A_157 : vector<1x16xf32> to vector<16xf32>
        %mul3A_159 = vector.broadcast %squeeze3A_150 : f32 to vector<16xf32>
        %mul3A_160 = arith.mulf %get3A_158, %mul3A_159 : vector<16xf32>
        %swap3A_161 = arith.index_cast %add3A_154 : i32 to index
        %swap3A_162 = arith.constant 0 : index
        %swap3A_163 = tpu.vector_load %arg9[%swap3A_161, %swap3A_162] {strides = array<i32>} : memref<128x128xf32, #tpu.memory_space<vmem>>, vector<1x16xf32>,
        %swap3A_164 = vector.shape_cast %swap3A_163 : vector<1x16xf32> to vector<16xf32>
        %swap3A_165 = vector.shape_cast %mul3A_160 : vector<16xf32> to vector<1x16xf32>
        tpu.vector_store %arg9[%swap3A_161, %swap3A_162], %swap3A_165 {strides = array<i32>} : memref<128x128xf32, #tpu.memory_space<vmem>>, vector<1x16xf32>,
        %get3A_166 = arith.index_cast %add3A_154 : i32 to index
        %get3A_167 = arith.constant 16 : index
        %get3A_168 = tpu.vector_load %arg9[%get3A_166, %get3A_167] {strides = array<i32>} : memref<128x128xf32, #tpu.memory_space<vmem>>, vector<1x16xf32>,
        %get3A_169 = vector.shape_cast %get3A_168 : vector<1x16xf32> to vector<16xf32>
        %mul3A_170 = vector.broadcast %squeeze3A_150 : f32 to vector<16xf32>
        %mul3A_171 = arith.mulf %get3A_169, %mul3A_170 : vector<16xf32>
        %swap3A_172 = arith.index_cast %add3A_154 : i32 to index
        %swap3A_173 = arith.constant 16 : index
        %swap3A_174 = tpu.vector_load %arg9[%swap3A_172, %swap3A_173] {strides = array<i32>} : memref<128x128xf32, #tpu.memory_space<vmem>>, vector<1x16xf32>,
        %swap3A_175 = vector.shape_cast %swap3A_174 : vector<1x16xf32> to vector<16xf32>
        %swap3A_176 = vector.shape_cast %mul3A_171 : vector<16xf32> to vector<1x16xf32>
        tpu.vector_store %arg9[%swap3A_172, %swap3A_173], %swap3A_176 {strides = array<i32>} : memref<128x128xf32, #tpu.memory_space<vmem>>, vector<1x16xf32>,
        %jit3A_177 = arith.constant 1.000000e+00 : f32
        %broadcast_in_dim3A_178 = vector.broadcast %jit3A_177 : f32 to vector<16xf32>
        %broadcast_in_dim3A_179 = vector.broadcast %squeeze3A_150 : f32 to vector<16xf32>
        %select_n3A_180 = arith.select %eq3A_16, %broadcast_in_dim3A_178, %broadcast_in_dim3A_179 : vector<16xi1>, vector<16xf32>
        %get3A_181 = arith.index_cast %add3A_154 : i32 to index
        %get3A_182 = arith.constant 32 : index
        %get3A_183 = tpu.vector_load %arg9[%get3A_181, %get3A_182] {strides = array<i32>} : memref<128x128xf32, #tpu.memory_space<vmem>>, vector<1x16xf32>,
        %get3A_184 = vector.shape_cast %get3A_183 : vector<1x16xf32> to vector<16xf32>
        %mul3A_185 = arith.mulf %get3A_184, %select_n3A_180 : vector<16xf32>
        %swap3A_186 = arith.index_cast %add3A_154 : i32 to index
        %swap3A_187 = arith.constant 32 : index
        %swap3A_188 = tpu.vector_load %arg9[%swap3A_186, %swap3A_187] {strides = array<i32>} : memref<128x128xf32, #tpu.memory_space<vmem>>, vector<1x16xf32>,
        %swap3A_189 = vector.shape_cast %swap3A_188 : vector<1x16xf32> to vector<16xf32>
        %swap3A_190 = vector.shape_cast %mul3A_185 : vector<16xf32> to vector<1x16xf32>
        tpu.vector_store %arg9[%swap3A_186, %swap3A_187], %swap3A_190 {strides = array<i32>} : memref<128x128xf32, #tpu.memory_space<vmem>>, vector<1x16xf32>,
        %slice3A_191 = vector.extract_strided_slice %get3A_112 {offsets = [2], sizes = [1], strides = [1]} : vector<16xf32> to vector<1xf32>
        %squeeze3A_192 = vector.extract %slice3A_191[0] : f32 from vector<1xf32>
        %mul3A_193 = arith.constant 16 : i32
        %mul3A_194 = arith.muli %scan3A_107, %mul3A_193 : i32
        %add3A_195 = arith.constant 2 : i32
        %add3A_196 = arith.addi %mul3A_194, %add3A_195 : i32
        %get3A_197 = arith.index_cast %add3A_196 : i32 to index
        %get3A_198 = arith.constant 0 : index
        %get3A_199 = tpu.vector_load %arg9[%get3A_197, %get3A_198] {strides = array<i32>} : memref<128x128xf32, #tpu.memory_space<vmem>>, vector<1x16xf32>,
        %get3A_200 = vector.shape_cast %get3A_199 : vector<1x16xf32> to vector<16xf32>
        %mul3A_201 = vector.broadcast %squeeze3A_192 : f32 to vector<16xf32>
        %mul3A_202 = arith.mulf %get3A_200, %mul3A_201 : vector<16xf32>
        %swap3A_203 = arith.index_cast %add3A_196 : i32 to index
        %swap3A_204 = arith.constant 0 : index
        %swap3A_205 = tpu.vector_load %arg9[%swap3A_203, %swap3A_204] {strides = array<i32>} : memref<128x128xf32, #tpu.memory_space<vmem>>, vector<1x16xf32>,
        %swap3A_206 = vector.shape_cast %swap3A_205 : vector<1x16xf32> to vector<16xf32>
        %swap3A_207 = vector.shape_cast %mul3A_202 : vector<16xf32> to vector<1x16xf32>
        tpu.vector_store %arg9[%swap3A_203, %swap3A_204], %swap3A_207 {strides = array<i32>} : memref<128x128xf32, #tpu.memory_space<vmem>>, vector<1x16xf32>,
        %get3A_208 = arith.index_cast %add3A_196 : i32 to index
        %get3A_209 = arith.constant 16 : index
        %get3A_210 = tpu.vector_load %arg9[%get3A_208, %get3A_209] {strides = array<i32>} : memref<128x128xf32, #tpu.memory_space<vmem>>, vector<1x16xf32>,
        %get3A_211 = vector.shape_cast %get3A_210 : vector<1x16xf32> to vector<16xf32>
        %mul3A_212 = vector.broadcast %squeeze3A_192 : f32 to vector<16xf32>
        %mul3A_213 = arith.mulf %get3A_211, %mul3A_212 : vector<16xf32>
        %swap3A_214 = arith.index_cast %add3A_196 : i32 to index
        %swap3A_215 = arith.constant 16 : index
        %swap3A_216 = tpu.vector_load %arg9[%swap3A_214, %swap3A_215] {strides = array<i32>} : memref<128x128xf32, #tpu.memory_space<vmem>>, vector<1x16xf32>,
        %swap3A_217 = vector.shape_cast %swap3A_216 : vector<1x16xf32> to vector<16xf32>
        %swap3A_218 = vector.shape_cast %mul3A_213 : vector<16xf32> to vector<1x16xf32>
        tpu.vector_store %arg9[%swap3A_214, %swap3A_215], %swap3A_218 {strides = array<i32>} : memref<128x128xf32, #tpu.memory_space<vmem>>, vector<1x16xf32>,
        %jit3A_219 = arith.constant 1.000000e+00 : f32
        %broadcast_in_dim3A_220 = vector.broadcast %jit3A_219 : f32 to vector<16xf32>
        %broadcast_in_dim3A_221 = vector.broadcast %squeeze3A_192 : f32 to vector<16xf32>
        %select_n3A_222 = arith.select %eq3A_16, %broadcast_in_dim3A_220, %broadcast_in_dim3A_221 : vector<16xi1>, vector<16xf32>
        %get3A_223 = arith.index_cast %add3A_196 : i32 to index
        %get3A_224 = arith.constant 32 : index
        %get3A_225 = tpu.vector_load %arg9[%get3A_223, %get3A_224] {strides = array<i32>} : memref<128x128xf32, #tpu.memory_space<vmem>>, vector<1x16xf32>,
        %get3A_226 = vector.shape_cast %get3A_225 : vector<1x16xf32> to vector<16xf32>
        %mul3A_227 = arith.mulf %get3A_226, %select_n3A_222 : vector<16xf32>
        %swap3A_228 = arith.index_cast %add3A_196 : i32 to index
        %swap3A_229 = arith.constant 32 : index
        %swap3A_230 = tpu.vector_load %arg9[%swap3A_228, %swap3A_229] {strides = array<i32>} : memref<128x128xf32, #tpu.memory_space<vmem>>, vector<1x16xf32>,
        %swap3A_231 = vector.shape_cast %swap3A_230 : vector<1x16xf32> to vector<16xf32>
        %swap3A_232 = vector.shape_cast %mul3A_227 : vector<16xf32> to vector<1x16xf32>
        tpu.vector_store %arg9[%swap3A_228, %swap3A_229], %swap3A_232 {strides = array<i32>} : memref<128x128xf32, #tpu.memory_space<vmem>>, vector<1x16xf32>,
        %slice3A_233 = vector.extract_strided_slice %get3A_112 {offsets = [3], sizes = [1], strides = [1]} : vector<16xf32> to vector<1xf32>
        %squeeze3A_234 = vector.extract %slice3A_233[0] : f32 from vector<1xf32>
        %mul3A_235 = arith.constant 16 : i32
        %mul3A_236 = arith.muli %scan3A_107, %mul3A_235 : i32
        %add3A_237 = arith.constant 3 : i32
        %add3A_238 = arith.addi %mul3A_236, %add3A_237 : i32
        %get3A_239 = arith.index_cast %add3A_238 : i32 to index
        %get3A_240 = arith.constant 0 : index
        %get3A_241 = tpu.vector_load %arg9[%get3A_239, %get3A_240] {strides = array<i32>} : memref<128x128xf32, #tpu.memory_space<vmem>>, vector<1x16xf32>,
        %get3A_242 = vector.shape_cast %get3A_241 : vector<1x16xf32> to vector<16xf32>
        %mul3A_243 = vector.broadcast %squeeze3A_234 : f32 to vector<16xf32>
        %mul3A_244 = arith.mulf %get3A_242, %mul3A_243 : vector<16xf32>
        %swap3A_245 = arith.index_cast %add3A_238 : i32 to index
        %swap3A_246 = arith.constant 0 : index
        %swap3A_247 = tpu.vector_load %arg9[%swap3A_245, %swap3A_246] {strides = array<i32>} : memref<128x128xf32, #tpu.memory_space<vmem>>, vector<1x16xf32>,
        %swap3A_248 = vector.shape_cast %swap3A_247 : vector<1x16xf32> to vector<16xf32>
        %swap3A_249 = vector.shape_cast %mul3A_244 : vector<16xf32> to vector<1x16xf32>
        tpu.vector_store %arg9[%swap3A_245, %swap3A_246], %swap3A_249 {strides = array<i32>} : memref<128x128xf32, #tpu.memory_space<vmem>>, vector<1x16xf32>,
        %get3A_250 = arith.index_cast %add3A_238 : i32 to index
        %get3A_251 = arith.constant 16 : index
        %get3A_252 = tpu.vector_load %arg9[%get3A_250, %get3A_251] {strides = array<i32>} : memref<128x128xf32, #tpu.memory_space<vmem>>, vector<1x16xf32>,
        %get3A_253 = vector.shape_cast %get3A_252 : vector<1x16xf32> to vector<16xf32>
        %mul3A_254 = vector.broadcast %squeeze3A_234 : f32 to vector<16xf32>
        %mul3A_255 = arith.mulf %get3A_253, %mul3A_254 : vector<16xf32>
        %swap3A_256 = arith.index_cast %add3A_238 : i32 to index
        %swap3A_257 = arith.constant 16 : index
        %swap3A_258 = tpu.vector_load %arg9[%swap3A_256, %swap3A_257] {strides = array<i32>} : memref<128x128xf32, #tpu.memory_space<vmem>>, vector<1x16xf32>,
        %swap3A_259 = vector.shape_cast %swap3A_258 : vector<1x16xf32> to vector<16xf32>
        %swap3A_260 = vector.shape_cast %mul3A_255 : vector<16xf32> to vector<1x16xf32>
        tpu.vector_store %arg9[%swap3A_256, %swap3A_257], %swap3A_260 {strides = array<i32>} : memref<128x128xf32, #tpu.memory_space<vmem>>, vector<1x16xf32>,
        %jit3A_261 = arith.constant 1.000000e+00 : f32
        %broadcast_in_dim3A_262 = vector.broadcast %jit3A_261 : f32 to vector<16xf32>
        %broadcast_in_dim3A_263 = vector.broadcast %squeeze3A_234 : f32 to vector<16xf32>
        %select_n3A_264 = arith.select %eq3A_16, %broadcast_in_dim3A_262, %broadcast_in_dim3A_263 : vector<16xi1>, vector<16xf32>
        %get3A_265 = arith.index_cast %add3A_238 : i32 to index
        %get3A_266 = arith.constant 32 : index
        %get3A_267 = tpu.vector_load %arg9[%get3A_265, %get3A_266] {strides = array<i32>} : memref<128x128xf32, #tpu.memory_space<vmem>>, vector<1x16xf32>,
        %get3A_268 = vector.shape_cast %get3A_267 : vector<1x16xf32> to vector<16xf32>
        %mul3A_269 = arith.mulf %get3A_268, %select_n3A_264 : vector<16xf32>
        %swap3A_270 = arith.index_cast %add3A_238 : i32 to index
        %swap3A_271 = arith.constant 32 : index
        %swap3A_272 = tpu.vector_load %arg9[%swap3A_270, %swap3A_271] {strides = array<i32>} : memref<128x128xf32, #tpu.memory_space<vmem>>, vector<1x16xf32>,
        %swap3A_273 = vector.shape_cast %swap3A_272 : vector<1x16xf32> to vector<16xf32>
        %swap3A_274 = vector.shape_cast %mul3A_269 : vector<16xf32> to vector<1x16xf32>
        tpu.vector_store %arg9[%swap3A_270, %swap3A_271], %swap3A_274 {strides = array<i32>} : memref<128x128xf32, #tpu.memory_space<vmem>>, vector<1x16xf32>,
        %slice3A_275 = vector.extract_strided_slice %get3A_112 {offsets = [4], sizes = [1], strides = [1]} : vector<16xf32> to vector<1xf32>
        %squeeze3A_276 = vector.extract %slice3A_275[0] : f32 from vector<1xf32>
        %mul3A_277 = arith.constant 16 : i32
        %mul3A_278 = arith.muli %scan3A_107, %mul3A_277 : i32
        %add3A_279 = arith.constant 4 : i32
        %add3A_280 = arith.addi %mul3A_278, %add3A_279 : i32
        %get3A_281 = arith.index_cast %add3A_280 : i32 to index
        %get3A_282 = arith.constant 0 : index
        %get3A_283 = tpu.vector_load %arg9[%get3A_281, %get3A_282] {strides = array<i32>} : memref<128x128xf32, #tpu.memory_space<vmem>>, vector<1x16xf32>,
        %get3A_284 = vector.shape_cast %get3A_283 : vector<1x16xf32> to vector<16xf32>
        %mul3A_285 = vector.broadcast %squeeze3A_276 : f32 to vector<16xf32>
        %mul3A_286 = arith.mulf %get3A_284, %mul3A_285 : vector<16xf32>
        %swap3A_287 = arith.index_cast %add3A_280 : i32 to index
        %swap3A_288 = arith.constant 0 : index
        %swap3A_289 = tpu.vector_load %arg9[%swap3A_287, %swap3A_288] {strides = array<i32>} : memref<128x128xf32, #tpu.memory_space<vmem>>, vector<1x16xf32>,
        %swap3A_290 = vector.shape_cast %swap3A_289 : vector<1x16xf32> to vector<16xf32>
        %swap3A_291 = vector.shape_cast %mul3A_286 : vector<16xf32> to vector<1x16xf32>
        tpu.vector_store %arg9[%swap3A_287, %swap3A_288], %swap3A_291 {strides = array<i32>} : memref<128x128xf32, #tpu.memory_space<vmem>>, vector<1x16xf32>,
        %get3A_292 = arith.index_cast %add3A_280 : i32 to index
        %get3A_293 = arith.constant 16 : index
        %get3A_294 = tpu.vector_load %arg9[%get3A_292, %get3A_293] {strides = array<i32>} : memref<128x128xf32, #tpu.memory_space<vmem>>, vector<1x16xf32>,
        %get3A_295 = vector.shape_cast %get3A_294 : vector<1x16xf32> to vector<16xf32>
        %mul3A_296 = vector.broadcast %squeeze3A_276 : f32 to vector<16xf32>
        %mul3A_297 = arith.mulf %get3A_295, %mul3A_296 : vector<16xf32>
        %swap3A_298 = arith.index_cast %add3A_280 : i32 to index
        %swap3A_299 = arith.constant 16 : index
        %swap3A_300 = tpu.vector_load %arg9[%swap3A_298, %swap3A_299] {strides = array<i32>} : memref<128x128xf32, #tpu.memory_space<vmem>>, vector<1x16xf32>,
        %swap3A_301 = vector.shape_cast %swap3A_300 : vector<1x16xf32> to vector<16xf32>
        %swap3A_302 = vector.shape_cast %mul3A_297 : vector<16xf32> to vector<1x16xf32>
        tpu.vector_store %arg9[%swap3A_298, %swap3A_299], %swap3A_302 {strides = array<i32>} : memref<128x128xf32, #tpu.memory_space<vmem>>, vector<1x16xf32>,
        %jit3A_303 = arith.constant 1.000000e+00 : f32
        %broadcast_in_dim3A_304 = vector.broadcast %jit3A_303 : f32 to vector<16xf32>
        %broadcast_in_dim3A_305 = vector.broadcast %squeeze3A_276 : f32 to vector<16xf32>
        %select_n3A_306 = arith.select %eq3A_16, %broadcast_in_dim3A_304, %broadcast_in_dim3A_305 : vector<16xi1>, vector<16xf32>
        %get3A_307 = arith.index_cast %add3A_280 : i32 to index
        %get3A_308 = arith.constant 32 : index
        %get3A_309 = tpu.vector_load %arg9[%get3A_307, %get3A_308] {strides = array<i32>} : memref<128x128xf32, #tpu.memory_space<vmem>>, vector<1x16xf32>,
        %get3A_310 = vector.shape_cast %get3A_309 : vector<1x16xf32> to vector<16xf32>
        %mul3A_311 = arith.mulf %get3A_310, %select_n3A_306 : vector<16xf32>
        %swap3A_312 = arith.index_cast %add3A_280 : i32 to index
        %swap3A_313 = arith.constant 32 : index
        %swap3A_314 = tpu.vector_load %arg9[%swap3A_312, %swap3A_313] {strides = array<i32>} : memref<128x128xf32, #tpu.memory_space<vmem>>, vector<1x16xf32>,
        %swap3A_315 = vector.shape_cast %swap3A_314 : vector<1x16xf32> to vector<16xf32>
        %swap3A_316 = vector.shape_cast %mul3A_311 : vector<16xf32> to vector<1x16xf32>
        tpu.vector_store %arg9[%swap3A_312, %swap3A_313], %swap3A_316 {strides = array<i32>} : memref<128x128xf32, #tpu.memory_space<vmem>>, vector<1x16xf32>,
        %slice3A_317 = vector.extract_strided_slice %get3A_112 {offsets = [5], sizes = [1], strides = [1]} : vector<16xf32> to vector<1xf32>
        %squeeze3A_318 = vector.extract %slice3A_317[0] : f32 from vector<1xf32>
        %mul3A_319 = arith.constant 16 : i32
        %mul3A_320 = arith.muli %scan3A_107, %mul3A_319 : i32
        %add3A_321 = arith.constant 5 : i32
        %add3A_322 = arith.addi %mul3A_320, %add3A_321 : i32
        %get3A_323 = arith.index_cast %add3A_322 : i32 to index
        %get3A_324 = arith.constant 0 : index
        %get3A_325 = tpu.vector_load %arg9[%get3A_323, %get3A_324] {strides = array<i32>} : memref<128x128xf32, #tpu.memory_space<vmem>>, vector<1x16xf32>,
        %get3A_326 = vector.shape_cast %get3A_325 : vector<1x16xf32> to vector<16xf32>
        %mul3A_327 = vector.broadcast %squeeze3A_318 : f32 to vector<16xf32>
        %mul3A_328 = arith.mulf %get3A_326, %mul3A_327 : vector<16xf32>
        %swap3A_329 = arith.index_cast %add3A_322 : i32 to index
        %swap3A_330 = arith.constant 0 : index
        %swap3A_331 = tpu.vector_load %arg9[%swap3A_329, %swap3A_330] {strides = array<i32>} : memref<128x128xf32, #tpu.memory_space<vmem>>, vector<1x16xf32>,
        %swap3A_332 = vector.shape_cast %swap3A_331 : vector<1x16xf32> to vector<16xf32>
        %swap3A_333 = vector.shape_cast %mul3A_328 : vector<16xf32> to vector<1x16xf32>
        tpu.vector_store %arg9[%swap3A_329, %swap3A_330], %swap3A_333 {strides = array<i32>} : memref<128x128xf32, #tpu.memory_space<vmem>>, vector<1x16xf32>,
        %get3A_334 = arith.index_cast %add3A_322 : i32 to index
        %get3A_335 = arith.constant 16 : index
        %get3A_336 = tpu.vector_load %arg9[%get3A_334, %get3A_335] {strides = array<i32>} : memref<128x128xf32, #tpu.memory_space<vmem>>, vector<1x16xf32>,
        %get3A_337 = vector.shape_cast %get3A_336 : vector<1x16xf32> to vector<16xf32>
        %mul3A_338 = vector.broadcast %squeeze3A_318 : f32 to vector<16xf32>
        %mul3A_339 = arith.mulf %get3A_337, %mul3A_338 : vector<16xf32>
        %swap3A_340 = arith.index_cast %add3A_322 : i32 to index
        %swap3A_341 = arith.constant 16 : index
        %swap3A_342 = tpu.vector_load %arg9[%swap3A_340, %swap3A_341] {strides = array<i32>} : memref<128x128xf32, #tpu.memory_space<vmem>>, vector<1x16xf32>,
        %swap3A_343 = vector.shape_cast %swap3A_342 : vector<1x16xf32> to vector<16xf32>
        %swap3A_344 = vector.shape_cast %mul3A_339 : vector<16xf32> to vector<1x16xf32>
        tpu.vector_store %arg9[%swap3A_340, %swap3A_341], %swap3A_344 {strides = array<i32>} : memref<128x128xf32, #tpu.memory_space<vmem>>, vector<1x16xf32>,
        %jit3A_345 = arith.constant 1.000000e+00 : f32
        %broadcast_in_dim3A_346 = vector.broadcast %jit3A_345 : f32 to vector<16xf32>
        %broadcast_in_dim3A_347 = vector.broadcast %squeeze3A_318 : f32 to vector<16xf32>
        %select_n3A_348 = arith.select %eq3A_16, %broadcast_in_dim3A_346, %broadcast_in_dim3A_347 : vector<16xi1>, vector<16xf32>
        %get3A_349 = arith.index_cast %add3A_322 : i32 to index
        %get3A_350 = arith.constant 32 : index
        %get3A_351 = tpu.vector_load %arg9[%get3A_349, %get3A_350] {strides = array<i32>} : memref<128x128xf32, #tpu.memory_space<vmem>>, vector<1x16xf32>,
        %get3A_352 = vector.shape_cast %get3A_351 : vector<1x16xf32> to vector<16xf32>
        %mul3A_353 = arith.mulf %get3A_352, %select_n3A_348 : vector<16xf32>
        %swap3A_354 = arith.index_cast %add3A_322 : i32 to index
        %swap3A_355 = arith.constant 32 : index
        %swap3A_356 = tpu.vector_load %arg9[%swap3A_354, %swap3A_355] {strides = array<i32>} : memref<128x128xf32, #tpu.memory_space<vmem>>, vector<1x16xf32>,
        %swap3A_357 = vector.shape_cast %swap3A_356 : vector<1x16xf32> to vector<16xf32>
        %swap3A_358 = vector.shape_cast %mul3A_353 : vector<16xf32> to vector<1x16xf32>
        tpu.vector_store %arg9[%swap3A_354, %swap3A_355], %swap3A_358 {strides = array<i32>} : memref<128x128xf32, #tpu.memory_space<vmem>>, vector<1x16xf32>,
        %slice3A_359 = vector.extract_strided_slice %get3A_112 {offsets = [6], sizes = [1], strides = [1]} : vector<16xf32> to vector<1xf32>
        %squeeze3A_360 = vector.extract %slice3A_359[0] : f32 from vector<1xf32>
        %mul3A_361 = arith.constant 16 : i32
        %mul3A_362 = arith.muli %scan3A_107, %mul3A_361 : i32
        %add3A_363 = arith.constant 6 : i32
        %add3A_364 = arith.addi %mul3A_362, %add3A_363 : i32
        %get3A_365 = arith.index_cast %add3A_364 : i32 to index
        %get3A_366 = arith.constant 0 : index
        %get3A_367 = tpu.vector_load %arg9[%get3A_365, %get3A_366] {strides = array<i32>} : memref<128x128xf32, #tpu.memory_space<vmem>>, vector<1x16xf32>,
        %get3A_368 = vector.shape_cast %get3A_367 : vector<1x16xf32> to vector<16xf32>
        %mul3A_369 = vector.broadcast %squeeze3A_360 : f32 to vector<16xf32>
        %mul3A_370 = arith.mulf %get3A_368, %mul3A_369 : vector<16xf32>
        %swap3A_371 = arith.index_cast %add3A_364 : i32 to index
        %swap3A_372 = arith.constant 0 : index
        %swap3A_373 = tpu.vector_load %arg9[%swap3A_371, %swap3A_372] {strides = array<i32>} : memref<128x128xf32, #tpu.memory_space<vmem>>, vector<1x16xf32>,
        %swap3A_374 = vector.shape_cast %swap3A_373 : vector<1x16xf32> to vector<16xf32>
        %swap3A_375 = vector.shape_cast %mul3A_370 : vector<16xf32> to vector<1x16xf32>
        tpu.vector_store %arg9[%swap3A_371, %swap3A_372], %swap3A_375 {strides = array<i32>} : memref<128x128xf32, #tpu.memory_space<vmem>>, vector<1x16xf32>,
        %get3A_376 = arith.index_cast %add3A_364 : i32 to index
        %get3A_377 = arith.constant 16 : index
        %get3A_378 = tpu.vector_load %arg9[%get3A_376, %get3A_377] {strides = array<i32>} : memref<128x128xf32, #tpu.memory_space<vmem>>, vector<1x16xf32>,
        %get3A_379 = vector.shape_cast %get3A_378 : vector<1x16xf32> to vector<16xf32>
        %mul3A_380 = vector.broadcast %squeeze3A_360 : f32 to vector<16xf32>
        %mul3A_381 = arith.mulf %get3A_379, %mul3A_380 : vector<16xf32>
        %swap3A_382 = arith.index_cast %add3A_364 : i32 to index
        %swap3A_383 = arith.constant 16 : index
        %swap3A_384 = tpu.vector_load %arg9[%swap3A_382, %swap3A_383] {strides = array<i32>} : memref<128x128xf32, #tpu.memory_space<vmem>>, vector<1x16xf32>,
        %swap3A_385 = vector.shape_cast %swap3A_384 : vector<1x16xf32> to vector<16xf32>
        %swap3A_386 = vector.shape_cast %mul3A_381 : vector<16xf32> to vector<1x16xf32>
        tpu.vector_store %arg9[%swap3A_382, %swap3A_383], %swap3A_386 {strides = array<i32>} : memref<128x128xf32, #tpu.memory_space<vmem>>, vector<1x16xf32>,
        %jit3A_387 = arith.constant 1.000000e+00 : f32
        %broadcast_in_dim3A_388 = vector.broadcast %jit3A_387 : f32 to vector<16xf32>
        %broadcast_in_dim3A_389 = vector.broadcast %squeeze3A_360 : f32 to vector<16xf32>
        %select_n3A_390 = arith.select %eq3A_16, %broadcast_in_dim3A_388, %broadcast_in_dim3A_389 : vector<16xi1>, vector<16xf32>
        %get3A_391 = arith.index_cast %add3A_364 : i32 to index
        %get3A_392 = arith.constant 32 : index
        %get3A_393 = tpu.vector_load %arg9[%get3A_391, %get3A_392] {strides = array<i32>} : memref<128x128xf32, #tpu.memory_space<vmem>>, vector<1x16xf32>,
        %get3A_394 = vector.shape_cast %get3A_393 : vector<1x16xf32> to vector<16xf32>
        %mul3A_395 = arith.mulf %get3A_394, %select_n3A_390 : vector<16xf32>
        %swap3A_396 = arith.index_cast %add3A_364 : i32 to index
        %swap3A_397 = arith.constant 32 : index
        %swap3A_398 = tpu.vector_load %arg9[%swap3A_396, %swap3A_397] {strides = array<i32>} : memref<128x128xf32, #tpu.memory_space<vmem>>, vector<1x16xf32>,
        %swap3A_399 = vector.shape_cast %swap3A_398 : vector<1x16xf32> to vector<16xf32>
        %swap3A_400 = vector.shape_cast %mul3A_395 : vector<16xf32> to vector<1x16xf32>
        tpu.vector_store %arg9[%swap3A_396, %swap3A_397], %swap3A_400 {strides = array<i32>} : memref<128x128xf32, #tpu.memory_space<vmem>>, vector<1x16xf32>,
        %slice3A_401 = vector.extract_strided_slice %get3A_112 {offsets = [7], sizes = [1], strides = [1]} : vector<16xf32> to vector<1xf32>
        %squeeze3A_402 = vector.extract %slice3A_401[0] : f32 from vector<1xf32>
        %mul3A_403 = arith.constant 16 : i32
        %mul3A_404 = arith.muli %scan3A_107, %mul3A_403 : i32
        %add3A_405 = arith.constant 7 : i32
        %add3A_406 = arith.addi %mul3A_404, %add3A_405 : i32
        %get3A_407 = arith.index_cast %add3A_406 : i32 to index
        %get3A_408 = arith.constant 0 : index
        %get3A_409 = tpu.vector_load %arg9[%get3A_407, %get3A_408] {strides = array<i32>} : memref<128x128xf32, #tpu.memory_space<vmem>>, vector<1x16xf32>,
        %get3A_410 = vector.shape_cast %get3A_409 : vector<1x16xf32> to vector<16xf32>
        %mul3A_411 = vector.broadcast %squeeze3A_402 : f32 to vector<16xf32>
        %mul3A_412 = arith.mulf %get3A_410, %mul3A_411 : vector<16xf32>
        %swap3A_413 = arith.index_cast %add3A_406 : i32 to index
        %swap3A_414 = arith.constant 0 : index
        %swap3A_415 = tpu.vector_load %arg9[%swap3A_413, %swap3A_414] {strides = array<i32>} : memref<128x128xf32, #tpu.memory_space<vmem>>, vector<1x16xf32>,
        %swap3A_416 = vector.shape_cast %swap3A_415 : vector<1x16xf32> to vector<16xf32>
        %swap3A_417 = vector.shape_cast %mul3A_412 : vector<16xf32> to vector<1x16xf32>
        tpu.vector_store %arg9[%swap3A_413, %swap3A_414], %swap3A_417 {strides = array<i32>} : memref<128x128xf32, #tpu.memory_space<vmem>>, vector<1x16xf32>,
        %get3A_418 = arith.index_cast %add3A_406 : i32 to index
        %get3A_419 = arith.constant 16 : index
        %get3A_420 = tpu.vector_load %arg9[%get3A_418, %get3A_419] {strides = array<i32>} : memref<128x128xf32, #tpu.memory_space<vmem>>, vector<1x16xf32>,
        %get3A_421 = vector.shape_cast %get3A_420 : vector<1x16xf32> to vector<16xf32>
        %mul3A_422 = vector.broadcast %squeeze3A_402 : f32 to vector<16xf32>
        %mul3A_423 = arith.mulf %get3A_421, %mul3A_422 : vector<16xf32>
        %swap3A_424 = arith.index_cast %add3A_406 : i32 to index
        %swap3A_425 = arith.constant 16 : index
        %swap3A_426 = tpu.vector_load %arg9[%swap3A_424, %swap3A_425] {strides = array<i32>} : memref<128x128xf32, #tpu.memory_space<vmem>>, vector<1x16xf32>,
        %swap3A_427 = vector.shape_cast %swap3A_426 : vector<1x16xf32> to vector<16xf32>
        %swap3A_428 = vector.shape_cast %mul3A_423 : vector<16xf32> to vector<1x16xf32>
        tpu.vector_store %arg9[%swap3A_424, %swap3A_425], %swap3A_428 {strides = array<i32>} : memref<128x128xf32, #tpu.memory_space<vmem>>, vector<1x16xf32>,
        %jit3A_429 = arith.constant 1.000000e+00 : f32
        %broadcast_in_dim3A_430 = vector.broadcast %jit3A_429 : f32 to vector<16xf32>
        %broadcast_in_dim3A_431 = vector.broadcast %squeeze3A_402 : f32 to vector<16xf32>
        %select_n3A_432 = arith.select %eq3A_16, %broadcast_in_dim3A_430, %broadcast_in_dim3A_431 : vector<16xi1>, vector<16xf32>
        %get3A_433 = arith.index_cast %add3A_406 : i32 to index
        %get3A_434 = arith.constant 32 : index
        %get3A_435 = tpu.vector_load %arg9[%get3A_433, %get3A_434] {strides = array<i32>} : memref<128x128xf32, #tpu.memory_space<vmem>>, vector<1x16xf32>,
        %get3A_436 = vector.shape_cast %get3A_435 : vector<1x16xf32> to vector<16xf32>
        %mul3A_437 = arith.mulf %get3A_436, %select_n3A_432 : vector<16xf32>
        %swap3A_438 = arith.index_cast %add3A_406 : i32 to index
        %swap3A_439 = arith.constant 32 : index
        %swap3A_440 = tpu.vector_load %arg9[%swap3A_438, %swap3A_439] {strides = array<i32>} : memref<128x128xf32, #tpu.memory_space<vmem>>, vector<1x16xf32>,
        %swap3A_441 = vector.shape_cast %swap3A_440 : vector<1x16xf32> to vector<16xf32>
        %swap3A_442 = vector.shape_cast %mul3A_437 : vector<16xf32> to vector<1x16xf32>
        tpu.vector_store %arg9[%swap3A_438, %swap3A_439], %swap3A_442 {strides = array<i32>} : memref<128x128xf32, #tpu.memory_space<vmem>>, vector<1x16xf32>,
        %slice3A_443 = vector.extract_strided_slice %get3A_112 {offsets = [8], sizes = [1], strides = [1]} : vector<16xf32> to vector<1xf32>
        %squeeze3A_444 = vector.extract %slice3A_443[0] : f32 from vector<1xf32>
        %mul3A_445 = arith.constant 16 : i32
        %mul3A_446 = arith.muli %scan3A_107, %mul3A_445 : i32
        %add3A_447 = arith.constant 8 : i32
        %add3A_448 = arith.addi %mul3A_446, %add3A_447 : i32
        %get3A_449 = arith.index_cast %add3A_448 : i32 to index
        %get3A_450 = arith.constant 0 : index
        %get3A_451 = tpu.vector_load %arg9[%get3A_449, %get3A_450] {strides = array<i32>} : memref<128x128xf32, #tpu.memory_space<vmem>>, vector<1x16xf32>,
        %get3A_452 = vector.shape_cast %get3A_451 : vector<1x16xf32> to vector<16xf32>
        %mul3A_453 = vector.broadcast %squeeze3A_444 : f32 to vector<16xf32>
        %mul3A_454 = arith.mulf %get3A_452, %mul3A_453 : vector<16xf32>
        %swap3A_455 = arith.index_cast %add3A_448 : i32 to index
        %swap3A_456 = arith.constant 0 : index
        %swap3A_457 = tpu.vector_load %arg9[%swap3A_455, %swap3A_456] {strides = array<i32>} : memref<128x128xf32, #tpu.memory_space<vmem>>, vector<1x16xf32>,
        %swap3A_458 = vector.shape_cast %swap3A_457 : vector<1x16xf32> to vector<16xf32>
        %swap3A_459 = vector.shape_cast %mul3A_454 : vector<16xf32> to vector<1x16xf32>
        tpu.vector_store %arg9[%swap3A_455, %swap3A_456], %swap3A_459 {strides = array<i32>} : memref<128x128xf32, #tpu.memory_space<vmem>>, vector<1x16xf32>,
        %get3A_460 = arith.index_cast %add3A_448 : i32 to index
        %get3A_461 = arith.constant 16 : index
        %get3A_462 = tpu.vector_load %arg9[%get3A_460, %get3A_461] {strides = array<i32>} : memref<128x128xf32, #tpu.memory_space<vmem>>, vector<1x16xf32>,
        %get3A_463 = vector.shape_cast %get3A_462 : vector<1x16xf32> to vector<16xf32>
        %mul3A_464 = vector.broadcast %squeeze3A_444 : f32 to vector<16xf32>
        %mul3A_465 = arith.mulf %get3A_463, %mul3A_464 : vector<16xf32>
        %swap3A_466 = arith.index_cast %add3A_448 : i32 to index
        %swap3A_467 = arith.constant 16 : index
        %swap3A_468 = tpu.vector_load %arg9[%swap3A_466, %swap3A_467] {strides = array<i32>} : memref<128x128xf32, #tpu.memory_space<vmem>>, vector<1x16xf32>,
        %swap3A_469 = vector.shape_cast %swap3A_468 : vector<1x16xf32> to vector<16xf32>
        %swap3A_470 = vector.shape_cast %mul3A_465 : vector<16xf32> to vector<1x16xf32>
        tpu.vector_store %arg9[%swap3A_466, %swap3A_467], %swap3A_470 {strides = array<i32>} : memref<128x128xf32, #tpu.memory_space<vmem>>, vector<1x16xf32>,
        %jit3A_471 = arith.constant 1.000000e+00 : f32
        %broadcast_in_dim3A_472 = vector.broadcast %jit3A_471 : f32 to vector<16xf32>
        %broadcast_in_dim3A_473 = vector.broadcast %squeeze3A_444 : f32 to vector<16xf32>
        %select_n3A_474 = arith.select %eq3A_16, %broadcast_in_dim3A_472, %broadcast_in_dim3A_473 : vector<16xi1>, vector<16xf32>
        %get3A_475 = arith.index_cast %add3A_448 : i32 to index
        %get3A_476 = arith.constant 32 : index
        %get3A_477 = tpu.vector_load %arg9[%get3A_475, %get3A_476] {strides = array<i32>} : memref<128x128xf32, #tpu.memory_space<vmem>>, vector<1x16xf32>,
        %get3A_478 = vector.shape_cast %get3A_477 : vector<1x16xf32> to vector<16xf32>
        %mul3A_479 = arith.mulf %get3A_478, %select_n3A_474 : vector<16xf32>
        %swap3A_480 = arith.index_cast %add3A_448 : i32 to index
        %swap3A_481 = arith.constant 32 : index
        %swap3A_482 = tpu.vector_load %arg9[%swap3A_480, %swap3A_481] {strides = array<i32>} : memref<128x128xf32, #tpu.memory_space<vmem>>, vector<1x16xf32>,
        %swap3A_483 = vector.shape_cast %swap3A_482 : vector<1x16xf32> to vector<16xf32>
        %swap3A_484 = vector.shape_cast %mul3A_479 : vector<16xf32> to vector<1x16xf32>
        tpu.vector_store %arg9[%swap3A_480, %swap3A_481], %swap3A_484 {strides = array<i32>} : memref<128x128xf32, #tpu.memory_space<vmem>>, vector<1x16xf32>,
        %slice3A_485 = vector.extract_strided_slice %get3A_112 {offsets = [9], sizes = [1], strides = [1]} : vector<16xf32> to vector<1xf32>
        %squeeze3A_486 = vector.extract %slice3A_485[0] : f32 from vector<1xf32>
        %mul3A_487 = arith.constant 16 : i32
        %mul3A_488 = arith.muli %scan3A_107, %mul3A_487 : i32
        %add3A_489 = arith.constant 9 : i32
        %add3A_490 = arith.addi %mul3A_488, %add3A_489 : i32
        %get3A_491 = arith.index_cast %add3A_490 : i32 to index
        %get3A_492 = arith.constant 0 : index
        %get3A_493 = tpu.vector_load %arg9[%get3A_491, %get3A_492] {strides = array<i32>} : memref<128x128xf32, #tpu.memory_space<vmem>>, vector<1x16xf32>,
        %get3A_494 = vector.shape_cast %get3A_493 : vector<1x16xf32> to vector<16xf32>
        %mul3A_495 = vector.broadcast %squeeze3A_486 : f32 to vector<16xf32>
        %mul3A_496 = arith.mulf %get3A_494, %mul3A_495 : vector<16xf32>
        %swap3A_497 = arith.index_cast %add3A_490 : i32 to index
        %swap3A_498 = arith.constant 0 : index
        %swap3A_499 = tpu.vector_load %arg9[%swap3A_497, %swap3A_498] {strides = array<i32>} : memref<128x128xf32, #tpu.memory_space<vmem>>, vector<1x16xf32>,
        %swap3A_500 = vector.shape_cast %swap3A_499 : vector<1x16xf32> to vector<16xf32>
        %swap3A_501 = vector.shape_cast %mul3A_496 : vector<16xf32> to vector<1x16xf32>
        tpu.vector_store %arg9[%swap3A_497, %swap3A_498], %swap3A_501 {strides = array<i32>} : memref<128x128xf32, #tpu.memory_space<vmem>>, vector<1x16xf32>,
        %get3A_502 = arith.index_cast %add3A_490 : i32 to index
        %get3A_503 = arith.constant 16 : index
        %get3A_504 = tpu.vector_load %arg9[%get3A_502, %get3A_503] {strides = array<i32>} : memref<128x128xf32, #tpu.memory_space<vmem>>, vector<1x16xf32>,
        %get3A_505 = vector.shape_cast %get3A_504 : vector<1x16xf32> to vector<16xf32>
        %mul3A_506 = vector.broadcast %squeeze3A_486 : f32 to vector<16xf32>
        %mul3A_507 = arith.mulf %get3A_505, %mul3A_506 : vector<16xf32>
        %swap3A_508 = arith.index_cast %add3A_490 : i32 to index
        %swap3A_509 = arith.constant 16 : index
        %swap3A_510 = tpu.vector_load %arg9[%swap3A_508, %swap3A_509] {strides = array<i32>} : memref<128x128xf32, #tpu.memory_space<vmem>>, vector<1x16xf32>,
        %swap3A_511 = vector.shape_cast %swap3A_510 : vector<1x16xf32> to vector<16xf32>
        %swap3A_512 = vector.shape_cast %mul3A_507 : vector<16xf32> to vector<1x16xf32>
        tpu.vector_store %arg9[%swap3A_508, %swap3A_509], %swap3A_512 {strides = array<i32>} : memref<128x128xf32, #tpu.memory_space<vmem>>, vector<1x16xf32>,
        %jit3A_513 = arith.constant 1.000000e+00 : f32
        %broadcast_in_dim3A_514 = vector.broadcast %jit3A_513 : f32 to vector<16xf32>
        %broadcast_in_dim3A_515 = vector.broadcast %squeeze3A_486 : f32 to vector<16xf32>
        %select_n3A_516 = arith.select %eq3A_16, %broadcast_in_dim3A_514, %broadcast_in_dim3A_515 : vector<16xi1>, vector<16xf32>
        %get3A_517 = arith.index_cast %add3A_490 : i32 to index
        %get3A_518 = arith.constant 32 : index
        %get3A_519 = tpu.vector_load %arg9[%get3A_517, %get3A_518] {strides = array<i32>} : memref<128x128xf32, #tpu.memory_space<vmem>>, vector<1x16xf32>,
        %get3A_520 = vector.shape_cast %get3A_519 : vector<1x16xf32> to vector<16xf32>
        %mul3A_521 = arith.mulf %get3A_520, %select_n3A_516 : vector<16xf32>
        %swap3A_522 = arith.index_cast %add3A_490 : i32 to index
        %swap3A_523 = arith.constant 32 : index
        %swap3A_524 = tpu.vector_load %arg9[%swap3A_522, %swap3A_523] {strides = array<i32>} : memref<128x128xf32, #tpu.memory_space<vmem>>, vector<1x16xf32>,
        %swap3A_525 = vector.shape_cast %swap3A_524 : vector<1x16xf32> to vector<16xf32>
        %swap3A_526 = vector.shape_cast %mul3A_521 : vector<16xf32> to vector<1x16xf32>
        tpu.vector_store %arg9[%swap3A_522, %swap3A_523], %swap3A_526 {strides = array<i32>} : memref<128x128xf32, #tpu.memory_space<vmem>>, vector<1x16xf32>,
        %slice3A_527 = vector.extract_strided_slice %get3A_112 {offsets = [10], sizes = [1], strides = [1]} : vector<16xf32> to vector<1xf32>
        %squeeze3A_528 = vector.extract %slice3A_527[0] : f32 from vector<1xf32>
        %mul3A_529 = arith.constant 16 : i32
        %mul3A_530 = arith.muli %scan3A_107, %mul3A_529 : i32
        %add3A_531 = arith.constant 10 : i32
        %add3A_532 = arith.addi %mul3A_530, %add3A_531 : i32
        %get3A_533 = arith.index_cast %add3A_532 : i32 to index
        %get3A_534 = arith.constant 0 : index
        %get3A_535 = tpu.vector_load %arg9[%get3A_533, %get3A_534] {strides = array<i32>} : memref<128x128xf32, #tpu.memory_space<vmem>>, vector<1x16xf32>,
        %get3A_536 = vector.shape_cast %get3A_535 : vector<1x16xf32> to vector<16xf32>
        %mul3A_537 = vector.broadcast %squeeze3A_528 : f32 to vector<16xf32>
        %mul3A_538 = arith.mulf %get3A_536, %mul3A_537 : vector<16xf32>
        %swap3A_539 = arith.index_cast %add3A_532 : i32 to index
        %swap3A_540 = arith.constant 0 : index
        %swap3A_541 = tpu.vector_load %arg9[%swap3A_539, %swap3A_540] {strides = array<i32>} : memref<128x128xf32, #tpu.memory_space<vmem>>, vector<1x16xf32>,
        %swap3A_542 = vector.shape_cast %swap3A_541 : vector<1x16xf32> to vector<16xf32>
        %swap3A_543 = vector.shape_cast %mul3A_538 : vector<16xf32> to vector<1x16xf32>
        tpu.vector_store %arg9[%swap3A_539, %swap3A_540], %swap3A_543 {strides = array<i32>} : memref<128x128xf32, #tpu.memory_space<vmem>>, vector<1x16xf32>,
        %get3A_544 = arith.index_cast %add3A_532 : i32 to index
        %get3A_545 = arith.constant 16 : index
        %get3A_546 = tpu.vector_load %arg9[%get3A_544, %get3A_545] {strides = array<i32>} : memref<128x128xf32, #tpu.memory_space<vmem>>, vector<1x16xf32>,
        %get3A_547 = vector.shape_cast %get3A_546 : vector<1x16xf32> to vector<16xf32>
        %mul3A_548 = vector.broadcast %squeeze3A_528 : f32 to vector<16xf32>
        %mul3A_549 = arith.mulf %get3A_547, %mul3A_548 : vector<16xf32>
        %swap3A_550 = arith.index_cast %add3A_532 : i32 to index
        %swap3A_551 = arith.constant 16 : index
        %swap3A_552 = tpu.vector_load %arg9[%swap3A_550, %swap3A_551] {strides = array<i32>} : memref<128x128xf32, #tpu.memory_space<vmem>>, vector<1x16xf32>,
        %swap3A_553 = vector.shape_cast %swap3A_552 : vector<1x16xf32> to vector<16xf32>
        %swap3A_554 = vector.shape_cast %mul3A_549 : vector<16xf32> to vector<1x16xf32>
        tpu.vector_store %arg9[%swap3A_550, %swap3A_551], %swap3A_554 {strides = array<i32>} : memref<128x128xf32, #tpu.memory_space<vmem>>, vector<1x16xf32>,
        %jit3A_555 = arith.constant 1.000000e+00 : f32
        %broadcast_in_dim3A_556 = vector.broadcast %jit3A_555 : f32 to vector<16xf32>
        %broadcast_in_dim3A_557 = vector.broadcast %squeeze3A_528 : f32 to vector<16xf32>
        %select_n3A_558 = arith.select %eq3A_16, %broadcast_in_dim3A_556, %broadcast_in_dim3A_557 : vector<16xi1>, vector<16xf32>
        %get3A_559 = arith.index_cast %add3A_532 : i32 to index
        %get3A_560 = arith.constant 32 : index
        %get3A_561 = tpu.vector_load %arg9[%get3A_559, %get3A_560] {strides = array<i32>} : memref<128x128xf32, #tpu.memory_space<vmem>>, vector<1x16xf32>,
        %get3A_562 = vector.shape_cast %get3A_561 : vector<1x16xf32> to vector<16xf32>
        %mul3A_563 = arith.mulf %get3A_562, %select_n3A_558 : vector<16xf32>
        %swap3A_564 = arith.index_cast %add3A_532 : i32 to index
        %swap3A_565 = arith.constant 32 : index
        %swap3A_566 = tpu.vector_load %arg9[%swap3A_564, %swap3A_565] {strides = array<i32>} : memref<128x128xf32, #tpu.memory_space<vmem>>, vector<1x16xf32>,
        %swap3A_567 = vector.shape_cast %swap3A_566 : vector<1x16xf32> to vector<16xf32>
        %swap3A_568 = vector.shape_cast %mul3A_563 : vector<16xf32> to vector<1x16xf32>
        tpu.vector_store %arg9[%swap3A_564, %swap3A_565], %swap3A_568 {strides = array<i32>} : memref<128x128xf32, #tpu.memory_space<vmem>>, vector<1x16xf32>,
        %slice3A_569 = vector.extract_strided_slice %get3A_112 {offsets = [11], sizes = [1], strides = [1]} : vector<16xf32> to vector<1xf32>
        %squeeze3A_570 = vector.extract %slice3A_569[0] : f32 from vector<1xf32>
        %mul3A_571 = arith.constant 16 : i32
        %mul3A_572 = arith.muli %scan3A_107, %mul3A_571 : i32
        %add3A_573 = arith.constant 11 : i32
        %add3A_574 = arith.addi %mul3A_572, %add3A_573 : i32
        %get3A_575 = arith.index_cast %add3A_574 : i32 to index
        %get3A_576 = arith.constant 0 : index
        %get3A_577 = tpu.vector_load %arg9[%get3A_575, %get3A_576] {strides = array<i32>} : memref<128x128xf32, #tpu.memory_space<vmem>>, vector<1x16xf32>,
        %get3A_578 = vector.shape_cast %get3A_577 : vector<1x16xf32> to vector<16xf32>
        %mul3A_579 = vector.broadcast %squeeze3A_570 : f32 to vector<16xf32>
        %mul3A_580 = arith.mulf %get3A_578, %mul3A_579 : vector<16xf32>
        %swap3A_581 = arith.index_cast %add3A_574 : i32 to index
        %swap3A_582 = arith.constant 0 : index
        %swap3A_583 = tpu.vector_load %arg9[%swap3A_581, %swap3A_582] {strides = array<i32>} : memref<128x128xf32, #tpu.memory_space<vmem>>, vector<1x16xf32>,
        %swap3A_584 = vector.shape_cast %swap3A_583 : vector<1x16xf32> to vector<16xf32>
        %swap3A_585 = vector.shape_cast %mul3A_580 : vector<16xf32> to vector<1x16xf32>
        tpu.vector_store %arg9[%swap3A_581, %swap3A_582], %swap3A_585 {strides = array<i32>} : memref<128x128xf32, #tpu.memory_space<vmem>>, vector<1x16xf32>,
        %get3A_586 = arith.index_cast %add3A_574 : i32 to index
        %get3A_587 = arith.constant 16 : index
        %get3A_588 = tpu.vector_load %arg9[%get3A_586, %get3A_587] {strides = array<i32>} : memref<128x128xf32, #tpu.memory_space<vmem>>, vector<1x16xf32>,
        %get3A_589 = vector.shape_cast %get3A_588 : vector<1x16xf32> to vector<16xf32>
        %mul3A_590 = vector.broadcast %squeeze3A_570 : f32 to vector<16xf32>
        %mul3A_591 = arith.mulf %get3A_589, %mul3A_590 : vector<16xf32>
        %swap3A_592 = arith.index_cast %add3A_574 : i32 to index
        %swap3A_593 = arith.constant 16 : index
        %swap3A_594 = tpu.vector_load %arg9[%swap3A_592, %swap3A_593] {strides = array<i32>} : memref<128x128xf32, #tpu.memory_space<vmem>>, vector<1x16xf32>,
        %swap3A_595 = vector.shape_cast %swap3A_594 : vector<1x16xf32> to vector<16xf32>
        %swap3A_596 = vector.shape_cast %mul3A_591 : vector<16xf32> to vector<1x16xf32>
        tpu.vector_store %arg9[%swap3A_592, %swap3A_593], %swap3A_596 {strides = array<i32>} : memref<128x128xf32, #tpu.memory_space<vmem>>, vector<1x16xf32>,
        %jit3A_597 = arith.constant 1.000000e+00 : f32
        %broadcast_in_dim3A_598 = vector.broadcast %jit3A_597 : f32 to vector<16xf32>
        %broadcast_in_dim3A_599 = vector.broadcast %squeeze3A_570 : f32 to vector<16xf32>
        %select_n3A_600 = arith.select %eq3A_16, %broadcast_in_dim3A_598, %broadcast_in_dim3A_599 : vector<16xi1>, vector<16xf32>
        %get3A_601 = arith.index_cast %add3A_574 : i32 to index
        %get3A_602 = arith.constant 32 : index
        %get3A_603 = tpu.vector_load %arg9[%get3A_601, %get3A_602] {strides = array<i32>} : memref<128x128xf32, #tpu.memory_space<vmem>>, vector<1x16xf32>,
        %get3A_604 = vector.shape_cast %get3A_603 : vector<1x16xf32> to vector<16xf32>
        %mul3A_605 = arith.mulf %get3A_604, %select_n3A_600 : vector<16xf32>
        %swap3A_606 = arith.index_cast %add3A_574 : i32 to index
        %swap3A_607 = arith.constant 32 : index
        %swap3A_608 = tpu.vector_load %arg9[%swap3A_606, %swap3A_607] {strides = array<i32>} : memref<128x128xf32, #tpu.memory_space<vmem>>, vector<1x16xf32>,
        %swap3A_609 = vector.shape_cast %swap3A_608 : vector<1x16xf32> to vector<16xf32>
        %swap3A_610 = vector.shape_cast %mul3A_605 : vector<16xf32> to vector<1x16xf32>
        tpu.vector_store %arg9[%swap3A_606, %swap3A_607], %swap3A_610 {strides = array<i32>} : memref<128x128xf32, #tpu.memory_space<vmem>>, vector<1x16xf32>,
        %slice3A_611 = vector.extract_strided_slice %get3A_112 {offsets = [12], sizes = [1], strides = [1]} : vector<16xf32> to vector<1xf32>
        %squeeze3A_612 = vector.extract %slice3A_611[0] : f32 from vector<1xf32>
        %mul3A_613 = arith.constant 16 : i32
        %mul3A_614 = arith.muli %scan3A_107, %mul3A_613 : i32
        %add3A_615 = arith.constant 12 : i32
        %add3A_616 = arith.addi %mul3A_614, %add3A_615 : i32
        %get3A_617 = arith.index_cast %add3A_616 : i32 to index
        %get3A_618 = arith.constant 0 : index
        %get3A_619 = tpu.vector_load %arg9[%get3A_617, %get3A_618] {strides = array<i32>} : memref<128x128xf32, #tpu.memory_space<vmem>>, vector<1x16xf32>,
        %get3A_620 = vector.shape_cast %get3A_619 : vector<1x16xf32> to vector<16xf32>
        %mul3A_621 = vector.broadcast %squeeze3A_612 : f32 to vector<16xf32>
        %mul3A_622 = arith.mulf %get3A_620, %mul3A_621 : vector<16xf32>
        %swap3A_623 = arith.index_cast %add3A_616 : i32 to index
        %swap3A_624 = arith.constant 0 : index
        %swap3A_625 = tpu.vector_load %arg9[%swap3A_623, %swap3A_624] {strides = array<i32>} : memref<128x128xf32, #tpu.memory_space<vmem>>, vector<1x16xf32>,
        %swap3A_626 = vector.shape_cast %swap3A_625 : vector<1x16xf32> to vector<16xf32>
        %swap3A_627 = vector.shape_cast %mul3A_622 : vector<16xf32> to vector<1x16xf32>
        tpu.vector_store %arg9[%swap3A_623, %swap3A_624], %swap3A_627 {strides = array<i32>} : memref<128x128xf32, #tpu.memory_space<vmem>>, vector<1x16xf32>,
        %get3A_628 = arith.index_cast %add3A_616 : i32 to index
        %get3A_629 = arith.constant 16 : index
        %get3A_630 = tpu.vector_load %arg9[%get3A_628, %get3A_629] {strides = array<i32>} : memref<128x128xf32, #tpu.memory_space<vmem>>, vector<1x16xf32>,
        %get3A_631 = vector.shape_cast %get3A_630 : vector<1x16xf32> to vector<16xf32>
        %mul3A_632 = vector.broadcast %squeeze3A_612 : f32 to vector<16xf32>
        %mul3A_633 = arith.mulf %get3A_631, %mul3A_632 : vector<16xf32>
        %swap3A_634 = arith.index_cast %add3A_616 : i32 to index
        %swap3A_635 = arith.constant 16 : index
        %swap3A_636 = tpu.vector_load %arg9[%swap3A_634, %swap3A_635] {strides = array<i32>} : memref<128x128xf32, #tpu.memory_space<vmem>>, vector<1x16xf32>,
        %swap3A_637 = vector.shape_cast %swap3A_636 : vector<1x16xf32> to vector<16xf32>
        %swap3A_638 = vector.shape_cast %mul3A_633 : vector<16xf32> to vector<1x16xf32>
        tpu.vector_store %arg9[%swap3A_634, %swap3A_635], %swap3A_638 {strides = array<i32>} : memref<128x128xf32, #tpu.memory_space<vmem>>, vector<1x16xf32>,
        %jit3A_639 = arith.constant 1.000000e+00 : f32
        %broadcast_in_dim3A_640 = vector.broadcast %jit3A_639 : f32 to vector<16xf32>
        %broadcast_in_dim3A_641 = vector.broadcast %squeeze3A_612 : f32 to vector<16xf32>
        %select_n3A_642 = arith.select %eq3A_16, %broadcast_in_dim3A_640, %broadcast_in_dim3A_641 : vector<16xi1>, vector<16xf32>
        %get3A_643 = arith.index_cast %add3A_616 : i32 to index
        %get3A_644 = arith.constant 32 : index
        %get3A_645 = tpu.vector_load %arg9[%get3A_643, %get3A_644] {strides = array<i32>} : memref<128x128xf32, #tpu.memory_space<vmem>>, vector<1x16xf32>,
        %get3A_646 = vector.shape_cast %get3A_645 : vector<1x16xf32> to vector<16xf32>
        %mul3A_647 = arith.mulf %get3A_646, %select_n3A_642 : vector<16xf32>
        %swap3A_648 = arith.index_cast %add3A_616 : i32 to index
        %swap3A_649 = arith.constant 32 : index
        %swap3A_650 = tpu.vector_load %arg9[%swap3A_648, %swap3A_649] {strides = array<i32>} : memref<128x128xf32, #tpu.memory_space<vmem>>, vector<1x16xf32>,
        %swap3A_651 = vector.shape_cast %swap3A_650 : vector<1x16xf32> to vector<16xf32>
        %swap3A_652 = vector.shape_cast %mul3A_647 : vector<16xf32> to vector<1x16xf32>
        tpu.vector_store %arg9[%swap3A_648, %swap3A_649], %swap3A_652 {strides = array<i32>} : memref<128x128xf32, #tpu.memory_space<vmem>>, vector<1x16xf32>,
        %slice3A_653 = vector.extract_strided_slice %get3A_112 {offsets = [13], sizes = [1], strides = [1]} : vector<16xf32> to vector<1xf32>
        %squeeze3A_654 = vector.extract %slice3A_653[0] : f32 from vector<1xf32>
        %mul3A_655 = arith.constant 16 : i32
        %mul3A_656 = arith.muli %scan3A_107, %mul3A_655 : i32
        %add3A_657 = arith.constant 13 : i32
        %add3A_658 = arith.addi %mul3A_656, %add3A_657 : i32
        %get3A_659 = arith.index_cast %add3A_658 : i32 to index
        %get3A_660 = arith.constant 0 : index
        %get3A_661 = tpu.vector_load %arg9[%get3A_659, %get3A_660] {strides = array<i32>} : memref<128x128xf32, #tpu.memory_space<vmem>>, vector<1x16xf32>,
        %get3A_662 = vector.shape_cast %get3A_661 : vector<1x16xf32> to vector<16xf32>
        %mul3A_663 = vector.broadcast %squeeze3A_654 : f32 to vector<16xf32>
        %mul3A_664 = arith.mulf %get3A_662, %mul3A_663 : vector<16xf32>
        %swap3A_665 = arith.index_cast %add3A_658 : i32 to index
        %swap3A_666 = arith.constant 0 : index
        %swap3A_667 = tpu.vector_load %arg9[%swap3A_665, %swap3A_666] {strides = array<i32>} : memref<128x128xf32, #tpu.memory_space<vmem>>, vector<1x16xf32>,
        %swap3A_668 = vector.shape_cast %swap3A_667 : vector<1x16xf32> to vector<16xf32>
        %swap3A_669 = vector.shape_cast %mul3A_664 : vector<16xf32> to vector<1x16xf32>
        tpu.vector_store %arg9[%swap3A_665, %swap3A_666], %swap3A_669 {strides = array<i32>} : memref<128x128xf32, #tpu.memory_space<vmem>>, vector<1x16xf32>,
        %get3A_670 = arith.index_cast %add3A_658 : i32 to index
        %get3A_671 = arith.constant 16 : index
        %get3A_672 = tpu.vector_load %arg9[%get3A_670, %get3A_671] {strides = array<i32>} : memref<128x128xf32, #tpu.memory_space<vmem>>, vector<1x16xf32>,
        %get3A_673 = vector.shape_cast %get3A_672 : vector<1x16xf32> to vector<16xf32>
        %mul3A_674 = vector.broadcast %squeeze3A_654 : f32 to vector<16xf32>
        %mul3A_675 = arith.mulf %get3A_673, %mul3A_674 : vector<16xf32>
        %swap3A_676 = arith.index_cast %add3A_658 : i32 to index
        %swap3A_677 = arith.constant 16 : index
        %swap3A_678 = tpu.vector_load %arg9[%swap3A_676, %swap3A_677] {strides = array<i32>} : memref<128x128xf32, #tpu.memory_space<vmem>>, vector<1x16xf32>,
        %swap3A_679 = vector.shape_cast %swap3A_678 : vector<1x16xf32> to vector<16xf32>
        %swap3A_680 = vector.shape_cast %mul3A_675 : vector<16xf32> to vector<1x16xf32>
        tpu.vector_store %arg9[%swap3A_676, %swap3A_677], %swap3A_680 {strides = array<i32>} : memref<128x128xf32, #tpu.memory_space<vmem>>, vector<1x16xf32>,
        %jit3A_681 = arith.constant 1.000000e+00 : f32
        %broadcast_in_dim3A_682 = vector.broadcast %jit3A_681 : f32 to vector<16xf32>
        %broadcast_in_dim3A_683 = vector.broadcast %squeeze3A_654 : f32 to vector<16xf32>
        %select_n3A_684 = arith.select %eq3A_16, %broadcast_in_dim3A_682, %broadcast_in_dim3A_683 : vector<16xi1>, vector<16xf32>
        %get3A_685 = arith.index_cast %add3A_658 : i32 to index
        %get3A_686 = arith.constant 32 : index
        %get3A_687 = tpu.vector_load %arg9[%get3A_685, %get3A_686] {strides = array<i32>} : memref<128x128xf32, #tpu.memory_space<vmem>>, vector<1x16xf32>,
        %get3A_688 = vector.shape_cast %get3A_687 : vector<1x16xf32> to vector<16xf32>
        %mul3A_689 = arith.mulf %get3A_688, %select_n3A_684 : vector<16xf32>
        %swap3A_690 = arith.index_cast %add3A_658 : i32 to index
        %swap3A_691 = arith.constant 32 : index
        %swap3A_692 = tpu.vector_load %arg9[%swap3A_690, %swap3A_691] {strides = array<i32>} : memref<128x128xf32, #tpu.memory_space<vmem>>, vector<1x16xf32>,
        %swap3A_693 = vector.shape_cast %swap3A_692 : vector<1x16xf32> to vector<16xf32>
        %swap3A_694 = vector.shape_cast %mul3A_689 : vector<16xf32> to vector<1x16xf32>
        tpu.vector_store %arg9[%swap3A_690, %swap3A_691], %swap3A_694 {strides = array<i32>} : memref<128x128xf32, #tpu.memory_space<vmem>>, vector<1x16xf32>,
        %slice3A_695 = vector.extract_strided_slice %get3A_112 {offsets = [14], sizes = [1], strides = [1]} : vector<16xf32> to vector<1xf32>
        %squeeze3A_696 = vector.extract %slice3A_695[0] : f32 from vector<1xf32>
        %mul3A_697 = arith.constant 16 : i32
        %mul3A_698 = arith.muli %scan3A_107, %mul3A_697 : i32
        %add3A_699 = arith.constant 14 : i32
        %add3A_700 = arith.addi %mul3A_698, %add3A_699 : i32
        %get3A_701 = arith.index_cast %add3A_700 : i32 to index
        %get3A_702 = arith.constant 0 : index
        %get3A_703 = tpu.vector_load %arg9[%get3A_701, %get3A_702] {strides = array<i32>} : memref<128x128xf32, #tpu.memory_space<vmem>>, vector<1x16xf32>,
        %get3A_704 = vector.shape_cast %get3A_703 : vector<1x16xf32> to vector<16xf32>
        %mul3A_705 = vector.broadcast %squeeze3A_696 : f32 to vector<16xf32>
        %mul3A_706 = arith.mulf %get3A_704, %mul3A_705 : vector<16xf32>
        %swap3A_707 = arith.index_cast %add3A_700 : i32 to index
        %swap3A_708 = arith.constant 0 : index
        %swap3A_709 = tpu.vector_load %arg9[%swap3A_707, %swap3A_708] {strides = array<i32>} : memref<128x128xf32, #tpu.memory_space<vmem>>, vector<1x16xf32>,
        %swap3A_710 = vector.shape_cast %swap3A_709 : vector<1x16xf32> to vector<16xf32>
        %swap3A_711 = vector.shape_cast %mul3A_706 : vector<16xf32> to vector<1x16xf32>
        tpu.vector_store %arg9[%swap3A_707, %swap3A_708], %swap3A_711 {strides = array<i32>} : memref<128x128xf32, #tpu.memory_space<vmem>>, vector<1x16xf32>,
        %get3A_712 = arith.index_cast %add3A_700 : i32 to index
        %get3A_713 = arith.constant 16 : index
        %get3A_714 = tpu.vector_load %arg9[%get3A_712, %get3A_713] {strides = array<i32>} : memref<128x128xf32, #tpu.memory_space<vmem>>, vector<1x16xf32>,
        %get3A_715 = vector.shape_cast %get3A_714 : vector<1x16xf32> to vector<16xf32>
        %mul3A_716 = vector.broadcast %squeeze3A_696 : f32 to vector<16xf32>
        %mul3A_717 = arith.mulf %get3A_715, %mul3A_716 : vector<16xf32>
        %swap3A_718 = arith.index_cast %add3A_700 : i32 to index
        %swap3A_719 = arith.constant 16 : index
        %swap3A_720 = tpu.vector_load %arg9[%swap3A_718, %swap3A_719] {strides = array<i32>} : memref<128x128xf32, #tpu.memory_space<vmem>>, vector<1x16xf32>,
        %swap3A_721 = vector.shape_cast %swap3A_720 : vector<1x16xf32> to vector<16xf32>
        %swap3A_722 = vector.shape_cast %mul3A_717 : vector<16xf32> to vector<1x16xf32>
        tpu.vector_store %arg9[%swap3A_718, %swap3A_719], %swap3A_722 {strides = array<i32>} : memref<128x128xf32, #tpu.memory_space<vmem>>, vector<1x16xf32>,
        %jit3A_723 = arith.constant 1.000000e+00 : f32
        %broadcast_in_dim3A_724 = vector.broadcast %jit3A_723 : f32 to vector<16xf32>
        %broadcast_in_dim3A_725 = vector.broadcast %squeeze3A_696 : f32 to vector<16xf32>
        %select_n3A_726 = arith.select %eq3A_16, %broadcast_in_dim3A_724, %broadcast_in_dim3A_725 : vector<16xi1>, vector<16xf32>
        %get3A_727 = arith.index_cast %add3A_700 : i32 to index
        %get3A_728 = arith.constant 32 : index
        %get3A_729 = tpu.vector_load %arg9[%get3A_727, %get3A_728] {strides = array<i32>} : memref<128x128xf32, #tpu.memory_space<vmem>>, vector<1x16xf32>,
        %get3A_730 = vector.shape_cast %get3A_729 : vector<1x16xf32> to vector<16xf32>
        %mul3A_731 = arith.mulf %get3A_730, %select_n3A_726 : vector<16xf32>
        %swap3A_732 = arith.index_cast %add3A_700 : i32 to index
        %swap3A_733 = arith.constant 32 : index
        %swap3A_734 = tpu.vector_load %arg9[%swap3A_732, %swap3A_733] {strides = array<i32>} : memref<128x128xf32, #tpu.memory_space<vmem>>, vector<1x16xf32>,
        %swap3A_735 = vector.shape_cast %swap3A_734 : vector<1x16xf32> to vector<16xf32>
        %swap3A_736 = vector.shape_cast %mul3A_731 : vector<16xf32> to vector<1x16xf32>
        tpu.vector_store %arg9[%swap3A_732, %swap3A_733], %swap3A_736 {strides = array<i32>} : memref<128x128xf32, #tpu.memory_space<vmem>>, vector<1x16xf32>,
        %slice3A_737 = vector.extract_strided_slice %get3A_112 {offsets = [15], sizes = [1], strides = [1]} : vector<16xf32> to vector<1xf32>
        %squeeze3A_738 = vector.extract %slice3A_737[0] : f32 from vector<1xf32>
        %mul3A_739 = arith.constant 16 : i32
        %mul3A_740 = arith.muli %scan3A_107, %mul3A_739 : i32
        %add3A_741 = arith.constant 15 : i32
        %add3A_742 = arith.addi %mul3A_740, %add3A_741 : i32
        %get3A_743 = arith.index_cast %add3A_742 : i32 to index
        %get3A_744 = arith.constant 0 : index
        %get3A_745 = tpu.vector_load %arg9[%get3A_743, %get3A_744] {strides = array<i32>} : memref<128x128xf32, #tpu.memory_space<vmem>>, vector<1x16xf32>,
        %get3A_746 = vector.shape_cast %get3A_745 : vector<1x16xf32> to vector<16xf32>
        %mul3A_747 = vector.broadcast %squeeze3A_738 : f32 to vector<16xf32>
        %mul3A_748 = arith.mulf %get3A_746, %mul3A_747 : vector<16xf32>
        %swap3A_749 = arith.index_cast %add3A_742 : i32 to index
        %swap3A_750 = arith.constant 0 : index
        %swap3A_751 = tpu.vector_load %arg9[%swap3A_749, %swap3A_750] {strides = array<i32>} : memref<128x128xf32, #tpu.memory_space<vmem>>, vector<1x16xf32>,
        %swap3A_752 = vector.shape_cast %swap3A_751 : vector<1x16xf32> to vector<16xf32>
        %swap3A_753 = vector.shape_cast %mul3A_748 : vector<16xf32> to vector<1x16xf32>
        tpu.vector_store %arg9[%swap3A_749, %swap3A_750], %swap3A_753 {strides = array<i32>} : memref<128x128xf32, #tpu.memory_space<vmem>>, vector<1x16xf32>,
        %get3A_754 = arith.index_cast %add3A_742 : i32 to index
        %get3A_755 = arith.constant 16 : index
        %get3A_756 = tpu.vector_load %arg9[%get3A_754, %get3A_755] {strides = array<i32>} : memref<128x128xf32, #tpu.memory_space<vmem>>, vector<1x16xf32>,
        %get3A_757 = vector.shape_cast %get3A_756 : vector<1x16xf32> to vector<16xf32>
        %mul3A_758 = vector.broadcast %squeeze3A_738 : f32 to vector<16xf32>
        %mul3A_759 = arith.mulf %get3A_757, %mul3A_758 : vector<16xf32>
        %swap3A_760 = arith.index_cast %add3A_742 : i32 to index
        %swap3A_761 = arith.constant 16 : index
        %swap3A_762 = tpu.vector_load %arg9[%swap3A_760, %swap3A_761] {strides = array<i32>} : memref<128x128xf32, #tpu.memory_space<vmem>>, vector<1x16xf32>,
        %swap3A_763 = vector.shape_cast %swap3A_762 : vector<1x16xf32> to vector<16xf32>
        %swap3A_764 = vector.shape_cast %mul3A_759 : vector<16xf32> to vector<1x16xf32>
        tpu.vector_store %arg9[%swap3A_760, %swap3A_761], %swap3A_764 {strides = array<i32>} : memref<128x128xf32, #tpu.memory_space<vmem>>, vector<1x16xf32>,
        %jit3A_765 = arith.constant 1.000000e+00 : f32
        %broadcast_in_dim3A_766 = vector.broadcast %jit3A_765 : f32 to vector<16xf32>
        %broadcast_in_dim3A_767 = vector.broadcast %squeeze3A_738 : f32 to vector<16xf32>
        %select_n3A_768 = arith.select %eq3A_16, %broadcast_in_dim3A_766, %broadcast_in_dim3A_767 : vector<16xi1>, vector<16xf32>
        %get3A_769 = arith.index_cast %add3A_742 : i32 to index
        %get3A_770 = arith.constant 32 : index
        %get3A_771 = tpu.vector_load %arg9[%get3A_769, %get3A_770] {strides = array<i32>} : memref<128x128xf32, #tpu.memory_space<vmem>>, vector<1x16xf32>,
        %get3A_772 = vector.shape_cast %get3A_771 : vector<1x16xf32> to vector<16xf32>
        %mul3A_773 = arith.mulf %get3A_772, %select_n3A_768 : vector<16xf32>
        %swap3A_774 = arith.index_cast %add3A_742 : i32 to index
        %swap3A_775 = arith.constant 32 : index
        %swap3A_776 = tpu.vector_load %arg9[%swap3A_774, %swap3A_775] {strides = array<i32>} : memref<128x128xf32, #tpu.memory_space<vmem>>, vector<1x16xf32>,
        %swap3A_777 = vector.shape_cast %swap3A_776 : vector<1x16xf32> to vector<16xf32>
        %swap3A_778 = vector.shape_cast %mul3A_773 : vector<16xf32> to vector<1x16xf32>
        tpu.vector_store %arg9[%swap3A_774, %swap3A_775], %swap3A_778 {strides = array<i32>} : memref<128x128xf32, #tpu.memory_space<vmem>>, vector<1x16xf32>,
      }
      %scan3A_64 = arith.constant 8 : i32
      %add3A_65 = arith.constant 40 : i32
      %add3A_66 = arith.addi %add3A_65, %mul3A_41 : i32
      %dma_start3A_67 = arith.constant 0 : i32
      %dma_start3A_68 = tpu.memref_slice %arg7[%add3A_66, %dma_start3A_67] : memref<80x128xi32, #tpu.memory_space<vmem>> -> memref<1x128xi32, #tpu.memory_space<vmem>>
      %dma_start3A_69 = tpu.memref_squeeze %dma_start3A_68 : memref<1x128xi32, #tpu.memory_space<vmem>> -> memref<128xi32, #tpu.memory_space<vmem>>
      %dma_start3A_70 = arith.constant 0 : i32
      %dma_start3A_71 = arith.constant 0 : i32
      %dma_start3A_72 = tpu.memref_slice %arg11[%dma_start3A_70, %dma_start3A_71] : memref<10240x128xf32, #tpu.memory_space<vmem_shared>> -> memref<10240x128xf32, #tpu.memory_space<vmem_shared>>
      tpu.enqueue_indirect_dma source(%arg9 : memref<128x128xf32, #tpu.memory_space<vmem>>) target(%dma_start3A_72 : memref<10240x128xf32, #tpu.memory_space<vmem_shared>>) offsets(%dma_start3A_69 : memref<128xi32, #tpu.memory_space<vmem>>) semaphore(%arg14 : memref<!tpu.dma_semaphore, #tpu.memory_space<semaphore_mem>>) {add = true}
      %dma_wait3A_73 = arith.constant 40 : i32
      %dma_wait3A_74 = arith.constant 0 : i32
      %dma_wait3A_75 = tpu.memref_slice %arg7[%dma_wait3A_73, %dma_wait3A_74] : memref<80x128xi32, #tpu.memory_space<vmem>> -> memref<1x128xi32, #tpu.memory_space<vmem>>
      %dma_wait3A_76 = tpu.memref_squeeze %dma_wait3A_75 : memref<1x128xi32, #tpu.memory_space<vmem>> -> memref<128xi32, #tpu.memory_space<vmem>>
      %dma_wait3A_77 = arith.constant 0 : i32
      %dma_wait3A_78 = arith.constant 0 : i32
      %dma_wait3A_79 = tpu.memref_slice %arg11[%dma_wait3A_77, %dma_wait3A_78] : memref<10240x128xf32, #tpu.memory_space<vmem_shared>> -> memref<10240x128xf32, #tpu.memory_space<vmem_shared>>
      tpu.wait_indirect_dma semaphore(%arg14 : memref<!tpu.dma_semaphore, #tpu.memory_space<semaphore_mem>>) src(%arg9 : memref<128x128xf32, #tpu.memory_space<vmem>>) dst(%dma_wait3A_79 : memref<10240x128xf32, #tpu.memory_space<vmem_shared>>)
      %add3A_80 = arith.constant 1 : i32
      %add3A_81 = arith.addi %add3A_43, %add3A_80 : i32
      %lt3A = arith.constant 40 : i32
      %lt3A_82 = arith.cmpi slt, %add3A_81, %lt3A : i32
      %convert_element_type3A_83 = arith.extui %lt3A_82 : i1 to i32
      %cond3A_84 = arith.constant 0 : i32
      %cond3A_85 = arith.cmpi ne, %convert_element_type3A_83, %cond3A_84 : i32
      scf.if %cond3A_85 {
        %add3A_107 = arith.constant 1 : i32
        %add3A_108 = arith.addi %add3A_43, %add3A_107 : i32
        %dma_start3A_109 = arith.constant 0 : i32
        %dma_start3A_110 = tpu.memref_slice %arg7[%add3A_108, %dma_start3A_109] : memref<80x128xi32, #tpu.memory_space<vmem>> -> memref<1x128xi32, #tpu.memory_space<vmem>>
        %dma_start3A_111 = tpu.memref_squeeze %dma_start3A_110 : memref<1x128xi32, #tpu.memory_space<vmem>> -> memref<128xi32, #tpu.memory_space<vmem>>
        %dma_start3A_112 = arith.constant 0 : i32
        %dma_start3A_113 = arith.constant 0 : i32
        %dma_start3A_114 = tpu.memref_slice %arg2[%dma_start3A_112, %dma_start3A_113] : memref<10000x128xf32, #tpu.memory_space<hbm>> -> memref<10000x128xf32, #tpu.memory_space<hbm>>
        tpu.enqueue_indirect_dma source(%dma_start3A_114 : memref<10000x128xf32, #tpu.memory_space<hbm>>) target(%arg9 : memref<128x128xf32, #tpu.memory_space<vmem>>) offsets(%dma_start3A_111 : memref<128xi32, #tpu.memory_space<vmem>>) semaphore(%arg12 : memref<!tpu.dma_semaphore, #tpu.memory_space<semaphore_mem>>)
      } else {
      }
      %dma_wait3A_86 = arith.constant 0 : i32
      %dma_wait3A_87 = arith.constant 0 : i32
      %dma_wait3A_88 = tpu.memref_slice %arg7[%dma_wait3A_86, %dma_wait3A_87] : memref<80x128xi32, #tpu.memory_space<vmem>> -> memref<1x128xi32, #tpu.memory_space<vmem>>
      %dma_wait3A_89 = tpu.memref_squeeze %dma_wait3A_88 : memref<1x128xi32, #tpu.memory_space<vmem>> -> memref<128xi32, #tpu.memory_space<vmem>>
      %dma_wait3A_90 = arith.constant 0 : i32
      %dma_wait3A_91 = arith.constant 0 : i32
      %dma_wait3A_92 = tpu.memref_slice %arg2[%dma_wait3A_90, %dma_wait3A_91] : memref<10000x128xf32, #tpu.memory_space<hbm>> -> memref<10000x128xf32, #tpu.memory_space<hbm>>
      tpu.wait_indirect_dma semaphore(%arg13 : memref<!tpu.dma_semaphore, #tpu.memory_space<semaphore_mem>>) src(%dma_wait3A_92 : memref<10000x128xf32, #tpu.memory_space<hbm>>) dst(%arg10 : memref<128x128xf32, #tpu.memory_space<vmem>>)
      %scan3A_93 = arith.constant 0 : i32
      %scan3A_94 = arith.constant 0 : i32
      %scan3A_95 = arith.constant 8 : i32
      %scan3A_96 = arith.addi %scan3A_94, %scan3A_95 : i32
      %scan3A_97 = arith.constant 1 : i32
      scf.for %scan3A_107 = %scan3A_94 to %scan3A_96 step %scan3A_97  : i32 {
        %mul3A_108 = arith.constant 16 : i32
        %mul3A_109 = arith.muli %scan3A_107, %mul3A_108 : i32
        %get3A = arith.index_cast %add3A_43 : i32 to index
        %get3A_110 = arith.index_cast %mul3A_109 : i32 to index
        %get3A_111 = tpu.vector_load %arg8[%get3A, %get3A_110] {strides = array<i32>} : memref<40x128xf32, #tpu.memory_space<vmem>>, vector<1x16xf32>,
        %get3A_112 = vector.shape_cast %get3A_111 : vector<1x16xf32> to vector<16xf32>
        %slice3A = vector.extract_strided_slice %get3A_112 {offsets = [0], sizes = [1], strides = [1]} : vector<16xf32> to vector<1xf32>
        %squeeze3A = vector.extract %slice3A[0] : f32 from vector<1xf32>
        %mul3A_113 = arith.constant 16 : i32
        %mul3A_114 = arith.muli %scan3A_107, %mul3A_113 : i32
        %add3A_115 = arith.constant 0 : i32
        %add3A_116 = arith.addi %mul3A_114, %add3A_115 : i32
        %get3A_117 = arith.index_cast %add3A_116 : i32 to index
        %get3A_118 = arith.constant 0 : index
        %get3A_119 = tpu.vector_load %arg10[%get3A_117, %get3A_118] {strides = array<i32>} : memref<128x128xf32, #tpu.memory_space<vmem>>, vector<1x16xf32>,
        %get3A_120 = vector.shape_cast %get3A_119 : vector<1x16xf32> to vector<16xf32>
        %mul3A_121 = vector.broadcast %squeeze3A : f32 to vector<16xf32>
        %mul3A_122 = arith.mulf %get3A_120, %mul3A_121 : vector<16xf32>
        %swap3A = arith.index_cast %add3A_116 : i32 to index
        %swap3A_123 = arith.constant 0 : index
        %swap3A_124 = tpu.vector_load %arg10[%swap3A, %swap3A_123] {strides = array<i32>} : memref<128x128xf32, #tpu.memory_space<vmem>>, vector<1x16xf32>,
        %swap3A_125 = vector.shape_cast %swap3A_124 : vector<1x16xf32> to vector<16xf32>
        %swap3A_126 = vector.shape_cast %mul3A_122 : vector<16xf32> to vector<1x16xf32>
        tpu.vector_store %arg10[%swap3A, %swap3A_123], %swap3A_126 {strides = array<i32>} : memref<128x128xf32, #tpu.memory_space<vmem>>, vector<1x16xf32>,
        %get3A_127 = arith.index_cast %add3A_116 : i32 to index
        %get3A_128 = arith.constant 16 : index
        %get3A_129 = tpu.vector_load %arg10[%get3A_127, %get3A_128] {strides = array<i32>} : memref<128x128xf32, #tpu.memory_space<vmem>>, vector<1x16xf32>,
        %get3A_130 = vector.shape_cast %get3A_129 : vector<1x16xf32> to vector<16xf32>
        %mul3A_131 = vector.broadcast %squeeze3A : f32 to vector<16xf32>
        %mul3A_132 = arith.mulf %get3A_130, %mul3A_131 : vector<16xf32>
        %swap3A_133 = arith.index_cast %add3A_116 : i32 to index
        %swap3A_134 = arith.constant 16 : index
        %swap3A_135 = tpu.vector_load %arg10[%swap3A_133, %swap3A_134] {strides = array<i32>} : memref<128x128xf32, #tpu.memory_space<vmem>>, vector<1x16xf32>,
        %swap3A_136 = vector.shape_cast %swap3A_135 : vector<1x16xf32> to vector<16xf32>
        %swap3A_137 = vector.shape_cast %mul3A_132 : vector<16xf32> to vector<1x16xf32>
        tpu.vector_store %arg10[%swap3A_133, %swap3A_134], %swap3A_137 {strides = array<i32>} : memref<128x128xf32, #tpu.memory_space<vmem>>, vector<1x16xf32>,
        %jit3A = arith.constant 1.000000e+00 : f32
        %broadcast_in_dim3A = vector.broadcast %jit3A : f32 to vector<16xf32>
        %broadcast_in_dim3A_138 = vector.broadcast %squeeze3A : f32 to vector<16xf32>
        %select_n3A = arith.select %eq3A_16, %broadcast_in_dim3A, %broadcast_in_dim3A_138 : vector<16xi1>, vector<16xf32>
        %get3A_139 = arith.index_cast %add3A_116 : i32 to index
        %get3A_140 = arith.constant 32 : index
        %get3A_141 = tpu.vector_load %arg10[%get3A_139, %get3A_140] {strides = array<i32>} : memref<128x128xf32, #tpu.memory_space<vmem>>, vector<1x16xf32>,
        %get3A_142 = vector.shape_cast %get3A_141 : vector<1x16xf32> to vector<16xf32>
        %mul3A_143 = arith.mulf %get3A_142, %select_n3A : vector<16xf32>
        %swap3A_144 = arith.index_cast %add3A_116 : i32 to index
        %swap3A_145 = arith.constant 32 : index
        %swap3A_146 = tpu.vector_load %arg10[%swap3A_144, %swap3A_145] {strides = array<i32>} : memref<128x128xf32, #tpu.memory_space<vmem>>, vector<1x16xf32>,
        %swap3A_147 = vector.shape_cast %swap3A_146 : vector<1x16xf32> to vector<16xf32>
        %swap3A_148 = vector.shape_cast %mul3A_143 : vector<16xf32> to vector<1x16xf32>
        tpu.vector_store %arg10[%swap3A_144, %swap3A_145], %swap3A_148 {strides = array<i32>} : memref<128x128xf32, #tpu.memory_space<vmem>>, vector<1x16xf32>,
        %slice3A_149 = vector.extract_strided_slice %get3A_112 {offsets = [1], sizes = [1], strides = [1]} : vector<16xf32> to vector<1xf32>
        %squeeze3A_150 = vector.extract %slice3A_149[0] : f32 from vector<1xf32>
        %mul3A_151 = arith.constant 16 : i32
        %mul3A_152 = arith.muli %scan3A_107, %mul3A_151 : i32
        %add3A_153 = arith.constant 1 : i32
        %add3A_154 = arith.addi %mul3A_152, %add3A_153 : i32
        %get3A_155 = arith.index_cast %add3A_154 : i32 to index
        %get3A_156 = arith.constant 0 : index
        %get3A_157 = tpu.vector_load %arg10[%get3A_155, %get3A_156] {strides = array<i32>} : memref<128x128xf32, #tpu.memory_space<vmem>>, vector<1x16xf32>,
        %get3A_158 = vector.shape_cast %get3A_157 : vector<1x16xf32> to vector<16xf32>
        %mul3A_159 = vector.broadcast %squeeze3A_150 : f32 to vector<16xf32>
        %mul3A_160 = arith.mulf %get3A_158, %mul3A_159 : vector<16xf32>
        %swap3A_161 = arith.index_cast %add3A_154 : i32 to index
        %swap3A_162 = arith.constant 0 : index
        %swap3A_163 = tpu.vector_load %arg10[%swap3A_161, %swap3A_162] {strides = array<i32>} : memref<128x128xf32, #tpu.memory_space<vmem>>, vector<1x16xf32>,
        %swap3A_164 = vector.shape_cast %swap3A_163 : vector<1x16xf32> to vector<16xf32>
        %swap3A_165 = vector.shape_cast %mul3A_160 : vector<16xf32> to vector<1x16xf32>
        tpu.vector_store %arg10[%swap3A_161, %swap3A_162], %swap3A_165 {strides = array<i32>} : memref<128x128xf32, #tpu.memory_space<vmem>>, vector<1x16xf32>,
        %get3A_166 = arith.index_cast %add3A_154 : i32 to index
        %get3A_167 = arith.constant 16 : index
        %get3A_168 = tpu.vector_load %arg10[%get3A_166, %get3A_167] {strides = array<i32>} : memref<128x128xf32, #tpu.memory_space<vmem>>, vector<1x16xf32>,
        %get3A_169 = vector.shape_cast %get3A_168 : vector<1x16xf32> to vector<16xf32>
        %mul3A_170 = vector.broadcast %squeeze3A_150 : f32 to vector<16xf32>
        %mul3A_171 = arith.mulf %get3A_169, %mul3A_170 : vector<16xf32>
        %swap3A_172 = arith.index_cast %add3A_154 : i32 to index
        %swap3A_173 = arith.constant 16 : index
        %swap3A_174 = tpu.vector_load %arg10[%swap3A_172, %swap3A_173] {strides = array<i32>} : memref<128x128xf32, #tpu.memory_space<vmem>>, vector<1x16xf32>,
        %swap3A_175 = vector.shape_cast %swap3A_174 : vector<1x16xf32> to vector<16xf32>
        %swap3A_176 = vector.shape_cast %mul3A_171 : vector<16xf32> to vector<1x16xf32>
        tpu.vector_store %arg10[%swap3A_172, %swap3A_173], %swap3A_176 {strides = array<i32>} : memref<128x128xf32, #tpu.memory_space<vmem>>, vector<1x16xf32>,
        %jit3A_177 = arith.constant 1.000000e+00 : f32
        %broadcast_in_dim3A_178 = vector.broadcast %jit3A_177 : f32 to vector<16xf32>
        %broadcast_in_dim3A_179 = vector.broadcast %squeeze3A_150 : f32 to vector<16xf32>
        %select_n3A_180 = arith.select %eq3A_16, %broadcast_in_dim3A_178, %broadcast_in_dim3A_179 : vector<16xi1>, vector<16xf32>
        %get3A_181 = arith.index_cast %add3A_154 : i32 to index
        %get3A_182 = arith.constant 32 : index
        %get3A_183 = tpu.vector_load %arg10[%get3A_181, %get3A_182] {strides = array<i32>} : memref<128x128xf32, #tpu.memory_space<vmem>>, vector<1x16xf32>,
        %get3A_184 = vector.shape_cast %get3A_183 : vector<1x16xf32> to vector<16xf32>
        %mul3A_185 = arith.mulf %get3A_184, %select_n3A_180 : vector<16xf32>
        %swap3A_186 = arith.index_cast %add3A_154 : i32 to index
        %swap3A_187 = arith.constant 32 : index
        %swap3A_188 = tpu.vector_load %arg10[%swap3A_186, %swap3A_187] {strides = array<i32>} : memref<128x128xf32, #tpu.memory_space<vmem>>, vector<1x16xf32>,
        %swap3A_189 = vector.shape_cast %swap3A_188 : vector<1x16xf32> to vector<16xf32>
        %swap3A_190 = vector.shape_cast %mul3A_185 : vector<16xf32> to vector<1x16xf32>
        tpu.vector_store %arg10[%swap3A_186, %swap3A_187], %swap3A_190 {strides = array<i32>} : memref<128x128xf32, #tpu.memory_space<vmem>>, vector<1x16xf32>,
        %slice3A_191 = vector.extract_strided_slice %get3A_112 {offsets = [2], sizes = [1], strides = [1]} : vector<16xf32> to vector<1xf32>
        %squeeze3A_192 = vector.extract %slice3A_191[0] : f32 from vector<1xf32>
        %mul3A_193 = arith.constant 16 : i32
        %mul3A_194 = arith.muli %scan3A_107, %mul3A_193 : i32
        %add3A_195 = arith.constant 2 : i32
        %add3A_196 = arith.addi %mul3A_194, %add3A_195 : i32
        %get3A_197 = arith.index_cast %add3A_196 : i32 to index
        %get3A_198 = arith.constant 0 : index
        %get3A_199 = tpu.vector_load %arg10[%get3A_197, %get3A_198] {strides = array<i32>} : memref<128x128xf32, #tpu.memory_space<vmem>>, vector<1x16xf32>,
        %get3A_200 = vector.shape_cast %get3A_199 : vector<1x16xf32> to vector<16xf32>
        %mul3A_201 = vector.broadcast %squeeze3A_192 : f32 to vector<16xf32>
        %mul3A_202 = arith.mulf %get3A_200, %mul3A_201 : vector<16xf32>
        %swap3A_203 = arith.index_cast %add3A_196 : i32 to index
        %swap3A_204 = arith.constant 0 : index
        %swap3A_205 = tpu.vector_load %arg10[%swap3A_203, %swap3A_204] {strides = array<i32>} : memref<128x128xf32, #tpu.memory_space<vmem>>, vector<1x16xf32>,
        %swap3A_206 = vector.shape_cast %swap3A_205 : vector<1x16xf32> to vector<16xf32>
        %swap3A_207 = vector.shape_cast %mul3A_202 : vector<16xf32> to vector<1x16xf32>
        tpu.vector_store %arg10[%swap3A_203, %swap3A_204], %swap3A_207 {strides = array<i32>} : memref<128x128xf32, #tpu.memory_space<vmem>>, vector<1x16xf32>,
        %get3A_208 = arith.index_cast %add3A_196 : i32 to index
        %get3A_209 = arith.constant 16 : index
        %get3A_210 = tpu.vector_load %arg10[%get3A_208, %get3A_209] {strides = array<i32>} : memref<128x128xf32, #tpu.memory_space<vmem>>, vector<1x16xf32>,
        %get3A_211 = vector.shape_cast %get3A_210 : vector<1x16xf32> to vector<16xf32>
        %mul3A_212 = vector.broadcast %squeeze3A_192 : f32 to vector<16xf32>
        %mul3A_213 = arith.mulf %get3A_211, %mul3A_212 : vector<16xf32>
        %swap3A_214 = arith.index_cast %add3A_196 : i32 to index
        %swap3A_215 = arith.constant 16 : index
        %swap3A_216 = tpu.vector_load %arg10[%swap3A_214, %swap3A_215] {strides = array<i32>} : memref<128x128xf32, #tpu.memory_space<vmem>>, vector<1x16xf32>,
        %swap3A_217 = vector.shape_cast %swap3A_216 : vector<1x16xf32> to vector<16xf32>
        %swap3A_218 = vector.shape_cast %mul3A_213 : vector<16xf32> to vector<1x16xf32>
        tpu.vector_store %arg10[%swap3A_214, %swap3A_215], %swap3A_218 {strides = array<i32>} : memref<128x128xf32, #tpu.memory_space<vmem>>, vector<1x16xf32>,
        %jit3A_219 = arith.constant 1.000000e+00 : f32
        %broadcast_in_dim3A_220 = vector.broadcast %jit3A_219 : f32 to vector<16xf32>
        %broadcast_in_dim3A_221 = vector.broadcast %squeeze3A_192 : f32 to vector<16xf32>
        %select_n3A_222 = arith.select %eq3A_16, %broadcast_in_dim3A_220, %broadcast_in_dim3A_221 : vector<16xi1>, vector<16xf32>
        %get3A_223 = arith.index_cast %add3A_196 : i32 to index
        %get3A_224 = arith.constant 32 : index
        %get3A_225 = tpu.vector_load %arg10[%get3A_223, %get3A_224] {strides = array<i32>} : memref<128x128xf32, #tpu.memory_space<vmem>>, vector<1x16xf32>,
        %get3A_226 = vector.shape_cast %get3A_225 : vector<1x16xf32> to vector<16xf32>
        %mul3A_227 = arith.mulf %get3A_226, %select_n3A_222 : vector<16xf32>
        %swap3A_228 = arith.index_cast %add3A_196 : i32 to index
        %swap3A_229 = arith.constant 32 : index
        %swap3A_230 = tpu.vector_load %arg10[%swap3A_228, %swap3A_229] {strides = array<i32>} : memref<128x128xf32, #tpu.memory_space<vmem>>, vector<1x16xf32>,
        %swap3A_231 = vector.shape_cast %swap3A_230 : vector<1x16xf32> to vector<16xf32>
        %swap3A_232 = vector.shape_cast %mul3A_227 : vector<16xf32> to vector<1x16xf32>
        tpu.vector_store %arg10[%swap3A_228, %swap3A_229], %swap3A_232 {strides = array<i32>} : memref<128x128xf32, #tpu.memory_space<vmem>>, vector<1x16xf32>,
        %slice3A_233 = vector.extract_strided_slice %get3A_112 {offsets = [3], sizes = [1], strides = [1]} : vector<16xf32> to vector<1xf32>
        %squeeze3A_234 = vector.extract %slice3A_233[0] : f32 from vector<1xf32>
        %mul3A_235 = arith.constant 16 : i32
        %mul3A_236 = arith.muli %scan3A_107, %mul3A_235 : i32
        %add3A_237 = arith.constant 3 : i32
        %add3A_238 = arith.addi %mul3A_236, %add3A_237 : i32
        %get3A_239 = arith.index_cast %add3A_238 : i32 to index
        %get3A_240 = arith.constant 0 : index
        %get3A_241 = tpu.vector_load %arg10[%get3A_239, %get3A_240] {strides = array<i32>} : memref<128x128xf32, #tpu.memory_space<vmem>>, vector<1x16xf32>,
        %get3A_242 = vector.shape_cast %get3A_241 : vector<1x16xf32> to vector<16xf32>
        %mul3A_243 = vector.broadcast %squeeze3A_234 : f32 to vector<16xf32>
        %mul3A_244 = arith.mulf %get3A_242, %mul3A_243 : vector<16xf32>
        %swap3A_245 = arith.index_cast %add3A_238 : i32 to index
        %swap3A_246 = arith.constant 0 : index
        %swap3A_247 = tpu.vector_load %arg10[%swap3A_245, %swap3A_246] {strides = array<i32>} : memref<128x128xf32, #tpu.memory_space<vmem>>, vector<1x16xf32>,
        %swap3A_248 = vector.shape_cast %swap3A_247 : vector<1x16xf32> to vector<16xf32>
        %swap3A_249 = vector.shape_cast %mul3A_244 : vector<16xf32> to vector<1x16xf32>
        tpu.vector_store %arg10[%swap3A_245, %swap3A_246], %swap3A_249 {strides = array<i32>} : memref<128x128xf32, #tpu.memory_space<vmem>>, vector<1x16xf32>,
        %get3A_250 = arith.index_cast %add3A_238 : i32 to index
        %get3A_251 = arith.constant 16 : index
        %get3A_252 = tpu.vector_load %arg10[%get3A_250, %get3A_251] {strides = array<i32>} : memref<128x128xf32, #tpu.memory_space<vmem>>, vector<1x16xf32>,
        %get3A_253 = vector.shape_cast %get3A_252 : vector<1x16xf32> to vector<16xf32>
        %mul3A_254 = vector.broadcast %squeeze3A_234 : f32 to vector<16xf32>
        %mul3A_255 = arith.mulf %get3A_253, %mul3A_254 : vector<16xf32>
        %swap3A_256 = arith.index_cast %add3A_238 : i32 to index
        %swap3A_257 = arith.constant 16 : index
        %swap3A_258 = tpu.vector_load %arg10[%swap3A_256, %swap3A_257] {strides = array<i32>} : memref<128x128xf32, #tpu.memory_space<vmem>>, vector<1x16xf32>,
        %swap3A_259 = vector.shape_cast %swap3A_258 : vector<1x16xf32> to vector<16xf32>
        %swap3A_260 = vector.shape_cast %mul3A_255 : vector<16xf32> to vector<1x16xf32>
        tpu.vector_store %arg10[%swap3A_256, %swap3A_257], %swap3A_260 {strides = array<i32>} : memref<128x128xf32, #tpu.memory_space<vmem>>, vector<1x16xf32>,
        %jit3A_261 = arith.constant 1.000000e+00 : f32
        %broadcast_in_dim3A_262 = vector.broadcast %jit3A_261 : f32 to vector<16xf32>
        %broadcast_in_dim3A_263 = vector.broadcast %squeeze3A_234 : f32 to vector<16xf32>
        %select_n3A_264 = arith.select %eq3A_16, %broadcast_in_dim3A_262, %broadcast_in_dim3A_263 : vector<16xi1>, vector<16xf32>
        %get3A_265 = arith.index_cast %add3A_238 : i32 to index
        %get3A_266 = arith.constant 32 : index
        %get3A_267 = tpu.vector_load %arg10[%get3A_265, %get3A_266] {strides = array<i32>} : memref<128x128xf32, #tpu.memory_space<vmem>>, vector<1x16xf32>,
        %get3A_268 = vector.shape_cast %get3A_267 : vector<1x16xf32> to vector<16xf32>
        %mul3A_269 = arith.mulf %get3A_268, %select_n3A_264 : vector<16xf32>
        %swap3A_270 = arith.index_cast %add3A_238 : i32 to index
        %swap3A_271 = arith.constant 32 : index
        %swap3A_272 = tpu.vector_load %arg10[%swap3A_270, %swap3A_271] {strides = array<i32>} : memref<128x128xf32, #tpu.memory_space<vmem>>, vector<1x16xf32>,
        %swap3A_273 = vector.shape_cast %swap3A_272 : vector<1x16xf32> to vector<16xf32>
        %swap3A_274 = vector.shape_cast %mul3A_269 : vector<16xf32> to vector<1x16xf32>
        tpu.vector_store %arg10[%swap3A_270, %swap3A_271], %swap3A_274 {strides = array<i32>} : memref<128x128xf32, #tpu.memory_space<vmem>>, vector<1x16xf32>,
        %slice3A_275 = vector.extract_strided_slice %get3A_112 {offsets = [4], sizes = [1], strides = [1]} : vector<16xf32> to vector<1xf32>
        %squeeze3A_276 = vector.extract %slice3A_275[0] : f32 from vector<1xf32>
        %mul3A_277 = arith.constant 16 : i32
        %mul3A_278 = arith.muli %scan3A_107, %mul3A_277 : i32
        %add3A_279 = arith.constant 4 : i32
        %add3A_280 = arith.addi %mul3A_278, %add3A_279 : i32
        %get3A_281 = arith.index_cast %add3A_280 : i32 to index
        %get3A_282 = arith.constant 0 : index
        %get3A_283 = tpu.vector_load %arg10[%get3A_281, %get3A_282] {strides = array<i32>} : memref<128x128xf32, #tpu.memory_space<vmem>>, vector<1x16xf32>,
        %get3A_284 = vector.shape_cast %get3A_283 : vector<1x16xf32> to vector<16xf32>
        %mul3A_285 = vector.broadcast %squeeze3A_276 : f32 to vector<16xf32>
        %mul3A_286 = arith.mulf %get3A_284, %mul3A_285 : vector<16xf32>
        %swap3A_287 = arith.index_cast %add3A_280 : i32 to index
        %swap3A_288 = arith.constant 0 : index
        %swap3A_289 = tpu.vector_load %arg10[%swap3A_287, %swap3A_288] {strides = array<i32>} : memref<128x128xf32, #tpu.memory_space<vmem>>, vector<1x16xf32>,
        %swap3A_290 = vector.shape_cast %swap3A_289 : vector<1x16xf32> to vector<16xf32>
        %swap3A_291 = vector.shape_cast %mul3A_286 : vector<16xf32> to vector<1x16xf32>
        tpu.vector_store %arg10[%swap3A_287, %swap3A_288], %swap3A_291 {strides = array<i32>} : memref<128x128xf32, #tpu.memory_space<vmem>>, vector<1x16xf32>,
        %get3A_292 = arith.index_cast %add3A_280 : i32 to index
        %get3A_293 = arith.constant 16 : index
        %get3A_294 = tpu.vector_load %arg10[%get3A_292, %get3A_293] {strides = array<i32>} : memref<128x128xf32, #tpu.memory_space<vmem>>, vector<1x16xf32>,
        %get3A_295 = vector.shape_cast %get3A_294 : vector<1x16xf32> to vector<16xf32>
        %mul3A_296 = vector.broadcast %squeeze3A_276 : f32 to vector<16xf32>
        %mul3A_297 = arith.mulf %get3A_295, %mul3A_296 : vector<16xf32>
        %swap3A_298 = arith.index_cast %add3A_280 : i32 to index
        %swap3A_299 = arith.constant 16 : index
        %swap3A_300 = tpu.vector_load %arg10[%swap3A_298, %swap3A_299] {strides = array<i32>} : memref<128x128xf32, #tpu.memory_space<vmem>>, vector<1x16xf32>,
        %swap3A_301 = vector.shape_cast %swap3A_300 : vector<1x16xf32> to vector<16xf32>
        %swap3A_302 = vector.shape_cast %mul3A_297 : vector<16xf32> to vector<1x16xf32>
        tpu.vector_store %arg10[%swap3A_298, %swap3A_299], %swap3A_302 {strides = array<i32>} : memref<128x128xf32, #tpu.memory_space<vmem>>, vector<1x16xf32>,
        %jit3A_303 = arith.constant 1.000000e+00 : f32
        %broadcast_in_dim3A_304 = vector.broadcast %jit3A_303 : f32 to vector<16xf32>
        %broadcast_in_dim3A_305 = vector.broadcast %squeeze3A_276 : f32 to vector<16xf32>
        %select_n3A_306 = arith.select %eq3A_16, %broadcast_in_dim3A_304, %broadcast_in_dim3A_305 : vector<16xi1>, vector<16xf32>
        %get3A_307 = arith.index_cast %add3A_280 : i32 to index
        %get3A_308 = arith.constant 32 : index
        %get3A_309 = tpu.vector_load %arg10[%get3A_307, %get3A_308] {strides = array<i32>} : memref<128x128xf32, #tpu.memory_space<vmem>>, vector<1x16xf32>,
        %get3A_310 = vector.shape_cast %get3A_309 : vector<1x16xf32> to vector<16xf32>
        %mul3A_311 = arith.mulf %get3A_310, %select_n3A_306 : vector<16xf32>
        %swap3A_312 = arith.index_cast %add3A_280 : i32 to index
        %swap3A_313 = arith.constant 32 : index
        %swap3A_314 = tpu.vector_load %arg10[%swap3A_312, %swap3A_313] {strides = array<i32>} : memref<128x128xf32, #tpu.memory_space<vmem>>, vector<1x16xf32>,
        %swap3A_315 = vector.shape_cast %swap3A_314 : vector<1x16xf32> to vector<16xf32>
        %swap3A_316 = vector.shape_cast %mul3A_311 : vector<16xf32> to vector<1x16xf32>
        tpu.vector_store %arg10[%swap3A_312, %swap3A_313], %swap3A_316 {strides = array<i32>} : memref<128x128xf32, #tpu.memory_space<vmem>>, vector<1x16xf32>,
        %slice3A_317 = vector.extract_strided_slice %get3A_112 {offsets = [5], sizes = [1], strides = [1]} : vector<16xf32> to vector<1xf32>
        %squeeze3A_318 = vector.extract %slice3A_317[0] : f32 from vector<1xf32>
        %mul3A_319 = arith.constant 16 : i32
        %mul3A_320 = arith.muli %scan3A_107, %mul3A_319 : i32
        %add3A_321 = arith.constant 5 : i32
        %add3A_322 = arith.addi %mul3A_320, %add3A_321 : i32
        %get3A_323 = arith.index_cast %add3A_322 : i32 to index
        %get3A_324 = arith.constant 0 : index
        %get3A_325 = tpu.vector_load %arg10[%get3A_323, %get3A_324] {strides = array<i32>} : memref<128x128xf32, #tpu.memory_space<vmem>>, vector<1x16xf32>,
        %get3A_326 = vector.shape_cast %get3A_325 : vector<1x16xf32> to vector<16xf32>
        %mul3A_327 = vector.broadcast %squeeze3A_318 : f32 to vector<16xf32>
        %mul3A_328 = arith.mulf %get3A_326, %mul3A_327 : vector<16xf32>
        %swap3A_329 = arith.index_cast %add3A_322 : i32 to index
        %swap3A_330 = arith.constant 0 : index
        %swap3A_331 = tpu.vector_load %arg10[%swap3A_329, %swap3A_330] {strides = array<i32>} : memref<128x128xf32, #tpu.memory_space<vmem>>, vector<1x16xf32>,
        %swap3A_332 = vector.shape_cast %swap3A_331 : vector<1x16xf32> to vector<16xf32>
        %swap3A_333 = vector.shape_cast %mul3A_328 : vector<16xf32> to vector<1x16xf32>
        tpu.vector_store %arg10[%swap3A_329, %swap3A_330], %swap3A_333 {strides = array<i32>} : memref<128x128xf32, #tpu.memory_space<vmem>>, vector<1x16xf32>,
        %get3A_334 = arith.index_cast %add3A_322 : i32 to index
        %get3A_335 = arith.constant 16 : index
        %get3A_336 = tpu.vector_load %arg10[%get3A_334, %get3A_335] {strides = array<i32>} : memref<128x128xf32, #tpu.memory_space<vmem>>, vector<1x16xf32>,
        %get3A_337 = vector.shape_cast %get3A_336 : vector<1x16xf32> to vector<16xf32>
        %mul3A_338 = vector.broadcast %squeeze3A_318 : f32 to vector<16xf32>
        %mul3A_339 = arith.mulf %get3A_337, %mul3A_338 : vector<16xf32>
        %swap3A_340 = arith.index_cast %add3A_322 : i32 to index
        %swap3A_341 = arith.constant 16 : index
        %swap3A_342 = tpu.vector_load %arg10[%swap3A_340, %swap3A_341] {strides = array<i32>} : memref<128x128xf32, #tpu.memory_space<vmem>>, vector<1x16xf32>,
        %swap3A_343 = vector.shape_cast %swap3A_342 : vector<1x16xf32> to vector<16xf32>
        %swap3A_344 = vector.shape_cast %mul3A_339 : vector<16xf32> to vector<1x16xf32>
        tpu.vector_store %arg10[%swap3A_340, %swap3A_341], %swap3A_344 {strides = array<i32>} : memref<128x128xf32, #tpu.memory_space<vmem>>, vector<1x16xf32>,
        %jit3A_345 = arith.constant 1.000000e+00 : f32
        %broadcast_in_dim3A_346 = vector.broadcast %jit3A_345 : f32 to vector<16xf32>
        %broadcast_in_dim3A_347 = vector.broadcast %squeeze3A_318 : f32 to vector<16xf32>
        %select_n3A_348 = arith.select %eq3A_16, %broadcast_in_dim3A_346, %broadcast_in_dim3A_347 : vector<16xi1>, vector<16xf32>
        %get3A_349 = arith.index_cast %add3A_322 : i32 to index
        %get3A_350 = arith.constant 32 : index
        %get3A_351 = tpu.vector_load %arg10[%get3A_349, %get3A_350] {strides = array<i32>} : memref<128x128xf32, #tpu.memory_space<vmem>>, vector<1x16xf32>,
        %get3A_352 = vector.shape_cast %get3A_351 : vector<1x16xf32> to vector<16xf32>
        %mul3A_353 = arith.mulf %get3A_352, %select_n3A_348 : vector<16xf32>
        %swap3A_354 = arith.index_cast %add3A_322 : i32 to index
        %swap3A_355 = arith.constant 32 : index
        %swap3A_356 = tpu.vector_load %arg10[%swap3A_354, %swap3A_355] {strides = array<i32>} : memref<128x128xf32, #tpu.memory_space<vmem>>, vector<1x16xf32>,
        %swap3A_357 = vector.shape_cast %swap3A_356 : vector<1x16xf32> to vector<16xf32>
        %swap3A_358 = vector.shape_cast %mul3A_353 : vector<16xf32> to vector<1x16xf32>
        tpu.vector_store %arg10[%swap3A_354, %swap3A_355], %swap3A_358 {strides = array<i32>} : memref<128x128xf32, #tpu.memory_space<vmem>>, vector<1x16xf32>,
        %slice3A_359 = vector.extract_strided_slice %get3A_112 {offsets = [6], sizes = [1], strides = [1]} : vector<16xf32> to vector<1xf32>
        %squeeze3A_360 = vector.extract %slice3A_359[0] : f32 from vector<1xf32>
        %mul3A_361 = arith.constant 16 : i32
        %mul3A_362 = arith.muli %scan3A_107, %mul3A_361 : i32
        %add3A_363 = arith.constant 6 : i32
        %add3A_364 = arith.addi %mul3A_362, %add3A_363 : i32
        %get3A_365 = arith.index_cast %add3A_364 : i32 to index
        %get3A_366 = arith.constant 0 : index
        %get3A_367 = tpu.vector_load %arg10[%get3A_365, %get3A_366] {strides = array<i32>} : memref<128x128xf32, #tpu.memory_space<vmem>>, vector<1x16xf32>,
        %get3A_368 = vector.shape_cast %get3A_367 : vector<1x16xf32> to vector<16xf32>
        %mul3A_369 = vector.broadcast %squeeze3A_360 : f32 to vector<16xf32>
        %mul3A_370 = arith.mulf %get3A_368, %mul3A_369 : vector<16xf32>
        %swap3A_371 = arith.index_cast %add3A_364 : i32 to index
        %swap3A_372 = arith.constant 0 : index
        %swap3A_373 = tpu.vector_load %arg10[%swap3A_371, %swap3A_372] {strides = array<i32>} : memref<128x128xf32, #tpu.memory_space<vmem>>, vector<1x16xf32>,
        %swap3A_374 = vector.shape_cast %swap3A_373 : vector<1x16xf32> to vector<16xf32>
        %swap3A_375 = vector.shape_cast %mul3A_370 : vector<16xf32> to vector<1x16xf32>
        tpu.vector_store %arg10[%swap3A_371, %swap3A_372], %swap3A_375 {strides = array<i32>} : memref<128x128xf32, #tpu.memory_space<vmem>>, vector<1x16xf32>,
        %get3A_376 = arith.index_cast %add3A_364 : i32 to index
        %get3A_377 = arith.constant 16 : index
        %get3A_378 = tpu.vector_load %arg10[%get3A_376, %get3A_377] {strides = array<i32>} : memref<128x128xf32, #tpu.memory_space<vmem>>, vector<1x16xf32>,
        %get3A_379 = vector.shape_cast %get3A_378 : vector<1x16xf32> to vector<16xf32>
        %mul3A_380 = vector.broadcast %squeeze3A_360 : f32 to vector<16xf32>
        %mul3A_381 = arith.mulf %get3A_379, %mul3A_380 : vector<16xf32>
        %swap3A_382 = arith.index_cast %add3A_364 : i32 to index
        %swap3A_383 = arith.constant 16 : index
        %swap3A_384 = tpu.vector_load %arg10[%swap3A_382, %swap3A_383] {strides = array<i32>} : memref<128x128xf32, #tpu.memory_space<vmem>>, vector<1x16xf32>,
        %swap3A_385 = vector.shape_cast %swap3A_384 : vector<1x16xf32> to vector<16xf32>
        %swap3A_386 = vector.shape_cast %mul3A_381 : vector<16xf32> to vector<1x16xf32>
        tpu.vector_store %arg10[%swap3A_382, %swap3A_383], %swap3A_386 {strides = array<i32>} : memref<128x128xf32, #tpu.memory_space<vmem>>, vector<1x16xf32>,
        %jit3A_387 = arith.constant 1.000000e+00 : f32
        %broadcast_in_dim3A_388 = vector.broadcast %jit3A_387 : f32 to vector<16xf32>
        %broadcast_in_dim3A_389 = vector.broadcast %squeeze3A_360 : f32 to vector<16xf32>
        %select_n3A_390 = arith.select %eq3A_16, %broadcast_in_dim3A_388, %broadcast_in_dim3A_389 : vector<16xi1>, vector<16xf32>
        %get3A_391 = arith.index_cast %add3A_364 : i32 to index
        %get3A_392 = arith.constant 32 : index
        %get3A_393 = tpu.vector_load %arg10[%get3A_391, %get3A_392] {strides = array<i32>} : memref<128x128xf32, #tpu.memory_space<vmem>>, vector<1x16xf32>,
        %get3A_394 = vector.shape_cast %get3A_393 : vector<1x16xf32> to vector<16xf32>
        %mul3A_395 = arith.mulf %get3A_394, %select_n3A_390 : vector<16xf32>
        %swap3A_396 = arith.index_cast %add3A_364 : i32 to index
        %swap3A_397 = arith.constant 32 : index
        %swap3A_398 = tpu.vector_load %arg10[%swap3A_396, %swap3A_397] {strides = array<i32>} : memref<128x128xf32, #tpu.memory_space<vmem>>, vector<1x16xf32>,
        %swap3A_399 = vector.shape_cast %swap3A_398 : vector<1x16xf32> to vector<16xf32>
        %swap3A_400 = vector.shape_cast %mul3A_395 : vector<16xf32> to vector<1x16xf32>
        tpu.vector_store %arg10[%swap3A_396, %swap3A_397], %swap3A_400 {strides = array<i32>} : memref<128x128xf32, #tpu.memory_space<vmem>>, vector<1x16xf32>,
        %slice3A_401 = vector.extract_strided_slice %get3A_112 {offsets = [7], sizes = [1], strides = [1]} : vector<16xf32> to vector<1xf32>
        %squeeze3A_402 = vector.extract %slice3A_401[0] : f32 from vector<1xf32>
        %mul3A_403 = arith.constant 16 : i32
        %mul3A_404 = arith.muli %scan3A_107, %mul3A_403 : i32
        %add3A_405 = arith.constant 7 : i32
        %add3A_406 = arith.addi %mul3A_404, %add3A_405 : i32
        %get3A_407 = arith.index_cast %add3A_406 : i32 to index
        %get3A_408 = arith.constant 0 : index
        %get3A_409 = tpu.vector_load %arg10[%get3A_407, %get3A_408] {strides = array<i32>} : memref<128x128xf32, #tpu.memory_space<vmem>>, vector<1x16xf32>,
        %get3A_410 = vector.shape_cast %get3A_409 : vector<1x16xf32> to vector<16xf32>
        %mul3A_411 = vector.broadcast %squeeze3A_402 : f32 to vector<16xf32>
        %mul3A_412 = arith.mulf %get3A_410, %mul3A_411 : vector<16xf32>
        %swap3A_413 = arith.index_cast %add3A_406 : i32 to index
        %swap3A_414 = arith.constant 0 : index
        %swap3A_415 = tpu.vector_load %arg10[%swap3A_413, %swap3A_414] {strides = array<i32>} : memref<128x128xf32, #tpu.memory_space<vmem>>, vector<1x16xf32>,
        %swap3A_416 = vector.shape_cast %swap3A_415 : vector<1x16xf32> to vector<16xf32>
        %swap3A_417 = vector.shape_cast %mul3A_412 : vector<16xf32> to vector<1x16xf32>
        tpu.vector_store %arg10[%swap3A_413, %swap3A_414], %swap3A_417 {strides = array<i32>} : memref<128x128xf32, #tpu.memory_space<vmem>>, vector<1x16xf32>,
        %get3A_418 = arith.index_cast %add3A_406 : i32 to index
        %get3A_419 = arith.constant 16 : index
        %get3A_420 = tpu.vector_load %arg10[%get3A_418, %get3A_419] {strides = array<i32>} : memref<128x128xf32, #tpu.memory_space<vmem>>, vector<1x16xf32>,
        %get3A_421 = vector.shape_cast %get3A_420 : vector<1x16xf32> to vector<16xf32>
        %mul3A_422 = vector.broadcast %squeeze3A_402 : f32 to vector<16xf32>
        %mul3A_423 = arith.mulf %get3A_421, %mul3A_422 : vector<16xf32>
        %swap3A_424 = arith.index_cast %add3A_406 : i32 to index
        %swap3A_425 = arith.constant 16 : index
        %swap3A_426 = tpu.vector_load %arg10[%swap3A_424, %swap3A_425] {strides = array<i32>} : memref<128x128xf32, #tpu.memory_space<vmem>>, vector<1x16xf32>,
        %swap3A_427 = vector.shape_cast %swap3A_426 : vector<1x16xf32> to vector<16xf32>
        %swap3A_428 = vector.shape_cast %mul3A_423 : vector<16xf32> to vector<1x16xf32>
        tpu.vector_store %arg10[%swap3A_424, %swap3A_425], %swap3A_428 {strides = array<i32>} : memref<128x128xf32, #tpu.memory_space<vmem>>, vector<1x16xf32>,
        %jit3A_429 = arith.constant 1.000000e+00 : f32
        %broadcast_in_dim3A_430 = vector.broadcast %jit3A_429 : f32 to vector<16xf32>
        %broadcast_in_dim3A_431 = vector.broadcast %squeeze3A_402 : f32 to vector<16xf32>
        %select_n3A_432 = arith.select %eq3A_16, %broadcast_in_dim3A_430, %broadcast_in_dim3A_431 : vector<16xi1>, vector<16xf32>
        %get3A_433 = arith.index_cast %add3A_406 : i32 to index
        %get3A_434 = arith.constant 32 : index
        %get3A_435 = tpu.vector_load %arg10[%get3A_433, %get3A_434] {strides = array<i32>} : memref<128x128xf32, #tpu.memory_space<vmem>>, vector<1x16xf32>,
        %get3A_436 = vector.shape_cast %get3A_435 : vector<1x16xf32> to vector<16xf32>
        %mul3A_437 = arith.mulf %get3A_436, %select_n3A_432 : vector<16xf32>
        %swap3A_438 = arith.index_cast %add3A_406 : i32 to index
        %swap3A_439 = arith.constant 32 : index
        %swap3A_440 = tpu.vector_load %arg10[%swap3A_438, %swap3A_439] {strides = array<i32>} : memref<128x128xf32, #tpu.memory_space<vmem>>, vector<1x16xf32>,
        %swap3A_441 = vector.shape_cast %swap3A_440 : vector<1x16xf32> to vector<16xf32>
        %swap3A_442 = vector.shape_cast %mul3A_437 : vector<16xf32> to vector<1x16xf32>
        tpu.vector_store %arg10[%swap3A_438, %swap3A_439], %swap3A_442 {strides = array<i32>} : memref<128x128xf32, #tpu.memory_space<vmem>>, vector<1x16xf32>,
        %slice3A_443 = vector.extract_strided_slice %get3A_112 {offsets = [8], sizes = [1], strides = [1]} : vector<16xf32> to vector<1xf32>
        %squeeze3A_444 = vector.extract %slice3A_443[0] : f32 from vector<1xf32>
        %mul3A_445 = arith.constant 16 : i32
        %mul3A_446 = arith.muli %scan3A_107, %mul3A_445 : i32
        %add3A_447 = arith.constant 8 : i32
        %add3A_448 = arith.addi %mul3A_446, %add3A_447 : i32
        %get3A_449 = arith.index_cast %add3A_448 : i32 to index
        %get3A_450 = arith.constant 0 : index
        %get3A_451 = tpu.vector_load %arg10[%get3A_449, %get3A_450] {strides = array<i32>} : memref<128x128xf32, #tpu.memory_space<vmem>>, vector<1x16xf32>,
        %get3A_452 = vector.shape_cast %get3A_451 : vector<1x16xf32> to vector<16xf32>
        %mul3A_453 = vector.broadcast %squeeze3A_444 : f32 to vector<16xf32>
        %mul3A_454 = arith.mulf %get3A_452, %mul3A_453 : vector<16xf32>
        %swap3A_455 = arith.index_cast %add3A_448 : i32 to index
        %swap3A_456 = arith.constant 0 : index
        %swap3A_457 = tpu.vector_load %arg10[%swap3A_455, %swap3A_456] {strides = array<i32>} : memref<128x128xf32, #tpu.memory_space<vmem>>, vector<1x16xf32>,
        %swap3A_458 = vector.shape_cast %swap3A_457 : vector<1x16xf32> to vector<16xf32>
        %swap3A_459 = vector.shape_cast %mul3A_454 : vector<16xf32> to vector<1x16xf32>
        tpu.vector_store %arg10[%swap3A_455, %swap3A_456], %swap3A_459 {strides = array<i32>} : memref<128x128xf32, #tpu.memory_space<vmem>>, vector<1x16xf32>,
        %get3A_460 = arith.index_cast %add3A_448 : i32 to index
        %get3A_461 = arith.constant 16 : index
        %get3A_462 = tpu.vector_load %arg10[%get3A_460, %get3A_461] {strides = array<i32>} : memref<128x128xf32, #tpu.memory_space<vmem>>, vector<1x16xf32>,
        %get3A_463 = vector.shape_cast %get3A_462 : vector<1x16xf32> to vector<16xf32>
        %mul3A_464 = vector.broadcast %squeeze3A_444 : f32 to vector<16xf32>
        %mul3A_465 = arith.mulf %get3A_463, %mul3A_464 : vector<16xf32>
        %swap3A_466 = arith.index_cast %add3A_448 : i32 to index
        %swap3A_467 = arith.constant 16 : index
        %swap3A_468 = tpu.vector_load %arg10[%swap3A_466, %swap3A_467] {strides = array<i32>} : memref<128x128xf32, #tpu.memory_space<vmem>>, vector<1x16xf32>,
        %swap3A_469 = vector.shape_cast %swap3A_468 : vector<1x16xf32> to vector<16xf32>
        %swap3A_470 = vector.shape_cast %mul3A_465 : vector<16xf32> to vector<1x16xf32>
        tpu.vector_store %arg10[%swap3A_466, %swap3A_467], %swap3A_470 {strides = array<i32>} : memref<128x128xf32, #tpu.memory_space<vmem>>, vector<1x16xf32>,
        %jit3A_471 = arith.constant 1.000000e+00 : f32
        %broadcast_in_dim3A_472 = vector.broadcast %jit3A_471 : f32 to vector<16xf32>
        %broadcast_in_dim3A_473 = vector.broadcast %squeeze3A_444 : f32 to vector<16xf32>
        %select_n3A_474 = arith.select %eq3A_16, %broadcast_in_dim3A_472, %broadcast_in_dim3A_473 : vector<16xi1>, vector<16xf32>
        %get3A_475 = arith.index_cast %add3A_448 : i32 to index
        %get3A_476 = arith.constant 32 : index
        %get3A_477 = tpu.vector_load %arg10[%get3A_475, %get3A_476] {strides = array<i32>} : memref<128x128xf32, #tpu.memory_space<vmem>>, vector<1x16xf32>,
        %get3A_478 = vector.shape_cast %get3A_477 : vector<1x16xf32> to vector<16xf32>
        %mul3A_479 = arith.mulf %get3A_478, %select_n3A_474 : vector<16xf32>
        %swap3A_480 = arith.index_cast %add3A_448 : i32 to index
        %swap3A_481 = arith.constant 32 : index
        %swap3A_482 = tpu.vector_load %arg10[%swap3A_480, %swap3A_481] {strides = array<i32>} : memref<128x128xf32, #tpu.memory_space<vmem>>, vector<1x16xf32>,
        %swap3A_483 = vector.shape_cast %swap3A_482 : vector<1x16xf32> to vector<16xf32>
        %swap3A_484 = vector.shape_cast %mul3A_479 : vector<16xf32> to vector<1x16xf32>
        tpu.vector_store %arg10[%swap3A_480, %swap3A_481], %swap3A_484 {strides = array<i32>} : memref<128x128xf32, #tpu.memory_space<vmem>>, vector<1x16xf32>,
        %slice3A_485 = vector.extract_strided_slice %get3A_112 {offsets = [9], sizes = [1], strides = [1]} : vector<16xf32> to vector<1xf32>
        %squeeze3A_486 = vector.extract %slice3A_485[0] : f32 from vector<1xf32>
        %mul3A_487 = arith.constant 16 : i32
        %mul3A_488 = arith.muli %scan3A_107, %mul3A_487 : i32
        %add3A_489 = arith.constant 9 : i32
        %add3A_490 = arith.addi %mul3A_488, %add3A_489 : i32
        %get3A_491 = arith.index_cast %add3A_490 : i32 to index
        %get3A_492 = arith.constant 0 : index
        %get3A_493 = tpu.vector_load %arg10[%get3A_491, %get3A_492] {strides = array<i32>} : memref<128x128xf32, #tpu.memory_space<vmem>>, vector<1x16xf32>,
        %get3A_494 = vector.shape_cast %get3A_493 : vector<1x16xf32> to vector<16xf32>
        %mul3A_495 = vector.broadcast %squeeze3A_486 : f32 to vector<16xf32>
        %mul3A_496 = arith.mulf %get3A_494, %mul3A_495 : vector<16xf32>
        %swap3A_497 = arith.index_cast %add3A_490 : i32 to index
        %swap3A_498 = arith.constant 0 : index
        %swap3A_499 = tpu.vector_load %arg10[%swap3A_497, %swap3A_498] {strides = array<i32>} : memref<128x128xf32, #tpu.memory_space<vmem>>, vector<1x16xf32>,
        %swap3A_500 = vector.shape_cast %swap3A_499 : vector<1x16xf32> to vector<16xf32>
        %swap3A_501 = vector.shape_cast %mul3A_496 : vector<16xf32> to vector<1x16xf32>
        tpu.vector_store %arg10[%swap3A_497, %swap3A_498], %swap3A_501 {strides = array<i32>} : memref<128x128xf32, #tpu.memory_space<vmem>>, vector<1x16xf32>,
        %get3A_502 = arith.index_cast %add3A_490 : i32 to index
        %get3A_503 = arith.constant 16 : index
        %get3A_504 = tpu.vector_load %arg10[%get3A_502, %get3A_503] {strides = array<i32>} : memref<128x128xf32, #tpu.memory_space<vmem>>, vector<1x16xf32>,
        %get3A_505 = vector.shape_cast %get3A_504 : vector<1x16xf32> to vector<16xf32>
        %mul3A_506 = vector.broadcast %squeeze3A_486 : f32 to vector<16xf32>
        %mul3A_507 = arith.mulf %get3A_505, %mul3A_506 : vector<16xf32>
        %swap3A_508 = arith.index_cast %add3A_490 : i32 to index
        %swap3A_509 = arith.constant 16 : index
        %swap3A_510 = tpu.vector_load %arg10[%swap3A_508, %swap3A_509] {strides = array<i32>} : memref<128x128xf32, #tpu.memory_space<vmem>>, vector<1x16xf32>,
        %swap3A_511 = vector.shape_cast %swap3A_510 : vector<1x16xf32> to vector<16xf32>
        %swap3A_512 = vector.shape_cast %mul3A_507 : vector<16xf32> to vector<1x16xf32>
        tpu.vector_store %arg10[%swap3A_508, %swap3A_509], %swap3A_512 {strides = array<i32>} : memref<128x128xf32, #tpu.memory_space<vmem>>, vector<1x16xf32>,
        %jit3A_513 = arith.constant 1.000000e+00 : f32
        %broadcast_in_dim3A_514 = vector.broadcast %jit3A_513 : f32 to vector<16xf32>
        %broadcast_in_dim3A_515 = vector.broadcast %squeeze3A_486 : f32 to vector<16xf32>
        %select_n3A_516 = arith.select %eq3A_16, %broadcast_in_dim3A_514, %broadcast_in_dim3A_515 : vector<16xi1>, vector<16xf32>
        %get3A_517 = arith.index_cast %add3A_490 : i32 to index
        %get3A_518 = arith.constant 32 : index
        %get3A_519 = tpu.vector_load %arg10[%get3A_517, %get3A_518] {strides = array<i32>} : memref<128x128xf32, #tpu.memory_space<vmem>>, vector<1x16xf32>,
        %get3A_520 = vector.shape_cast %get3A_519 : vector<1x16xf32> to vector<16xf32>
        %mul3A_521 = arith.mulf %get3A_520, %select_n3A_516 : vector<16xf32>
        %swap3A_522 = arith.index_cast %add3A_490 : i32 to index
        %swap3A_523 = arith.constant 32 : index
        %swap3A_524 = tpu.vector_load %arg10[%swap3A_522, %swap3A_523] {strides = array<i32>} : memref<128x128xf32, #tpu.memory_space<vmem>>, vector<1x16xf32>,
        %swap3A_525 = vector.shape_cast %swap3A_524 : vector<1x16xf32> to vector<16xf32>
        %swap3A_526 = vector.shape_cast %mul3A_521 : vector<16xf32> to vector<1x16xf32>
        tpu.vector_store %arg10[%swap3A_522, %swap3A_523], %swap3A_526 {strides = array<i32>} : memref<128x128xf32, #tpu.memory_space<vmem>>, vector<1x16xf32>,
        %slice3A_527 = vector.extract_strided_slice %get3A_112 {offsets = [10], sizes = [1], strides = [1]} : vector<16xf32> to vector<1xf32>
        %squeeze3A_528 = vector.extract %slice3A_527[0] : f32 from vector<1xf32>
        %mul3A_529 = arith.constant 16 : i32
        %mul3A_530 = arith.muli %scan3A_107, %mul3A_529 : i32
        %add3A_531 = arith.constant 10 : i32
        %add3A_532 = arith.addi %mul3A_530, %add3A_531 : i32
        %get3A_533 = arith.index_cast %add3A_532 : i32 to index
        %get3A_534 = arith.constant 0 : index
        %get3A_535 = tpu.vector_load %arg10[%get3A_533, %get3A_534] {strides = array<i32>} : memref<128x128xf32, #tpu.memory_space<vmem>>, vector<1x16xf32>,
        %get3A_536 = vector.shape_cast %get3A_535 : vector<1x16xf32> to vector<16xf32>
        %mul3A_537 = vector.broadcast %squeeze3A_528 : f32 to vector<16xf32>
        %mul3A_538 = arith.mulf %get3A_536, %mul3A_537 : vector<16xf32>
        %swap3A_539 = arith.index_cast %add3A_532 : i32 to index
        %swap3A_540 = arith.constant 0 : index
        %swap3A_541 = tpu.vector_load %arg10[%swap3A_539, %swap3A_540] {strides = array<i32>} : memref<128x128xf32, #tpu.memory_space<vmem>>, vector<1x16xf32>,
        %swap3A_542 = vector.shape_cast %swap3A_541 : vector<1x16xf32> to vector<16xf32>
        %swap3A_543 = vector.shape_cast %mul3A_538 : vector<16xf32> to vector<1x16xf32>
        tpu.vector_store %arg10[%swap3A_539, %swap3A_540], %swap3A_543 {strides = array<i32>} : memref<128x128xf32, #tpu.memory_space<vmem>>, vector<1x16xf32>,
        %get3A_544 = arith.index_cast %add3A_532 : i32 to index
        %get3A_545 = arith.constant 16 : index
        %get3A_546 = tpu.vector_load %arg10[%get3A_544, %get3A_545] {strides = array<i32>} : memref<128x128xf32, #tpu.memory_space<vmem>>, vector<1x16xf32>,
        %get3A_547 = vector.shape_cast %get3A_546 : vector<1x16xf32> to vector<16xf32>
        %mul3A_548 = vector.broadcast %squeeze3A_528 : f32 to vector<16xf32>
        %mul3A_549 = arith.mulf %get3A_547, %mul3A_548 : vector<16xf32>
        %swap3A_550 = arith.index_cast %add3A_532 : i32 to index
        %swap3A_551 = arith.constant 16 : index
        %swap3A_552 = tpu.vector_load %arg10[%swap3A_550, %swap3A_551] {strides = array<i32>} : memref<128x128xf32, #tpu.memory_space<vmem>>, vector<1x16xf32>,
        %swap3A_553 = vector.shape_cast %swap3A_552 : vector<1x16xf32> to vector<16xf32>
        %swap3A_554 = vector.shape_cast %mul3A_549 : vector<16xf32> to vector<1x16xf32>
        tpu.vector_store %arg10[%swap3A_550, %swap3A_551], %swap3A_554 {strides = array<i32>} : memref<128x128xf32, #tpu.memory_space<vmem>>, vector<1x16xf32>,
        %jit3A_555 = arith.constant 1.000000e+00 : f32
        %broadcast_in_dim3A_556 = vector.broadcast %jit3A_555 : f32 to vector<16xf32>
        %broadcast_in_dim3A_557 = vector.broadcast %squeeze3A_528 : f32 to vector<16xf32>
        %select_n3A_558 = arith.select %eq3A_16, %broadcast_in_dim3A_556, %broadcast_in_dim3A_557 : vector<16xi1>, vector<16xf32>
        %get3A_559 = arith.index_cast %add3A_532 : i32 to index
        %get3A_560 = arith.constant 32 : index
        %get3A_561 = tpu.vector_load %arg10[%get3A_559, %get3A_560] {strides = array<i32>} : memref<128x128xf32, #tpu.memory_space<vmem>>, vector<1x16xf32>,
        %get3A_562 = vector.shape_cast %get3A_561 : vector<1x16xf32> to vector<16xf32>
        %mul3A_563 = arith.mulf %get3A_562, %select_n3A_558 : vector<16xf32>
        %swap3A_564 = arith.index_cast %add3A_532 : i32 to index
        %swap3A_565 = arith.constant 32 : index
        %swap3A_566 = tpu.vector_load %arg10[%swap3A_564, %swap3A_565] {strides = array<i32>} : memref<128x128xf32, #tpu.memory_space<vmem>>, vector<1x16xf32>,
        %swap3A_567 = vector.shape_cast %swap3A_566 : vector<1x16xf32> to vector<16xf32>
        %swap3A_568 = vector.shape_cast %mul3A_563 : vector<16xf32> to vector<1x16xf32>
        tpu.vector_store %arg10[%swap3A_564, %swap3A_565], %swap3A_568 {strides = array<i32>} : memref<128x128xf32, #tpu.memory_space<vmem>>, vector<1x16xf32>,
        %slice3A_569 = vector.extract_strided_slice %get3A_112 {offsets = [11], sizes = [1], strides = [1]} : vector<16xf32> to vector<1xf32>
        %squeeze3A_570 = vector.extract %slice3A_569[0] : f32 from vector<1xf32>
        %mul3A_571 = arith.constant 16 : i32
        %mul3A_572 = arith.muli %scan3A_107, %mul3A_571 : i32
        %add3A_573 = arith.constant 11 : i32
        %add3A_574 = arith.addi %mul3A_572, %add3A_573 : i32
        %get3A_575 = arith.index_cast %add3A_574 : i32 to index
        %get3A_576 = arith.constant 0 : index
        %get3A_577 = tpu.vector_load %arg10[%get3A_575, %get3A_576] {strides = array<i32>} : memref<128x128xf32, #tpu.memory_space<vmem>>, vector<1x16xf32>,
        %get3A_578 = vector.shape_cast %get3A_577 : vector<1x16xf32> to vector<16xf32>
        %mul3A_579 = vector.broadcast %squeeze3A_570 : f32 to vector<16xf32>
        %mul3A_580 = arith.mulf %get3A_578, %mul3A_579 : vector<16xf32>
        %swap3A_581 = arith.index_cast %add3A_574 : i32 to index
        %swap3A_582 = arith.constant 0 : index
        %swap3A_583 = tpu.vector_load %arg10[%swap3A_581, %swap3A_582] {strides = array<i32>} : memref<128x128xf32, #tpu.memory_space<vmem>>, vector<1x16xf32>,
        %swap3A_584 = vector.shape_cast %swap3A_583 : vector<1x16xf32> to vector<16xf32>
        %swap3A_585 = vector.shape_cast %mul3A_580 : vector<16xf32> to vector<1x16xf32>
        tpu.vector_store %arg10[%swap3A_581, %swap3A_582], %swap3A_585 {strides = array<i32>} : memref<128x128xf32, #tpu.memory_space<vmem>>, vector<1x16xf32>,
        %get3A_586 = arith.index_cast %add3A_574 : i32 to index
        %get3A_587 = arith.constant 16 : index
        %get3A_588 = tpu.vector_load %arg10[%get3A_586, %get3A_587] {strides = array<i32>} : memref<128x128xf32, #tpu.memory_space<vmem>>, vector<1x16xf32>,
        %get3A_589 = vector.shape_cast %get3A_588 : vector<1x16xf32> to vector<16xf32>
        %mul3A_590 = vector.broadcast %squeeze3A_570 : f32 to vector<16xf32>
        %mul3A_591 = arith.mulf %get3A_589, %mul3A_590 : vector<16xf32>
        %swap3A_592 = arith.index_cast %add3A_574 : i32 to index
        %swap3A_593 = arith.constant 16 : index
        %swap3A_594 = tpu.vector_load %arg10[%swap3A_592, %swap3A_593] {strides = array<i32>} : memref<128x128xf32, #tpu.memory_space<vmem>>, vector<1x16xf32>,
        %swap3A_595 = vector.shape_cast %swap3A_594 : vector<1x16xf32> to vector<16xf32>
        %swap3A_596 = vector.shape_cast %mul3A_591 : vector<16xf32> to vector<1x16xf32>
        tpu.vector_store %arg10[%swap3A_592, %swap3A_593], %swap3A_596 {strides = array<i32>} : memref<128x128xf32, #tpu.memory_space<vmem>>, vector<1x16xf32>,
        %jit3A_597 = arith.constant 1.000000e+00 : f32
        %broadcast_in_dim3A_598 = vector.broadcast %jit3A_597 : f32 to vector<16xf32>
        %broadcast_in_dim3A_599 = vector.broadcast %squeeze3A_570 : f32 to vector<16xf32>
        %select_n3A_600 = arith.select %eq3A_16, %broadcast_in_dim3A_598, %broadcast_in_dim3A_599 : vector<16xi1>, vector<16xf32>
        %get3A_601 = arith.index_cast %add3A_574 : i32 to index
        %get3A_602 = arith.constant 32 : index
        %get3A_603 = tpu.vector_load %arg10[%get3A_601, %get3A_602] {strides = array<i32>} : memref<128x128xf32, #tpu.memory_space<vmem>>, vector<1x16xf32>,
        %get3A_604 = vector.shape_cast %get3A_603 : vector<1x16xf32> to vector<16xf32>
        %mul3A_605 = arith.mulf %get3A_604, %select_n3A_600 : vector<16xf32>
        %swap3A_606 = arith.index_cast %add3A_574 : i32 to index
        %swap3A_607 = arith.constant 32 : index
        %swap3A_608 = tpu.vector_load %arg10[%swap3A_606, %swap3A_607] {strides = array<i32>} : memref<128x128xf32, #tpu.memory_space<vmem>>, vector<1x16xf32>,
        %swap3A_609 = vector.shape_cast %swap3A_608 : vector<1x16xf32> to vector<16xf32>
        %swap3A_610 = vector.shape_cast %mul3A_605 : vector<16xf32> to vector<1x16xf32>
        tpu.vector_store %arg10[%swap3A_606, %swap3A_607], %swap3A_610 {strides = array<i32>} : memref<128x128xf32, #tpu.memory_space<vmem>>, vector<1x16xf32>,
        %slice3A_611 = vector.extract_strided_slice %get3A_112 {offsets = [12], sizes = [1], strides = [1]} : vector<16xf32> to vector<1xf32>
        %squeeze3A_612 = vector.extract %slice3A_611[0] : f32 from vector<1xf32>
        %mul3A_613 = arith.constant 16 : i32
        %mul3A_614 = arith.muli %scan3A_107, %mul3A_613 : i32
        %add3A_615 = arith.constant 12 : i32
        %add3A_616 = arith.addi %mul3A_614, %add3A_615 : i32
        %get3A_617 = arith.index_cast %add3A_616 : i32 to index
        %get3A_618 = arith.constant 0 : index
        %get3A_619 = tpu.vector_load %arg10[%get3A_617, %get3A_618] {strides = array<i32>} : memref<128x128xf32, #tpu.memory_space<vmem>>, vector<1x16xf32>,
        %get3A_620 = vector.shape_cast %get3A_619 : vector<1x16xf32> to vector<16xf32>
        %mul3A_621 = vector.broadcast %squeeze3A_612 : f32 to vector<16xf32>
        %mul3A_622 = arith.mulf %get3A_620, %mul3A_621 : vector<16xf32>
        %swap3A_623 = arith.index_cast %add3A_616 : i32 to index
        %swap3A_624 = arith.constant 0 : index
        %swap3A_625 = tpu.vector_load %arg10[%swap3A_623, %swap3A_624] {strides = array<i32>} : memref<128x128xf32, #tpu.memory_space<vmem>>, vector<1x16xf32>,
        %swap3A_626 = vector.shape_cast %swap3A_625 : vector<1x16xf32> to vector<16xf32>
        %swap3A_627 = vector.shape_cast %mul3A_622 : vector<16xf32> to vector<1x16xf32>
        tpu.vector_store %arg10[%swap3A_623, %swap3A_624], %swap3A_627 {strides = array<i32>} : memref<128x128xf32, #tpu.memory_space<vmem>>, vector<1x16xf32>,
        %get3A_628 = arith.index_cast %add3A_616 : i32 to index
        %get3A_629 = arith.constant 16 : index
        %get3A_630 = tpu.vector_load %arg10[%get3A_628, %get3A_629] {strides = array<i32>} : memref<128x128xf32, #tpu.memory_space<vmem>>, vector<1x16xf32>,
        %get3A_631 = vector.shape_cast %get3A_630 : vector<1x16xf32> to vector<16xf32>
        %mul3A_632 = vector.broadcast %squeeze3A_612 : f32 to vector<16xf32>
        %mul3A_633 = arith.mulf %get3A_631, %mul3A_632 : vector<16xf32>
        %swap3A_634 = arith.index_cast %add3A_616 : i32 to index
        %swap3A_635 = arith.constant 16 : index
        %swap3A_636 = tpu.vector_load %arg10[%swap3A_634, %swap3A_635] {strides = array<i32>} : memref<128x128xf32, #tpu.memory_space<vmem>>, vector<1x16xf32>,
        %swap3A_637 = vector.shape_cast %swap3A_636 : vector<1x16xf32> to vector<16xf32>
        %swap3A_638 = vector.shape_cast %mul3A_633 : vector<16xf32> to vector<1x16xf32>
        tpu.vector_store %arg10[%swap3A_634, %swap3A_635], %swap3A_638 {strides = array<i32>} : memref<128x128xf32, #tpu.memory_space<vmem>>, vector<1x16xf32>,
        %jit3A_639 = arith.constant 1.000000e+00 : f32
        %broadcast_in_dim3A_640 = vector.broadcast %jit3A_639 : f32 to vector<16xf32>
        %broadcast_in_dim3A_641 = vector.broadcast %squeeze3A_612 : f32 to vector<16xf32>
        %select_n3A_642 = arith.select %eq3A_16, %broadcast_in_dim3A_640, %broadcast_in_dim3A_641 : vector<16xi1>, vector<16xf32>
        %get3A_643 = arith.index_cast %add3A_616 : i32 to index
        %get3A_644 = arith.constant 32 : index
        %get3A_645 = tpu.vector_load %arg10[%get3A_643, %get3A_644] {strides = array<i32>} : memref<128x128xf32, #tpu.memory_space<vmem>>, vector<1x16xf32>,
        %get3A_646 = vector.shape_cast %get3A_645 : vector<1x16xf32> to vector<16xf32>
        %mul3A_647 = arith.mulf %get3A_646, %select_n3A_642 : vector<16xf32>
        %swap3A_648 = arith.index_cast %add3A_616 : i32 to index
        %swap3A_649 = arith.constant 32 : index
        %swap3A_650 = tpu.vector_load %arg10[%swap3A_648, %swap3A_649] {strides = array<i32>} : memref<128x128xf32, #tpu.memory_space<vmem>>, vector<1x16xf32>,
        %swap3A_651 = vector.shape_cast %swap3A_650 : vector<1x16xf32> to vector<16xf32>
        %swap3A_652 = vector.shape_cast %mul3A_647 : vector<16xf32> to vector<1x16xf32>
        tpu.vector_store %arg10[%swap3A_648, %swap3A_649], %swap3A_652 {strides = array<i32>} : memref<128x128xf32, #tpu.memory_space<vmem>>, vector<1x16xf32>,
        %slice3A_653 = vector.extract_strided_slice %get3A_112 {offsets = [13], sizes = [1], strides = [1]} : vector<16xf32> to vector<1xf32>
        %squeeze3A_654 = vector.extract %slice3A_653[0] : f32 from vector<1xf32>
        %mul3A_655 = arith.constant 16 : i32
        %mul3A_656 = arith.muli %scan3A_107, %mul3A_655 : i32
        %add3A_657 = arith.constant 13 : i32
        %add3A_658 = arith.addi %mul3A_656, %add3A_657 : i32
        %get3A_659 = arith.index_cast %add3A_658 : i32 to index
        %get3A_660 = arith.constant 0 : index
        %get3A_661 = tpu.vector_load %arg10[%get3A_659, %get3A_660] {strides = array<i32>} : memref<128x128xf32, #tpu.memory_space<vmem>>, vector<1x16xf32>,
        %get3A_662 = vector.shape_cast %get3A_661 : vector<1x16xf32> to vector<16xf32>
        %mul3A_663 = vector.broadcast %squeeze3A_654 : f32 to vector<16xf32>
        %mul3A_664 = arith.mulf %get3A_662, %mul3A_663 : vector<16xf32>
        %swap3A_665 = arith.index_cast %add3A_658 : i32 to index
        %swap3A_666 = arith.constant 0 : index
        %swap3A_667 = tpu.vector_load %arg10[%swap3A_665, %swap3A_666] {strides = array<i32>} : memref<128x128xf32, #tpu.memory_space<vmem>>, vector<1x16xf32>,
        %swap3A_668 = vector.shape_cast %swap3A_667 : vector<1x16xf32> to vector<16xf32>
        %swap3A_669 = vector.shape_cast %mul3A_664 : vector<16xf32> to vector<1x16xf32>
        tpu.vector_store %arg10[%swap3A_665, %swap3A_666], %swap3A_669 {strides = array<i32>} : memref<128x128xf32, #tpu.memory_space<vmem>>, vector<1x16xf32>,
        %get3A_670 = arith.index_cast %add3A_658 : i32 to index
        %get3A_671 = arith.constant 16 : index
        %get3A_672 = tpu.vector_load %arg10[%get3A_670, %get3A_671] {strides = array<i32>} : memref<128x128xf32, #tpu.memory_space<vmem>>, vector<1x16xf32>,
        %get3A_673 = vector.shape_cast %get3A_672 : vector<1x16xf32> to vector<16xf32>
        %mul3A_674 = vector.broadcast %squeeze3A_654 : f32 to vector<16xf32>
        %mul3A_675 = arith.mulf %get3A_673, %mul3A_674 : vector<16xf32>
        %swap3A_676 = arith.index_cast %add3A_658 : i32 to index
        %swap3A_677 = arith.constant 16 : index
        %swap3A_678 = tpu.vector_load %arg10[%swap3A_676, %swap3A_677] {strides = array<i32>} : memref<128x128xf32, #tpu.memory_space<vmem>>, vector<1x16xf32>,
        %swap3A_679 = vector.shape_cast %swap3A_678 : vector<1x16xf32> to vector<16xf32>
        %swap3A_680 = vector.shape_cast %mul3A_675 : vector<16xf32> to vector<1x16xf32>
        tpu.vector_store %arg10[%swap3A_676, %swap3A_677], %swap3A_680 {strides = array<i32>} : memref<128x128xf32, #tpu.memory_space<vmem>>, vector<1x16xf32>,
        %jit3A_681 = arith.constant 1.000000e+00 : f32
        %broadcast_in_dim3A_682 = vector.broadcast %jit3A_681 : f32 to vector<16xf32>
        %broadcast_in_dim3A_683 = vector.broadcast %squeeze3A_654 : f32 to vector<16xf32>
        %select_n3A_684 = arith.select %eq3A_16, %broadcast_in_dim3A_682, %broadcast_in_dim3A_683 : vector<16xi1>, vector<16xf32>
        %get3A_685 = arith.index_cast %add3A_658 : i32 to index
        %get3A_686 = arith.constant 32 : index
        %get3A_687 = tpu.vector_load %arg10[%get3A_685, %get3A_686] {strides = array<i32>} : memref<128x128xf32, #tpu.memory_space<vmem>>, vector<1x16xf32>,
        %get3A_688 = vector.shape_cast %get3A_687 : vector<1x16xf32> to vector<16xf32>
        %mul3A_689 = arith.mulf %get3A_688, %select_n3A_684 : vector<16xf32>
        %swap3A_690 = arith.index_cast %add3A_658 : i32 to index
        %swap3A_691 = arith.constant 32 : index
        %swap3A_692 = tpu.vector_load %arg10[%swap3A_690, %swap3A_691] {strides = array<i32>} : memref<128x128xf32, #tpu.memory_space<vmem>>, vector<1x16xf32>,
        %swap3A_693 = vector.shape_cast %swap3A_692 : vector<1x16xf32> to vector<16xf32>
        %swap3A_694 = vector.shape_cast %mul3A_689 : vector<16xf32> to vector<1x16xf32>
        tpu.vector_store %arg10[%swap3A_690, %swap3A_691], %swap3A_694 {strides = array<i32>} : memref<128x128xf32, #tpu.memory_space<vmem>>, vector<1x16xf32>,
        %slice3A_695 = vector.extract_strided_slice %get3A_112 {offsets = [14], sizes = [1], strides = [1]} : vector<16xf32> to vector<1xf32>
        %squeeze3A_696 = vector.extract %slice3A_695[0] : f32 from vector<1xf32>
        %mul3A_697 = arith.constant 16 : i32
        %mul3A_698 = arith.muli %scan3A_107, %mul3A_697 : i32
        %add3A_699 = arith.constant 14 : i32
        %add3A_700 = arith.addi %mul3A_698, %add3A_699 : i32
        %get3A_701 = arith.index_cast %add3A_700 : i32 to index
        %get3A_702 = arith.constant 0 : index
        %get3A_703 = tpu.vector_load %arg10[%get3A_701, %get3A_702] {strides = array<i32>} : memref<128x128xf32, #tpu.memory_space<vmem>>, vector<1x16xf32>,
        %get3A_704 = vector.shape_cast %get3A_703 : vector<1x16xf32> to vector<16xf32>
        %mul3A_705 = vector.broadcast %squeeze3A_696 : f32 to vector<16xf32>
        %mul3A_706 = arith.mulf %get3A_704, %mul3A_705 : vector<16xf32>
        %swap3A_707 = arith.index_cast %add3A_700 : i32 to index
        %swap3A_708 = arith.constant 0 : index
        %swap3A_709 = tpu.vector_load %arg10[%swap3A_707, %swap3A_708] {strides = array<i32>} : memref<128x128xf32, #tpu.memory_space<vmem>>, vector<1x16xf32>,
        %swap3A_710 = vector.shape_cast %swap3A_709 : vector<1x16xf32> to vector<16xf32>
        %swap3A_711 = vector.shape_cast %mul3A_706 : vector<16xf32> to vector<1x16xf32>
        tpu.vector_store %arg10[%swap3A_707, %swap3A_708], %swap3A_711 {strides = array<i32>} : memref<128x128xf32, #tpu.memory_space<vmem>>, vector<1x16xf32>,
        %get3A_712 = arith.index_cast %add3A_700 : i32 to index
        %get3A_713 = arith.constant 16 : index
        %get3A_714 = tpu.vector_load %arg10[%get3A_712, %get3A_713] {strides = array<i32>} : memref<128x128xf32, #tpu.memory_space<vmem>>, vector<1x16xf32>,
        %get3A_715 = vector.shape_cast %get3A_714 : vector<1x16xf32> to vector<16xf32>
        %mul3A_716 = vector.broadcast %squeeze3A_696 : f32 to vector<16xf32>
        %mul3A_717 = arith.mulf %get3A_715, %mul3A_716 : vector<16xf32>
        %swap3A_718 = arith.index_cast %add3A_700 : i32 to index
        %swap3A_719 = arith.constant 16 : index
        %swap3A_720 = tpu.vector_load %arg10[%swap3A_718, %swap3A_719] {strides = array<i32>} : memref<128x128xf32, #tpu.memory_space<vmem>>, vector<1x16xf32>,
        %swap3A_721 = vector.shape_cast %swap3A_720 : vector<1x16xf32> to vector<16xf32>
        %swap3A_722 = vector.shape_cast %mul3A_717 : vector<16xf32> to vector<1x16xf32>
        tpu.vector_store %arg10[%swap3A_718, %swap3A_719], %swap3A_722 {strides = array<i32>} : memref<128x128xf32, #tpu.memory_space<vmem>>, vector<1x16xf32>,
        %jit3A_723 = arith.constant 1.000000e+00 : f32
        %broadcast_in_dim3A_724 = vector.broadcast %jit3A_723 : f32 to vector<16xf32>
        %broadcast_in_dim3A_725 = vector.broadcast %squeeze3A_696 : f32 to vector<16xf32>
        %select_n3A_726 = arith.select %eq3A_16, %broadcast_in_dim3A_724, %broadcast_in_dim3A_725 : vector<16xi1>, vector<16xf32>
        %get3A_727 = arith.index_cast %add3A_700 : i32 to index
        %get3A_728 = arith.constant 32 : index
        %get3A_729 = tpu.vector_load %arg10[%get3A_727, %get3A_728] {strides = array<i32>} : memref<128x128xf32, #tpu.memory_space<vmem>>, vector<1x16xf32>,
        %get3A_730 = vector.shape_cast %get3A_729 : vector<1x16xf32> to vector<16xf32>
        %mul3A_731 = arith.mulf %get3A_730, %select_n3A_726 : vector<16xf32>
        %swap3A_732 = arith.index_cast %add3A_700 : i32 to index
        %swap3A_733 = arith.constant 32 : index
        %swap3A_734 = tpu.vector_load %arg10[%swap3A_732, %swap3A_733] {strides = array<i32>} : memref<128x128xf32, #tpu.memory_space<vmem>>, vector<1x16xf32>,
        %swap3A_735 = vector.shape_cast %swap3A_734 : vector<1x16xf32> to vector<16xf32>
        %swap3A_736 = vector.shape_cast %mul3A_731 : vector<16xf32> to vector<1x16xf32>
        tpu.vector_store %arg10[%swap3A_732, %swap3A_733], %swap3A_736 {strides = array<i32>} : memref<128x128xf32, #tpu.memory_space<vmem>>, vector<1x16xf32>,
        %slice3A_737 = vector.extract_strided_slice %get3A_112 {offsets = [15], sizes = [1], strides = [1]} : vector<16xf32> to vector<1xf32>
        %squeeze3A_738 = vector.extract %slice3A_737[0] : f32 from vector<1xf32>
        %mul3A_739 = arith.constant 16 : i32
        %mul3A_740 = arith.muli %scan3A_107, %mul3A_739 : i32
        %add3A_741 = arith.constant 15 : i32
        %add3A_742 = arith.addi %mul3A_740, %add3A_741 : i32
        %get3A_743 = arith.index_cast %add3A_742 : i32 to index
        %get3A_744 = arith.constant 0 : index
        %get3A_745 = tpu.vector_load %arg10[%get3A_743, %get3A_744] {strides = array<i32>} : memref<128x128xf32, #tpu.memory_space<vmem>>, vector<1x16xf32>,
        %get3A_746 = vector.shape_cast %get3A_745 : vector<1x16xf32> to vector<16xf32>
        %mul3A_747 = vector.broadcast %squeeze3A_738 : f32 to vector<16xf32>
        %mul3A_748 = arith.mulf %get3A_746, %mul3A_747 : vector<16xf32>
        %swap3A_749 = arith.index_cast %add3A_742 : i32 to index
        %swap3A_750 = arith.constant 0 : index
        %swap3A_751 = tpu.vector_load %arg10[%swap3A_749, %swap3A_750] {strides = array<i32>} : memref<128x128xf32, #tpu.memory_space<vmem>>, vector<1x16xf32>,
        %swap3A_752 = vector.shape_cast %swap3A_751 : vector<1x16xf32> to vector<16xf32>
        %swap3A_753 = vector.shape_cast %mul3A_748 : vector<16xf32> to vector<1x16xf32>
        tpu.vector_store %arg10[%swap3A_749, %swap3A_750], %swap3A_753 {strides = array<i32>} : memref<128x128xf32, #tpu.memory_space<vmem>>, vector<1x16xf32>,
        %get3A_754 = arith.index_cast %add3A_742 : i32 to index
        %get3A_755 = arith.constant 16 : index
        %get3A_756 = tpu.vector_load %arg10[%get3A_754, %get3A_755] {strides = array<i32>} : memref<128x128xf32, #tpu.memory_space<vmem>>, vector<1x16xf32>,
        %get3A_757 = vector.shape_cast %get3A_756 : vector<1x16xf32> to vector<16xf32>
        %mul3A_758 = vector.broadcast %squeeze3A_738 : f32 to vector<16xf32>
        %mul3A_759 = arith.mulf %get3A_757, %mul3A_758 : vector<16xf32>
        %swap3A_760 = arith.index_cast %add3A_742 : i32 to index
        %swap3A_761 = arith.constant 16 : index
        %swap3A_762 = tpu.vector_load %arg10[%swap3A_760, %swap3A_761] {strides = array<i32>} : memref<128x128xf32, #tpu.memory_space<vmem>>, vector<1x16xf32>,
        %swap3A_763 = vector.shape_cast %swap3A_762 : vector<1x16xf32> to vector<16xf32>
        %swap3A_764 = vector.shape_cast %mul3A_759 : vector<16xf32> to vector<1x16xf32>
        tpu.vector_store %arg10[%swap3A_760, %swap3A_761], %swap3A_764 {strides = array<i32>} : memref<128x128xf32, #tpu.memory_space<vmem>>, vector<1x16xf32>,
        %jit3A_765 = arith.constant 1.000000e+00 : f32
        %broadcast_in_dim3A_766 = vector.broadcast %jit3A_765 : f32 to vector<16xf32>
        %broadcast_in_dim3A_767 = vector.broadcast %squeeze3A_738 : f32 to vector<16xf32>
        %select_n3A_768 = arith.select %eq3A_16, %broadcast_in_dim3A_766, %broadcast_in_dim3A_767 : vector<16xi1>, vector<16xf32>
        %get3A_769 = arith.index_cast %add3A_742 : i32 to index
        %get3A_770 = arith.constant 32 : index
        %get3A_771 = tpu.vector_load %arg10[%get3A_769, %get3A_770] {strides = array<i32>} : memref<128x128xf32, #tpu.memory_space<vmem>>, vector<1x16xf32>,
        %get3A_772 = vector.shape_cast %get3A_771 : vector<1x16xf32> to vector<16xf32>
        %mul3A_773 = arith.mulf %get3A_772, %select_n3A_768 : vector<16xf32>
        %swap3A_774 = arith.index_cast %add3A_742 : i32 to index
        %swap3A_775 = arith.constant 32 : index
        %swap3A_776 = tpu.vector_load %arg10[%swap3A_774, %swap3A_775] {strides = array<i32>} : memref<128x128xf32, #tpu.memory_space<vmem>>, vector<1x16xf32>,
        %swap3A_777 = vector.shape_cast %swap3A_776 : vector<1x16xf32> to vector<16xf32>
        %swap3A_778 = vector.shape_cast %mul3A_773 : vector<16xf32> to vector<1x16xf32>
        tpu.vector_store %arg10[%swap3A_774, %swap3A_775], %swap3A_778 {strides = array<i32>} : memref<128x128xf32, #tpu.memory_space<vmem>>, vector<1x16xf32>,
      }
      %scan3A_98 = arith.constant 8 : i32
      %add3A_99 = arith.constant 40 : i32
      %add3A_100 = arith.addi %add3A_99, %add3A_43 : i32
      %dma_start3A_101 = arith.constant 0 : i32
      %dma_start3A_102 = tpu.memref_slice %arg7[%add3A_100, %dma_start3A_101] : memref<80x128xi32, #tpu.memory_space<vmem>> -> memref<1x128xi32, #tpu.memory_space<vmem>>
      %dma_start3A_103 = tpu.memref_squeeze %dma_start3A_102 : memref<1x128xi32, #tpu.memory_space<vmem>> -> memref<128xi32, #tpu.memory_space<vmem>>
      %dma_start3A_104 = arith.constant 0 : i32
      %dma_start3A_105 = arith.constant 0 : i32
      %dma_start3A_106 = tpu.memref_slice %arg11[%dma_start3A_104, %dma_start3A_105] : memref<10240x128xf32, #tpu.memory_space<vmem_shared>> -> memref<10240x128xf32, #tpu.memory_space<vmem_shared>>
      tpu.enqueue_indirect_dma source(%arg10 : memref<128x128xf32, #tpu.memory_space<vmem>>) target(%dma_start3A_106 : memref<10240x128xf32, #tpu.memory_space<vmem_shared>>) offsets(%dma_start3A_103 : memref<128xi32, #tpu.memory_space<vmem>>) semaphore(%arg15 : memref<!tpu.dma_semaphore, #tpu.memory_space<semaphore_mem>>) {add = true}
    }
    %scan3A_27 = arith.constant 20 : i32
    %dma_wait3A = arith.constant 40 : i32
    %dma_wait3A_28 = arith.constant 0 : i32
    %dma_wait3A_29 = tpu.memref_slice %arg7[%dma_wait3A, %dma_wait3A_28] : memref<80x128xi32, #tpu.memory_space<vmem>> -> memref<1x128xi32, #tpu.memory_space<vmem>>
    %dma_wait3A_30 = tpu.memref_squeeze %dma_wait3A_29 : memref<1x128xi32, #tpu.memory_space<vmem>> -> memref<128xi32, #tpu.memory_space<vmem>>
    %dma_wait3A_31 = arith.constant 0 : i32
    %dma_wait3A_32 = arith.constant 0 : i32
    %dma_wait3A_33 = tpu.memref_slice %arg11[%dma_wait3A_31, %dma_wait3A_32] : memref<10240x128xf32, #tpu.memory_space<vmem_shared>> -> memref<10240x128xf32, #tpu.memory_space<vmem_shared>>
    tpu.wait_indirect_dma semaphore(%arg15 : memref<!tpu.dma_semaphore, #tpu.memory_space<semaphore_mem>>) src(%arg10 : memref<128x128xf32, #tpu.memory_space<vmem>>) dst(%dma_wait3A_33 : memref<10240x128xf32, #tpu.memory_space<vmem_shared>>)
    %barrier3A_34 = arith.constant 0 : index
    tpu.barrier barrier_id(%barrier3A_34)
    %mul3A_35 = arith.constant 640 : i32
    %mul3A_36 = arith.muli %arg1, %mul3A_35 : i32
    %mul3A_37 = arith.constant 640 : i32
    %mul3A_38 = arith.muli %arg1, %mul3A_37 : i32
    "tpu.region"() ({
      %run_scoped3A = tpu.sem_alloc : memref<!tpu.dma_semaphore, #tpu.memory_space<semaphore_mem>>
      %dma_start3A_39 = arith.constant 0 : i32
      %dma_start3A_40 = tpu.memref_slice %arg6[%arg0, %mul3A_38, %dma_start3A_39] : memref<2x10240x128xf32, #tpu.memory_space<hbm>> -> memref<1x640x128xf32, #tpu.memory_space<hbm>>
      %dma_start3A_41 = tpu.memref_squeeze %dma_start3A_40 : memref<1x640x128xf32, #tpu.memory_space<hbm>> -> memref<640x128xf32, #tpu.memory_space<hbm>>
      %dma_start3A_42 = arith.constant 0 : i32
      %dma_start3A_43 = tpu.memref_slice %arg11[%mul3A_36, %dma_start3A_42] : memref<10240x128xf32, #tpu.memory_space<vmem_shared>> -> memref<640x128xf32, #tpu.memory_space<vmem_shared>>
      tpu.enqueue_dma source(%dma_start3A_43 : memref<640x128xf32, #tpu.memory_space<vmem_shared>>) target(%dma_start3A_41 : memref<640x128xf32, #tpu.memory_space<hbm>>) target_semaphore(%run_scoped3A : memref<!tpu.dma_semaphore, #tpu.memory_space<semaphore_mem>>)
      %dma_wait3A_44 = arith.constant 0 : i32
      %dma_wait3A_45 = tpu.memref_slice %arg6[%arg0, %mul3A_38, %dma_wait3A_44] : memref<2x10240x128xf32, #tpu.memory_space<hbm>> -> memref<1x640x128xf32, #tpu.memory_space<hbm>>
      %dma_wait3A_46 = tpu.memref_squeeze %dma_wait3A_45 : memref<1x640x128xf32, #tpu.memory_space<hbm>> -> memref<640x128xf32, #tpu.memory_space<hbm>>
      %dma_wait3A_47 = arith.constant 0 : i32
      %dma_wait3A_48 = tpu.memref_slice %arg11[%mul3A_36, %dma_wait3A_47] : memref<10240x128xf32, #tpu.memory_space<vmem_shared>> -> memref<640x128xf32, #tpu.memory_space<vmem_shared>>
      tpu.wait_dma2 semaphore(%run_scoped3A : memref<!tpu.dma_semaphore, #tpu.memory_space<semaphore_mem>>) src(%dma_wait3A_48 : memref<640x128xf32, #tpu.memory_space<vmem_shared>>) dst(%dma_wait3A_46 : memref<640x128xf32, #tpu.memory_space<hbm>>)
      tpu.yield
    }) : () -> ()
    return
  }
}

#map = affine_map<(d0, d1) -> (0)>
#map1 = affine_map<(d0, d1) -> (0, 0)>
module attributes {stable_mosaic.version = 14 : i64} {
  func.func @_sc_scalar_body(%arg0: i32, %arg1: i32, %arg2: memref<10240xf32, #tpu.memory_space<hbm>>, %arg3: memref<2560x128xi32, #tpu.memory_space<hbm>>, %arg4: memref<1280x128xf32, #tpu.memory_space<hbm>>, %arg5: memref<10240xf32, #tpu.memory_space<hbm>>, %arg6: memref<2x10240xf32, #tpu.memory_space<hbm>>, %arg7: memref<80x128xi32, #tpu.memory_space<vmem>>, %arg8: memref<40x128xf32, #tpu.memory_space<vmem>>, %arg9: memref<128xf32, #tpu.memory_space<vmem>>, %arg10: memref<10240xf32, #tpu.memory_space<vmem_shared>>, %arg11: memref<!tpu.dma_semaphore, #tpu.memory_space<semaphore_mem>>) attributes {dimension_semantics = [#tpu.dimension_semantics<core_parallel>, #tpu.dimension_semantics<subcore_parallel>], iteration_bounds = array<i64: 2, 16>, scalar_prefetch = 0 : i64, scratch_operands = 5 : i64, tpu.core_type = #tpu.core_type<sc_vector_subcore>, window_params = [{transform_indices = #map}, {transform_indices = #map1}, {transform_indices = #map1}, {transform_indices = #map}, {transform_indices = #map1}]} {
    %mul3A = arith.constant 2 : i32
    %mul3A_0 = arith.muli %arg1, %mul3A : i32
    %add3A = arith.addi %mul3A_0, %arg0 : i32
    %mul3A_1 = arith.constant 40 : i32
    %mul3A_2 = arith.muli %add3A, %mul3A_1 : i32
    %add3A_3 = arith.constant 0 : i32
    %add3A_4 = arith.addi %add3A_3, %mul3A_2 : i32
    "tpu.region"() ({
      %run_scoped3A = tpu.sem_alloc : memref<!tpu.dma_semaphore, #tpu.memory_space<semaphore_mem>>
      %dma_start3A = arith.constant 0 : i32
      %dma_start3A_25 = arith.constant 0 : i32
      %dma_start3A_26 = tpu.memref_slice %arg7[%dma_start3A, %dma_start3A_25] : memref<80x128xi32, #tpu.memory_space<vmem>> -> memref<40x128xi32, #tpu.memory_space<vmem>>
      %dma_start3A_27 = arith.constant 0 : i32
      %dma_start3A_28 = tpu.memref_slice %arg3[%add3A_4, %dma_start3A_27] : memref<2560x128xi32, #tpu.memory_space<hbm>> -> memref<40x128xi32, #tpu.memory_space<hbm>>
      %dma_start3A_29 = arith.constant 0 : i32
      %dma_start3A_30 = arith.constant 0 : i32
      %dma_start3A_31 = tpu.memref_slice %arg7[%dma_start3A_29, %dma_start3A_30] : memref<80x128xi32, #tpu.memory_space<vmem>> -> memref<40x128xi32, #tpu.memory_space<vmem>>
      %dma_start3A_32 = arith.constant 0 : i32
      %dma_start3A_33 = tpu.memref_slice %arg3[%add3A_4, %dma_start3A_32] : memref<2560x128xi32, #tpu.memory_space<hbm>> -> memref<40x128xi32, #tpu.memory_space<hbm>>
      tpu.enqueue_dma source(%dma_start3A_33 : memref<40x128xi32, #tpu.memory_space<hbm>>) target(%dma_start3A_31 : memref<40x128xi32, #tpu.memory_space<vmem>>) target_semaphore(%run_scoped3A : memref<!tpu.dma_semaphore, #tpu.memory_space<semaphore_mem>>)
      %dma_wait3A = arith.constant 0 : i32
      %dma_wait3A_34 = arith.constant 0 : i32
      %dma_wait3A_35 = tpu.memref_slice %arg7[%dma_wait3A, %dma_wait3A_34] : memref<80x128xi32, #tpu.memory_space<vmem>> -> memref<40x128xi32, #tpu.memory_space<vmem>>
      %dma_wait3A_36 = arith.constant 0 : i32
      %dma_wait3A_37 = tpu.memref_slice %arg3[%add3A_4, %dma_wait3A_36] : memref<2560x128xi32, #tpu.memory_space<hbm>> -> memref<40x128xi32, #tpu.memory_space<hbm>>
      %dma_wait3A_38 = arith.constant 0 : i32
      %dma_wait3A_39 = arith.constant 0 : i32
      %dma_wait3A_40 = tpu.memref_slice %arg7[%dma_wait3A_38, %dma_wait3A_39] : memref<80x128xi32, #tpu.memory_space<vmem>> -> memref<40x128xi32, #tpu.memory_space<vmem>>
      %dma_wait3A_41 = arith.constant 0 : i32
      %dma_wait3A_42 = tpu.memref_slice %arg3[%add3A_4, %dma_wait3A_41] : memref<2560x128xi32, #tpu.memory_space<hbm>> -> memref<40x128xi32, #tpu.memory_space<hbm>>
      tpu.wait_dma2 semaphore(%run_scoped3A : memref<!tpu.dma_semaphore, #tpu.memory_space<semaphore_mem>>) src(%dma_wait3A_42 : memref<40x128xi32, #tpu.memory_space<hbm>>) dst(%dma_wait3A_40 : memref<40x128xi32, #tpu.memory_space<vmem>>)
      tpu.yield
    }) : () -> ()
    %mul3A_5 = arith.constant 40 : i32
    %mul3A_6 = arith.muli %add3A, %mul3A_5 : i32
    %add3A_7 = arith.constant 1280 : i32
    %add3A_8 = arith.addi %add3A_7, %mul3A_6 : i32
    "tpu.region"() ({
      %run_scoped3A = tpu.sem_alloc : memref<!tpu.dma_semaphore, #tpu.memory_space<semaphore_mem>>
      %dma_start3A = arith.constant 40 : i32
      %dma_start3A_25 = arith.constant 0 : i32
      %dma_start3A_26 = tpu.memref_slice %arg7[%dma_start3A, %dma_start3A_25] : memref<80x128xi32, #tpu.memory_space<vmem>> -> memref<40x128xi32, #tpu.memory_space<vmem>>
      %dma_start3A_27 = arith.constant 0 : i32
      %dma_start3A_28 = tpu.memref_slice %arg3[%add3A_8, %dma_start3A_27] : memref<2560x128xi32, #tpu.memory_space<hbm>> -> memref<40x128xi32, #tpu.memory_space<hbm>>
      %dma_start3A_29 = arith.constant 40 : i32
      %dma_start3A_30 = arith.constant 0 : i32
      %dma_start3A_31 = tpu.memref_slice %arg7[%dma_start3A_29, %dma_start3A_30] : memref<80x128xi32, #tpu.memory_space<vmem>> -> memref<40x128xi32, #tpu.memory_space<vmem>>
      %dma_start3A_32 = arith.constant 0 : i32
      %dma_start3A_33 = tpu.memref_slice %arg3[%add3A_8, %dma_start3A_32] : memref<2560x128xi32, #tpu.memory_space<hbm>> -> memref<40x128xi32, #tpu.memory_space<hbm>>
      tpu.enqueue_dma source(%dma_start3A_33 : memref<40x128xi32, #tpu.memory_space<hbm>>) target(%dma_start3A_31 : memref<40x128xi32, #tpu.memory_space<vmem>>) target_semaphore(%run_scoped3A : memref<!tpu.dma_semaphore, #tpu.memory_space<semaphore_mem>>)
      %dma_wait3A = arith.constant 40 : i32
      %dma_wait3A_34 = arith.constant 0 : i32
      %dma_wait3A_35 = tpu.memref_slice %arg7[%dma_wait3A, %dma_wait3A_34] : memref<80x128xi32, #tpu.memory_space<vmem>> -> memref<40x128xi32, #tpu.memory_space<vmem>>
      %dma_wait3A_36 = arith.constant 0 : i32
      %dma_wait3A_37 = tpu.memref_slice %arg3[%add3A_8, %dma_wait3A_36] : memref<2560x128xi32, #tpu.memory_space<hbm>> -> memref<40x128xi32, #tpu.memory_space<hbm>>
      %dma_wait3A_38 = arith.constant 40 : i32
      %dma_wait3A_39 = arith.constant 0 : i32
      %dma_wait3A_40 = tpu.memref_slice %arg7[%dma_wait3A_38, %dma_wait3A_39] : memref<80x128xi32, #tpu.memory_space<vmem>> -> memref<40x128xi32, #tpu.memory_space<vmem>>
      %dma_wait3A_41 = arith.constant 0 : i32
      %dma_wait3A_42 = tpu.memref_slice %arg3[%add3A_8, %dma_wait3A_41] : memref<2560x128xi32, #tpu.memory_space<hbm>> -> memref<40x128xi32, #tpu.memory_space<hbm>>
      tpu.wait_dma2 semaphore(%run_scoped3A : memref<!tpu.dma_semaphore, #tpu.memory_space<semaphore_mem>>) src(%dma_wait3A_42 : memref<40x128xi32, #tpu.memory_space<hbm>>) dst(%dma_wait3A_40 : memref<40x128xi32, #tpu.memory_space<vmem>>)
      tpu.yield
    }) : () -> ()
    %mul3A_9 = arith.constant 40 : i32
    %mul3A_10 = arith.muli %add3A, %mul3A_9 : i32
    "tpu.region"() ({
      %run_scoped3A = tpu.sem_alloc : memref<!tpu.dma_semaphore, #tpu.memory_space<semaphore_mem>>
      %dma_start3A = arith.constant 0 : i32
      %dma_start3A_25 = tpu.memref_slice %arg4[%mul3A_10, %dma_start3A] : memref<1280x128xf32, #tpu.memory_space<hbm>> -> memref<40x128xf32, #tpu.memory_space<hbm>>
      %dma_start3A_26 = arith.constant 0 : i32
      %dma_start3A_27 = tpu.memref_slice %arg4[%mul3A_10, %dma_start3A_26] : memref<1280x128xf32, #tpu.memory_space<hbm>> -> memref<40x128xf32, #tpu.memory_space<hbm>>
      tpu.enqueue_dma source(%dma_start3A_27 : memref<40x128xf32, #tpu.memory_space<hbm>>) target(%arg8 : memref<40x128xf32, #tpu.memory_space<vmem>>) target_semaphore(%run_scoped3A : memref<!tpu.dma_semaphore, #tpu.memory_space<semaphore_mem>>)
      %dma_wait3A = arith.constant 0 : i32
      %dma_wait3A_28 = tpu.memref_slice %arg4[%mul3A_10, %dma_wait3A] : memref<1280x128xf32, #tpu.memory_space<hbm>> -> memref<40x128xf32, #tpu.memory_space<hbm>>
      %dma_wait3A_29 = arith.constant 0 : i32
      %dma_wait3A_30 = tpu.memref_slice %arg4[%mul3A_10, %dma_wait3A_29] : memref<1280x128xf32, #tpu.memory_space<hbm>> -> memref<40x128xf32, #tpu.memory_space<hbm>>
      tpu.wait_dma2 semaphore(%run_scoped3A : memref<!tpu.dma_semaphore, #tpu.memory_space<semaphore_mem>>) src(%dma_wait3A_30 : memref<40x128xf32, #tpu.memory_space<hbm>>) dst(%arg8 : memref<40x128xf32, #tpu.memory_space<vmem>>)
      tpu.yield
    }) : () -> ()
    %mul3A_11 = arith.constant 640 : i32
    %mul3A_12 = arith.muli %arg1, %mul3A_11 : i32
    %mul3A_13 = arith.constant 640 : i32
    %mul3A_14 = arith.muli %arg1, %mul3A_13 : i32
    "tpu.region"() ({
      %run_scoped3A = tpu.sem_alloc : memref<!tpu.dma_semaphore, #tpu.memory_space<semaphore_mem>>
      %dma_start3A = tpu.memref_slice %arg10[%mul3A_14] : memref<10240xf32, #tpu.memory_space<vmem_shared>> -> memref<640xf32, #tpu.memory_space<vmem_shared>>
      %dma_start3A_25 = tpu.memref_slice %arg5[%mul3A_12] : memref<10240xf32, #tpu.memory_space<hbm>> -> memref<640xf32, #tpu.memory_space<hbm>>
      tpu.enqueue_dma source(%dma_start3A_25 : memref<640xf32, #tpu.memory_space<hbm>>) target(%dma_start3A : memref<640xf32, #tpu.memory_space<vmem_shared>>) target_semaphore(%run_scoped3A : memref<!tpu.dma_semaphore, #tpu.memory_space<semaphore_mem>>)
      %dma_wait3A = tpu.memref_slice %arg10[%mul3A_14] : memref<10240xf32, #tpu.memory_space<vmem_shared>> -> memref<640xf32, #tpu.memory_space<vmem_shared>>
      %dma_wait3A_26 = tpu.memref_slice %arg5[%mul3A_12] : memref<10240xf32, #tpu.memory_space<hbm>> -> memref<640xf32, #tpu.memory_space<hbm>>
      tpu.wait_dma2 semaphore(%run_scoped3A : memref<!tpu.dma_semaphore, #tpu.memory_space<semaphore_mem>>) src(%dma_wait3A_26 : memref<640xf32, #tpu.memory_space<hbm>>) dst(%dma_wait3A : memref<640xf32, #tpu.memory_space<vmem_shared>>)
      tpu.yield
    }) : () -> ()
    %barrier3A = arith.constant 0 : index
    tpu.barrier barrier_id(%barrier3A)
    %scan3A = arith.constant 0 : i32
    %scan3A_15 = arith.constant 0 : i32
    %scan3A_16 = arith.constant 40 : i32
    %scan3A_17 = arith.addi %scan3A_15, %scan3A_16 : i32
    %scan3A_18 = arith.constant 1 : i32
    scf.for %scan3A_25 = %scan3A_15 to %scan3A_17 step %scan3A_18  : i32 {
      %dma_start3A = arith.constant 0 : i32
      %dma_start3A_26 = tpu.memref_slice %arg7[%scan3A_25, %dma_start3A] : memref<80x128xi32, #tpu.memory_space<vmem>> -> memref<1x128xi32, #tpu.memory_space<vmem>>
      %dma_start3A_27 = tpu.memref_squeeze %dma_start3A_26 : memref<1x128xi32, #tpu.memory_space<vmem>> -> memref<128xi32, #tpu.memory_space<vmem>>
      %dma_start3A_28 = arith.constant 0 : i32
      %dma_start3A_29 = tpu.memref_slice %arg2[%dma_start3A_28] : memref<10240xf32, #tpu.memory_space<hbm>> -> memref<10240xf32, #tpu.memory_space<hbm>>
      tpu.enqueue_indirect_dma source(%dma_start3A_29 : memref<10240xf32, #tpu.memory_space<hbm>>) target(%arg9 : memref<128xf32, #tpu.memory_space<vmem>>) offsets(%dma_start3A_27 : memref<128xi32, #tpu.memory_space<vmem>>) semaphore(%arg11 : memref<!tpu.dma_semaphore, #tpu.memory_space<semaphore_mem>>)
      %dma_wait3A = arith.constant 0 : i32
      %dma_wait3A_30 = tpu.memref_slice %arg7[%scan3A_25, %dma_wait3A] : memref<80x128xi32, #tpu.memory_space<vmem>> -> memref<1x128xi32, #tpu.memory_space<vmem>>
      %dma_wait3A_31 = tpu.memref_squeeze %dma_wait3A_30 : memref<1x128xi32, #tpu.memory_space<vmem>> -> memref<128xi32, #tpu.memory_space<vmem>>
      %dma_wait3A_32 = arith.constant 0 : i32
      %dma_wait3A_33 = tpu.memref_slice %arg2[%dma_wait3A_32] : memref<10240xf32, #tpu.memory_space<hbm>> -> memref<10240xf32, #tpu.memory_space<hbm>>
      tpu.wait_indirect_dma semaphore(%arg11 : memref<!tpu.dma_semaphore, #tpu.memory_space<semaphore_mem>>) src(%dma_wait3A_33 : memref<10240xf32, #tpu.memory_space<hbm>>) dst(%arg9 : memref<128xf32, #tpu.memory_space<vmem>>)
      %scan3A_34 = arith.constant 0 : i32
      %scan3A_35 = arith.constant 0 : i32
      %scan3A_36 = arith.constant 8 : i32
      %scan3A_37 = arith.addi %scan3A_35, %scan3A_36 : i32
      %scan3A_38 = arith.constant 1 : i32
      scf.for %scan3A_42 = %scan3A_35 to %scan3A_37 step %scan3A_38  : i32 {
        %mul3A_43 = arith.constant 16 : i32
        %mul3A_44 = arith.muli %scan3A_42, %mul3A_43 : i32
        %get3A = arith.index_cast %mul3A_44 : i32 to index
        %get3A_45 = tpu.vector_load %arg9[%get3A] {strides = array<i32>} : memref<128xf32, #tpu.memory_space<vmem>>, vector<16xf32>,
        %get3A_46 = vector.shape_cast %get3A_45 : vector<16xf32> to vector<16xf32>
        %mul3A_47 = arith.constant 16 : i32
        %mul3A_48 = arith.muli %scan3A_42, %mul3A_47 : i32
        %get3A_49 = arith.index_cast %scan3A_25 : i32 to index
        %get3A_50 = arith.index_cast %mul3A_48 : i32 to index
        %get3A_51 = tpu.vector_load %arg8[%get3A_49, %get3A_50] {strides = array<i32>} : memref<40x128xf32, #tpu.memory_space<vmem>>, vector<1x16xf32>,
        %get3A_52 = vector.shape_cast %get3A_51 : vector<1x16xf32> to vector<16xf32>
        %mul3A_53 = arith.mulf %get3A_46, %get3A_52 : vector<16xf32>
        %mul3A_54 = arith.constant 16 : i32
        %mul3A_55 = arith.muli %scan3A_42, %mul3A_54 : i32
        %swap3A = arith.index_cast %mul3A_55 : i32 to index
        %swap3A_56 = tpu.vector_load %arg9[%swap3A] {strides = array<i32>} : memref<128xf32, #tpu.memory_space<vmem>>, vector<16xf32>,
        %swap3A_57 = vector.shape_cast %swap3A_56 : vector<16xf32> to vector<16xf32>
        %swap3A_58 = vector.shape_cast %mul3A_53 : vector<16xf32> to vector<16xf32>
        tpu.vector_store %arg9[%swap3A], %swap3A_58 {strides = array<i32>} : memref<128xf32, #tpu.memory_space<vmem>>, vector<16xf32>,
      }
      %scan3A_39 = arith.constant 8 : i32
      %add3A_40 = arith.constant 40 : i32
      %add3A_41 = arith.addi %add3A_40, %scan3A_25 : i32
      "tpu.region"() ({
        %run_scoped3A = tpu.sem_alloc : memref<!tpu.dma_semaphore, #tpu.memory_space<semaphore_mem>>
        %dma_start3A_42 = arith.constant 0 : i32
        %dma_start3A_43 = tpu.memref_slice %arg7[%add3A_41, %dma_start3A_42] : memref<80x128xi32, #tpu.memory_space<vmem>> -> memref<1x128xi32, #tpu.memory_space<vmem>>
        %dma_start3A_44 = tpu.memref_squeeze %dma_start3A_43 : memref<1x128xi32, #tpu.memory_space<vmem>> -> memref<128xi32, #tpu.memory_space<vmem>>
        %dma_start3A_45 = arith.constant 0 : i32
        %dma_start3A_46 = tpu.memref_slice %arg10[%dma_start3A_45] : memref<10240xf32, #tpu.memory_space<vmem_shared>> -> memref<10240xf32, #tpu.memory_space<vmem_shared>>
        tpu.enqueue_indirect_dma source(%arg9 : memref<128xf32, #tpu.memory_space<vmem>>) target(%dma_start3A_46 : memref<10240xf32, #tpu.memory_space<vmem_shared>>) offsets(%dma_start3A_44 : memref<128xi32, #tpu.memory_space<vmem>>) semaphore(%run_scoped3A : memref<!tpu.dma_semaphore, #tpu.memory_space<semaphore_mem>>) {add = true}
        %dma_wait3A_47 = arith.constant 0 : i32
        %dma_wait3A_48 = tpu.memref_slice %arg7[%add3A_41, %dma_wait3A_47] : memref<80x128xi32, #tpu.memory_space<vmem>> -> memref<1x128xi32, #tpu.memory_space<vmem>>
        %dma_wait3A_49 = tpu.memref_squeeze %dma_wait3A_48 : memref<1x128xi32, #tpu.memory_space<vmem>> -> memref<128xi32, #tpu.memory_space<vmem>>
        %dma_wait3A_50 = arith.constant 0 : i32
        %dma_wait3A_51 = tpu.memref_slice %arg10[%dma_wait3A_50] : memref<10240xf32, #tpu.memory_space<vmem_shared>> -> memref<10240xf32, #tpu.memory_space<vmem_shared>>
        tpu.wait_indirect_dma semaphore(%run_scoped3A : memref<!tpu.dma_semaphore, #tpu.memory_space<semaphore_mem>>) src(%arg9 : memref<128xf32, #tpu.memory_space<vmem>>) dst(%dma_wait3A_51 : memref<10240xf32, #tpu.memory_space<vmem_shared>>)
        tpu.yield
      }) : () -> ()
    }
    %scan3A_19 = arith.constant 40 : i32
    %barrier3A_20 = arith.constant 0 : index
    tpu.barrier barrier_id(%barrier3A_20)
    %mul3A_21 = arith.constant 640 : i32
    %mul3A_22 = arith.muli %arg1, %mul3A_21 : i32
    %mul3A_23 = arith.constant 640 : i32
    %mul3A_24 = arith.muli %arg1, %mul3A_23 : i32
    "tpu.region"() ({
      %run_scoped3A = tpu.sem_alloc : memref<!tpu.dma_semaphore, #tpu.memory_space<semaphore_mem>>
      %dma_start3A = tpu.memref_slice %arg6[%arg0, %mul3A_24] : memref<2x10240xf32, #tpu.memory_space<hbm>> -> memref<1x640xf32, #tpu.memory_space<hbm>>
      %dma_start3A_25 = tpu.memref_squeeze %dma_start3A : memref<1x640xf32, #tpu.memory_space<hbm>> -> memref<640xf32, #tpu.memory_space<hbm>>
      %dma_start3A_26 = tpu.memref_slice %arg10[%mul3A_22] : memref<10240xf32, #tpu.memory_space<vmem_shared>> -> memref<640xf32, #tpu.memory_space<vmem_shared>>
      tpu.enqueue_dma source(%dma_start3A_26 : memref<640xf32, #tpu.memory_space<vmem_shared>>) target(%dma_start3A_25 : memref<640xf32, #tpu.memory_space<hbm>>) target_semaphore(%run_scoped3A : memref<!tpu.dma_semaphore, #tpu.memory_space<semaphore_mem>>)
      %dma_wait3A = tpu.memref_slice %arg6[%arg0, %mul3A_24] : memref<2x10240xf32, #tpu.memory_space<hbm>> -> memref<1x640xf32, #tpu.memory_space<hbm>>
      %dma_wait3A_27 = tpu.memref_squeeze %dma_wait3A : memref<1x640xf32, #tpu.memory_space<hbm>> -> memref<640xf32, #tpu.memory_space<hbm>>
      %dma_wait3A_28 = tpu.memref_slice %arg10[%mul3A_22] : memref<10240xf32, #tpu.memory_space<vmem_shared>> -> memref<640xf32, #tpu.memory_space<vmem_shared>>
      tpu.wait_dma2 semaphore(%run_scoped3A : memref<!tpu.dma_semaphore, #tpu.memory_space<semaphore_mem>>) src(%dma_wait3A_28 : memref<640xf32, #tpu.memory_space<vmem_shared>>) dst(%dma_wait3A_27 : memref<640xf32, #tpu.memory_space<hbm>>)
      tpu.yield
    }) : () -> ()
    return
  }
}

module attributes {stable_mosaic.version = 14 : i64} {
  func.func @_dense1_body(%arg0: i32, %arg1: memref<1000x128xf32, #tpu.memory_space<vmem>>, %arg2: memref<1000x128xf32, #tpu.memory_space<vmem>>, %arg3: memref<1000x128xf32, #tpu.memory_space<vmem>>, %arg4: memref<128x128xf32, #tpu.memory_space<vmem>>, %arg5: memref<128x128xf32, #tpu.memory_space<vmem>>, %arg6: memref<1x128xf32, #tpu.memory_space<vmem>>, %arg7: memref<1x128xf32, #tpu.memory_space<vmem>>, %arg8: memref<1x128xf32, #tpu.memory_space<vmem>>, %arg9: memref<1x128xf32, #tpu.memory_space<vmem>>, %arg10: memref<1x128xf32, #tpu.memory_space<vmem>>, %arg11: memref<1000x128xf32, #tpu.memory_space<vmem>>, %arg12: memref<1000x1xf32, #tpu.memory_space<vmem>>) attributes {dimension_semantics = [#tpu.dimension_semantics<arbitrary>], iteration_bounds = array<i64: 10>, scalar_prefetch = 0 : i64, scratch_operands = 0 : i64, tpu.core_type = #tpu.core_type<tc>, window_params = [{transform_indices = @transform_0, window_bounds = array<i64: 1000, 128>}, {transform_indices = @transform_1, window_bounds = array<i64: 1000, 128>}, {transform_indices = @transform_2, window_bounds = array<i64: 1000, 128>}, {pipeline_mode = #tpu.pipeline_mode<synchronous>, transform_indices = @transform_3, window_bounds = array<i64: 128, 128>}, {pipeline_mode = #tpu.pipeline_mode<synchronous>, transform_indices = @transform_4, window_bounds = array<i64: 128, 128>}, {pipeline_mode = #tpu.pipeline_mode<synchronous>, transform_indices = @transform_5, window_bounds = array<i64: 1, 128>}, {pipeline_mode = #tpu.pipeline_mode<synchronous>, transform_indices = @transform_6, window_bounds = array<i64: 1, 128>}, {pipeline_mode = #tpu.pipeline_mode<synchronous>, transform_indices = @transform_7, window_bounds = array<i64: 1, 128>}, {pipeline_mode = #tpu.pipeline_mode<synchronous>, transform_indices = @transform_8, window_bounds = array<i64: 1, 128>}, {pipeline_mode = #tpu.pipeline_mode<synchronous>, transform_indices = @transform_9, window_bounds = array<i64: 1, 128>}, {transform_indices = @transform_10, window_bounds = array<i64: 1000, 128>}, {transform_indices = @transform_11, window_bounds = array<i64: 1000, 1>}]} {
    %get3A = arith.constant 0 : index
    %get3A_0 = arith.constant 0 : index
    %get3A_1 = vector.load %arg1[%get3A, %get3A_0] : memref<1000x128xf32, #tpu.memory_space<vmem>>, vector<1000x128xf32>
    %get3A_2 = arith.constant 0 : index
    %get3A_3 = arith.constant 0 : index
    %get3A_4 = vector.load %arg2[%get3A_2, %get3A_3] : memref<1000x128xf32, #tpu.memory_space<vmem>>, vector<1000x128xf32>
    %add3A = arith.addf %get3A_1, %get3A_4 : vector<1000x128xf32>
    %slice3A = vector.extract_strided_slice %add3A {offsets = [0, 35], sizes = [1000, 1], strides = [1, 1]} : vector<1000x128xf32> to vector<1000x1xf32>
    %max3A = arith.constant 1.000000e+00 : f32
    %max3A_5 = vector.broadcast %max3A : f32 to vector<1000x1xf32>
    %max3A_6 = arith.maximumf %slice3A, %max3A_5 : vector<1000x1xf32>
    %div3A = arith.constant 1.000000e+00 : f32
    %div3A_7 = vector.broadcast %div3A : f32 to vector<1000x1xf32>
    %div3A_8 = arith.divf %div3A_7, %max3A_6 : vector<1000x1xf32>
    %mul3A = vector.broadcast %div3A_8 : vector<1000x1xf32> to vector<1000x128xf32>
    %mul3A_9 = arith.mulf %add3A, %mul3A : vector<1000x128xf32>
    %get3A_10 = arith.constant 0 : index
    %get3A_11 = arith.constant 0 : index
    %get3A_12 = vector.load %arg4[%get3A_10, %get3A_11] : memref<128x128xf32, #tpu.memory_space<vmem>>, vector<128x128xf32>
    %max3A_13 = arith.constant 0.000000e+00 : f32
    %max3A_14 = vector.broadcast %max3A_13 : f32 to vector<128x128xf32>
    %max3A_15 = arith.maximumf %get3A_12, %max3A_14 : vector<128x128xf32>
    %dot_general3A = arith.constant dense<0.000000e+00> : vector<1000x128xf32>
    %dot_general3A_16 = tpu.matmul %mul3A_9, %max3A_15, %dot_general3A {dimension_numbers = #tpu.dot_dimension_numbers<[1], [0], [0], [1], [0, 0, 1, 1], [], []>, transpose_lhs_hint = false} : vector<1000x128xf32>, vector<128x128xf32>, vector<1000x128xf32> -> vector<1000x128xf32>
    %get3A_17 = arith.constant 0 : index
    %get3A_18 = arith.constant 0 : index
    %get3A_19 = vector.load %arg3[%get3A_17, %get3A_18] : memref<1000x128xf32, #tpu.memory_space<vmem>>, vector<1000x128xf32>
    %get3A_20 = arith.constant 0 : index
    %get3A_21 = arith.constant 0 : index
    %get3A_22 = vector.load %arg5[%get3A_20, %get3A_21] : memref<128x128xf32, #tpu.memory_space<vmem>>, vector<128x128xf32>
    %dot_general3A_23 = arith.constant dense<0.000000e+00> : vector<1000x128xf32>
    %dot_general3A_24 = tpu.matmul %get3A_19, %get3A_22, %dot_general3A_23 {dimension_numbers = #tpu.dot_dimension_numbers<[1], [0], [0], [1], [0, 0, 1, 1], [], []>, transpose_lhs_hint = false} : vector<1000x128xf32>, vector<128x128xf32>, vector<1000x128xf32> -> vector<1000x128xf32>
    %add3A_25 = arith.addf %dot_general3A_16, %dot_general3A_24 : vector<1000x128xf32>
    %get3A_26 = arith.constant 0 : index
    %get3A_27 = arith.constant 0 : index
    %get3A_28 = vector.load %arg6[%get3A_26, %get3A_27] : memref<1x128xf32, #tpu.memory_space<vmem>>, vector<1x128xf32>
    %add3A_29 = vector.broadcast %get3A_28 : vector<1x128xf32> to vector<1000x128xf32>
    %add3A_30 = arith.addf %add3A_25, %add3A_29 : vector<1000x128xf32>
    %get3A_31 = arith.constant 0 : index
    %get3A_32 = arith.constant 0 : index
    %get3A_33 = vector.load %arg9[%get3A_31, %get3A_32] : memref<1x128xf32, #tpu.memory_space<vmem>>, vector<1x128xf32>
    %sub3A = vector.broadcast %get3A_33 : vector<1x128xf32> to vector<1000x128xf32>
    %sub3A_34 = arith.subf %add3A_30, %sub3A : vector<1000x128xf32>
    %get3A_35 = arith.constant 0 : index
    %get3A_36 = arith.constant 0 : index
    %get3A_37 = vector.load %arg10[%get3A_35, %get3A_36] : memref<1x128xf32, #tpu.memory_space<vmem>>, vector<1x128xf32>
    %add3A_38 = arith.constant 1.000000e-03 : f32
    %add3A_39 = vector.broadcast %add3A_38 : f32 to vector<1x128xf32>
    %add3A_40 = arith.addf %get3A_37, %add3A_39 : vector<1x128xf32>
    %sqrt3A = math.sqrt %add3A_40 : vector<1x128xf32>
    %div3A_41 = vector.broadcast %sqrt3A : vector<1x128xf32> to vector<1000x128xf32>
    %div3A_42 = arith.divf %sub3A_34, %div3A_41 : vector<1000x128xf32>
    %get3A_43 = arith.constant 0 : index
    %get3A_44 = arith.constant 0 : index
    %get3A_45 = vector.load %arg7[%get3A_43, %get3A_44] : memref<1x128xf32, #tpu.memory_space<vmem>>, vector<1x128xf32>
    %mul3A_46 = vector.broadcast %get3A_45 : vector<1x128xf32> to vector<1000x128xf32>
    %mul3A_47 = arith.mulf %div3A_42, %mul3A_46 : vector<1000x128xf32>
    %get3A_48 = arith.constant 0 : index
    %get3A_49 = arith.constant 0 : index
    %get3A_50 = vector.load %arg8[%get3A_48, %get3A_49] : memref<1x128xf32, #tpu.memory_space<vmem>>, vector<1x128xf32>
    %add3A_51 = vector.broadcast %get3A_50 : vector<1x128xf32> to vector<1000x128xf32>
    %add3A_52 = arith.addf %mul3A_47, %add3A_51 : vector<1000x128xf32>
    %logistic3A = arith.negf %add3A_52 : vector<1000x128xf32>
    %logistic3A_53 = math.exp %logistic3A : vector<1000x128xf32>
    %logistic3A_54 = arith.constant 1.000000e+00 : f32
    %logistic3A_55 = vector.broadcast %logistic3A_54 : f32 to vector<1000x128xf32>
    %logistic3A_56 = arith.addf %logistic3A_55, %logistic3A_53 : vector<1000x128xf32>
    %logistic3A_57 = arith.divf %logistic3A_55, %logistic3A_56 : vector<1000x128xf32>
    %iota3A = tpu.iota {dimensions = array<i32: 1>} : vector<1000x128xi32>
    %lt3A = arith.constant 35 : i32
    %lt3A_58 = vector.broadcast %lt3A : i32 to vector<1000x128xi32>
    %lt3A_59 = arith.cmpi slt, %iota3A, %lt3A_58 : vector<1000x128xi32>
    %eq3A = arith.constant 35 : i32
    %eq3A_60 = vector.broadcast %eq3A : i32 to vector<1000x128xi32>
    %eq3A_61 = arith.cmpi eq, %iota3A, %eq3A_60 : vector<1000x128xi32>
    %jit3A = arith.constant 1.000000e+00 : f32
    %jit3A_62 = arith.constant 0.000000e+00 : f32
    %broadcast_in_dim3A = vector.broadcast %jit3A : f32 to vector<1000x128xf32>
    %broadcast_in_dim3A_63 = vector.broadcast %jit3A_62 : f32 to vector<1000x128xf32>
    %select_n3A = arith.select %eq3A_61, %broadcast_in_dim3A, %broadcast_in_dim3A_63 : vector<1000x128xi1>, vector<1000x128xf32>
    %select_n3A_64 = arith.select %lt3A_59, %logistic3A_57, %select_n3A : vector<1000x128xi1>, vector<1000x128xf32>
    %swap3A = arith.constant 0 : index
    %swap3A_65 = arith.constant 0 : index
    %swap3A_66 = vector.load %arg11[%swap3A, %swap3A_65] : memref<1000x128xf32, #tpu.memory_space<vmem>>, vector<1000x128xf32>
    tpu.vector_store %arg11[%swap3A, %swap3A_65], %select_n3A_64 {strides = array<i32>} : memref<1000x128xf32, #tpu.memory_space<vmem>>, vector<1000x128xf32>,
    %swap3A_67 = arith.constant 0 : index
    %swap3A_68 = arith.constant 0 : index
    %swap3A_69 = vector.load %arg12[%swap3A_67, %swap3A_68] : memref<1000x1xf32, #tpu.memory_space<vmem>>, vector<1000x1xf32>
    tpu.vector_store %arg12[%swap3A_67, %swap3A_68], %slice3A {strides = array<i32>} : memref<1000x1xf32, #tpu.memory_space<vmem>>, vector<1000x1xf32>,
    return
  }
  func.func @transform_0(%arg0: i32) -> (i32, i32) {
    %c0_i32 = arith.constant 0 : i32
    %c0_i32_0 = arith.constant 0 : i32
    return %arg0, %c0_i32 : i32, i32
  }
  func.func @transform_1(%arg0: i32) -> (i32, i32) {
    %c0_i32 = arith.constant 0 : i32
    %c0_i32_0 = arith.constant 0 : i32
    return %arg0, %c0_i32 : i32, i32
  }
  func.func @transform_2(%arg0: i32) -> (i32, i32) {
    %c0_i32 = arith.constant 0 : i32
    %c0_i32_0 = arith.constant 0 : i32
    return %arg0, %c0_i32 : i32, i32
  }
  func.func @transform_3(%arg0: i32) -> (i32, i32) {
    %c0_i32 = arith.constant 0 : i32
    %c0_i32_0 = arith.constant 0 : i32
    %c0_i32_1 = arith.constant 0 : i32
    return %c0_i32, %c0_i32_0 : i32, i32
  }
  func.func @transform_4(%arg0: i32) -> (i32, i32) {
    %c0_i32 = arith.constant 0 : i32
    %c0_i32_0 = arith.constant 0 : i32
    %c0_i32_1 = arith.constant 0 : i32
    return %c0_i32, %c0_i32_0 : i32, i32
  }
  func.func @transform_5(%arg0: i32) -> (i32, i32) {
    %c0_i32 = arith.constant 0 : i32
    %c0_i32_0 = arith.constant 0 : i32
    %c0_i32_1 = arith.constant 0 : i32
    return %c0_i32, %c0_i32_0 : i32, i32
  }
  func.func @transform_6(%arg0: i32) -> (i32, i32) {
    %c0_i32 = arith.constant 0 : i32
    %c0_i32_0 = arith.constant 0 : i32
    %c0_i32_1 = arith.constant 0 : i32
    return %c0_i32, %c0_i32_0 : i32, i32
  }
  func.func @transform_7(%arg0: i32) -> (i32, i32) {
    %c0_i32 = arith.constant 0 : i32
    %c0_i32_0 = arith.constant 0 : i32
    %c0_i32_1 = arith.constant 0 : i32
    return %c0_i32, %c0_i32_0 : i32, i32
  }
  func.func @transform_8(%arg0: i32) -> (i32, i32) {
    %c0_i32 = arith.constant 0 : i32
    %c0_i32_0 = arith.constant 0 : i32
    %c0_i32_1 = arith.constant 0 : i32
    return %c0_i32, %c0_i32_0 : i32, i32
  }
  func.func @transform_9(%arg0: i32) -> (i32, i32) {
    %c0_i32 = arith.constant 0 : i32
    %c0_i32_0 = arith.constant 0 : i32
    %c0_i32_1 = arith.constant 0 : i32
    return %c0_i32, %c0_i32_0 : i32, i32
  }
  func.func @transform_10(%arg0: i32) -> (i32, i32) {
    %c0_i32 = arith.constant 0 : i32
    %c0_i32_0 = arith.constant 0 : i32
    return %arg0, %c0_i32 : i32, i32
  }
  func.func @transform_11(%arg0: i32) -> (i32, i32) {
    %c0_i32 = arith.constant 0 : i32
    %c0_i32_0 = arith.constant 0 : i32
    return %arg0, %c0_i32 : i32, i32
  }
}

module attributes {stable_mosaic.version = 14 : i64} {
  func.func @_dense2_body(%arg0: i32, %arg1: memref<1000x128xf32, #tpu.memory_space<vmem>>, %arg2: memref<1000x128xf32, #tpu.memory_space<vmem>>, %arg3: memref<1000x128xf32, #tpu.memory_space<vmem>>, %arg4: memref<1x128xf32, #tpu.memory_space<vmem>>, %arg5: memref<1x128xf32, #tpu.memory_space<vmem>>, %arg6: memref<1x128xf32, #tpu.memory_space<vmem>>, %arg7: memref<1x128xf32, #tpu.memory_space<vmem>>, %arg8: memref<1x128xf32, #tpu.memory_space<vmem>>, %arg9: memref<1x128xf32, #tpu.memory_space<vmem>>, %arg10: memref<1x128xf32, #tpu.memory_space<vmem>>, %arg11: memref<1000x1xf32, #tpu.memory_space<vmem>>) attributes {dimension_semantics = [#tpu.dimension_semantics<arbitrary>], iteration_bounds = array<i64: 10>, scalar_prefetch = 0 : i64, scratch_operands = 0 : i64, tpu.core_type = #tpu.core_type<tc>, window_params = [{transform_indices = @transform_0, window_bounds = array<i64: 1000, 128>}, {transform_indices = @transform_1, window_bounds = array<i64: 1000, 128>}, {transform_indices = @transform_2, window_bounds = array<i64: 1000, 128>}, {pipeline_mode = #tpu.pipeline_mode<synchronous>, transform_indices = @transform_3, window_bounds = array<i64: 1, 128>}, {pipeline_mode = #tpu.pipeline_mode<synchronous>, transform_indices = @transform_4, window_bounds = array<i64: 1, 128>}, {pipeline_mode = #tpu.pipeline_mode<synchronous>, transform_indices = @transform_5, window_bounds = array<i64: 1, 128>}, {pipeline_mode = #tpu.pipeline_mode<synchronous>, transform_indices = @transform_6, window_bounds = array<i64: 1, 128>}, {pipeline_mode = #tpu.pipeline_mode<synchronous>, transform_indices = @transform_7, window_bounds = array<i64: 1, 128>}, {pipeline_mode = #tpu.pipeline_mode<synchronous>, transform_indices = @transform_8, window_bounds = array<i64: 1, 128>}, {pipeline_mode = #tpu.pipeline_mode<synchronous>, transform_indices = @transform_9, window_bounds = array<i64: 1, 128>}, {transform_indices = @transform_10, window_bounds = array<i64: 1000, 1>}]} {
    %get3A = arith.constant 0 : index
    %get3A_0 = arith.constant 0 : index
    %get3A_1 = vector.load %arg1[%get3A, %get3A_0] : memref<1000x128xf32, #tpu.memory_space<vmem>>, vector<1000x128xf32>
    %get3A_2 = arith.constant 0 : index
    %get3A_3 = arith.constant 0 : index
    %get3A_4 = vector.load %arg2[%get3A_2, %get3A_3] : memref<1000x128xf32, #tpu.memory_space<vmem>>, vector<1000x128xf32>
    %add3A = arith.addf %get3A_1, %get3A_4 : vector<1000x128xf32>
    %slice3A = vector.extract_strided_slice %add3A {offsets = [0, 35], sizes = [1000, 1], strides = [1, 1]} : vector<1000x128xf32> to vector<1000x1xf32>
    %max3A = arith.constant 1.000000e+00 : f32
    %max3A_5 = vector.broadcast %max3A : f32 to vector<1000x1xf32>
    %max3A_6 = arith.maximumf %slice3A, %max3A_5 : vector<1000x1xf32>
    %div3A = arith.constant 1.000000e+00 : f32
    %div3A_7 = vector.broadcast %div3A : f32 to vector<1000x1xf32>
    %div3A_8 = arith.divf %div3A_7, %max3A_6 : vector<1000x1xf32>
    %mul3A = vector.broadcast %div3A_8 : vector<1000x1xf32> to vector<1000x128xf32>
    %mul3A_9 = arith.mulf %add3A, %mul3A : vector<1000x128xf32>
    %get3A_10 = arith.constant 0 : index
    %get3A_11 = arith.constant 0 : index
    %get3A_12 = vector.load %arg4[%get3A_10, %get3A_11] : memref<1x128xf32, #tpu.memory_space<vmem>>, vector<1x128xf32>
    %max3A_13 = arith.constant 0.000000e+00 : f32
    %max3A_14 = vector.broadcast %max3A_13 : f32 to vector<1x128xf32>
    %max3A_15 = arith.maximumf %get3A_12, %max3A_14 : vector<1x128xf32>
    %mul3A_16 = vector.broadcast %max3A_15 : vector<1x128xf32> to vector<1000x128xf32>
    %mul3A_17 = arith.mulf %mul3A_9, %mul3A_16 : vector<1000x128xf32>
    %reduce_sum3A = arith.constant dense<0.000000e+00> : vector<1000xf32>
    %reduce_sum3A_18 = vector.multi_reduction <add>, %mul3A_17, %reduce_sum3A [1] : vector<1000x128xf32> to vector<1000xf32>
    %broadcast_in_dim3A = vector.shape_cast %reduce_sum3A_18 : vector<1000xf32> to vector<1000x1xf32>
    %get3A_19 = arith.constant 0 : index
    %get3A_20 = arith.constant 0 : index
    %get3A_21 = vector.load %arg3[%get3A_19, %get3A_20] : memref<1000x128xf32, #tpu.memory_space<vmem>>, vector<1000x128xf32>
    %get3A_22 = arith.constant 0 : index
    %get3A_23 = arith.constant 0 : index
    %get3A_24 = vector.load %arg5[%get3A_22, %get3A_23] : memref<1x128xf32, #tpu.memory_space<vmem>>, vector<1x128xf32>
    %mul3A_25 = vector.broadcast %get3A_24 : vector<1x128xf32> to vector<1000x128xf32>
    %mul3A_26 = arith.mulf %get3A_21, %mul3A_25 : vector<1000x128xf32>
    %reduce_sum3A_27 = arith.constant dense<0.000000e+00> : vector<1000xf32>
    %reduce_sum3A_28 = vector.multi_reduction <add>, %mul3A_26, %reduce_sum3A_27 [1] : vector<1000x128xf32> to vector<1000xf32>
    %broadcast_in_dim3A_29 = vector.shape_cast %reduce_sum3A_28 : vector<1000xf32> to vector<1000x1xf32>
    %add3A_30 = arith.addf %broadcast_in_dim3A, %broadcast_in_dim3A_29 : vector<1000x1xf32>
    %get3A_31 = arith.constant 0 : index
    %get3A_32 = arith.constant 0 : index
    %get3A_33 = vector.load %arg6[%get3A_31, %get3A_32] : memref<1x128xf32, #tpu.memory_space<vmem>>, vector<1x1xf32>
    %add3A_34 = vector.broadcast %get3A_33 : vector<1x1xf32> to vector<1000x1xf32>
    %add3A_35 = arith.addf %add3A_30, %add3A_34 : vector<1000x1xf32>
    %get3A_36 = arith.constant 0 : index
    %get3A_37 = arith.constant 0 : index
    %get3A_38 = vector.load %arg9[%get3A_36, %get3A_37] : memref<1x128xf32, #tpu.memory_space<vmem>>, vector<1x1xf32>
    %sub3A = vector.broadcast %get3A_38 : vector<1x1xf32> to vector<1000x1xf32>
    %sub3A_39 = arith.subf %add3A_35, %sub3A : vector<1000x1xf32>
    %get3A_40 = arith.constant 0 : index
    %get3A_41 = arith.constant 0 : index
    %get3A_42 = vector.load %arg10[%get3A_40, %get3A_41] : memref<1x128xf32, #tpu.memory_space<vmem>>, vector<1x1xf32>
    %add3A_43 = arith.constant 1.000000e-03 : f32
    %add3A_44 = vector.broadcast %add3A_43 : f32 to vector<1x1xf32>
    %add3A_45 = arith.addf %get3A_42, %add3A_44 : vector<1x1xf32>
    %sqrt3A = math.sqrt %add3A_45 : vector<1x1xf32>
    %div3A_46 = vector.broadcast %sqrt3A : vector<1x1xf32> to vector<1000x1xf32>
    %div3A_47 = arith.divf %sub3A_39, %div3A_46 : vector<1000x1xf32>
    %get3A_48 = arith.constant 0 : index
    %get3A_49 = arith.constant 0 : index
    %get3A_50 = vector.load %arg7[%get3A_48, %get3A_49] : memref<1x128xf32, #tpu.memory_space<vmem>>, vector<1x1xf32>
    %mul3A_51 = vector.broadcast %get3A_50 : vector<1x1xf32> to vector<1000x1xf32>
    %mul3A_52 = arith.mulf %div3A_47, %mul3A_51 : vector<1000x1xf32>
    %get3A_53 = arith.constant 0 : index
    %get3A_54 = arith.constant 0 : index
    %get3A_55 = vector.load %arg8[%get3A_53, %get3A_54] : memref<1x128xf32, #tpu.memory_space<vmem>>, vector<1x1xf32>
    %add3A_56 = vector.broadcast %get3A_55 : vector<1x1xf32> to vector<1000x1xf32>
    %add3A_57 = arith.addf %mul3A_52, %add3A_56 : vector<1000x1xf32>
    %logistic3A = arith.negf %add3A_57 : vector<1000x1xf32>
    %logistic3A_58 = math.exp %logistic3A : vector<1000x1xf32>
    %logistic3A_59 = arith.constant 1.000000e+00 : f32
    %logistic3A_60 = vector.broadcast %logistic3A_59 : f32 to vector<1000x1xf32>
    %logistic3A_61 = arith.addf %logistic3A_60, %logistic3A_58 : vector<1000x1xf32>
    %logistic3A_62 = arith.divf %logistic3A_60, %logistic3A_61 : vector<1000x1xf32>
    %swap3A = arith.constant 0 : index
    %swap3A_63 = arith.constant 0 : index
    %swap3A_64 = vector.load %arg11[%swap3A, %swap3A_63] : memref<1000x1xf32, #tpu.memory_space<vmem>>, vector<1000x1xf32>
    tpu.vector_store %arg11[%swap3A, %swap3A_63], %logistic3A_62 {strides = array<i32>} : memref<1000x1xf32, #tpu.memory_space<vmem>>, vector<1000x1xf32>,
    return
  }
  func.func @transform_0(%arg0: i32) -> (i32, i32) {
    %c0_i32 = arith.constant 0 : i32
    %c0_i32_0 = arith.constant 0 : i32
    return %arg0, %c0_i32 : i32, i32
  }
  func.func @transform_1(%arg0: i32) -> (i32, i32) {
    %c0_i32 = arith.constant 0 : i32
    %c0_i32_0 = arith.constant 0 : i32
    return %arg0, %c0_i32 : i32, i32
  }
  func.func @transform_2(%arg0: i32) -> (i32, i32) {
    %c0_i32 = arith.constant 0 : i32
    %c0_i32_0 = arith.constant 0 : i32
    return %arg0, %c0_i32 : i32, i32
  }
  func.func @transform_3(%arg0: i32) -> (i32, i32) {
    %c0_i32 = arith.constant 0 : i32
    %c0_i32_0 = arith.constant 0 : i32
    %c0_i32_1 = arith.constant 0 : i32
    return %c0_i32, %c0_i32_0 : i32, i32
  }
  func.func @transform_4(%arg0: i32) -> (i32, i32) {
    %c0_i32 = arith.constant 0 : i32
    %c0_i32_0 = arith.constant 0 : i32
    %c0_i32_1 = arith.constant 0 : i32
    return %c0_i32, %c0_i32_0 : i32, i32
  }
  func.func @transform_5(%arg0: i32) -> (i32, i32) {
    %c0_i32 = arith.constant 0 : i32
    %c0_i32_0 = arith.constant 0 : i32
    %c0_i32_1 = arith.constant 0 : i32
    return %c0_i32, %c0_i32_0 : i32, i32
  }
  func.func @transform_6(%arg0: i32) -> (i32, i32) {
    %c0_i32 = arith.constant 0 : i32
    %c0_i32_0 = arith.constant 0 : i32
    %c0_i32_1 = arith.constant 0 : i32
    return %c0_i32, %c0_i32_0 : i32, i32
  }
  func.func @transform_7(%arg0: i32) -> (i32, i32) {
    %c0_i32 = arith.constant 0 : i32
    %c0_i32_0 = arith.constant 0 : i32
    %c0_i32_1 = arith.constant 0 : i32
    return %c0_i32, %c0_i32_0 : i32, i32
  }
  func.func @transform_8(%arg0: i32) -> (i32, i32) {
    %c0_i32 = arith.constant 0 : i32
    %c0_i32_0 = arith.constant 0 : i32
    %c0_i32_1 = arith.constant 0 : i32
    return %c0_i32, %c0_i32_0 : i32, i32
  }
  func.func @transform_9(%arg0: i32) -> (i32, i32) {
    %c0_i32 = arith.constant 0 : i32
    %c0_i32_0 = arith.constant 0 : i32
    %c0_i32_1 = arith.constant 0 : i32
    return %c0_i32, %c0_i32_0 : i32, i32
  }
  func.func @transform_10(%arg0: i32) -> (i32, i32) {
    %c0_i32 = arith.constant 0 : i32
    %c0_i32_0 = arith.constant 0 : i32
    return %arg0, %c0_i32 : i32, i32
  }
}

module attributes {stable_mosaic.version = 14 : i64} {
  func.func @_dense3_body(%arg0: i32, %arg1: memref<1000x1xf32, #tpu.memory_space<vmem>>, %arg2: memref<1000x1xf32, #tpu.memory_space<vmem>>, %arg3: memref<1000x1xf32, #tpu.memory_space<vmem>>, %arg4: memref<1000x128xf32, #tpu.memory_space<vmem>>, %arg5: memref<1000x1xf32, #tpu.memory_space<vmem>>, %arg6: memref<1x128xf32, #tpu.memory_space<vmem>>, %arg7: memref<1x128xf32, #tpu.memory_space<vmem>>, %arg8: memref<1x128xf32, #tpu.memory_space<vmem>>, %arg9: memref<1x128xf32, #tpu.memory_space<vmem>>, %arg10: memref<1x128xf32, #tpu.memory_space<vmem>>, %arg11: memref<1x128xf32, #tpu.memory_space<vmem>>, %arg12: memref<1x128xf32, #tpu.memory_space<vmem>>, %arg13: memref<1000x128xf32, #tpu.memory_space<vmem>>) attributes {dimension_semantics = [#tpu.dimension_semantics<arbitrary>], iteration_bounds = array<i64: 10>, scalar_prefetch = 0 : i64, scratch_operands = 0 : i64, tpu.core_type = #tpu.core_type<tc>, window_params = [{transform_indices = @transform_0, window_bounds = array<i64: 1000, 1>}, {transform_indices = @transform_1, window_bounds = array<i64: 1000, 1>}, {transform_indices = @transform_2, window_bounds = array<i64: 1000, 1>}, {transform_indices = @transform_3, window_bounds = array<i64: 1000, 128>}, {transform_indices = @transform_4, window_bounds = array<i64: 1000, 1>}, {pipeline_mode = #tpu.pipeline_mode<synchronous>, transform_indices = @transform_5, window_bounds = array<i64: 1, 128>}, {pipeline_mode = #tpu.pipeline_mode<synchronous>, transform_indices = @transform_6, window_bounds = array<i64: 1, 128>}, {pipeline_mode = #tpu.pipeline_mode<synchronous>, transform_indices = @transform_7, window_bounds = array<i64: 1, 128>}, {pipeline_mode = #tpu.pipeline_mode<synchronous>, transform_indices = @transform_8, window_bounds = array<i64: 1, 128>}, {pipeline_mode = #tpu.pipeline_mode<synchronous>, transform_indices = @transform_9, window_bounds = array<i64: 1, 128>}, {pipeline_mode = #tpu.pipeline_mode<synchronous>, transform_indices = @transform_10, window_bounds = array<i64: 1, 128>}, {pipeline_mode = #tpu.pipeline_mode<synchronous>, transform_indices = @transform_11, window_bounds = array<i64: 1, 128>}, {transform_indices = @transform_12, window_bounds = array<i64: 1000, 128>}]} {
    %get3A = arith.constant 0 : index
    %get3A_0 = arith.constant 0 : index
    %get3A_1 = vector.load %arg1[%get3A, %get3A_0] : memref<1000x1xf32, #tpu.memory_space<vmem>>, vector<1000x1xf32>
    %get3A_2 = arith.constant 0 : index
    %get3A_3 = arith.constant 0 : index
    %get3A_4 = vector.load %arg2[%get3A_2, %get3A_3] : memref<1000x1xf32, #tpu.memory_space<vmem>>, vector<1000x1xf32>
    %add3A = arith.addf %get3A_1, %get3A_4 : vector<1000x1xf32>
    %get3A_5 = arith.constant 0 : index
    %get3A_6 = arith.constant 0 : index
    %get3A_7 = vector.load %arg3[%get3A_5, %get3A_6] : memref<1000x1xf32, #tpu.memory_space<vmem>>, vector<1000x1xf32>
    %max3A = arith.constant 1.000000e+00 : f32
    %max3A_8 = vector.broadcast %max3A : f32 to vector<1000x1xf32>
    %max3A_9 = arith.maximumf %get3A_7, %max3A_8 : vector<1000x1xf32>
    %div3A = arith.constant 1.000000e+00 : f32
    %div3A_10 = vector.broadcast %div3A : f32 to vector<1000x1xf32>
    %div3A_11 = arith.divf %div3A_10, %max3A_9 : vector<1000x1xf32>
    %mul3A = arith.mulf %add3A, %div3A_11 : vector<1000x1xf32>
    %get3A_12 = arith.constant 0 : index
    %get3A_13 = arith.constant 0 : index
    %get3A_14 = vector.load %arg6[%get3A_12, %get3A_13] : memref<1x128xf32, #tpu.memory_space<vmem>>, vector<1x128xf32>
    %max3A_15 = arith.constant 0.000000e+00 : f32
    %max3A_16 = vector.broadcast %max3A_15 : f32 to vector<1x128xf32>
    %max3A_17 = arith.maximumf %get3A_14, %max3A_16 : vector<1x128xf32>
    %mul3A_18 = vector.broadcast %mul3A : vector<1000x1xf32> to vector<1000x128xf32>
    %mul3A_19 = vector.broadcast %max3A_17 : vector<1x128xf32> to vector<1000x128xf32>
    %mul3A_20 = arith.mulf %mul3A_18, %mul3A_19 : vector<1000x128xf32>
    %get3A_21 = arith.constant 0 : index
    %get3A_22 = arith.constant 0 : index
    %get3A_23 = vector.load %arg5[%get3A_21, %get3A_22] : memref<1000x1xf32, #tpu.memory_space<vmem>>, vector<1000x1xf32>
    %get3A_24 = arith.constant 0 : index
    %get3A_25 = arith.constant 0 : index
    %get3A_26 = vector.load %arg7[%get3A_24, %get3A_25] : memref<1x128xf32, #tpu.memory_space<vmem>>, vector<1x128xf32>
    %mul3A_27 = vector.broadcast %get3A_23 : vector<1000x1xf32> to vector<1000x128xf32>
    %mul3A_28 = vector.broadcast %get3A_26 : vector<1x128xf32> to vector<1000x128xf32>
    %mul3A_29 = arith.mulf %mul3A_27, %mul3A_28 : vector<1000x128xf32>
    %add3A_30 = arith.addf %mul3A_20, %mul3A_29 : vector<1000x128xf32>
    %get3A_31 = arith.constant 0 : index
    %get3A_32 = arith.constant 0 : index
    %get3A_33 = vector.load %arg8[%get3A_31, %get3A_32] : memref<1x128xf32, #tpu.memory_space<vmem>>, vector<1x128xf32>
    %add3A_34 = vector.broadcast %get3A_33 : vector<1x128xf32> to vector<1000x128xf32>
    %add3A_35 = arith.addf %add3A_30, %add3A_34 : vector<1000x128xf32>
    %get3A_36 = arith.constant 0 : index
    %get3A_37 = arith.constant 0 : index
    %get3A_38 = vector.load %arg11[%get3A_36, %get3A_37] : memref<1x128xf32, #tpu.memory_space<vmem>>, vector<1x128xf32>
    %sub3A = vector.broadcast %get3A_38 : vector<1x128xf32> to vector<1000x128xf32>
    %sub3A_39 = arith.subf %add3A_35, %sub3A : vector<1000x128xf32>
    %get3A_40 = arith.constant 0 : index
    %get3A_41 = arith.constant 0 : index
    %get3A_42 = vector.load %arg12[%get3A_40, %get3A_41] : memref<1x128xf32, #tpu.memory_space<vmem>>, vector<1x128xf32>
    %add3A_43 = arith.constant 1.000000e-03 : f32
    %add3A_44 = vector.broadcast %add3A_43 : f32 to vector<1x128xf32>
    %add3A_45 = arith.addf %get3A_42, %add3A_44 : vector<1x128xf32>
    %sqrt3A = math.sqrt %add3A_45 : vector<1x128xf32>
    %div3A_46 = vector.broadcast %sqrt3A : vector<1x128xf32> to vector<1000x128xf32>
    %div3A_47 = arith.divf %sub3A_39, %div3A_46 : vector<1000x128xf32>
    %get3A_48 = arith.constant 0 : index
    %get3A_49 = arith.constant 0 : index
    %get3A_50 = vector.load %arg9[%get3A_48, %get3A_49] : memref<1x128xf32, #tpu.memory_space<vmem>>, vector<1x128xf32>
    %mul3A_51 = vector.broadcast %get3A_50 : vector<1x128xf32> to vector<1000x128xf32>
    %mul3A_52 = arith.mulf %div3A_47, %mul3A_51 : vector<1000x128xf32>
    %get3A_53 = arith.constant 0 : index
    %get3A_54 = arith.constant 0 : index
    %get3A_55 = vector.load %arg10[%get3A_53, %get3A_54] : memref<1x128xf32, #tpu.memory_space<vmem>>, vector<1x128xf32>
    %add3A_56 = vector.broadcast %get3A_55 : vector<1x128xf32> to vector<1000x128xf32>
    %add3A_57 = arith.addf %mul3A_52, %add3A_56 : vector<1000x128xf32>
    %logistic3A = arith.negf %add3A_57 : vector<1000x128xf32>
    %logistic3A_58 = math.exp %logistic3A : vector<1000x128xf32>
    %logistic3A_59 = arith.constant 1.000000e+00 : f32
    %logistic3A_60 = vector.broadcast %logistic3A_59 : f32 to vector<1000x128xf32>
    %logistic3A_61 = arith.addf %logistic3A_60, %logistic3A_58 : vector<1000x128xf32>
    %logistic3A_62 = arith.divf %logistic3A_60, %logistic3A_61 : vector<1000x128xf32>
    %get3A_63 = arith.constant 0 : index
    %get3A_64 = arith.constant 0 : index
    %get3A_65 = vector.load %arg4[%get3A_63, %get3A_64] : memref<1000x128xf32, #tpu.memory_space<vmem>>, vector<1000x128xf32>
    %add3A_66 = arith.addf %logistic3A_62, %get3A_65 : vector<1000x128xf32>
    %mul3A_67 = arith.constant 5.000000e-01 : f32
    %mul3A_68 = vector.broadcast %mul3A_67 : f32 to vector<1000x128xf32>
    %mul3A_69 = arith.mulf %add3A_66, %mul3A_68 : vector<1000x128xf32>
    %swap3A = arith.constant 0 : index
    %swap3A_70 = arith.constant 0 : index
    %swap3A_71 = vector.load %arg13[%swap3A, %swap3A_70] : memref<1000x128xf32, #tpu.memory_space<vmem>>, vector<1000x128xf32>
    tpu.vector_store %arg13[%swap3A, %swap3A_70], %mul3A_69 {strides = array<i32>} : memref<1000x128xf32, #tpu.memory_space<vmem>>, vector<1000x128xf32>,
    return
  }
  func.func @transform_0(%arg0: i32) -> (i32, i32) {
    %c0_i32 = arith.constant 0 : i32
    %c0_i32_0 = arith.constant 0 : i32
    return %arg0, %c0_i32 : i32, i32
  }
  func.func @transform_1(%arg0: i32) -> (i32, i32) {
    %c0_i32 = arith.constant 0 : i32
    %c0_i32_0 = arith.constant 0 : i32
    return %arg0, %c0_i32 : i32, i32
  }
  func.func @transform_2(%arg0: i32) -> (i32, i32) {
    %c0_i32 = arith.constant 0 : i32
    %c0_i32_0 = arith.constant 0 : i32
    return %arg0, %c0_i32 : i32, i32
  }
  func.func @transform_3(%arg0: i32) -> (i32, i32) {
    %c0_i32 = arith.constant 0 : i32
    %c0_i32_0 = arith.constant 0 : i32
    return %arg0, %c0_i32 : i32, i32
  }
  func.func @transform_4(%arg0: i32) -> (i32, i32) {
    %c0_i32 = arith.constant 0 : i32
    %c0_i32_0 = arith.constant 0 : i32
    return %arg0, %c0_i32 : i32, i32
  }
  func.func @transform_5(%arg0: i32) -> (i32, i32) {
    %c0_i32 = arith.constant 0 : i32
    %c0_i32_0 = arith.constant 0 : i32
    %c0_i32_1 = arith.constant 0 : i32
    return %c0_i32, %c0_i32_0 : i32, i32
  }
  func.func @transform_6(%arg0: i32) -> (i32, i32) {
    %c0_i32 = arith.constant 0 : i32
    %c0_i32_0 = arith.constant 0 : i32
    %c0_i32_1 = arith.constant 0 : i32
    return %c0_i32, %c0_i32_0 : i32, i32
  }
  func.func @transform_7(%arg0: i32) -> (i32, i32) {
    %c0_i32 = arith.constant 0 : i32
    %c0_i32_0 = arith.constant 0 : i32
    %c0_i32_1 = arith.constant 0 : i32
    return %c0_i32, %c0_i32_0 : i32, i32
  }
  func.func @transform_8(%arg0: i32) -> (i32, i32) {
    %c0_i32 = arith.constant 0 : i32
    %c0_i32_0 = arith.constant 0 : i32
    %c0_i32_1 = arith.constant 0 : i32
    return %c0_i32, %c0_i32_0 : i32, i32
  }
  func.func @transform_9(%arg0: i32) -> (i32, i32) {
    %c0_i32 = arith.constant 0 : i32
    %c0_i32_0 = arith.constant 0 : i32
    %c0_i32_1 = arith.constant 0 : i32
    return %c0_i32, %c0_i32_0 : i32, i32
  }
  func.func @transform_10(%arg0: i32) -> (i32, i32) {
    %c0_i32 = arith.constant 0 : i32
    %c0_i32_0 = arith.constant 0 : i32
    %c0_i32_1 = arith.constant 0 : i32
    return %c0_i32, %c0_i32_0 : i32, i32
  }
  func.func @transform_11(%arg0: i32) -> (i32, i32) {
    %c0_i32 = arith.constant 0 : i32
    %c0_i32_0 = arith.constant 0 : i32
    %c0_i32_1 = arith.constant 0 : i32
    return %c0_i32, %c0_i32_0 : i32, i32
  }
  func.func @transform_12(%arg0: i32) -> (i32, i32) {
    %c0_i32 = arith.constant 0 : i32
    %c0_i32_0 = arith.constant 0 : i32
    return %arg0, %c0_i32 : i32, i32
  }
}

</mosaic_0001>

<sc_bundles>
// kernel: kernel.11.cloned.1.call-start
scs
__scs_entry_jumppad:
0x0: {  	(pc) =	sbr.rel $0x88, $3  }
0x1: {  	(tag) =	ssettag $0x0;
	lr =	simm.s32 $0x1  }
0x2: {  	[smem:$0x3F89] =	sst lr;
	_ =	strace $0xD0000000  }
0x3: {  	_ = 	snop  }
0x4: {  	_ = 	snop  }
0x5: {  	_ = 	snop  }
0x6: {  	_ = 	snop  }
0x7: {  	_ = 	snop  }
__scs_overlays_trampoline_lowered:
0x8: {  	[smem:$0x3F98] =	sst s0  }
0x9: {  	[smem:$0x3F99] =	sst s1  }
0xa: {  	[smem:$0x3F9A] =	sst s2  }
0xb: {  	[smem:$0x3F9B] =	sst s3  }
0xc: {  	[smem:$0x3F9C] =	sst s4  }
0xd: {  	[smem:$0x3F9D] =	sst s5  }
0xe: {  	[smem:$0x3F9E] =	sst s6  }
0xf: {  	[smem:$0x3F9F] =	sst s7  }
0x10: {  	[smem:$0x3FA0] =	sst s8  }
0x11: {  	[smem:$0x3FA1] =	sst s9;
	s0 =	simm.s32 @!p0 $0x0  }
0x12: {  	s1 =	sld [smem:$0x3F87];
	s0 =	simm.s32 @p0 $0x1  }
0x13: {  	[smem:$0x3FA2] =	sst s0;
	s0 =	simm.s32 @!p1 $0x0  }
0x14: {  	s2 =	sld [smem:$0x3F86];
	s0 =	simm.s32 @p1 $0x1  }
0x15: {  	[smem:$0x3FA3] =	sst s0;
	s0 =	simm.s32 @!p2 $0x0  }
0x16: {  	s3 =	sld [smem:$0x3FDB];
	s0 =	simm.s32 @p2 $0x1  }
0x17: {  	s4 =	simm.s32 $0x1BF5;
	[smem:$0x3FA5] =	sst s0  }
0x18: {  	s0 =	sld [smem:$0x3F88];
	_ =	swait.ge [sflag:s4], $0x0  }
0x19: {  	s7 =	sld [smem:$0x3F89]  }
0x1a: {  	s8 =	sadd.s32 $0xFFFFE003, lr  }
0x1b: {  	s9 =	sadd.s32 $0xFFFFFEF7, lr;
	s5 =	simm.s32 $0xFFFFFFFF;
	p2 =	slt.u32 s8, $0xFFFFF086  }
0x1c: {  	p1 =	slt.u32 s9, $0xF7A;
	s5 =	simm.s32 @!p2 $0x0  }
0x1d: {  	s5 =	simm.s32 @p1 $0x1;
	p0 =	seq.s32 s7, s2  }
0x1e: {  	s7 =	smul.u32 @!p0 $0xF7A, s2;
	p2 =	seq.s32 @!p0 s5, $0x0  }
0x1f: {  	s9 =	smul.u32 $0xF7A, s1;
	s8 =	simm.s32 @!p0 $0x1BF5;
	p2 =	por !p2, p0  }
0x20: {  	[sflag:s8] =	ssyncset.s32 @!p0 $0xFFFFF086;
	s6 =	sadd.s32 @!p0 s3, s7;
	s7 =	simm.s32 @!p0 $0x108  }
0x21: {  	s3 =	sadd.s32 s3, s9;
	s6 =	sadd.s32 @!p0 $0x88, s6;
	s7 =	simm.s32 @p2 $0x1082  }
0x22: {  	[simem:s7], [sflag:s8] =	dma.local @!p0 [hbm:s6], $0xF7A  }
0x23: {  	s9 =	sor.u32 $0xD0000000, s2;
	s6 =	simm.s32 $0x108;
	_ =	swait.ge @!p0 [sflag:s8], $0x0  }
0x24: {  	s3 =	sadd.s32 $0x88, s3;
	s6 =	simm.s32 @!p1 $0x1082;
	[sflag:s4] =	ssyncset.s32 $0xFFFFF086  }
0x25: {  	[simem:s6], [sflag:s4] =	dma.local [hbm:s3], $0xF7A  }
0x26: {  	[smem:$0x3F89] =	sst s1;
	(tag) =	ssettag s2;
	_ =	strace s9  }
0x27: {  	s1 =	sld [smem:$0x3F99]  }
0x28: {  	s2 =	sld [smem:$0x3F9A]  }
0x29: {  	s4 =	sld [smem:$0x3F9C]  }
0x2a: {  	p0 =	seq.s32 s5, $0x0;
	s5 =	sld [smem:$0x3F9D]  }
0x2b: {  	s6 =	sld [smem:$0x3F9E]  }
0x2c: {  	s7 =	sld [smem:$0x3F9F]  }
0x2d: {  	s3 =	simm.s32 $0x108;
	s8 =	sld [smem:$0x3FA0]  }
0x2e: {  	s3 =	simm.s32 @!p0 $0x1082;
	s9 =	sld [smem:$0x3FA1]  }
0x2f: {  	lr =	sadd.s32 s0, s3;
	s0 =	sld [smem:$0x3F98]  }
0x30: {  	s3 =	sld [smem:$0x3F9B]  }
0x31: {  	[smem:$0x3FA4] =	sst s10  }
0x32: {  	s10 =	sld [smem:$0x3FA2];
	_ =	sdelay $0x3  }
0x33: {  	p0 =	seq.s32 s10, $0x1;
	s10 =	sld [smem:$0x3FA4];
	_ =	sdelay $0x3  }
0x34: {  	[smem:$0x3FA4] =	sst s10  }
0x35: {  	s10 =	sld [smem:$0x3FA3];
	_ =	sdelay $0x3  }
0x36: {  	p1 =	seq.s32 s10, $0x1;
	s10 =	sld [smem:$0x3FA4];
	_ =	sdelay $0x3  }
0x37: {  	[smem:$0x3FA4] =	sst s10  }
0x38: {  	s10 =	sld [smem:$0x3FA5]  }
0x39: {  	_ = 	snop;
	(pc) =	sbr.ind lr, $3  }
0x3a: {  	_ = 	snop  }
0x3b: {  	_ = 	snop  }
0x3c: {  	p2 =	seq.s32 s10, $0x1;
	s10 =	sld [smem:$0x3FA4]  }
0x3d: {  	_ =	shalt  }
0x3e: {  	_ =	shalt  }
0x3f: {  	_ =	shalt  }
0x40: {  	_ =	shalt  }
0x41: {  	_ =	shalt  }
0x42: {  	_ =	shalt  }
0x43: {  	_ =	shalt  }
0x44: {  	_ =	shalt  }
0x45: {  	_ =	shalt  }
0x46: {  	_ =	shalt  }
0x47: {  	_ =	shalt  }
0x48: {  	_ =	shalt  }
0x49: {  	_ =	shalt  }
0x4a: {  	_ =	shalt  }
0x4b: {  	_ =	shalt  }
0x4c: {  	_ =	shalt  }
0x4d: {  	_ =	shalt  }
0x4e: {  	_ =	shalt  }
0x4f: {  	_ =	shalt  }
0x50: {  	_ =	shalt  }
0x51: {  	_ =	shalt  }
0x52: {  	_ =	shalt  }
0x53: {  	_ =	shalt  }
0x54: {  	_ =	shalt  }
0x55: {  	_ =	shalt  }
0x56: {  	_ =	shalt  }
0x57: {  	_ =	shalt  }
0x58: {  	_ =	shalt  }
0x59: {  	_ =	shalt  }
0x5a: {  	_ =	shalt  }
0x5b: {  	_ =	shalt  }
0x5c: {  	_ =	shalt  }
0x5d: {  	_ =	shalt  }
0x5e: {  	_ =	shalt  }
0x5f: {  	_ =	shalt  }
0x60: {  	_ =	shalt  }
0x61: {  	_ =	shalt  }
0x62: {  	_ =	shalt  }
0x63: {  	_ =	shalt  }
0x64: {  	_ =	shalt  }
0x65: {  	_ =	shalt  }
0x66: {  	_ =	shalt  }
0x67: {  	_ =	shalt  }
0x68: {  	_ =	shalt  }
0x69: {  	_ =	shalt  }
0x6a: {  	_ =	shalt  }
0x6b: {  	_ =	shalt  }
0x6c: {  	_ =	shalt  }
0x6d: {  	_ =	shalt  }
0x6e: {  	_ =	shalt  }
0x6f: {  	_ =	shalt  }
0x70: {  	_ =	shalt  }
0x71: {  	_ =	shalt  }
0x72: {  	_ =	shalt  }
0x73: {  	_ =	shalt  }
0x74: {  	_ =	shalt  }
0x75: {  	_ =	shalt  }
0x76: {  	_ =	shalt  }
0x77: {  	_ =	shalt  }
0x78: {  	_ =	shalt  }
0x79: {  	_ =	shalt  }
0x7a: {  	_ =	shalt  }
0x7b: {  	_ =	shalt  }
0x7c: {  	_ =	shalt  }
0x7d: {  	_ =	shalt  }
0x7e: {  	_ =	shalt  }
0x7f: {  	_ =	shalt  }
0x80: {  	_ =	shalt  }
0x81: {  	_ =	shalt  }
0x82: {  	_ =	shalt  }
0x83: {  	_ =	shalt  }
0x84: {  	_ =	shalt  }
0x85: {  	_ =	shalt  }
0x86: {  	_ =	shalt  }
0x87: {  	_ =	shalt  }
.Lfunc_end0:
.L_simem_size_0:
called_computation.1_lowered:
.L_overlay_start_0:
0x88: {  	s2 =	sld [smem:$0x3FD9]  }
0x89: {  	s3 =	sld [smem:$0x3FFE];
	_ =	sdelay $0x1  }
0x8a: {  	s1 =	srdreg.scid  }
0x8b: {  	s0 =	sand.u32 $0x1, s1  }
0x8c: {  	s17 =	sshll.u32 s0, $0xA;
	s2 =	sadd.s32 s3, s2  }
0x8d: {  	s2 =	sadd.s32 s2, s17  }
0x8e: {  	[smem:$0x3FB0] =	sst s2  }
0x8f: {  	_ = 	snop  }
0x90: {  	s2 =	sld [smem:$0x3FD0];
	(tm) =	ssettm $0x1  }
0x91: {  	s18 =	sld [smem:$0x3FFB];
	_ =	sdelay $0x3  }
0x92: {  	_ =	strace s18  }
0x93: {  	s3 =	sld [smem:$0x3FFC];
	_ =	sdelay $0x3  }
0x94: {  	_ =	strace s3  }
0x95: {  	s3 =	sld [smem:$0x3FFD];
	_ =	sdelay $0x3  }
0x96: {  	_ =	strace s3  }
0x97: {  	_ =	strace $0x8FFFFFFF  }
0x98: {  	s19 =	sld [smem:$0x3FDB];
	_ =	sdelay $0x1  }
0x99: {  	s4 =	simm.s32 $_scs_section_size  }
0x9a: {  	s5 =	simm.s32 $_size__tile_overlayer_lowered;
	s6 =	simm.s32 $_tile_overlayer_lowered  }
0x9b: {  	s22 =	simm.s32 $0x1BFF;
	s21 =	sshll.u32 s6, $0x1;
	s3 =	sadd.s32 s4, s19  }
0x9c: {  	s7 =	simm.s32 $0x0;
	s20 =	sshll.u32 s5, $0x1;
	s5 =	sadd.s32 s21, s3  }
0x9d: {  	[timem:s7], [sflag:s22] =	dma.local [hbm:s5], s20  }
0x9e: {  	_ =	swait.ge [sflag:s22], s20  }
0x9f: {  	s4 =	ssub.s32 $0x0, s20;
	[sflag:s22] =	ssyncset.done $0x0  }
0xa0: {  	[sflag:s22] =	ssyncadd.s32 s4;
	_ =	sdelay $0x1  }
0xa1: {  	s23 =	simm.s32 $0x1B8B  }
0xa2: {  	_ =	swait.ge [sflag:s23], $0x1  }
0xa3: {  	[sflag:s23] =	ssyncset.done $0x0  }
0xa4: {  	s25 =	simm.s32 $0x1B8E;
	s24 =	sld [smem:$0x3FFE];
	[sflag:s23] =	ssyncadd.s32 $0xFFFFFFFF  }
0xa5: {  	s26 =	simm.s32 $execute0_lowered;
	[smem:$0x3FD2] =	sst s25  }
0xa6: {  	s5 =	sshll.u32 s26, $0x1;
	_ =	strace $0x80000049;
	[dreg:$0x1] =	wrdreg $0xFFFFFFFF  }
0xa7: {  	s28 =	simm.s32 $_size_execute0_lowered;
	s3 =	sadd.s32 s3, s5;
	[dreg:$0x0] =	wrdreg $0x0  }
0xa8: {  	s5 =	sshll.u32 s28, $0x1;
	[dreg:$0x2] =	wrdreg s3  }
0xa9: {  	[dreg:$0x3] =	wrdreg s5  }
0xaa: {  	[dreg:$0x4] =	wrdreg $0xC0  }
0xab: {  	_ =	task [dreg:s7], $0x5FFFF  }
0xac: {  	[dreg:$0x1] =	wrdreg $0xFFFFFFFF  }
0xad: {  	[dreg:$0x0] =	wrdreg $0x60  }
0xae: {  	[dreg:$0x2] =	wrdreg s24  }
0xaf: {  	[dreg:$0x3] =	wrdreg s2  }
0xb0: {  	[dreg:$0x4] =	wrdreg $0xBC000  }
0xb1: {  	[dreg:$0x5] =	wrdreg $0x9  }
0xb2: {  	_ =	task.clear_ibuf [dreg:s7], $0x6FFFF;
	_ =	strace $0x90000049  }
0xb3: {  	s29 =	simm.s32 $0x9;
	_ =	strace $0x8000004B  }
0xb4: {  	_ =	swait.ge [sflag:s29], $0x1  }
0xb5: {  	[sflag:s29] =	ssyncadd.s32 $0xFFFFFFFF  }
0xb6: {  	_ =	strace $0x9000004B  }
0xb7: {  	_ =	sfence  }
0xb8: {  	s30 =	sld [smem:$0x0];
	_ =	sdelay $0x2  }
0xb9: {  	s31 =	sshll.u32 s1, $0xD;
	s1 =	sshrl.u32 s1, $0x2  }
0xba: {  	s3 =	sand.u32 $0x4000, s31;
	s1 =	sadd.s32 s1, s30  }
0xbb: {  	s0 =	sor.u32 s3, s0;
	s1 =	sshll.u32 s1, $0x11  }
0xbc: {  	s0 =	sor.u32 s1, s0  }
0xbd: {  	s0 =	sadd.s32 $0x8F2B, s0  }
0xbe: {  	[sflag:s0] =	ssyncadd.remote.s32 $0x1  }
0xbf: {  	_ =	sfence.sel $0xFFFF  }
0xc0: {  	[dreg:$0x0] =	wrdreg $0xFFFFFFFF;
	(pc) =	sbr.abs _section_cstart, $3  }
0xc1: {  	[dreg:$0x1] =	wrdreg $0xFFFFFFFF  }
0xc2: {  	_ =	task.clear_ibuf [dreg:s7], $0x2FFFF;
	_ =	strace $0x9FFFFFFF  }
0xc3: {  	(tm) =	ssettm $0x7FFFFFFF  }
tec
execute0_lowered:
.L_overlay_start_1:
0x0: {  	(tag) =	ssettag $0x1  }
0x1: {  	s5 =	rddreg [dreg:$0x0]  }
0x2: {  	s1 =	srdreg.scid;
	s8 =	rddreg [dreg:$0x1]  }
0x3: {  	s0 =	stileid.u32;
	s2 =	rddreg [dreg:$0x2]  }
0x4: {  	s3 =	simm.s32 $0x0;
	s16 =	simm.s32 $0x3C00;
	s17 =	simm.s32 $0x7C00  }
0x5: {  	s18 =	simm.s32 $0x1;
	s19 =	simm.s32 $0x3;
	s20 =	simm.s32 $0x2  }
0x6: {  	s21 =	simm.s32 $0x4;
	s22 =	simm.s32 $0x0;
	s6 =	sand.u32 $0x1, s1  }
0x7: {  	s28 =	sshll.u32 s0, $0x1;
	s1 =	rddreg [dreg:$0x3];
	s10 =	smul.u32 $0x14000, s0  }
0x8: {  	[smem:$0x7FF] =	sst s3;
	s4 =	sadd.s32 $0x8A00, s5;
	s29 =	smul.u32 $0x50000, s0  }
0x9: {  	s30 =	sshll.u32 s0, $0x6;
	s7 =	sor.u32 s6, s28;
	s11 =	smul.u32 $0x140000, s6  }
0xa: {  	_ =	strace $0x8000004A;
	s6 =	ssub.s32 $0x2, s6;
	s9 =	smul.u32 $0x280, s7  }
0xb: {  	s13 =	sshrl.u32 s10, $0x3;
	s14 =	sshrl.u32 s6, $0x1;
	s7 =	smul.u32 $0x1400, s7  }
0xc: {  	s10 =	sadd.s32 s10, s11;
	s13 =	sadd.s32 s13, s5;
	s11 =	sshrl.u32 s29, $0x2  }
0xd: {  	s14 =	ssub.s32 s6, s14;
	s6 =	sor.u32 $0x1C05, s30;
	s12 =	sadd.s32 s9, s5  }
0xe: {  	s10 =	sshrl.u32 s10, $0x3;
	s15 =	sadd.s32 s11, s2;
	s31 =	sshrl.u32 s7, $0x3  }
0xf: {  	s7 =	sadd.s32 s8, s9;
	s11 =	smax.u32 s14, $0x1;
	s14 =	simm.s32 $0x1400  }
0x10: {  	s10 =	sadd.s32 s10, s5;
	s5 =	sadd.s32 $0x2FC00, s13;
	s8 =	sadd.s32 s8, s31  }
0x11: {  	s9 =	sadd.s32 $0x3A00, s12;
	s12 =	sshrl.u32 s15, $0x3;
	s13 =	simm.s32 $0x5  }
0x12: {  	v0 =	vlaneseq.u32;
	s15 =	simm.s32 $0x80;
	s8 =	sadd.s32 $0x5000, s8;
	s10 =	sadd.s32 $0x7EE00, s10  }
.LBB2_1:
0x13: {  	[spmem:s12], [sflag:s6] =	dma.local [hbm:s5], $0x2800  }
0x14: {  	_ =	swait.ge [sflag:s13], $0x2800  }
0x15: {  	[sflag:s13] =	ssyncset.done $0x0  }
0x16: {  	[sflag:s13] =	ssyncadd.s32 $0xFFFFD800  }
0x17: {  	[tilespmem:s3], [sflag:$0x5] =	stream.linear.gather [hbm4b:s7+s3], $0x1400, $0x38;
	[tilespmem:$0x1FC00] =	vst v63  }
0x18: {  	_ =	swait.ge [sflag:s13], $0x1400  }
0x19: {  	[sflag:s13] =	ssyncset.done $0x0  }
0x1a: {  	[sflag:s13] =	ssyncadd.s32 $0xFFFFEC00  }
0x1b: {  	[tilespmem:s14], [sflag:$0x5] =	stream.linear.gather [hbm4b:s8+s3], $0x1400, $0x38;
	[tilespmem:$0x1FC00] =	vst v63  }
0x1c: {  	_ =	swait.ge [sflag:s13], $0x1400  }
0x1d: {  	[sflag:s13] =	ssyncset.done $0x0  }
0x1e: {  	s23 =	simm.s32 $0x2800;
	[sflag:s13] =	ssyncadd.s32 $0xFFFFEC00  }
0x1f: {  	[tilespmem:s23], [sflag:$0x5] =	stream.linear.gather [hbm4b:s9+s3], $0x1400, $0x38;
	[tilespmem:$0x1FC00] =	vst v63  }
0x20: {  	_ =	swait.ge [sflag:s13], $0x1400  }
0x21: {  	[sflag:s13] =	ssyncset.done $0x0  }
0x22: {  	[sflag:s13] =	ssyncadd.s32 $0xFFFFEC00  }
0x23: {  	s24 =	simm.s32 $0x2880;
	s25 =	simm.s32 $0x0;
	[bflag:$0x0] =	sbarrier.arrive $0xFFFF  }
0x24: {  	[tilespmem:s16], [sflag:$0x1] =	stream.indirect.gather [hbm4b:s4+s15], $0x80, s3, s15, $0xb8;
	[tilespmem:$0x1FC00] =	vst v63  }
.LBB2_2:
0x25: {  	p0 =	seq.s32 s25, $0x0  }
0x26: {  	s26 =	simm.s32 @!p0 $0x4  }
0x27: {  	_ =	swait.ge @!p0 [sflag:s26], $0x4000  }
0x28: {  	s28 =	sshll.u32 s25, $0x8;
	[sflag:s26] =	ssyncset.done @!p0 $0x0  }
0x29: {  	s31 =	sor.u32 $0x80, s28;
	[sflag:s26] =	ssyncadd.s32 @!p0 $0xFFFFC000  }
0x2a: {  	[tilespmem:s17], [sflag:$0x2] =	stream.indirect.gather [hbm4b:s4+s15], $0x80, s31, s15, $0xb8;
	[tilespmem:$0x1FC00] =	vst v63  }
0x2b: {  	_ =	swait.ge [sflag:s18], $0x4000  }
0x2c: {  	[sflag:s18] =	ssyncset.done $0x0  }
0x2d: {  	s28 =	simm.s32 $0x4000;
	[sflag:s18] =	ssyncadd.s32 $0xFFFFC000  }
0x2e: {  	v10 =	vld [tilespmem:s28+$0x3A0]  }
0x2f: {  	v1 =	vld [tilespmem:s28+$0xFFFFFF80]  }
0x30: {  	v2 =	vld [tilespmem:s28+$0xA0]  }
0x31: {  	v4 =	vld [tilespmem:s28+$0x180]  }
0x32: {  	v6 =	vld [tilespmem:s28+$0x90]  }
0x33: {  	v8 =	vld [tilespmem:s28+$0x300]  }
0x34: {  	v11 =	vld [tilespmem:s28+$0x1A0]  }
0x35: {  	v15 =	vld [tilespmem:s28+$0x200]  }
0x36: {  	v18 =	vld [tilespmem:s28+$0xFFFFFD10]  }
0x37: {  	v29 =	vld [tilespmem:s28+$0xFFFFFD20]  }
0x38: {  	v14 =	vld [tilespmem:s28+$0x390]  }
0x39: {  	v9 =	vmov s23;
	v5 =	vld [tilespmem:s28+$0x0]  }
0x3a: {  	v7 =	vld [tilespmem:s28+$0xFFFFFF10]  }
0x3b: {  	v19 =	vld [tilespmem:s28+$0xFFFFFC10]  }
0x3c: {  	v12 =	vld [tilespmem:s28+$0xFFFFFE80]  }
0x3d: {  	s31 =	simm.s32 $0x0;
	v16 =	vld [tilespmem:s28+$0xFFFFFE10]  }
0x3e: {  	v3 =	vld.idx.msk [tilespmem:v9+s31+$0x0 ss:$0x1], $0xffff  }
0x3f: {  	v33 =	vld [tilespmem:s28+$0x380]  }
0x40: {  	v22 =	vld [tilespmem:s28+$0xFFFFFD00]  }
0x41: {  	v21 =	vld [tilespmem:s28+$0xFFFFFC20]  }
0x42: {  	v28 =	vld [tilespmem:s28+$0xFFFFFC00]  }
0x43: {  	v13 =	vld [tilespmem:s28+$0x80]  }
0x44: {  	v26 =	vld [tilespmem:s28+$0x220];
	v23 =	vbroadcast v3, $0x0;
	v34 =	vbroadcast v3, $0xF  }
0x45: {  	vm0 =	veq.s32 v0, $0x3;
	v17 =	vld [tilespmem:s28+$0xFFFFFE00];
	v25 =	vbroadcast v3, $0x2;
	v24 =	vbroadcast v3, $0xC  }
0x46: {  	v27 =	vld [tilespmem:s28+$0x210];
	v31 =	vsel vm0, $0x3F800000, v23;
	v35 =	vmul.f32 v14, v34;
	v20 =	vsel vm0, $0x3F800000, v34  }
0x47: {  	v30 =	vmul.f32 v23, v28;
	v14 =	vld [tilespmem:s28+$0xFFFFFEA0];
	v28 =	vmul.f32 v21, v31;
	v31 =	vsel vm0, $0x3F800000, v25  }
0x48: {  	s29 =	simm.s32 $0x40;
	s30 =	simm.s32 $0x4000;
	s26 =	sshll.u32 s25, $0xA;
	v21 =	vld [tilespmem:s28+$0xFFFFFC80];
	v32 =	vmul.f32 v29, v31;
	v31 =	vsel vm0, $0x3F800000, v24;
	v29 =	vmul.f32 v33, v34;
	[tilespmem:s28+$0x390] =	vst v35  }
.LBB2_3:
0x49: {  	p0 =	sne.s32 s29, $0x1C0  }
0x4a: {  	[tilespmem:s28+$0xFFFFFC00] =	vst v30;
	v30 =	vbroadcast v3, $0x4;
	v33 =	vld [tilespmem:s28+$0x120];
	v26 =	vmul.f32 v26, v31;
	s30 =	sadd.s32 $0x800, s30;
	s31 =	smov.u32 s29;
	s29 =	sadd.s32 $0x40, s29  }
0x4b: {  	v18 =	vmul.f32 v18, v25;
	[tilespmem:s28+$0xFFFFFD20] =	vst v32;
	v31 =	vld [tilespmem:s28+$0xFFFFFE20];
	v32 =	vbroadcast v3, $0xB  }
0x4c: {  	v22 =	vmul.f32 v22, v25;
	v25 =	vld [tilespmem:s28+$0xFFFFFD80];
	v27 =	vmul.f32 v27, v24;
	[tilespmem:s28+$0x380] =	vst v29  }
0x4d: {  	v19 =	vmul.f32 v19, v23;
	v15 =	vmul.f32 v15, v24;
	[tilespmem:s28+$0xFFFFFD10] =	vst v18;
	v18 =	vld [tilespmem:s28+$0xFFFFFE90];
	v23 =	vsel vm0, $0x3F800000, v32  }
0x4e: {  	v24 =	vbroadcast v3, $0x1;
	[tilespmem:s28+$0xFFFFFC20] =	vst v28;
	v28 =	vbroadcast v3, $0x9;
	v29 =	vld [tilespmem:s28+$0x100]  }
0x4f: {  	v35 =	vbroadcast v3, $0x7;
	v10 =	vmul.f32 v10, v20;
	v34 =	vld [tilespmem:s28+$0xFFFFFCA0];
	[tilespmem:s28+$0x200] =	vst v15  }
0x50: {  	v20 =	vbroadcast v3, $0x5;
	v16 =	vmul.f32 v16, v30;
	[tilespmem:s28+$0xFFFFFC10] =	vst v19;
	v15 =	vld [tilespmem:s28+$0xFFFFFDA0];
	v19 =	vsel vm0, $0x3F800000, v30  }
0x51: {  	v21 =	vmul.f32 v21, v24;
	v36 =	vsel vm0, $0x3F800000, v24;
	[tilespmem:s28+$0xFFFFFD00] =	vst v22;
	v22 =	vbroadcast v3, $0xA;
	v37 =	vld [tilespmem:s28+$0x190]  }
0x52: {  	v19 =	vmul.f32 v31, v19;
	v31 =	vsel vm0, $0x3F800000, v20;
	v38 =	vld [tilespmem:s28+$0xFFFFFC90];
	[tilespmem:s28+$0x220] =	vst v26;
	v26 =	vbroadcast v3, $0xE  }
0x53: {  	v39 =	vbroadcast v3, $0x3;
	v17 =	vmul.f32 v17, v30;
	v30 =	vsel vm0, $0x3F800000, v35;
	v40 =	vld [tilespmem:s28+$0xFFFFFD90];
	[tilespmem:s28+$0x210] =	vst v27  }
0x54: {  	v27 =	vmul.f32 v34, v36;
	[tilespmem:s28+$0xFFFFFE10] =	vst v16;
	v16 =	vbroadcast v3, $0xD;
	v34 =	vld [tilespmem:s28+$0x2A0];
	v36 =	vsel vm0, $0x3F800000, v26  }
0x55: {  	v41 =	vsel vm0, $0x3F800000, v39;
	v12 =	vmul.f32 v12, v20;
	v11 =	vmul.f32 v11, v23;
	[tilespmem:s28+$0xFFFFFE00] =	vst v17;
	v17 =	vld [tilespmem:s28+$0x280]  }
0x56: {  	v15 =	vmul.f32 v15, v41;
	v23 =	vld [tilespmem:s28+$0x110];
	v37 =	vmul.f32 v37, v32;
	v41 =	vsel vm0, $0x3F800000, v16;
	[tilespmem:s28+$0x3A0] =	vst v10  }
0x57: {  	v18 =	vmul.f32 v18, v20;
	v14 =	vmul.f32 v14, v31;
	[tilespmem:s28+$0x1A0] =	vst v11;
	v11 =	vld [tilespmem:s28+$0x290]  }
0x58: {  	v13 =	vmul.f32 v13, v28;
	v20 =	vmul.f32 v25, v39;
	v10 =	vsel vm0, $0x3F800000, v22;
	[tilespmem:s28+$0xFFFFFC80] =	vst v21;
	v21 =	vld [tilespmem:s28+$0x320]  }
0x59: {  	[tilespmem:s28+$0xFFFFFE80] =	vst v12;
	v12 =	vmul.f32 v33, v10;
	v25 =	vmul.f32 v34, v41;
	v31 =	vld [tilespmem:s28+$0x310]  }
0x5a: {  	v10 =	vld [tilespmem:s30+$0x3A0];
	[tilespmem:s28+$0xFFFFFE20] =	vst v19;
	v19 =	vmul.f32 v29, v22;
	v17 =	vmul.f32 v17, v16  }
0x5b: {  	v29 =	vmul.f32 v40, v39;
	v33 =	vld [tilespmem:s28+$0x10];
	[tilespmem:s28+$0x80] =	vst v13;
	v13 =	vmul.f32 v23, v22  }
0x5c: {  	v22 =	vmul.f32 v38, v24;
	[tilespmem:s28+$0xFFFFFE90] =	vst v18;
	v18 =	vld [tilespmem:s28+$0xFFFFFF00];
	v16 =	vmul.f32 v11, v16  }
0x5d: {  	v8 =	vmul.f32 v8, v26;
	v11 =	vld [tilespmem:s28+$0xFFFFFF20];
	[tilespmem:s28+$0x120] =	vst v12;
	v12 =	vmul.f32 v21, v36  }
0x5e: {  	v6 =	vmul.f32 v6, v28;
	[tilespmem:s28+$0xFFFFFEA0] =	vst v14;
	v14 =	vld [tilespmem:s28+$0x20];
	v21 =	vmul.f32 v31, v26  }
0x5f: {  	v4 =	vmul.f32 v4, v32;
	v23 =	vbroadcast v3, $0x6;
	v26 =	vsel vm0, $0x3F800000, v28;
	v24 =	vld [tilespmem:s28+$0xFFFFFFA0];
	[tilespmem:s28+$0x300] =	vst v8  }
0x60: {  	v3 =	vbroadcast v3, $0x8;
	v2 =	vmul.f32 v2, v26;
	v8 =	vld [tilespmem:s28+$0xFFFFFF90];
	[tilespmem:s28+$0x90] =	vst v6  }
0x61: {  	v6 =	vmul.f32 v7, v23;
	v7 =	vsel vm0, $0x3F800000, v23;
	v18 =	vmul.f32 v18, v23;
	[tilespmem:s28+$0x180] =	vst v4  }
0x62: {  	v4 =	vmul.f32 v5, v3;
	v5 =	vsel vm0, $0x3F800000, v3;
	v7 =	vmul.f32 v11, v7;
	[tilespmem:s28+$0xA0] =	vst v2  }
0x63: {  	v3 =	vmul.f32 v33, v3;
	[tilespmem:s28+$0xFFFFFD80] =	vst v20;
	v5 =	vmul.f32 v14, v5  }
0x64: {  	v1 =	vmul.f32 v1, v35;
	[tilespmem:s28+$0xFFFFFF10] =	vst v6;
	v2 =	vmul.f32 v24, v30  }
0x65: {  	v6 =	vmul.f32 v8, v35;
	[tilespmem:s28+$0x0] =	vst v4  }
0x66: {  	[tilespmem:s28+$0xFFFFFF80] =	vst v1  }
0x67: {  	[tilespmem:s28+$0xFFFFFF90] =	vst v6  }
0x68: {  	[tilespmem:s28+$0xFFFFFFA0] =	vst v2  }
0x69: {  	[tilespmem:s28+$0x320] =	vst v12  }
0x6a: {  	v1 =	vld [tilespmem:s30+$0xFFFFFF80];
	[tilespmem:s28+$0xFFFFFDA0] =	vst v15  }
0x6b: {  	v2 =	vld [tilespmem:s30+$0xA0];
	[tilespmem:s28+$0x10] =	vst v3  }
0x6c: {  	v4 =	vld [tilespmem:s30+$0x180];
	[tilespmem:s28+$0x20] =	vst v5  }
0x6d: {  	v6 =	vld [tilespmem:s30+$0x90];
	[tilespmem:s28+$0xFFFFFF00] =	vst v18  }
0x6e: {  	v8 =	vld [tilespmem:s30+$0x300];
	[tilespmem:s28+$0x100] =	vst v19  }
0x6f: {  	v11 =	vld [tilespmem:s30+$0x1A0];
	[tilespmem:s28+$0xFFFFFF20] =	vst v7  }
0x70: {  	v15 =	vld [tilespmem:s30+$0x200];
	[tilespmem:s28+$0x190] =	vst v37  }
0x71: {  	v18 =	vld [tilespmem:s30+$0xFFFFFD10];
	[tilespmem:s28+$0xFFFFFCA0] =	vst v27  }
0x72: {  	v31 =	vld [tilespmem:s30+$0xFFFFFD20];
	[tilespmem:s28+$0x310] =	vst v21  }
0x73: {  	v14 =	vld [tilespmem:s30+$0x390];
	[tilespmem:s28+$0xFFFFFC90] =	vst v22  }
0x74: {  	v5 =	vld [tilespmem:s30+$0x0];
	[tilespmem:s28+$0xFFFFFD90] =	vst v29  }
0x75: {  	v7 =	vld [tilespmem:s30+$0xFFFFFF10];
	[tilespmem:s28+$0x110] =	vst v13  }
0x76: {  	v19 =	vld [tilespmem:s30+$0xFFFFFC10];
	[tilespmem:s28+$0x280] =	vst v17  }
0x77: {  	v12 =	vld [tilespmem:s30+$0xFFFFFE80];
	[tilespmem:s28+$0x290] =	vst v16  }
0x78: {  	s31 =	sshra.s32 s31, $0x2;
	v16 =	vld [tilespmem:s30+$0xFFFFFE10];
	[tilespmem:s28+$0x2A0] =	vst v25;
	s28 =	smov.u32 s30  }
0x79: {  	v3 =	vld.idx.msk [tilespmem:v9+s31+$0x0 ss:$0x1], $0xffff  }
0x7a: {  	v29 =	vld [tilespmem:s30+$0x380]  }
0x7b: {  	v22 =	vld [tilespmem:s30+$0xFFFFFD00]  }
0x7c: {  	v21 =	vld [tilespmem:s30+$0xFFFFFC20]  }
0x7d: {  	v28 =	vld [tilespmem:s30+$0xFFFFFC00]  }
0x7e: {  	v13 =	vld [tilespmem:s30+$0x80]  }
.Ltmp0:
0x7f: {  	v23 =	vbroadcast v3, $0x0;
	v33 =	vbroadcast v3, $0xF;
	v26 =	vld [tilespmem:s30+$0x220];
	(pc) =	sbr.rel @p0 .LBB2_3-.Ltmp0, $4  }
0x80: {  	v25 =	vbroadcast v3, $0x2;
	v24 =	vbroadcast v3, $0xC;
	v17 =	vld [tilespmem:s30+$0xFFFFFE00]  }
0x81: {  	v32 =	vsel vm0, $0x3F800000, v23;
	v34 =	vmul.f32 v14, v33;
	v20 =	vsel vm0, $0x3F800000, v33;
	v27 =	vld [tilespmem:s30+$0x210]  }
0x82: {  	v30 =	vmul.f32 v23, v28;
	v28 =	vmul.f32 v21, v32;
	v32 =	vsel vm0, $0x3F800000, v25;
	v14 =	vld [tilespmem:s30+$0xFFFFFEA0]  }
0x83: {  	v29 =	vmul.f32 v29, v33;
	v21 =	vld [tilespmem:s30+$0xFFFFFC80];
	v32 =	vmul.f32 v31, v32;
	v31 =	vsel vm0, $0x3F800000, v24;
	[tilespmem:s30+$0x390] =	vst v34  }
0x84: {  	[tilespmem:s28+$0xFFFFFC00] =	vst v30  }
0x85: {  	[tilespmem:s28+$0xFFFFFC20] =	vst v28  }
0x86: {  	v9 =	vmul.f32 v18, v25;
	[tilespmem:s28+$0xFFFFFD20] =	vst v32  }
0x87: {  	v18 =	vmul.f32 v22, v25;
	[tilespmem:s28+$0x380] =	vst v29  }
0x88: {  	v10 =	vmul.f32 v10, v20;
	[tilespmem:s28+$0xFFFFFD10] =	vst v9  }
0x89: {  	v9 =	vmul.f32 v15, v24;
	[tilespmem:s28+$0xFFFFFD00] =	vst v18  }
0x8a: {  	v20 =	vbroadcast v3, $0x5;
	v15 =	vmul.f32 v19, v23;
	[tilespmem:s28+$0x3A0] =	vst v10  }
0x8b: {  	v22 =	vbroadcast v3, $0xB;
	v19 =	vmul.f32 v26, v31;
	[tilespmem:s28+$0x200] =	vst v9  }
0x8c: {  	v12 =	vmul.f32 v12, v20;
	[tilespmem:s28+$0xFFFFFC10] =	vst v15  }
0x8d: {  	v23 =	vsel vm0, $0x3F800000, v22;
	v4 =	vmul.f32 v4, v22;
	[tilespmem:s28+$0x220] =	vst v19  }
0x8e: {  	v10 =	vbroadcast v3, $0x9;
	v11 =	vmul.f32 v11, v23;
	[tilespmem:s28+$0xFFFFFE80] =	vst v12  }
0x8f: {  	v15 =	vmul.f32 v27, v24;
	[tilespmem:s28+$0x180] =	vst v4  }
0x90: {  	v19 =	vld [tilespmem:s28+$0xFFFFFE20];
	v13 =	vmul.f32 v13, v10;
	[tilespmem:s28+$0x1A0] =	vst v11  }
0x91: {  	v9 =	vbroadcast v3, $0x4;
	v6 =	vmul.f32 v6, v10;
	v10 =	vsel vm0, $0x3F800000, v10;
	[tilespmem:s28+$0x210] =	vst v15  }
0x92: {  	v2 =	vmul.f32 v2, v10;
	v15 =	vld [tilespmem:s28+$0xFFFFFE90];
	[tilespmem:s28+$0x80] =	vst v13  }
0x93: {  	v24 =	vbroadcast v3, $0x1;
	v16 =	vmul.f32 v16, v9;
	[tilespmem:s28+$0x90] =	vst v6  }
0x94: {  	v4 =	vbroadcast v3, $0x7;
	v17 =	vmul.f32 v17, v9;
	v9 =	vsel vm0, $0x3F800000, v9;
	[tilespmem:s28+$0xA0] =	vst v2  }
0x95: {  	v25 =	vbroadcast v3, $0xA;
	v18 =	vld [tilespmem:s28+$0x120];
	[tilespmem:s28+$0xFFFFFE10] =	vst v16;
	v9 =	vmul.f32 v19, v9  }
0x96: {  	v1 =	vmul.f32 v1, v4;
	[tilespmem:s28+$0xFFFFFE00] =	vst v17;
	v17 =	vmul.f32 v21, v24  }
0x97: {  	v11 =	vld [tilespmem:s28+$0xFFFFFD80];
	v15 =	vmul.f32 v15, v20;
	[tilespmem:s28+$0xFFFFFE20] =	vst v9;
	v9 =	vsel vm0, $0x3F800000, v20;
	v20 =	vbroadcast v3, $0xE  }
0x98: {  	[tilespmem:s28+$0xFFFFFF80] =	vst v1;
	v9 =	vmul.f32 v14, v9  }
0x99: {  	v12 =	vld [tilespmem:s28+$0xFFFFFDA0];
	v19 =	vsel vm0, $0x3F800000, v25;
	[tilespmem:s28+$0xFFFFFC80] =	vst v17;
	v8 =	vmul.f32 v8, v20  }
0x9a: {  	v18 =	vmul.f32 v18, v19;
	[tilespmem:s28+$0xFFFFFEA0] =	vst v9;
	v9 =	vbroadcast v3, $0x3  }
0x9b: {  	v19 =	vld [tilespmem:s28+$0xFFFFFF90];
	[tilespmem:s28+$0x300] =	vst v8;
	v8 =	vbroadcast v3, $0x6  }
0x9c: {  	v27 =	vld [tilespmem:s28+$0xFFFFFF00];
	[tilespmem:s28+$0x120] =	vst v18;
	v6 =	vmul.f32 v11, v9  }
0x9d: {  	v10 =	vld [tilespmem:s28+$0xFFFFFFA0];
	[tilespmem:s28+$0xFFFFFE90] =	vst v15;
	v11 =	vbroadcast v3, $0x8;
	v1 =	vsel vm0, $0x3F800000, v9;
	v7 =	vmul.f32 v7, v8  }
0x9e: {  	v14 =	vld [tilespmem:s28+$0x320];
	v1 =	vmul.f32 v12, v1;
	[tilespmem:s28+$0xFFFFFD80] =	vst v6  }
0x9f: {  	v18 =	vld [tilespmem:s28+$0x10];
	v5 =	vmul.f32 v5, v11;
	[tilespmem:s28+$0xFFFFFF10] =	vst v7  }
0xa0: {  	v16 =	vld [tilespmem:s28+$0xFFFFFCA0];
	v7 =	vsel vm0, $0x3F800000, v4;
	v4 =	vmul.f32 v19, v4;
	[tilespmem:s28+$0xFFFFFDA0] =	vst v1  }
0xa1: {  	v6 =	vld [tilespmem:s28+$0x20];
	v1 =	vmul.f32 v27, v8;
	[tilespmem:s28+$0x0] =	vst v5  }
0xa2: {  	v17 =	vld [tilespmem:s28+$0x100];
	v5 =	vsel vm0, $0x3F800000, v20;
	v7 =	vmul.f32 v10, v7;
	[tilespmem:s28+$0xFFFFFF90] =	vst v4  }
0xa3: {  	v2 =	vld [tilespmem:s28+$0xFFFFFF20];
	v5 =	vmul.f32 v14, v5;
	[tilespmem:s28+$0xFFFFFF00] =	vst v1  }
0xa4: {  	v21 =	vld [tilespmem:s28+$0x190];
	v1 =	vsel vm0, $0x3F800000, v24;
	[tilespmem:s28+$0xFFFFFFA0] =	vst v7;
	v7 =	vmul.f32 v18, v11  }
0xa5: {  	v15 =	vld [tilespmem:s28+$0x310];
	v4 =	vsel vm0, $0x3F800000, v11;
	v1 =	vmul.f32 v16, v1;
	[tilespmem:s28+$0x320] =	vst v5  }
0xa6: {  	v23 =	vld [tilespmem:s28+$0xFFFFFC90];
	v4 =	vmul.f32 v6, v4;
	[tilespmem:s28+$0x10] =	vst v7  }
0xa7: {  	v26 =	vld [tilespmem:s28+$0xFFFFFD90];
	v5 =	vmul.f32 v17, v25;
	v6 =	vsel vm0, $0x3F800000, v8;
	[tilespmem:s28+$0xFFFFFCA0] =	vst v1  }
0xa8: {  	v13 =	vld [tilespmem:s28+$0x110];
	v2 =	vmul.f32 v2, v6;
	[tilespmem:s28+$0x20] =	vst v4  }
0xa9: {  	v4 =	vmul.f32 v21, v22;
	[tilespmem:s28+$0x100] =	vst v5;
	v5 =	vld [tilespmem:s28+$0x280]  }
0xaa: {  	v6 =	vmul.f32 v15, v20;
	[tilespmem:s28+$0xFFFFFF20] =	vst v2;
	v2 =	vld [tilespmem:s28+$0x290]  }
0xab: {  	v7 =	vmul.f32 v23, v24;
	[tilespmem:s28+$0x190] =	vst v4;
	v4 =	vld [tilespmem:s28+$0x2A0]  }
0xac: {  	v1 =	vbroadcast v3, $0xD;
	v3 =	vmul.f32 v26, v9;
	[tilespmem:s28+$0x310] =	vst v6  }
0xad: {  	v6 =	vmul.f32 v13, v25;
	[tilespmem:s28+$0xFFFFFC90] =	vst v7  }
0xae: {  	[tilespmem:s28+$0xFFFFFD90] =	vst v3;
	v5 =	vmul.f32 v5, v1  }
0xaf: {  	v3 =	vsel vm0, $0x3F800000, v1;
	[tilespmem:s28+$0x110] =	vst v6;
	v1 =	vmul.f32 v2, v1  }
0xb0: {  	v2 =	vmul.f32 v4, v3;
	[tilespmem:s28+$0x280] =	vst v5  }
0xb1: {  	s26 =	sshrl.u32 s26, $0x2;
	[tilespmem:s28+$0x290] =	vst v1  }
0xb2: {  	[tilespmem:s28+$0x2A0] =	vst v2;
	s28 =	sadd.s32 $0x1400, s26  }
0xb3: {  	[spmem:s2] =	stream.indirect.scatter.add.f32 [tilespmem:s16], [sflag:$0x3], $0x80, s28, s15, $0xb8;
	[tilespmem:$0x1FC00] =	vst v63  }
0xb4: {  	p0 =	seq.s32 s25, $0x13;
	_ =	swait.ge [sflag:s19], $0x4000  }
0xb5: {  	s29 =	simm.s32 @!p0 $0x80;
	[sflag:s19] =	ssyncset.done $0x0  }
0xb6: {  	s30 =	simm.s32 @!p0 $0x3C00;
	s28 =	sadd.s32 @!p0 $0x100, s26;
	[sflag:s19] =	ssyncadd.s32 $0xFFFFC000  }
0xb7: {  	[tilespmem:s30], [sflag:$0x1] =	stream.indirect.gather @!p0 [hbm4b:s4+s29], $0x80, s28, s29, $0xb8;
	[tilespmem:$0x1FC00] =	vst v63  }
0xb8: {  	_ =	swait.ge [sflag:s20], $0x4000  }
0xb9: {  	[sflag:s20] =	ssyncset.done $0x0  }
0xba: {  	s28 =	simm.s32 $0x8000;
	[sflag:s20] =	ssyncadd.s32 $0xFFFFC000  }
0xbb: {  	v10 =	vld [tilespmem:s28+$0x3A0]  }
0xbc: {  	v1 =	vld [tilespmem:s28+$0xFFFFFF80]  }
0xbd: {  	v2 =	vld [tilespmem:s28+$0xA0]  }
0xbe: {  	v4 =	vld [tilespmem:s28+$0x180]  }
0xbf: {  	v6 =	vld [tilespmem:s28+$0x90]  }
0xc0: {  	v8 =	vld [tilespmem:s28+$0x300]  }
0xc1: {  	v11 =	vld [tilespmem:s28+$0x1A0]  }
0xc2: {  	v15 =	vld [tilespmem:s28+$0x200]  }
0xc3: {  	v18 =	vld [tilespmem:s28+$0xFFFFFD10]  }
0xc4: {  	v29 =	vld [tilespmem:s28+$0xFFFFFD20]  }
0xc5: {  	v14 =	vld [tilespmem:s28+$0x390]  }
0xc6: {  	v9 =	vmov s24;
	v5 =	vld [tilespmem:s28+$0x0]  }
0xc7: {  	v7 =	vld [tilespmem:s28+$0xFFFFFF10]  }
0xc8: {  	v19 =	vld [tilespmem:s28+$0xFFFFFC10]  }
0xc9: {  	v12 =	vld [tilespmem:s28+$0xFFFFFE80]  }
0xca: {  	s29 =	simm.s32 $0x0;
	v16 =	vld [tilespmem:s28+$0xFFFFFE10]  }
0xcb: {  	v3 =	vld.idx.msk [tilespmem:v9+s29+$0x0 ss:$0x1], $0xffff  }
0xcc: {  	v33 =	vld [tilespmem:s28+$0x380]  }
0xcd: {  	v22 =	vld [tilespmem:s28+$0xFFFFFD00]  }
0xce: {  	v20 =	vld [tilespmem:s28+$0xFFFFFC20]  }
0xcf: {  	v28 =	vld [tilespmem:s28+$0xFFFFFC00]  }
0xd0: {  	v13 =	vld [tilespmem:s28+$0x80]  }
0xd1: {  	v26 =	vld [tilespmem:s28+$0x220];
	v23 =	vbroadcast v3, $0x0;
	v34 =	vbroadcast v3, $0xF  }
0xd2: {  	vm0 =	veq.s32 v0, $0x3;
	v17 =	vld [tilespmem:s28+$0xFFFFFE00];
	v25 =	vbroadcast v3, $0x2;
	v24 =	vbroadcast v3, $0xC  }
0xd3: {  	v27 =	vld [tilespmem:s28+$0x210];
	v31 =	vsel vm0, $0x3F800000, v23;
	v35 =	vmul.f32 v14, v34;
	v21 =	vsel vm0, $0x3F800000, v34  }
0xd4: {  	v30 =	vmul.f32 v23, v28;
	v14 =	vld [tilespmem:s28+$0xFFFFFEA0];
	v28 =	vmul.f32 v20, v31;
	v31 =	vsel vm0, $0x3F800000, v25  }
0xd5: {  	s30 =	simm.s32 $0x8000;
	s29 =	simm.s32 $0x40;
	v20 =	vld [tilespmem:s28+$0xFFFFFC80];
	v32 =	vmul.f32 v29, v31;
	v31 =	vsel vm0, $0x3F800000, v24;
	v29 =	vmul.f32 v33, v34;
	[tilespmem:s28+$0x390] =	vst v35  }
.LBB2_5:
0xd6: {  	p0 =	sne.s32 s29, $0x1C0  }
0xd7: {  	[tilespmem:s28+$0xFFFFFC00] =	vst v30;
	v30 =	vbroadcast v3, $0x4;
	v33 =	vld [tilespmem:s28+$0x120];
	v26 =	vmul.f32 v26, v31;
	s30 =	sadd.s32 $0x800, s30;
	s31 =	smov.u32 s29;
	s29 =	sadd.s32 $0x40, s29  }
0xd8: {  	v18 =	vmul.f32 v18, v25;
	[tilespmem:s28+$0xFFFFFD20] =	vst v32;
	v31 =	vld [tilespmem:s28+$0xFFFFFE20];
	v32 =	vbroadcast v3, $0xB  }
0xd9: {  	v22 =	vmul.f32 v22, v25;
	v25 =	vld [tilespmem:s28+$0xFFFFFD80];
	v27 =	vmul.f32 v27, v24;
	[tilespmem:s28+$0x380] =	vst v29  }
0xda: {  	v19 =	vmul.f32 v19, v23;
	v15 =	vmul.f32 v15, v24;
	[tilespmem:s28+$0xFFFFFD10] =	vst v18;
	v18 =	vld [tilespmem:s28+$0xFFFFFE90];
	v23 =	vsel vm0, $0x3F800000, v32  }
0xdb: {  	v24 =	vbroadcast v3, $0x1;
	[tilespmem:s28+$0xFFFFFC20] =	vst v28;
	v28 =	vbroadcast v3, $0x9;
	v29 =	vld [tilespmem:s28+$0x100]  }
0xdc: {  	v35 =	vbroadcast v3, $0x7;
	v10 =	vmul.f32 v10, v21;
	v34 =	vld [tilespmem:s28+$0xFFFFFCA0];
	[tilespmem:s28+$0x200] =	vst v15  }
0xdd: {  	v21 =	vbroadcast v3, $0x5;
	v16 =	vmul.f32 v16, v30;
	[tilespmem:s28+$0xFFFFFC10] =	vst v19;
	v15 =	vld [tilespmem:s28+$0xFFFFFDA0];
	v19 =	vsel vm0, $0x3F800000, v30  }
0xde: {  	v20 =	vmul.f32 v20, v24;
	v36 =	vsel vm0, $0x3F800000, v24;
	[tilespmem:s28+$0xFFFFFD00] =	vst v22;
	v22 =	vbroadcast v3, $0xA;
	v37 =	vld [tilespmem:s28+$0x190]  }
0xdf: {  	v19 =	vmul.f32 v31, v19;
	v31 =	vsel vm0, $0x3F800000, v21;
	v38 =	vld [tilespmem:s28+$0xFFFFFC90];
	[tilespmem:s28+$0x220] =	vst v26;
	v26 =	vbroadcast v3, $0xE  }
0xe0: {  	v39 =	vbroadcast v3, $0x3;
	v17 =	vmul.f32 v17, v30;
	v30 =	vsel vm0, $0x3F800000, v35;
	v40 =	vld [tilespmem:s28+$0xFFFFFD90];
	[tilespmem:s28+$0x210] =	vst v27  }
0xe1: {  	v27 =	vmul.f32 v34, v36;
	[tilespmem:s28+$0xFFFFFE10] =	vst v16;
	v16 =	vbroadcast v3, $0xD;
	v34 =	vld [tilespmem:s28+$0x2A0];
	v36 =	vsel vm0, $0x3F800000, v26  }
0xe2: {  	v41 =	vsel vm0, $0x3F800000, v39;
	v12 =	vmul.f32 v12, v21;
	v11 =	vmul.f32 v11, v23;
	[tilespmem:s28+$0xFFFFFE00] =	vst v17;
	v17 =	vld [tilespmem:s28+$0x280]  }
0xe3: {  	v15 =	vmul.f32 v15, v41;
	v23 =	vld [tilespmem:s28+$0x110];
	v37 =	vmul.f32 v37, v32;
	v41 =	vsel vm0, $0x3F800000, v16;
	[tilespmem:s28+$0x3A0] =	vst v10  }
0xe4: {  	v18 =	vmul.f32 v18, v21;
	v14 =	vmul.f32 v14, v31;
	[tilespmem:s28+$0x1A0] =	vst v11;
	v11 =	vld [tilespmem:s28+$0x290]  }
0xe5: {  	v13 =	vmul.f32 v13, v28;
	v10 =	vsel vm0, $0x3F800000, v22;
	[tilespmem:s28+$0xFFFFFC80] =	vst v20;
	v20 =	vmul.f32 v25, v39;
	v21 =	vld [tilespmem:s28+$0x320]  }
0xe6: {  	[tilespmem:s28+$0xFFFFFE80] =	vst v12;
	v12 =	vmul.f32 v33, v10;
	v25 =	vmul.f32 v34, v41;
	v31 =	vld [tilespmem:s28+$0x310]  }
0xe7: {  	v10 =	vld [tilespmem:s30+$0x3A0];
	[tilespmem:s28+$0xFFFFFE20] =	vst v19;
	v19 =	vmul.f32 v29, v22;
	v17 =	vmul.f32 v17, v16  }
0xe8: {  	v29 =	vmul.f32 v40, v39;
	v33 =	vld [tilespmem:s28+$0x10];
	[tilespmem:s28+$0x80] =	vst v13;
	v13 =	vmul.f32 v23, v22  }
0xe9: {  	v22 =	vmul.f32 v38, v24;
	[tilespmem:s28+$0xFFFFFE90] =	vst v18;
	v18 =	vld [tilespmem:s28+$0xFFFFFF00];
	v16 =	vmul.f32 v11, v16  }
0xea: {  	v8 =	vmul.f32 v8, v26;
	v11 =	vld [tilespmem:s28+$0xFFFFFF20];
	[tilespmem:s28+$0x120] =	vst v12;
	v12 =	vmul.f32 v21, v36  }
0xeb: {  	v6 =	vmul.f32 v6, v28;
	[tilespmem:s28+$0xFFFFFEA0] =	vst v14;
	v14 =	vld [tilespmem:s28+$0x20];
	v21 =	vmul.f32 v31, v26  }
0xec: {  	v4 =	vmul.f32 v4, v32;
	v23 =	vbroadcast v3, $0x6;
	v26 =	vsel vm0, $0x3F800000, v28;
	v24 =	vld [tilespmem:s28+$0xFFFFFFA0];
	[tilespmem:s28+$0x300] =	vst v8  }
0xed: {  	v3 =	vbroadcast v3, $0x8;
	v2 =	vmul.f32 v2, v26;
	v8 =	vld [tilespmem:s28+$0xFFFFFF90];
	[tilespmem:s28+$0x90] =	vst v6  }
0xee: {  	v6 =	vmul.f32 v7, v23;
	v7 =	vsel vm0, $0x3F800000, v23;
	v18 =	vmul.f32 v18, v23;
	[tilespmem:s28+$0x180] =	vst v4  }
0xef: {  	v4 =	vmul.f32 v5, v3;
	v5 =	vsel vm0, $0x3F800000, v3;
	v7 =	vmul.f32 v11, v7;
	[tilespmem:s28+$0xA0] =	vst v2  }
0xf0: {  	v3 =	vmul.f32 v33, v3;
	[tilespmem:s28+$0xFFFFFD80] =	vst v20;
	v5 =	vmul.f32 v14, v5  }
0xf1: {  	v1 =	vmul.f32 v1, v35;
	[tilespmem:s28+$0xFFFFFF10] =	vst v6;
	v2 =	vmul.f32 v24, v30  }
0xf2: {  	v6 =	vmul.f32 v8, v35;
	[tilespmem:s28+$0x0] =	vst v4  }
0xf3: {  	[tilespmem:s28+$0xFFFFFF80] =	vst v1  }
0xf4: {  	[tilespmem:s28+$0xFFFFFF90] =	vst v6  }
0xf5: {  	[tilespmem:s28+$0xFFFFFFA0] =	vst v2  }
0xf6: {  	[tilespmem:s28+$0x320] =	vst v12  }
0xf7: {  	v1 =	vld [tilespmem:s30+$0xFFFFFF80];
	[tilespmem:s28+$0xFFFFFDA0] =	vst v15  }
0xf8: {  	v2 =	vld [tilespmem:s30+$0xA0];
	[tilespmem:s28+$0x10] =	vst v3  }
0xf9: {  	v4 =	vld [tilespmem:s30+$0x180];
	[tilespmem:s28+$0x20] =	vst v5  }
0xfa: {  	v6 =	vld [tilespmem:s30+$0x90];
	[tilespmem:s28+$0xFFFFFF00] =	vst v18  }
0xfb: {  	v8 =	vld [tilespmem:s30+$0x300];
	[tilespmem:s28+$0x100] =	vst v19  }
0xfc: {  	v11 =	vld [tilespmem:s30+$0x1A0];
	[tilespmem:s28+$0xFFFFFF20] =	vst v7  }
0xfd: {  	v15 =	vld [tilespmem:s30+$0x200];
	[tilespmem:s28+$0x190] =	vst v37  }
0xfe: {  	v18 =	vld [tilespmem:s30+$0xFFFFFD10];
	[tilespmem:s28+$0xFFFFFCA0] =	vst v27  }
0xff: {  	v31 =	vld [tilespmem:s30+$0xFFFFFD20];
	[tilespmem:s28+$0x310] =	vst v21  }
0x100: {  	v14 =	vld [tilespmem:s30+$0x390];
	[tilespmem:s28+$0xFFFFFC90] =	vst v22  }
0x101: {  	v5 =	vld [tilespmem:s30+$0x0];
	[tilespmem:s28+$0xFFFFFD90] =	vst v29  }
0x102: {  	v7 =	vld [tilespmem:s30+$0xFFFFFF10];
	[tilespmem:s28+$0x110] =	vst v13  }
0x103: {  	v19 =	vld [tilespmem:s30+$0xFFFFFC10];
	[tilespmem:s28+$0x280] =	vst v17  }
0x104: {  	v12 =	vld [tilespmem:s30+$0xFFFFFE80];
	[tilespmem:s28+$0x290] =	vst v16  }
0x105: {  	s31 =	sshra.s32 s31, $0x2;
	v16 =	vld [tilespmem:s30+$0xFFFFFE10];
	[tilespmem:s28+$0x2A0] =	vst v25;
	s28 =	smov.u32 s30  }
0x106: {  	v3 =	vld.idx.msk [tilespmem:v9+s31+$0x0 ss:$0x1], $0xffff  }
0x107: {  	v29 =	vld [tilespmem:s30+$0x380]  }
0x108: {  	v22 =	vld [tilespmem:s30+$0xFFFFFD00]  }
0x109: {  	v20 =	vld [tilespmem:s30+$0xFFFFFC20]  }
0x10a: {  	v28 =	vld [tilespmem:s30+$0xFFFFFC00]  }
0x10b: {  	v13 =	vld [tilespmem:s30+$0x80]  }
.Ltmp1:
0x10c: {  	v23 =	vbroadcast v3, $0x0;
	v33 =	vbroadcast v3, $0xF;
	v26 =	vld [tilespmem:s30+$0x220];
	(pc) =	sbr.rel @p0 .LBB2_5-.Ltmp1, $4  }
0x10d: {  	v25 =	vbroadcast v3, $0x2;
	v24 =	vbroadcast v3, $0xC;
	v17 =	vld [tilespmem:s30+$0xFFFFFE00]  }
0x10e: {  	v32 =	vsel vm0, $0x3F800000, v23;
	v34 =	vmul.f32 v14, v33;
	v21 =	vsel vm0, $0x3F800000, v33;
	v27 =	vld [tilespmem:s30+$0x210]  }
0x10f: {  	v30 =	vmul.f32 v23, v28;
	v28 =	vmul.f32 v20, v32;
	v32 =	vsel vm0, $0x3F800000, v25;
	v14 =	vld [tilespmem:s30+$0xFFFFFEA0]  }
0x110: {  	v29 =	vmul.f32 v29, v33;
	v20 =	vld [tilespmem:s30+$0xFFFFFC80];
	v32 =	vmul.f32 v31, v32;
	v31 =	vsel vm0, $0x3F800000, v24;
	[tilespmem:s30+$0x390] =	vst v34  }
0x111: {  	[tilespmem:s28+$0xFFFFFC00] =	vst v30  }
0x112: {  	[tilespmem:s28+$0xFFFFFC20] =	vst v28  }
0x113: {  	v9 =	vmul.f32 v18, v25;
	[tilespmem:s28+$0xFFFFFD20] =	vst v32  }
0x114: {  	v50 =	vmul.f32 v15, v24;
	[tilespmem:s28+$0x380] =	vst v29  }
0x115: {  	v51 =	vmul.f32 v19, v23;
	[tilespmem:s28+$0xFFFFFD10] =	vst v9  }
0x116: {  	v52 =	vmul.f32 v22, v25;
	[tilespmem:s28+$0x200] =	vst v50  }
0x117: {  	v54 =	vmul.f32 v26, v31;
	[tilespmem:s28+$0xFFFFFC10] =	vst v51  }
0x118: {  	v53 =	vbroadcast v3, $0x4;
	v10 =	vmul.f32 v10, v21;
	[tilespmem:s28+$0xFFFFFD00] =	vst v52  }
0x119: {  	v55 =	vmul.f32 v27, v24;
	[tilespmem:s28+$0x220] =	vst v54  }
0x11a: {  	v61 =	vbroadcast v3, $0x5;
	v16 =	vmul.f32 v16, v53;
	[tilespmem:s28+$0x3A0] =	vst v10  }
0x11b: {  	v37 =	vbroadcast v3, $0xE;
	v17 =	vmul.f32 v17, v53;
	[tilespmem:s28+$0x210] =	vst v55  }
0x11c: {  	v22 =	vbroadcast v3, $0xB;
	v12 =	vmul.f32 v12, v61;
	[tilespmem:s28+$0xFFFFFE10] =	vst v16  }
0x11d: {  	v44 =	vbroadcast v3, $0x6;
	v8 =	vmul.f32 v8, v37;
	[tilespmem:s28+$0xFFFFFE00] =	vst v17  }
0x11e: {  	v48 =	vbroadcast v3, $0x8;
	v4 =	vmul.f32 v4, v22;
	[tilespmem:s28+$0xFFFFFE80] =	vst v12  }
0x11f: {  	v49 =	vbroadcast v3, $0x7;
	v7 =	vmul.f32 v7, v44;
	[tilespmem:s28+$0x300] =	vst v8  }
0x120: {  	v5 =	vmul.f32 v5, v48;
	[tilespmem:s28+$0x180] =	vst v4  }
0x121: {  	v29 =	vbroadcast v3, $0x9;
	v59 =	vsel vm0, $0x3F800000, v22;
	v1 =	vmul.f32 v1, v49;
	[tilespmem:s28+$0xFFFFFF10] =	vst v7  }
0x122: {  	v57 =	vld [tilespmem:s28+$0xFFFFFE20];
	v11 =	vmul.f32 v11, v59;
	[tilespmem:s28+$0x0] =	vst v5  }
0x123: {  	v58 =	vld [tilespmem:s28+$0xFFFFFE90];
	v24 =	vbroadcast v3, $0x1;
	v13 =	vmul.f32 v13, v29;
	[tilespmem:s28+$0xFFFFFF80] =	vst v1  }
0x124: {  	v56 =	vld [tilespmem:s28+$0x120];
	v6 =	vmul.f32 v6, v29;
	[tilespmem:s28+$0x1A0] =	vst v11  }
0x125: {  	v31 =	vld [tilespmem:s28+$0xFFFFFD80];
	v10 =	vsel vm0, $0x3F800000, v29;
	v62 =	vmul.f32 v20, v24;
	[tilespmem:s28+$0x80] =	vst v13  }
0x126: {  	v45 =	vld [tilespmem:s28+$0xFFFFFF90];
	v32 =	vbroadcast v3, $0xA;
	v9 =	vsel vm0, $0x3F800000, v53;
	v2 =	vmul.f32 v2, v10;
	[tilespmem:s28+$0x90] =	vst v6  }
0x127: {  	v47 =	vld [tilespmem:s28+$0xFFFFFFA0];
	v9 =	vmul.f32 v57, v9;
	[tilespmem:s28+$0xFFFFFC80] =	vst v62  }
0x128: {  	v40 =	vld [tilespmem:s28+$0x320];
	v42 =	vbroadcast v3, $0x3;
	v35 =	vsel vm0, $0x3F800000, v32;
	v15 =	vmul.f32 v58, v61;
	[tilespmem:s28+$0xA0] =	vst v2  }
0x129: {  	v34 =	vld [tilespmem:s28+$0xFFFFFDA0];
	v18 =	vmul.f32 v56, v35;
	[tilespmem:s28+$0xFFFFFE20] =	vst v9  }
0x12a: {  	v43 =	vld [tilespmem:s28+$0x10];
	v46 =	vmul.f32 v31, v42;
	[tilespmem:s28+$0xFFFFFE90] =	vst v15  }
0x12b: {  	v33 =	vld [tilespmem:s28+$0x100];
	v52 =	vsel vm0, $0x3F800000, v49;
	v4 =	vmul.f32 v45, v49;
	[tilespmem:s28+$0x120] =	vst v18  }
0x12c: {  	v63 =	vld [tilespmem:s28+$0x190];
	v53 =	vsel vm0, $0x3F800000, v37;
	v7 =	vmul.f32 v47, v52;
	[tilespmem:s28+$0xFFFFFD80] =	vst v46  }
0x12d: {  	v39 =	vld [tilespmem:s28+$0x110];
	v1 =	vsel vm0, $0x3F800000, v42;
	v5 =	vmul.f32 v40, v53;
	[tilespmem:s28+$0xFFFFFF90] =	vst v4  }
0x12e: {  	v30 =	vld [tilespmem:s28+$0xFFFFFC90];
	v1 =	vmul.f32 v34, v1;
	[tilespmem:s28+$0xFFFFFFA0] =	vst v7  }
0x12f: {  	v50 =	vld [tilespmem:s28+$0xFFFFFF00];
	v55 =	vmul.f32 v43, v48;
	[tilespmem:s28+$0x320] =	vst v5  }
0x130: {  	v56 =	vmul.f32 v33, v32;
	v2 =	vld [tilespmem:s28+$0xFFFFFF20];
	[tilespmem:s28+$0xFFFFFDA0] =	vst v1  }
0x131: {  	v58 =	vmul.f32 v63, v22;
	[tilespmem:s28+$0x10] =	vst v55  }
0x132: {  	v60 =	vld [tilespmem:s28+$0xFFFFFCA0];
	v63 =	vmul.f32 v39, v32;
	[tilespmem:s28+$0x100] =	vst v56  }
0x133: {  	v51 =	vld [tilespmem:s28+$0x20];
	v62 =	vmul.f32 v30, v24;
	[tilespmem:s28+$0x190] =	vst v58  }
0x134: {  	v41 =	vld [tilespmem:s28+$0x310];
	v57 =	vsel vm0, $0x3F800000, v44;
	v1 =	vmul.f32 v50, v44;
	[tilespmem:s28+$0x110] =	vst v63  }
0x135: {  	v38 =	vld [tilespmem:s28+$0xFFFFFD90];
	v36 =	vsel vm0, $0x3F800000, v61;
	[tilespmem:s28+$0xFFFFFC90] =	vst v62;
	v2 =	vmul.f32 v2, v57  }
0x136: {  	v59 =	vld [tilespmem:s28+$0x280];
	v9 =	vmul.f32 v14, v36;
	[tilespmem:s28+$0xFFFFFF00] =	vst v1;
	v1 =	vsel vm0, $0x3F800000, v24  }
0x137: {  	v54 =	vsel vm0, $0x3F800000, v48;
	v1 =	vmul.f32 v60, v1;
	[tilespmem:s28+$0xFFFFFF20] =	vst v2;
	v2 =	vld [tilespmem:s28+$0x290]  }
0x138: {  	v61 =	vld [tilespmem:s28+$0x2A0];
	v4 =	vmul.f32 v51, v54;
	[tilespmem:s28+$0xFFFFFEA0] =	vst v9  }
0x139: {  	v60 =	vmul.f32 v41, v37;
	[tilespmem:s28+$0xFFFFFCA0] =	vst v1;
	v1 =	vbroadcast v3, $0xD  }
0x13a: {  	s25 =	sadd.s32 $0x1, s25;
	[tilespmem:s28+$0x20] =	vst v4;
	v3 =	vmul.f32 v38, v42  }
0x13b: {  	p0 =	sne.s32 s25, $0x14;
	[tilespmem:s28+$0x310] =	vst v60;
	v5 =	vmul.f32 v59, v1  }
.Ltmp2:
0x13c: {  	[tilespmem:s28+$0xFFFFFD90] =	vst v3;
	v3 =	vsel vm0, $0x3F800000, v1;
	v1 =	vmul.f32 v2, v1;
	(pc) =	sbr.rel @p0 .LBB2_2-.Ltmp2, $4  }
0x13d: {  	[tilespmem:s28+$0x280] =	vst v5;
	v2 =	vmul.f32 v61, v3  }
0x13e: {  	[tilespmem:s28+$0x290] =	vst v1  }
0x13f: {  	s26 =	sadd.s32 $0x1480, s26;
	s23 =	sadd.s32 $0x100, s23;
	s24 =	sadd.s32 $0x100, s24;
	[tilespmem:s28+$0x2A0] =	vst v2  }
0x140: {  	[spmem:s2] =	stream.indirect.scatter.add.f32 [tilespmem:s17], [sflag:$0x4], $0x80, s26, s15, $0xb8;
	[tilespmem:$0x1FC00] =	vst v63  }
0x141: {  	_ =	swait.ge [sflag:s21], $0x4000  }
0x142: {  	s22 =	sadd.s32 $0x1, s22;
	[sflag:s21] =	ssyncset.done $0x0  }
0x143: {  	p0 =	sne.s32 s22, s11;
	[sflag:s21] =	ssyncadd.s32 $0xFFFFC000  }
.Ltmp3:
0x144: {  	[bflag:$0x0] =	sbarrier.arrive $0xFFFF;
	(pc) =	sbr.rel @p0 .LBB2_1-.Ltmp3, $4  }
0x145: {  	[hbm:s10], [sflag:s6] =	dma.local [spmem:s12], $0x2800  }
0x146: {  	_ =	swait.ge [sflag:s13], $0x2800  }
0x147: {  	[sflag:s13] =	ssyncset.done $0x0  }
0x148: {  	[sflag:s13] =	ssyncadd.s32 $0xFFFFD800  }
0x149: {  	_ =	sfence.sel $0x180000  }
0x14a: {  	[bflag:$0x0] =	sbarrier.arrive $0xFFFF  }
0x14b: {  	p0 =	sne.s32 s0, $0x0;
	_ =	strace $0x9000004A  }
0x14c: {  	s0 =	sadd.s32 @!p0 $0x100000, s1;
	[bflag:$0x2] =	sbarrier.arrive $0xFFFF  }
0x14d: {  	[sflag:s0] =	ssyncadd.tile.s32 @!p0 $0x1;
	_ =	shalt  }
.Lfunc_end2:
_tile_overlayer_lowered:
.L_overlay_start_2:
0x14e: {  	(tag) =	ssettag $0x2  }
0x14f: {  	s0 =	rddreg [dreg:$0x0];
	s2 =	stileid.u32  }
0x150: {  	s1 =	rddreg [dreg:$0x1];
	p0 =	sne.s32 s2, $0x0  }
0x151: {  	s3 =	rddreg [dreg:$0x2];
	[bflag:$0x3] =	sbarrier.arrive $0xFFFF;
	s2 =	simm.s32 @!p0 $0x1C05  }
0x152: {  	[timem:s3], [sflag:s2] =	dma.local @!p0 [hbm:s0], s1  }
0x153: {  	s0 =	simm.s32 @!p0 $0x5  }
0x154: {  	_ =	swait.ge @!p0 [sflag:s0], s1  }
0x155: {  	s1 =	ssub.s32 @!p0 $0x0, s1;
	[sflag:s0] =	ssyncset.done @!p0 $0x0  }
0x156: {  	[sflag:s0] =	ssyncadd.s32 @!p0 s1  }
0x157: {  	[bflag:$0x3] =	sbarrier.arrive $0xFFFF  }
0x158: {  	_ =	shalt  }

// kernel: kernel.14.cloned.1.call-start
scs
__scs_entry_jumppad:
0x0: {  	(pc) =	sbr.rel $0x88, $3  }
0x1: {  	(tag) =	ssettag $0x0;
	lr =	simm.s32 $0x1  }
0x2: {  	[smem:$0x3F89] =	sst lr;
	_ =	strace $0xD0000000  }
0x3: {  	_ = 	snop  }
0x4: {  	_ = 	snop  }
0x5: {  	_ = 	snop  }
0x6: {  	_ = 	snop  }
0x7: {  	_ = 	snop  }
__scs_overlays_trampoline_lowered:
0x8: {  	[smem:$0x3F98] =	sst s0  }
0x9: {  	[smem:$0x3F99] =	sst s1  }
0xa: {  	[smem:$0x3F9A] =	sst s2  }
0xb: {  	[smem:$0x3F9B] =	sst s3  }
0xc: {  	[smem:$0x3F9C] =	sst s4  }
0xd: {  	[smem:$0x3F9D] =	sst s5  }
0xe: {  	[smem:$0x3F9E] =	sst s6  }
0xf: {  	[smem:$0x3F9F] =	sst s7  }
0x10: {  	[smem:$0x3FA0] =	sst s8  }
0x11: {  	[smem:$0x3FA1] =	sst s9;
	s0 =	simm.s32 @!p0 $0x0  }
0x12: {  	s1 =	sld [smem:$0x3F87];
	s0 =	simm.s32 @p0 $0x1  }
0x13: {  	[smem:$0x3FA2] =	sst s0;
	s0 =	simm.s32 @!p1 $0x0  }
0x14: {  	s2 =	sld [smem:$0x3F86];
	s0 =	simm.s32 @p1 $0x1  }
0x15: {  	[smem:$0x3FA3] =	sst s0;
	s0 =	simm.s32 @!p2 $0x0  }
0x16: {  	s3 =	sld [smem:$0x3FDB];
	s0 =	simm.s32 @p2 $0x1  }
0x17: {  	s4 =	simm.s32 $0x1BF5;
	[smem:$0x3FA5] =	sst s0  }
0x18: {  	s0 =	sld [smem:$0x3F88];
	_ =	swait.ge [sflag:s4], $0x0  }
0x19: {  	s7 =	sld [smem:$0x3F89]  }
0x1a: {  	s8 =	sadd.s32 $0xFFFFE003, lr  }
0x1b: {  	s9 =	sadd.s32 $0xFFFFFEF7, lr;
	s5 =	simm.s32 $0xFFFFFFFF;
	p2 =	slt.u32 s8, $0xFFFFF086  }
0x1c: {  	p1 =	slt.u32 s9, $0xF7A;
	s5 =	simm.s32 @!p2 $0x0  }
0x1d: {  	s5 =	simm.s32 @p1 $0x1;
	p0 =	seq.s32 s7, s2  }
0x1e: {  	s7 =	smul.u32 @!p0 $0xF7A, s2;
	p2 =	seq.s32 @!p0 s5, $0x0  }
0x1f: {  	s9 =	smul.u32 $0xF7A, s1;
	s8 =	simm.s32 @!p0 $0x1BF5;
	p2 =	por !p2, p0  }
0x20: {  	[sflag:s8] =	ssyncset.s32 @!p0 $0xFFFFF086;
	s6 =	sadd.s32 @!p0 s3, s7;
	s7 =	simm.s32 @!p0 $0x108  }
0x21: {  	s3 =	sadd.s32 s3, s9;
	s6 =	sadd.s32 @!p0 $0x88, s6;
	s7 =	simm.s32 @p2 $0x1082  }
0x22: {  	[simem:s7], [sflag:s8] =	dma.local @!p0 [hbm:s6], $0xF7A  }
0x23: {  	s9 =	sor.u32 $0xD0000000, s2;
	s6 =	simm.s32 $0x108;
	_ =	swait.ge @!p0 [sflag:s8], $0x0  }
0x24: {  	s3 =	sadd.s32 $0x88, s3;
	s6 =	simm.s32 @!p1 $0x1082;
	[sflag:s4] =	ssyncset.s32 $0xFFFFF086  }
0x25: {  	[simem:s6], [sflag:s4] =	dma.local [hbm:s3], $0xF7A  }
0x26: {  	[smem:$0x3F89] =	sst s1;
	(tag) =	ssettag s2;
	_ =	strace s9  }
0x27: {  	s1 =	sld [smem:$0x3F99]  }
0x28: {  	s2 =	sld [smem:$0x3F9A]  }
0x29: {  	s4 =	sld [smem:$0x3F9C]  }
0x2a: {  	p0 =	seq.s32 s5, $0x0;
	s5 =	sld [smem:$0x3F9D]  }
0x2b: {  	s6 =	sld [smem:$0x3F9E]  }
0x2c: {  	s7 =	sld [smem:$0x3F9F]  }
0x2d: {  	s3 =	simm.s32 $0x108;
	s8 =	sld [smem:$0x3FA0]  }
0x2e: {  	s3 =	simm.s32 @!p0 $0x1082;
	s9 =	sld [smem:$0x3FA1]  }
0x2f: {  	lr =	sadd.s32 s0, s3;
	s0 =	sld [smem:$0x3F98]  }
0x30: {  	s3 =	sld [smem:$0x3F9B]  }
0x31: {  	[smem:$0x3FA4] =	sst s10  }
0x32: {  	s10 =	sld [smem:$0x3FA2];
	_ =	sdelay $0x3  }
0x33: {  	p0 =	seq.s32 s10, $0x1;
	s10 =	sld [smem:$0x3FA4];
	_ =	sdelay $0x3  }
0x34: {  	[smem:$0x3FA4] =	sst s10  }
0x35: {  	s10 =	sld [smem:$0x3FA3];
	_ =	sdelay $0x3  }
0x36: {  	p1 =	seq.s32 s10, $0x1;
	s10 =	sld [smem:$0x3FA4];
	_ =	sdelay $0x3  }
0x37: {  	[smem:$0x3FA4] =	sst s10  }
0x38: {  	s10 =	sld [smem:$0x3FA5]  }
0x39: {  	_ = 	snop;
	(pc) =	sbr.ind lr, $3  }
0x3a: {  	_ = 	snop  }
0x3b: {  	_ = 	snop  }
0x3c: {  	p2 =	seq.s32 s10, $0x1;
	s10 =	sld [smem:$0x3FA4]  }
0x3d: {  	_ =	shalt  }
0x3e: {  	_ =	shalt  }
0x3f: {  	_ =	shalt  }
0x40: {  	_ =	shalt  }
0x41: {  	_ =	shalt  }
0x42: {  	_ =	shalt  }
0x43: {  	_ =	shalt  }
0x44: {  	_ =	shalt  }
0x45: {  	_ =	shalt  }
0x46: {  	_ =	shalt  }
0x47: {  	_ =	shalt  }
0x48: {  	_ =	shalt  }
0x49: {  	_ =	shalt  }
0x4a: {  	_ =	shalt  }
0x4b: {  	_ =	shalt  }
0x4c: {  	_ =	shalt  }
0x4d: {  	_ =	shalt  }
0x4e: {  	_ =	shalt  }
0x4f: {  	_ =	shalt  }
0x50: {  	_ =	shalt  }
0x51: {  	_ =	shalt  }
0x52: {  	_ =	shalt  }
0x53: {  	_ =	shalt  }
0x54: {  	_ =	shalt  }
0x55: {  	_ =	shalt  }
0x56: {  	_ =	shalt  }
0x57: {  	_ =	shalt  }
0x58: {  	_ =	shalt  }
0x59: {  	_ =	shalt  }
0x5a: {  	_ =	shalt  }
0x5b: {  	_ =	shalt  }
0x5c: {  	_ =	shalt  }
0x5d: {  	_ =	shalt  }
0x5e: {  	_ =	shalt  }
0x5f: {  	_ =	shalt  }
0x60: {  	_ =	shalt  }
0x61: {  	_ =	shalt  }
0x62: {  	_ =	shalt  }
0x63: {  	_ =	shalt  }
0x64: {  	_ =	shalt  }
0x65: {  	_ =	shalt  }
0x66: {  	_ =	shalt  }
0x67: {  	_ =	shalt  }
0x68: {  	_ =	shalt  }
0x69: {  	_ =	shalt  }
0x6a: {  	_ =	shalt  }
0x6b: {  	_ =	shalt  }
0x6c: {  	_ =	shalt  }
0x6d: {  	_ =	shalt  }
0x6e: {  	_ =	shalt  }
0x6f: {  	_ =	shalt  }
0x70: {  	_ =	shalt  }
0x71: {  	_ =	shalt  }
0x72: {  	_ =	shalt  }
0x73: {  	_ =	shalt  }
0x74: {  	_ =	shalt  }
0x75: {  	_ =	shalt  }
0x76: {  	_ =	shalt  }
0x77: {  	_ =	shalt  }
0x78: {  	_ =	shalt  }
0x79: {  	_ =	shalt  }
0x7a: {  	_ =	shalt  }
0x7b: {  	_ =	shalt  }
0x7c: {  	_ =	shalt  }
0x7d: {  	_ =	shalt  }
0x7e: {  	_ =	shalt  }
0x7f: {  	_ =	shalt  }
0x80: {  	_ =	shalt  }
0x81: {  	_ =	shalt  }
0x82: {  	_ =	shalt  }
0x83: {  	_ =	shalt  }
0x84: {  	_ =	shalt  }
0x85: {  	_ =	shalt  }
0x86: {  	_ =	shalt  }
0x87: {  	_ =	shalt  }
.Lfunc_end0:
.L_simem_size_0:
called_computation.2_lowered:
.L_overlay_start_0:
0x88: {  	s2 =	sld [smem:$0x3FD9]  }
0x89: {  	s3 =	sld [smem:$0x3FFE];
	_ =	sdelay $0x1  }
0x8a: {  	s1 =	srdreg.scid  }
0x8b: {  	s0 =	sand.u32 $0x1, s1  }
0x8c: {  	s17 =	sshll.u32 s0, $0xA;
	s2 =	sadd.s32 s3, s2  }
0x8d: {  	s2 =	sadd.s32 s2, s17  }
0x8e: {  	[smem:$0x3FB0] =	sst s2  }
0x8f: {  	_ = 	snop  }
0x90: {  	s2 =	sld [smem:$0x3FD0];
	(tm) =	ssettm $0x1  }
0x91: {  	s18 =	sld [smem:$0x3FFB];
	_ =	sdelay $0x3  }
0x92: {  	_ =	strace s18  }
0x93: {  	s3 =	sld [smem:$0x3FFC];
	_ =	sdelay $0x3  }
0x94: {  	_ =	strace s3  }
0x95: {  	s3 =	sld [smem:$0x3FFD];
	_ =	sdelay $0x3  }
0x96: {  	_ =	strace s3  }
0x97: {  	_ =	strace $0x8FFFFFFF  }
0x98: {  	s19 =	sld [smem:$0x3FDB];
	_ =	sdelay $0x1  }
0x99: {  	s4 =	simm.s32 $_scs_section_size  }
0x9a: {  	s5 =	simm.s32 $_size__tile_overlayer_lowered;
	s6 =	simm.s32 $_tile_overlayer_lowered  }
0x9b: {  	s22 =	simm.s32 $0x1BFF;
	s21 =	sshll.u32 s6, $0x1;
	s3 =	sadd.s32 s4, s19  }
0x9c: {  	s7 =	simm.s32 $0x0;
	s20 =	sshll.u32 s5, $0x1;
	s5 =	sadd.s32 s21, s3  }
0x9d: {  	[timem:s7], [sflag:s22] =	dma.local [hbm:s5], s20  }
0x9e: {  	_ =	swait.ge [sflag:s22], s20  }
0x9f: {  	s4 =	ssub.s32 $0x0, s20;
	[sflag:s22] =	ssyncset.done $0x0  }
0xa0: {  	[sflag:s22] =	ssyncadd.s32 s4;
	_ =	sdelay $0x1  }
0xa1: {  	s23 =	simm.s32 $0x1B8B  }
0xa2: {  	_ =	swait.ge [sflag:s23], $0x1  }
0xa3: {  	[sflag:s23] =	ssyncset.done $0x0  }
0xa4: {  	s25 =	simm.s32 $0x1B8E;
	s24 =	sld [smem:$0x3FFE];
	[sflag:s23] =	ssyncadd.s32 $0xFFFFFFFF  }
0xa5: {  	s26 =	simm.s32 $execute0_lowered;
	[smem:$0x3FD2] =	sst s25  }
0xa6: {  	s5 =	sshll.u32 s26, $0x1;
	_ =	strace $0x8000004C;
	[dreg:$0x1] =	wrdreg $0xFFFFFFFF  }
0xa7: {  	s28 =	simm.s32 $_size_execute0_lowered;
	s3 =	sadd.s32 s3, s5;
	[dreg:$0x0] =	wrdreg $0x0  }
0xa8: {  	s5 =	sshll.u32 s28, $0x1;
	[dreg:$0x2] =	wrdreg s3  }
0xa9: {  	[dreg:$0x3] =	wrdreg s5  }
0xaa: {  	[dreg:$0x4] =	wrdreg $0xC0  }
0xab: {  	_ =	task [dreg:s7], $0x5FFFF  }
0xac: {  	[dreg:$0x1] =	wrdreg $0xFFFFFFFF  }
0xad: {  	[dreg:$0x0] =	wrdreg $0x60  }
0xae: {  	[dreg:$0x2] =	wrdreg s24  }
0xaf: {  	[dreg:$0x3] =	wrdreg s2  }
0xb0: {  	[dreg:$0x4] =	wrdreg $0x3C800  }
0xb1: {  	[dreg:$0x5] =	wrdreg $0x9  }
0xb2: {  	_ =	task.clear_ibuf [dreg:s7], $0x6FFFF;
	_ =	strace $0x9000004C  }
0xb3: {  	s29 =	simm.s32 $0x9;
	_ =	strace $0x8000004E  }
0xb4: {  	_ =	swait.ge [sflag:s29], $0x1  }
0xb5: {  	[sflag:s29] =	ssyncadd.s32 $0xFFFFFFFF  }
0xb6: {  	_ =	strace $0x9000004E  }
0xb7: {  	_ =	sfence  }
0xb8: {  	s30 =	sld [smem:$0x0];
	_ =	sdelay $0x2  }
0xb9: {  	s31 =	sshll.u32 s1, $0xD;
	s1 =	sshrl.u32 s1, $0x2  }
0xba: {  	s3 =	sand.u32 $0x4000, s31;
	s1 =	sadd.s32 s1, s30  }
0xbb: {  	s0 =	sor.u32 s3, s0;
	s1 =	sshll.u32 s1, $0x11  }
0xbc: {  	s0 =	sor.u32 s1, s0  }
0xbd: {  	s0 =	sadd.s32 $0x8F2B, s0  }
0xbe: {  	[sflag:s0] =	ssyncadd.remote.s32 $0x1  }
0xbf: {  	_ =	sfence.sel $0xFFFF  }
0xc0: {  	[dreg:$0x0] =	wrdreg $0xFFFFFFFF;
	(pc) =	sbr.abs _section_cstart, $3  }
0xc1: {  	[dreg:$0x1] =	wrdreg $0xFFFFFFFF  }
0xc2: {  	_ =	task.clear_ibuf [dreg:s7], $0x2FFFF;
	_ =	strace $0x9FFFFFFF  }
0xc3: {  	(tm) =	ssettm $0x7FFFFFFF  }
tec
execute0_lowered:
.L_overlay_start_1:
0x0: {  	(tag) =	ssettag $0x1  }
0x1: {  	s5 =	rddreg [dreg:$0x0]  }
0x2: {  	s1 =	srdreg.scid;
	s6 =	rddreg [dreg:$0x1]  }
0x3: {  	s0 =	stileid.u32;
	s2 =	rddreg [dreg:$0x2];
	s3 =	simm.s32 $0x0  }
0x4: {  	s16 =	simm.s32 $0x80;
	s17 =	simm.s32 $0x3C00;
	s18 =	simm.s32 $0x1  }
0x5: {  	s19 =	simm.s32 $0x20;
	s20 =	simm.s32 $0x10;
	s21 =	simm.s32 $0x0  }
0x6: {  	s7 =	sand.u32 $0x1, s1;
	s1 =	rddreg [dreg:$0x3];
	s10 =	smul.u32 $0x280, s0  }
0x7: {  	s26 =	sshll.u32 s0, $0x1;
	[smem:$0x7FF] =	sst s3;
	s11 =	smul.u32 $0x500, s0  }
0x8: {  	s4 =	sadd.s32 $0x56E00, s5;
	s31 =	sshll.u32 s0, $0x6;
	s8 =	sor.u32 s7, s26  }
0x9: {  	_ =	strace $0x8000004D;
	s13 =	sshll.u32 s7, $0x7;
	s7 =	ssub.s32 $0x2, s7  }
0xa: {  	s9 =	smul.u32 $0x280, s8;
	s14 =	sshrl.u32 s10, $0x3;
	s11 =	sor.u32 s13, s11  }
0xb: {  	s8 =	smul.u32 $0x1400, s8;
	s29 =	sshrl.u32 s7, $0x1;
	s15 =	sadd.s32 s10, s2  }
0xc: {  	s13 =	simm.s32 $0x2800;
	s28 =	sadd.s32 s14, s5;
	s11 =	sshrl.u32 s11, $0x3  }
0xd: {  	s30 =	ssub.s32 s7, s29;
	s14 =	sor.u32 $0x1C02, s31;
	s15 =	sshrl.u32 s15, $0x3  }
0xe: {  	s12 =	sadd.s32 s9, s5;
	s11 =	sadd.s32 s11, s5;
	s8 =	sshrl.u32 s8, $0x3  }
0xf: {  	s5 =	sadd.s32 s6, s9;
	s10 =	smax.u32 s30, $0x1;
	s6 =	sadd.s32 s6, s8  }
0x10: {  	s7 =	sadd.s32 $0x3A00, s12;
	s8 =	sadd.s32 $0x57400, s28;
	s9 =	sadd.s32 $0x7EE00, s11  }
0x11: {  	s11 =	simm.s32 $0x2;
	s12 =	simm.s32 $0x1400;
	s6 =	sadd.s32 $0x5000, s6  }
.LBB2_1:
0x12: {  	[tilespmem:s3], [sflag:$0x2] =	stream.linear.gather [hbm4b:s5+s3], $0x1400, $0x38;
	[tilespmem:$0x3F00] =	vst v63  }
0x13: {  	_ =	swait.ge [sflag:s11], $0x1400  }
0x14: {  	[sflag:s11] =	ssyncset.done $0x0  }
0x15: {  	[sflag:s11] =	ssyncadd.s32 $0xFFFFEC00  }
0x16: {  	[tilespmem:s12], [sflag:$0x2] =	stream.linear.gather [hbm4b:s6+s3], $0x1400, $0x38;
	[tilespmem:$0x3F00] =	vst v63  }
0x17: {  	_ =	swait.ge [sflag:s11], $0x1400  }
0x18: {  	[sflag:s11] =	ssyncset.done $0x0  }
0x19: {  	[sflag:s11] =	ssyncadd.s32 $0xFFFFEC00  }
0x1a: {  	[tilespmem:s13], [sflag:$0x2] =	stream.linear.gather [hbm4b:s7+s3], $0x1400, $0x38;
	[tilespmem:$0x3F00] =	vst v63  }
0x1b: {  	_ =	swait.ge [sflag:s11], $0x1400  }
0x1c: {  	[sflag:s11] =	ssyncset.done $0x0  }
0x1d: {  	[sflag:s11] =	ssyncadd.s32 $0xFFFFEC00  }
0x1e: {  	[spmem:s15], [sflag:s14] =	dma.local [hbm:s8], $0x50  }
0x1f: {  	_ =	swait.ge [sflag:s11], $0x50  }
0x20: {  	[sflag:s11] =	ssyncset.done $0x0  }
0x21: {  	[sflag:s11] =	ssyncadd.s32 $0xFFFFFFB0  }
0x22: {  	s22 =	simm.s32 $0x0;
	[bflag:$0x0] =	sbarrier.arrive $0xFFFF  }
0x23: {  	[tilespmem:s17], [sflag:$0x1] =	stream.indirect.gather [hbm4b:s4+s16], $0x1, s22, s16, $0xb8;
	[tilespmem:$0x3F00] =	vst v63  }
0x24: {  	_ =	swait.ge [sflag:s18], $0x80  }
0x25: {  	[sflag:s18] =	ssyncset.done $0x0  }
0x26: {  	[sflag:s18] =	ssyncadd.s32 $0xFFFFFF80  }
0x27: {  	v0 =	vld [tilespmem:$0x3C00]  }
0x28: {  	v1 =	vld [tilespmem:s22+$0x2800];
	_ =	sdelay $0x4  }
0x29: {  	v0 =	vmul.f32 v1, v0;
	_ =	sdelay $0x1  }
0x2a: {  	v50 =	vld [tilespmem:$0x3C10];
	[tilespmem:$0x3C00] =	vst v0  }
0x2b: {  	v51 =	vld [tilespmem:s22+$0x2810];
	_ =	sdelay $0x4  }
0x2c: {  	v0 =	vmul.f32 v51, v50;
	_ =	sdelay $0x1  }
0x2d: {  	v52 =	vld [tilespmem:$0x3C20];
	[tilespmem:$0x3C10] =	vst v0  }
0x2e: {  	v53 =	vld [tilespmem:s22+$0x2820];
	_ =	sdelay $0x4  }
0x2f: {  	v0 =	vmul.f32 v53, v52;
	_ =	sdelay $0x1  }
0x30: {  	v54 =	vld [tilespmem:$0x3C30];
	[tilespmem:$0x3C20] =	vst v0  }
0x31: {  	v55 =	vld [tilespmem:s22+$0x2830];
	_ =	sdelay $0x4  }
0x32: {  	v0 =	vmul.f32 v55, v54;
	_ =	sdelay $0x1  }
0x33: {  	v56 =	vld [tilespmem:$0x3C40];
	[tilespmem:$0x3C30] =	vst v0  }
0x34: {  	v57 =	vld [tilespmem:s22+$0x2840];
	_ =	sdelay $0x4  }
0x35: {  	v0 =	vmul.f32 v57, v56;
	_ =	sdelay $0x1  }
0x36: {  	v58 =	vld [tilespmem:$0x3C50];
	[tilespmem:$0x3C40] =	vst v0  }
0x37: {  	v59 =	vld [tilespmem:s22+$0x2850];
	_ =	sdelay $0x4  }
0x38: {  	v0 =	vmul.f32 v59, v58;
	_ =	sdelay $0x1  }
0x39: {  	v60 =	vld [tilespmem:$0x3C60];
	[tilespmem:$0x3C50] =	vst v0  }
0x3a: {  	v61 =	vld [tilespmem:s22+$0x2860];
	_ =	sdelay $0x4  }
0x3b: {  	v0 =	vmul.f32 v61, v60;
	_ =	sdelay $0x1  }
0x3c: {  	v62 =	vld [tilespmem:$0x3C70];
	[tilespmem:$0x3C60] =	vst v0  }
0x3d: {  	v63 =	vld [tilespmem:s22+$0x2870];
	_ =	sdelay $0x4  }
0x3e: {  	v0 =	vmul.f32 v63, v62;
	_ =	sdelay $0x1  }
0x3f: {  	s31 =	simm.s32 $0x1400;
	[tilespmem:$0x3C70] =	vst v0  }
0x40: {  	[spmem:s2] =	stream.indirect.scatter.add.f32 [tilespmem:s17], [sflag:$0x2], $0x1, s31, s16, $0xb8;
	[tilespmem:$0x3F00] =	vst v63  }
0x41: {  	s22 =	simm.s32 $0x200;
	_ =	swait.ge [sflag:s11], $0x80  }
.LBB2_2:
0x42: {  	p0 =	sne.s32 s22, $0x4E00  }
0x43: {  	[sflag:s11] =	ssyncset.done $0x0;
	s23 =	smov.u32 s22;
	s22 =	sadd.s32 $0x200, s22  }
0x44: {  	s23 =	sshra.s32 s23, $0x2;
	[sflag:s11] =	ssyncadd.s32 $0xFFFFFF80  }
0x45: {  	[tilespmem:s17], [sflag:$0x1] =	stream.indirect.gather [hbm4b:s4+s16], $0x1, s23, s16, $0xb8;
	[tilespmem:$0x3F00] =	vst v63  }
0x46: {  	_ =	swait.ge [sflag:s18], $0x80  }
0x47: {  	[sflag:s18] =	ssyncset.done $0x0  }
0x48: {  	[sflag:s18] =	ssyncadd.s32 $0xFFFFFF80  }
0x49: {  	v0 =	vld [tilespmem:$0x3C00]  }
0x4a: {  	v1 =	vld [tilespmem:s23+$0x2800];
	_ =	sdelay $0x4  }
0x4b: {  	v0 =	vmul.f32 v1, v0;
	_ =	sdelay $0x1  }
0x4c: {  	[tilespmem:$0x3C00] =	vst v0;
	v0 =	vld [tilespmem:$0x3C10]  }
0x4d: {  	v1 =	vld [tilespmem:s23+$0x2810];
	_ =	sdelay $0x4  }
0x4e: {  	v0 =	vmul.f32 v1, v0;
	_ =	sdelay $0x1  }
0x4f: {  	[tilespmem:$0x3C10] =	vst v0;
	v0 =	vld [tilespmem:$0x3C20]  }
0x50: {  	v1 =	vld [tilespmem:s23+$0x2820];
	_ =	sdelay $0x4  }
0x51: {  	v0 =	vmul.f32 v1, v0;
	_ =	sdelay $0x1  }
0x52: {  	[tilespmem:$0x3C20] =	vst v0;
	v0 =	vld [tilespmem:$0x3C30]  }
0x53: {  	v1 =	vld [tilespmem:s23+$0x2830];
	_ =	sdelay $0x4  }
0x54: {  	v0 =	vmul.f32 v1, v0;
	_ =	sdelay $0x1  }
0x55: {  	[tilespmem:$0x3C30] =	vst v0;
	v0 =	vld [tilespmem:$0x3C40]  }
0x56: {  	v1 =	vld [tilespmem:s23+$0x2840];
	_ =	sdelay $0x4  }
0x57: {  	v0 =	vmul.f32 v1, v0;
	_ =	sdelay $0x1  }
0x58: {  	[tilespmem:$0x3C40] =	vst v0;
	v0 =	vld [tilespmem:$0x3C50]  }
0x59: {  	v1 =	vld [tilespmem:s23+$0x2850];
	_ =	sdelay $0x4  }
0x5a: {  	v0 =	vmul.f32 v1, v0;
	_ =	sdelay $0x1  }
0x5b: {  	[tilespmem:$0x3C50] =	vst v0;
	v0 =	vld [tilespmem:$0x3C60]  }
0x5c: {  	v1 =	vld [tilespmem:s23+$0x2860];
	_ =	sdelay $0x4  }
0x5d: {  	v0 =	vmul.f32 v1, v0;
	_ =	sdelay $0x1  }
0x5e: {  	[tilespmem:$0x3C60] =	vst v0;
	v0 =	vld [tilespmem:$0x3C70]  }
0x5f: {  	v1 =	vld [tilespmem:s23+$0x2870];
	_ =	sdelay $0x4  }
.Ltmp0:
0x60: {  	v0 =	vmul.f32 v1, v0;
	(pc) =	sbr.rel @p0 .LBB2_2-.Ltmp0, $4  }
0x61: {  	s23 =	sadd.s32 $0x1400, s23  }
0x62: {  	[tilespmem:$0x3C70] =	vst v0  }
0x63: {  	[spmem:s2] =	stream.indirect.scatter.add.f32 [tilespmem:s17], [sflag:$0x2], $0x1, s23, s16, $0xb8;
	[tilespmem:$0x3F00] =	vst v63  }
0x64: {  	_ =	swait.ge [sflag:s11], $0x80  }
0x65: {  	[sflag:s11] =	ssyncset.done $0x0;
	s21 =	sadd.s32 $0x1, s21  }
0x66: {  	[sflag:s11] =	ssyncadd.s32 $0xFFFFFF80;
	p0 =	sne.s32 s21, s10  }
.Ltmp1:
0x67: {  	[bflag:$0x0] =	sbarrier.arrive $0xFFFF;
	(pc) =	sbr.rel @p0 .LBB2_1-.Ltmp1, $4  }
0x68: {  	[hbm:s9@s19], [sflag:s14] =	dma.strided [spmem:s15@s20], $0x50, s18, $0x10   }
0x69: {  	_ =	swait.ge [sflag:s11], $0x50  }
0x6a: {  	[sflag:s11] =	ssyncset.done $0x0  }
0x6b: {  	[sflag:s11] =	ssyncadd.s32 $0xFFFFFFB0  }
0x6c: {  	_ =	sfence.sel $0x180000  }
0x6d: {  	[bflag:$0x0] =	sbarrier.arrive $0xFFFF  }
0x6e: {  	p0 =	sne.s32 s0, $0x0;
	_ =	strace $0x9000004D  }
0x6f: {  	s0 =	sadd.s32 @!p0 $0x100000, s1;
	[bflag:$0x2] =	sbarrier.arrive $0xFFFF  }
0x70: {  	[sflag:s0] =	ssyncadd.tile.s32 @!p0 $0x1;
	_ =	shalt  }
.Lfunc_end2:
_tile_overlayer_lowered:
.L_overlay_start_2:
0x71: {  	(tag) =	ssettag $0x2  }
0x72: {  	s0 =	rddreg [dreg:$0x0];
	s2 =	stileid.u32  }
0x73: {  	s1 =	rddreg [dreg:$0x1];
	p0 =	sne.s32 s2, $0x0  }
0x74: {  	s3 =	rddreg [dreg:$0x2];
	[bflag:$0x3] =	sbarrier.arrive $0xFFFF;
	s2 =	simm.s32 @!p0 $0x1C02  }
0x75: {  	[timem:s3], [sflag:s2] =	dma.local @!p0 [hbm:s0], s1  }
0x76: {  	s0 =	simm.s32 @!p0 $0x2  }
0x77: {  	_ =	swait.ge @!p0 [sflag:s0], s1  }
0x78: {  	s1 =	ssub.s32 @!p0 $0x0, s1;
	[sflag:s0] =	ssyncset.done @!p0 $0x0  }
0x79: {  	[sflag:s0] =	ssyncadd.s32 @!p0 s1  }
0x7a: {  	[bflag:$0x3] =	sbarrier.arrive $0xFFFF  }
0x7b: {  	_ =	shalt  }

// kernel: kernel.8.cloned.1.call-start
scs
__scs_entry_jumppad:
0x0: {  	(pc) =	sbr.rel $0x88, $3  }
0x1: {  	(tag) =	ssettag $0x0;
	lr =	simm.s32 $0x1  }
0x2: {  	[smem:$0x3F89] =	sst lr;
	_ =	strace $0xD0000000  }
0x3: {  	_ = 	snop  }
0x4: {  	_ = 	snop  }
0x5: {  	_ = 	snop  }
0x6: {  	_ = 	snop  }
0x7: {  	_ = 	snop  }
__scs_overlays_trampoline_lowered:
0x8: {  	[smem:$0x3F98] =	sst s0  }
0x9: {  	[smem:$0x3F99] =	sst s1  }
0xa: {  	[smem:$0x3F9A] =	sst s2  }
0xb: {  	[smem:$0x3F9B] =	sst s3  }
0xc: {  	[smem:$0x3F9C] =	sst s4  }
0xd: {  	[smem:$0x3F9D] =	sst s5  }
0xe: {  	[smem:$0x3F9E] =	sst s6  }
0xf: {  	[smem:$0x3F9F] =	sst s7  }
0x10: {  	[smem:$0x3FA0] =	sst s8  }
0x11: {  	[smem:$0x3FA1] =	sst s9;
	s0 =	simm.s32 @!p0 $0x0  }
0x12: {  	s1 =	sld [smem:$0x3F87];
	s0 =	simm.s32 @p0 $0x1  }
0x13: {  	[smem:$0x3FA2] =	sst s0;
	s0 =	simm.s32 @!p1 $0x0  }
0x14: {  	s2 =	sld [smem:$0x3F86];
	s0 =	simm.s32 @p1 $0x1  }
0x15: {  	[smem:$0x3FA3] =	sst s0;
	s0 =	simm.s32 @!p2 $0x0  }
0x16: {  	s3 =	sld [smem:$0x3FDB];
	s0 =	simm.s32 @p2 $0x1  }
0x17: {  	s4 =	simm.s32 $0x1BF5;
	[smem:$0x3FA5] =	sst s0  }
0x18: {  	s0 =	sld [smem:$0x3F88];
	_ =	swait.ge [sflag:s4], $0x0  }
0x19: {  	s7 =	sld [smem:$0x3F89]  }
0x1a: {  	s8 =	sadd.s32 $0xFFFFE003, lr  }
0x1b: {  	s9 =	sadd.s32 $0xFFFFFEF7, lr;
	s5 =	simm.s32 $0xFFFFFFFF;
	p2 =	slt.u32 s8, $0xFFFFF086  }
0x1c: {  	p1 =	slt.u32 s9, $0xF7A;
	s5 =	simm.s32 @!p2 $0x0  }
0x1d: {  	s5 =	simm.s32 @p1 $0x1;
	p0 =	seq.s32 s7, s2  }
0x1e: {  	s7 =	smul.u32 @!p0 $0xF7A, s2;
	p2 =	seq.s32 @!p0 s5, $0x0  }
0x1f: {  	s9 =	smul.u32 $0xF7A, s1;
	s8 =	simm.s32 @!p0 $0x1BF5;
	p2 =	por !p2, p0  }
0x20: {  	[sflag:s8] =	ssyncset.s32 @!p0 $0xFFFFF086;
	s6 =	sadd.s32 @!p0 s3, s7;
	s7 =	simm.s32 @!p0 $0x108  }
0x21: {  	s3 =	sadd.s32 s3, s9;
	s6 =	sadd.s32 @!p0 $0x88, s6;
	s7 =	simm.s32 @p2 $0x1082  }
0x22: {  	[simem:s7], [sflag:s8] =	dma.local @!p0 [hbm:s6], $0xF7A  }
0x23: {  	s9 =	sor.u32 $0xD0000000, s2;
	s6 =	simm.s32 $0x108;
	_ =	swait.ge @!p0 [sflag:s8], $0x0  }
0x24: {  	s3 =	sadd.s32 $0x88, s3;
	s6 =	simm.s32 @!p1 $0x1082;
	[sflag:s4] =	ssyncset.s32 $0xFFFFF086  }
0x25: {  	[simem:s6], [sflag:s4] =	dma.local [hbm:s3], $0xF7A  }
0x26: {  	[smem:$0x3F89] =	sst s1;
	(tag) =	ssettag s2;
	_ =	strace s9  }
0x27: {  	s1 =	sld [smem:$0x3F99]  }
0x28: {  	s2 =	sld [smem:$0x3F9A]  }
0x29: {  	s4 =	sld [smem:$0x3F9C]  }
0x2a: {  	p0 =	seq.s32 s5, $0x0;
	s5 =	sld [smem:$0x3F9D]  }
0x2b: {  	s6 =	sld [smem:$0x3F9E]  }
0x2c: {  	s7 =	sld [smem:$0x3F9F]  }
0x2d: {  	s3 =	simm.s32 $0x108;
	s8 =	sld [smem:$0x3FA0]  }
0x2e: {  	s3 =	simm.s32 @!p0 $0x1082;
	s9 =	sld [smem:$0x3FA1]  }
0x2f: {  	lr =	sadd.s32 s0, s3;
	s0 =	sld [smem:$0x3F98]  }
0x30: {  	s3 =	sld [smem:$0x3F9B]  }
0x31: {  	[smem:$0x3FA4] =	sst s10  }
0x32: {  	s10 =	sld [smem:$0x3FA2];
	_ =	sdelay $0x3  }
0x33: {  	p0 =	seq.s32 s10, $0x1;
	s10 =	sld [smem:$0x3FA4];
	_ =	sdelay $0x3  }
0x34: {  	[smem:$0x3FA4] =	sst s10  }
0x35: {  	s10 =	sld [smem:$0x3FA3];
	_ =	sdelay $0x3  }
0x36: {  	p1 =	seq.s32 s10, $0x1;
	s10 =	sld [smem:$0x3FA4];
	_ =	sdelay $0x3  }
0x37: {  	[smem:$0x3FA4] =	sst s10  }
0x38: {  	s10 =	sld [smem:$0x3FA5]  }
0x39: {  	_ = 	snop;
	(pc) =	sbr.ind lr, $3  }
0x3a: {  	_ = 	snop  }
0x3b: {  	_ = 	snop  }
0x3c: {  	p2 =	seq.s32 s10, $0x1;
	s10 =	sld [smem:$0x3FA4]  }
0x3d: {  	_ =	shalt  }
0x3e: {  	_ =	shalt  }
0x3f: {  	_ =	shalt  }
0x40: {  	_ =	shalt  }
0x41: {  	_ =	shalt  }
0x42: {  	_ =	shalt  }
0x43: {  	_ =	shalt  }
0x44: {  	_ =	shalt  }
0x45: {  	_ =	shalt  }
0x46: {  	_ =	shalt  }
0x47: {  	_ =	shalt  }
0x48: {  	_ =	shalt  }
0x49: {  	_ =	shalt  }
0x4a: {  	_ =	shalt  }
0x4b: {  	_ =	shalt  }
0x4c: {  	_ =	shalt  }
0x4d: {  	_ =	shalt  }
0x4e: {  	_ =	shalt  }
0x4f: {  	_ =	shalt  }
0x50: {  	_ =	shalt  }
0x51: {  	_ =	shalt  }
0x52: {  	_ =	shalt  }
0x53: {  	_ =	shalt  }
0x54: {  	_ =	shalt  }
0x55: {  	_ =	shalt  }
0x56: {  	_ =	shalt  }
0x57: {  	_ =	shalt  }
0x58: {  	_ =	shalt  }
0x59: {  	_ =	shalt  }
0x5a: {  	_ =	shalt  }
0x5b: {  	_ =	shalt  }
0x5c: {  	_ =	shalt  }
0x5d: {  	_ =	shalt  }
0x5e: {  	_ =	shalt  }
0x5f: {  	_ =	shalt  }
0x60: {  	_ =	shalt  }
0x61: {  	_ =	shalt  }
0x62: {  	_ =	shalt  }
0x63: {  	_ =	shalt  }
0x64: {  	_ =	shalt  }
0x65: {  	_ =	shalt  }
0x66: {  	_ =	shalt  }
0x67: {  	_ =	shalt  }
0x68: {  	_ =	shalt  }
0x69: {  	_ =	shalt  }
0x6a: {  	_ =	shalt  }
0x6b: {  	_ =	shalt  }
0x6c: {  	_ =	shalt  }
0x6d: {  	_ =	shalt  }
0x6e: {  	_ =	shalt  }
0x6f: {  	_ =	shalt  }
0x70: {  	_ =	shalt  }
0x71: {  	_ =	shalt  }
0x72: {  	_ =	shalt  }
0x73: {  	_ =	shalt  }
0x74: {  	_ =	shalt  }
0x75: {  	_ =	shalt  }
0x76: {  	_ =	shalt  }
0x77: {  	_ =	shalt  }
0x78: {  	_ =	shalt  }
0x79: {  	_ =	shalt  }
0x7a: {  	_ =	shalt  }
0x7b: {  	_ =	shalt  }
0x7c: {  	_ =	shalt  }
0x7d: {  	_ =	shalt  }
0x7e: {  	_ =	shalt  }
0x7f: {  	_ =	shalt  }
0x80: {  	_ =	shalt  }
0x81: {  	_ =	shalt  }
0x82: {  	_ =	shalt  }
0x83: {  	_ =	shalt  }
0x84: {  	_ =	shalt  }
0x85: {  	_ =	shalt  }
0x86: {  	_ =	shalt  }
0x87: {  	_ =	shalt  }
.Lfunc_end0:
.L_simem_size_0:
called_computation_lowered:
.L_overlay_start_0:
0x88: {  	s2 =	sld [smem:$0x3FD9]  }
0x89: {  	s3 =	sld [smem:$0x3FFE];
	_ =	sdelay $0x1  }
0x8a: {  	s1 =	srdreg.scid  }
0x8b: {  	s0 =	sand.u32 $0x1, s1  }
0x8c: {  	s17 =	sshll.u32 s0, $0xA;
	s2 =	sadd.s32 s3, s2  }
0x8d: {  	s2 =	sadd.s32 s2, s17  }
0x8e: {  	[smem:$0x3FB0] =	sst s2  }
0x8f: {  	_ = 	snop  }
0x90: {  	s2 =	sld [smem:$0x3FD0];
	(tm) =	ssettm $0x1  }
0x91: {  	s18 =	sld [smem:$0x3FFB];
	_ =	sdelay $0x3  }
0x92: {  	_ =	strace s18  }
0x93: {  	s3 =	sld [smem:$0x3FFC];
	_ =	sdelay $0x3  }
0x94: {  	_ =	strace s3  }
0x95: {  	s3 =	sld [smem:$0x3FFD];
	_ =	sdelay $0x3  }
0x96: {  	_ =	strace s3  }
0x97: {  	_ =	strace $0x8FFFFFFF  }
0x98: {  	s19 =	sld [smem:$0x3FDB];
	_ =	sdelay $0x1  }
0x99: {  	s4 =	simm.s32 $_scs_section_size  }
0x9a: {  	s5 =	simm.s32 $_size__tile_overlayer_lowered;
	s6 =	simm.s32 $_tile_overlayer_lowered  }
0x9b: {  	s22 =	simm.s32 $0x1BFF;
	s21 =	sshll.u32 s6, $0x1;
	s3 =	sadd.s32 s4, s19  }
0x9c: {  	s7 =	simm.s32 $0x0;
	s20 =	sshll.u32 s5, $0x1;
	s5 =	sadd.s32 s21, s3  }
0x9d: {  	[timem:s7], [sflag:s22] =	dma.local [hbm:s5], s20  }
0x9e: {  	_ =	swait.ge [sflag:s22], s20  }
0x9f: {  	s4 =	ssub.s32 $0x0, s20;
	[sflag:s22] =	ssyncset.done $0x0  }
0xa0: {  	[sflag:s22] =	ssyncadd.s32 s4;
	_ =	sdelay $0x1  }
0xa1: {  	s23 =	simm.s32 $0x1B8B  }
0xa2: {  	_ =	swait.ge [sflag:s23], $0x1  }
0xa3: {  	[sflag:s23] =	ssyncset.done $0x0  }
0xa4: {  	s25 =	simm.s32 $0x1B8E;
	s24 =	sld [smem:$0x3FFE];
	[sflag:s23] =	ssyncadd.s32 $0xFFFFFFFF  }
0xa5: {  	s26 =	simm.s32 $execute0_lowered;
	[smem:$0x3FD2] =	sst s25  }
0xa6: {  	s5 =	sshll.u32 s26, $0x1;
	_ =	strace $0x80000046;
	[dreg:$0x1] =	wrdreg $0xFFFFFFFF  }
0xa7: {  	s28 =	simm.s32 $_size_execute0_lowered;
	s3 =	sadd.s32 s3, s5;
	[dreg:$0x0] =	wrdreg $0x0  }
0xa8: {  	s5 =	sshll.u32 s28, $0x1;
	[dreg:$0x2] =	wrdreg s3  }
0xa9: {  	[dreg:$0x3] =	wrdreg s5  }
0xaa: {  	[dreg:$0x4] =	wrdreg $0xC0  }
0xab: {  	_ =	task [dreg:s7], $0x5FFFF  }
0xac: {  	[dreg:$0x1] =	wrdreg $0xFFFFFFFF  }
0xad: {  	[dreg:$0x0] =	wrdreg $0x60  }
0xae: {  	[dreg:$0x2] =	wrdreg s24  }
0xaf: {  	[dreg:$0x3] =	wrdreg s2  }
0xb0: {  	[dreg:$0x4] =	wrdreg $0xBC000  }
0xb1: {  	[dreg:$0x5] =	wrdreg $0x9  }
0xb2: {  	_ =	task.clear_ibuf [dreg:s7], $0x6FFFF;
	_ =	strace $0x90000046  }
0xb3: {  	s29 =	simm.s32 $0x9;
	_ =	strace $0x80000048  }
0xb4: {  	_ =	swait.ge [sflag:s29], $0x1  }
0xb5: {  	[sflag:s29] =	ssyncadd.s32 $0xFFFFFFFF  }
0xb6: {  	_ =	strace $0x90000048  }
0xb7: {  	_ =	sfence  }
0xb8: {  	s30 =	sld [smem:$0x0];
	_ =	sdelay $0x2  }
0xb9: {  	s31 =	sshll.u32 s1, $0xD;
	s1 =	sshrl.u32 s1, $0x2  }
0xba: {  	s3 =	sand.u32 $0x4000, s31;
	s1 =	sadd.s32 s1, s30  }
0xbb: {  	s0 =	sor.u32 s3, s0;
	s1 =	sshll.u32 s1, $0x11  }
0xbc: {  	s0 =	sor.u32 s1, s0  }
0xbd: {  	s0 =	sadd.s32 $0x8F2B, s0  }
0xbe: {  	[sflag:s0] =	ssyncadd.remote.s32 $0x1  }
0xbf: {  	_ =	sfence.sel $0xFFFF  }
0xc0: {  	[dreg:$0x0] =	wrdreg $0xFFFFFFFF;
	(pc) =	sbr.abs _section_cstart, $3  }
0xc1: {  	[dreg:$0x1] =	wrdreg $0xFFFFFFFF  }
0xc2: {  	_ =	task.clear_ibuf [dreg:s7], $0x2FFFF;
	_ =	strace $0x9FFFFFFF  }
0xc3: {  	(tm) =	ssettm $0x7FFFFFFF  }
tec
execute0_lowered:
.L_overlay_start_1:
0x0: {  	(tag) =	ssettag $0x1  }
0x1: {  	s5 =	rddreg [dreg:$0x0]  }
0x2: {  	s1 =	srdreg.scid;
	s8 =	rddreg [dreg:$0x1]  }
0x3: {  	s0 =	stileid.u32;
	s2 =	rddreg [dreg:$0x2]  }
0x4: {  	s3 =	simm.s32 $0x0;
	s16 =	simm.s32 $0x3C00;
	s17 =	simm.s32 $0x7C00  }
0x5: {  	s18 =	simm.s32 $0x1;
	s19 =	simm.s32 $0x3;
	s20 =	simm.s32 $0x2  }
0x6: {  	s21 =	simm.s32 $0x4;
	s22 =	simm.s32 $0x0;
	s6 =	sand.u32 $0x1, s1  }
0x7: {  	s28 =	sshll.u32 s0, $0x1;
	s1 =	rddreg [dreg:$0x3];
	s10 =	smul.u32 $0x14000, s0  }
0x8: {  	[smem:$0x7FF] =	sst s3;
	s4 =	sadd.s32 $0x8A00, s5;
	s29 =	smul.u32 $0x50000, s0  }
0x9: {  	s30 =	sshll.u32 s0, $0x6;
	s7 =	sor.u32 s6, s28;
	s11 =	smul.u32 $0x140000, s6  }
0xa: {  	_ =	strace $0x80000047;
	s6 =	ssub.s32 $0x2, s6;
	s9 =	smul.u32 $0x280, s7  }
0xb: {  	s13 =	sshrl.u32 s10, $0x3;
	s14 =	sshrl.u32 s6, $0x1;
	s7 =	smul.u32 $0x1400, s7  }
0xc: {  	s10 =	sadd.s32 s10, s11;
	s13 =	sadd.s32 s13, s5;
	s11 =	sshrl.u32 s29, $0x2  }
0xd: {  	s14 =	ssub.s32 s6, s14;
	s6 =	sor.u32 $0x1C05, s30;
	s12 =	sadd.s32 s9, s5  }
0xe: {  	s10 =	sshrl.u32 s10, $0x3;
	s15 =	sadd.s32 s11, s2;
	s31 =	sshrl.u32 s7, $0x3  }
0xf: {  	s7 =	sadd.s32 s8, s9;
	s11 =	smax.u32 s14, $0x1;
	s14 =	simm.s32 $0x1400  }
0x10: {  	s10 =	sadd.s32 s10, s5;
	s5 =	sadd.s32 $0x2FC00, s13;
	s8 =	sadd.s32 s8, s31  }
0x11: {  	s9 =	sadd.s32 $0x3A00, s12;
	s12 =	sshrl.u32 s15, $0x3;
	s13 =	simm.s32 $0x5  }
0x12: {  	v0 =	vlaneseq.u32;
	s15 =	simm.s32 $0x80;
	s8 =	sadd.s32 $0x5000, s8;
	s10 =	sadd.s32 $0x57C00, s10  }
.LBB2_1:
0x13: {  	[spmem:s12], [sflag:s6] =	dma.local [hbm:s5], $0x2800  }
0x14: {  	_ =	swait.ge [sflag:s13], $0x2800  }
0x15: {  	[sflag:s13] =	ssyncset.done $0x0  }
0x16: {  	[sflag:s13] =	ssyncadd.s32 $0xFFFFD800  }
0x17: {  	[tilespmem:s3], [sflag:$0x5] =	stream.linear.gather [hbm4b:s7+s3], $0x1400, $0x38;
	[tilespmem:$0x1FC00] =	vst v63  }
0x18: {  	_ =	swait.ge [sflag:s13], $0x1400  }
0x19: {  	[sflag:s13] =	ssyncset.done $0x0  }
0x1a: {  	[sflag:s13] =	ssyncadd.s32 $0xFFFFEC00  }
0x1b: {  	[tilespmem:s14], [sflag:$0x5] =	stream.linear.gather [hbm4b:s8+s3], $0x1400, $0x38;
	[tilespmem:$0x1FC00] =	vst v63  }
0x1c: {  	_ =	swait.ge [sflag:s13], $0x1400  }
0x1d: {  	[sflag:s13] =	ssyncset.done $0x0  }
0x1e: {  	s23 =	simm.s32 $0x2800;
	[sflag:s13] =	ssyncadd.s32 $0xFFFFEC00  }
0x1f: {  	[tilespmem:s23], [sflag:$0x5] =	stream.linear.gather [hbm4b:s9+s3], $0x1400, $0x38;
	[tilespmem:$0x1FC00] =	vst v63  }
0x20: {  	_ =	swait.ge [sflag:s13], $0x1400  }
0x21: {  	[sflag:s13] =	ssyncset.done $0x0  }
0x22: {  	[sflag:s13] =	ssyncadd.s32 $0xFFFFEC00  }
0x23: {  	s24 =	simm.s32 $0x2880;
	s25 =	simm.s32 $0x0;
	[bflag:$0x0] =	sbarrier.arrive $0xFFFF  }
0x24: {  	[tilespmem:s16], [sflag:$0x1] =	stream.indirect.gather [hbm4b:s4+s15], $0x80, s3, s15, $0xb8;
	[tilespmem:$0x1FC00] =	vst v63  }
.LBB2_2:
0x25: {  	p0 =	seq.s32 s25, $0x0  }
0x26: {  	s26 =	simm.s32 @!p0 $0x4  }
0x27: {  	_ =	swait.ge @!p0 [sflag:s26], $0x4000  }
0x28: {  	s28 =	sshll.u32 s25, $0x8;
	[sflag:s26] =	ssyncset.done @!p0 $0x0  }
0x29: {  	s31 =	sor.u32 $0x80, s28;
	[sflag:s26] =	ssyncadd.s32 @!p0 $0xFFFFC000  }
0x2a: {  	[tilespmem:s17], [sflag:$0x2] =	stream.indirect.gather [hbm4b:s4+s15], $0x80, s31, s15, $0xb8;
	[tilespmem:$0x1FC00] =	vst v63  }
0x2b: {  	_ =	swait.ge [sflag:s18], $0x4000  }
0x2c: {  	[sflag:s18] =	ssyncset.done $0x0  }
0x2d: {  	s28 =	simm.s32 $0x4000;
	[sflag:s18] =	ssyncadd.s32 $0xFFFFC000  }
0x2e: {  	v10 =	vld [tilespmem:s28+$0x3A0]  }
0x2f: {  	v1 =	vld [tilespmem:s28+$0xFFFFFF80]  }
0x30: {  	v2 =	vld [tilespmem:s28+$0xA0]  }
0x31: {  	v4 =	vld [tilespmem:s28+$0x180]  }
0x32: {  	v6 =	vld [tilespmem:s28+$0x90]  }
0x33: {  	v8 =	vld [tilespmem:s28+$0x300]  }
0x34: {  	v11 =	vld [tilespmem:s28+$0x1A0]  }
0x35: {  	v15 =	vld [tilespmem:s28+$0x200]  }
0x36: {  	v18 =	vld [tilespmem:s28+$0xFFFFFD10]  }
0x37: {  	v29 =	vld [tilespmem:s28+$0xFFFFFD20]  }
0x38: {  	v14 =	vld [tilespmem:s28+$0x390]  }
0x39: {  	v9 =	vmov s23;
	v5 =	vld [tilespmem:s28+$0x0]  }
0x3a: {  	v7 =	vld [tilespmem:s28+$0xFFFFFF10]  }
0x3b: {  	v19 =	vld [tilespmem:s28+$0xFFFFFC10]  }
0x3c: {  	v12 =	vld [tilespmem:s28+$0xFFFFFE80]  }
0x3d: {  	s31 =	simm.s32 $0x0;
	v16 =	vld [tilespmem:s28+$0xFFFFFE10]  }
0x3e: {  	v3 =	vld.idx.msk [tilespmem:v9+s31+$0x0 ss:$0x1], $0xffff  }
0x3f: {  	v33 =	vld [tilespmem:s28+$0x380]  }
0x40: {  	v22 =	vld [tilespmem:s28+$0xFFFFFD00]  }
0x41: {  	v21 =	vld [tilespmem:s28+$0xFFFFFC20]  }
0x42: {  	v28 =	vld [tilespmem:s28+$0xFFFFFC00]  }
0x43: {  	v13 =	vld [tilespmem:s28+$0x80]  }
0x44: {  	v26 =	vld [tilespmem:s28+$0x220];
	v23 =	vbroadcast v3, $0x0;
	v34 =	vbroadcast v3, $0xF  }
0x45: {  	vm0 =	veq.s32 v0, $0x3;
	v17 =	vld [tilespmem:s28+$0xFFFFFE00];
	v25 =	vbroadcast v3, $0x2;
	v24 =	vbroadcast v3, $0xC  }
0x46: {  	v27 =	vld [tilespmem:s28+$0x210];
	v31 =	vsel vm0, $0x3F800000, v23;
	v35 =	vmul.f32 v14, v34;
	v20 =	vsel vm0, $0x3F800000, v34  }
0x47: {  	v30 =	vmul.f32 v23, v28;
	v14 =	vld [tilespmem:s28+$0xFFFFFEA0];
	v28 =	vmul.f32 v21, v31;
	v31 =	vsel vm0, $0x3F800000, v25  }
0x48: {  	s29 =	simm.s32 $0x40;
	s30 =	simm.s32 $0x4000;
	s26 =	sshll.u32 s25, $0xA;
	v21 =	vld [tilespmem:s28+$0xFFFFFC80];
	v32 =	vmul.f32 v29, v31;
	v31 =	vsel vm0, $0x3F800000, v24;
	v29 =	vmul.f32 v33, v34;
	[tilespmem:s28+$0x390] =	vst v35  }
.LBB2_3:
0x49: {  	p0 =	sne.s32 s29, $0x1C0  }
0x4a: {  	[tilespmem:s28+$0xFFFFFC00] =	vst v30;
	v30 =	vbroadcast v3, $0x4;
	v33 =	vld [tilespmem:s28+$0x120];
	v26 =	vmul.f32 v26, v31;
	s30 =	sadd.s32 $0x800, s30;
	s31 =	smov.u32 s29;
	s29 =	sadd.s32 $0x40, s29  }
0x4b: {  	v18 =	vmul.f32 v18, v25;
	[tilespmem:s28+$0xFFFFFD20] =	vst v32;
	v31 =	vld [tilespmem:s28+$0xFFFFFE20];
	v32 =	vbroadcast v3, $0xB  }
0x4c: {  	v22 =	vmul.f32 v22, v25;
	v25 =	vld [tilespmem:s28+$0xFFFFFD80];
	v27 =	vmul.f32 v27, v24;
	[tilespmem:s28+$0x380] =	vst v29  }
0x4d: {  	v19 =	vmul.f32 v19, v23;
	v15 =	vmul.f32 v15, v24;
	[tilespmem:s28+$0xFFFFFD10] =	vst v18;
	v18 =	vld [tilespmem:s28+$0xFFFFFE90];
	v23 =	vsel vm0, $0x3F800000, v32  }
0x4e: {  	v24 =	vbroadcast v3, $0x1;
	[tilespmem:s28+$0xFFFFFC20] =	vst v28;
	v28 =	vbroadcast v3, $0x9;
	v29 =	vld [tilespmem:s28+$0x100]  }
0x4f: {  	v35 =	vbroadcast v3, $0x7;
	v10 =	vmul.f32 v10, v20;
	v34 =	vld [tilespmem:s28+$0xFFFFFCA0];
	[tilespmem:s28+$0x200] =	vst v15  }
0x50: {  	v20 =	vbroadcast v3, $0x5;
	v16 =	vmul.f32 v16, v30;
	[tilespmem:s28+$0xFFFFFC10] =	vst v19;
	v15 =	vld [tilespmem:s28+$0xFFFFFDA0];
	v19 =	vsel vm0, $0x3F800000, v30  }
0x51: {  	v21 =	vmul.f32 v21, v24;
	v36 =	vsel vm0, $0x3F800000, v24;
	[tilespmem:s28+$0xFFFFFD00] =	vst v22;
	v22 =	vbroadcast v3, $0xA;
	v37 =	vld [tilespmem:s28+$0x190]  }
0x52: {  	v19 =	vmul.f32 v31, v19;
	v31 =	vsel vm0, $0x3F800000, v20;
	v38 =	vld [tilespmem:s28+$0xFFFFFC90];
	[tilespmem:s28+$0x220] =	vst v26;
	v26 =	vbroadcast v3, $0xE  }
0x53: {  	v39 =	vbroadcast v3, $0x3;
	v17 =	vmul.f32 v17, v30;
	v30 =	vsel vm0, $0x3F800000, v35;
	v40 =	vld [tilespmem:s28+$0xFFFFFD90];
	[tilespmem:s28+$0x210] =	vst v27  }
0x54: {  	v27 =	vmul.f32 v34, v36;
	[tilespmem:s28+$0xFFFFFE10] =	vst v16;
	v16 =	vbroadcast v3, $0xD;
	v34 =	vld [tilespmem:s28+$0x2A0];
	v36 =	vsel vm0, $0x3F800000, v26  }
0x55: {  	v41 =	vsel vm0, $0x3F800000, v39;
	v12 =	vmul.f32 v12, v20;
	v11 =	vmul.f32 v11, v23;
	[tilespmem:s28+$0xFFFFFE00] =	vst v17;
	v17 =	vld [tilespmem:s28+$0x280]  }
0x56: {  	v15 =	vmul.f32 v15, v41;
	v23 =	vld [tilespmem:s28+$0x110];
	v37 =	vmul.f32 v37, v32;
	v41 =	vsel vm0, $0x3F800000, v16;
	[tilespmem:s28+$0x3A0] =	vst v10  }
0x57: {  	v18 =	vmul.f32 v18, v20;
	v14 =	vmul.f32 v14, v31;
	[tilespmem:s28+$0x1A0] =	vst v11;
	v11 =	vld [tilespmem:s28+$0x290]  }
0x58: {  	v13 =	vmul.f32 v13, v28;
	v20 =	vmul.f32 v25, v39;
	v10 =	vsel vm0, $0x3F800000, v22;
	[tilespmem:s28+$0xFFFFFC80] =	vst v21;
	v21 =	vld [tilespmem:s28+$0x320]  }
0x59: {  	[tilespmem:s28+$0xFFFFFE80] =	vst v12;
	v12 =	vmul.f32 v33, v10;
	v25 =	vmul.f32 v34, v41;
	v31 =	vld [tilespmem:s28+$0x310]  }
0x5a: {  	v10 =	vld [tilespmem:s30+$0x3A0];
	[tilespmem:s28+$0xFFFFFE20] =	vst v19;
	v19 =	vmul.f32 v29, v22;
	v17 =	vmul.f32 v17, v16  }
0x5b: {  	v29 =	vmul.f32 v40, v39;
	v33 =	vld [tilespmem:s28+$0x10];
	[tilespmem:s28+$0x80] =	vst v13;
	v13 =	vmul.f32 v23, v22  }
0x5c: {  	v22 =	vmul.f32 v38, v24;
	[tilespmem:s28+$0xFFFFFE90] =	vst v18;
	v18 =	vld [tilespmem:s28+$0xFFFFFF00];
	v16 =	vmul.f32 v11, v16  }
0x5d: {  	v8 =	vmul.f32 v8, v26;
	v11 =	vld [tilespmem:s28+$0xFFFFFF20];
	[tilespmem:s28+$0x120] =	vst v12;
	v12 =	vmul.f32 v21, v36  }
0x5e: {  	v6 =	vmul.f32 v6, v28;
	[tilespmem:s28+$0xFFFFFEA0] =	vst v14;
	v14 =	vld [tilespmem:s28+$0x20];
	v21 =	vmul.f32 v31, v26  }
0x5f: {  	v4 =	vmul.f32 v4, v32;
	v23 =	vbroadcast v3, $0x6;
	v26 =	vsel vm0, $0x3F800000, v28;
	v24 =	vld [tilespmem:s28+$0xFFFFFFA0];
	[tilespmem:s28+$0x300] =	vst v8  }
0x60: {  	v3 =	vbroadcast v3, $0x8;
	v2 =	vmul.f32 v2, v26;
	v8 =	vld [tilespmem:s28+$0xFFFFFF90];
	[tilespmem:s28+$0x90] =	vst v6  }
0x61: {  	v6 =	vmul.f32 v7, v23;
	v7 =	vsel vm0, $0x3F800000, v23;
	v18 =	vmul.f32 v18, v23;
	[tilespmem:s28+$0x180] =	vst v4  }
0x62: {  	v4 =	vmul.f32 v5, v3;
	v5 =	vsel vm0, $0x3F800000, v3;
	v7 =	vmul.f32 v11, v7;
	[tilespmem:s28+$0xA0] =	vst v2  }
0x63: {  	v3 =	vmul.f32 v33, v3;
	[tilespmem:s28+$0xFFFFFD80] =	vst v20;
	v5 =	vmul.f32 v14, v5  }
0x64: {  	v1 =	vmul.f32 v1, v35;
	[tilespmem:s28+$0xFFFFFF10] =	vst v6;
	v2 =	vmul.f32 v24, v30  }
0x65: {  	v6 =	vmul.f32 v8, v35;
	[tilespmem:s28+$0x0] =	vst v4  }
0x66: {  	[tilespmem:s28+$0xFFFFFF80] =	vst v1  }
0x67: {  	[tilespmem:s28+$0xFFFFFF90] =	vst v6  }
0x68: {  	[tilespmem:s28+$0xFFFFFFA0] =	vst v2  }
0x69: {  	[tilespmem:s28+$0x320] =	vst v12  }
0x6a: {  	v1 =	vld [tilespmem:s30+$0xFFFFFF80];
	[tilespmem:s28+$0xFFFFFDA0] =	vst v15  }
0x6b: {  	v2 =	vld [tilespmem:s30+$0xA0];
	[tilespmem:s28+$0x10] =	vst v3  }
0x6c: {  	v4 =	vld [tilespmem:s30+$0x180];
	[tilespmem:s28+$0x20] =	vst v5  }
0x6d: {  	v6 =	vld [tilespmem:s30+$0x90];
	[tilespmem:s28+$0xFFFFFF00] =	vst v18  }
0x6e: {  	v8 =	vld [tilespmem:s30+$0x300];
	[tilespmem:s28+$0x100] =	vst v19  }
0x6f: {  	v11 =	vld [tilespmem:s30+$0x1A0];
	[tilespmem:s28+$0xFFFFFF20] =	vst v7  }
0x70: {  	v15 =	vld [tilespmem:s30+$0x200];
	[tilespmem:s28+$0x190] =	vst v37  }
0x71: {  	v18 =	vld [tilespmem:s30+$0xFFFFFD10];
	[tilespmem:s28+$0xFFFFFCA0] =	vst v27  }
0x72: {  	v31 =	vld [tilespmem:s30+$0xFFFFFD20];
	[tilespmem:s28+$0x310] =	vst v21  }
0x73: {  	v14 =	vld [tilespmem:s30+$0x390];
	[tilespmem:s28+$0xFFFFFC90] =	vst v22  }
0x74: {  	v5 =	vld [tilespmem:s30+$0x0];
	[tilespmem:s28+$0xFFFFFD90] =	vst v29  }
0x75: {  	v7 =	vld [tilespmem:s30+$0xFFFFFF10];
	[tilespmem:s28+$0x110] =	vst v13  }
0x76: {  	v19 =	vld [tilespmem:s30+$0xFFFFFC10];
	[tilespmem:s28+$0x280] =	vst v17  }
0x77: {  	v12 =	vld [tilespmem:s30+$0xFFFFFE80];
	[tilespmem:s28+$0x290] =	vst v16  }
0x78: {  	s31 =	sshra.s32 s31, $0x2;
	v16 =	vld [tilespmem:s30+$0xFFFFFE10];
	[tilespmem:s28+$0x2A0] =	vst v25;
	s28 =	smov.u32 s30  }
0x79: {  	v3 =	vld.idx.msk [tilespmem:v9+s31+$0x0 ss:$0x1], $0xffff  }
0x7a: {  	v29 =	vld [tilespmem:s30+$0x380]  }
0x7b: {  	v22 =	vld [tilespmem:s30+$0xFFFFFD00]  }
0x7c: {  	v21 =	vld [tilespmem:s30+$0xFFFFFC20]  }
0x7d: {  	v28 =	vld [tilespmem:s30+$0xFFFFFC00]  }
0x7e: {  	v13 =	vld [tilespmem:s30+$0x80]  }
.Ltmp0:
0x7f: {  	v23 =	vbroadcast v3, $0x0;
	v33 =	vbroadcast v3, $0xF;
	v26 =	vld [tilespmem:s30+$0x220];
	(pc) =	sbr.rel @p0 .LBB2_3-.Ltmp0, $4  }
0x80: {  	v25 =	vbroadcast v3, $0x2;
	v24 =	vbroadcast v3, $0xC;
	v17 =	vld [tilespmem:s30+$0xFFFFFE00]  }
0x81: {  	v32 =	vsel vm0, $0x3F800000, v23;
	v34 =	vmul.f32 v14, v33;
	v20 =	vsel vm0, $0x3F800000, v33;
	v27 =	vld [tilespmem:s30+$0x210]  }
0x82: {  	v30 =	vmul.f32 v23, v28;
	v28 =	vmul.f32 v21, v32;
	v32 =	vsel vm0, $0x3F800000, v25;
	v14 =	vld [tilespmem:s30+$0xFFFFFEA0]  }
0x83: {  	v29 =	vmul.f32 v29, v33;
	v21 =	vld [tilespmem:s30+$0xFFFFFC80];
	v32 =	vmul.f32 v31, v32;
	v31 =	vsel vm0, $0x3F800000, v24;
	[tilespmem:s30+$0x390] =	vst v34  }
0x84: {  	[tilespmem:s28+$0xFFFFFC00] =	vst v30  }
0x85: {  	[tilespmem:s28+$0xFFFFFC20] =	vst v28  }
0x86: {  	v9 =	vmul.f32 v18, v25;
	[tilespmem:s28+$0xFFFFFD20] =	vst v32  }
0x87: {  	v18 =	vmul.f32 v22, v25;
	[tilespmem:s28+$0x380] =	vst v29  }
0x88: {  	v10 =	vmul.f32 v10, v20;
	[tilespmem:s28+$0xFFFFFD10] =	vst v9  }
0x89: {  	v9 =	vmul.f32 v15, v24;
	[tilespmem:s28+$0xFFFFFD00] =	vst v18  }
0x8a: {  	v20 =	vbroadcast v3, $0x5;
	v15 =	vmul.f32 v19, v23;
	[tilespmem:s28+$0x3A0] =	vst v10  }
0x8b: {  	v22 =	vbroadcast v3, $0xB;
	v19 =	vmul.f32 v26, v31;
	[tilespmem:s28+$0x200] =	vst v9  }
0x8c: {  	v12 =	vmul.f32 v12, v20;
	[tilespmem:s28+$0xFFFFFC10] =	vst v15  }
0x8d: {  	v23 =	vsel vm0, $0x3F800000, v22;
	v4 =	vmul.f32 v4, v22;
	[tilespmem:s28+$0x220] =	vst v19  }
0x8e: {  	v10 =	vbroadcast v3, $0x9;
	v11 =	vmul.f32 v11, v23;
	[tilespmem:s28+$0xFFFFFE80] =	vst v12  }
0x8f: {  	v15 =	vmul.f32 v27, v24;
	[tilespmem:s28+$0x180] =	vst v4  }
0x90: {  	v19 =	vld [tilespmem:s28+$0xFFFFFE20];
	v13 =	vmul.f32 v13, v10;
	[tilespmem:s28+$0x1A0] =	vst v11  }
0x91: {  	v9 =	vbroadcast v3, $0x4;
	v6 =	vmul.f32 v6, v10;
	v10 =	vsel vm0, $0x3F800000, v10;
	[tilespmem:s28+$0x210] =	vst v15  }
0x92: {  	v2 =	vmul.f32 v2, v10;
	v15 =	vld [tilespmem:s28+$0xFFFFFE90];
	[tilespmem:s28+$0x80] =	vst v13  }
0x93: {  	v24 =	vbroadcast v3, $0x1;
	v16 =	vmul.f32 v16, v9;
	[tilespmem:s28+$0x90] =	vst v6  }
0x94: {  	v4 =	vbroadcast v3, $0x7;
	v17 =	vmul.f32 v17, v9;
	v9 =	vsel vm0, $0x3F800000, v9;
	[tilespmem:s28+$0xA0] =	vst v2  }
0x95: {  	v25 =	vbroadcast v3, $0xA;
	v18 =	vld [tilespmem:s28+$0x120];
	[tilespmem:s28+$0xFFFFFE10] =	vst v16;
	v9 =	vmul.f32 v19, v9  }
0x96: {  	v1 =	vmul.f32 v1, v4;
	[tilespmem:s28+$0xFFFFFE00] =	vst v17;
	v17 =	vmul.f32 v21, v24  }
0x97: {  	v11 =	vld [tilespmem:s28+$0xFFFFFD80];
	v15 =	vmul.f32 v15, v20;
	[tilespmem:s28+$0xFFFFFE20] =	vst v9;
	v9 =	vsel vm0, $0x3F800000, v20;
	v20 =	vbroadcast v3, $0xE  }
0x98: {  	[tilespmem:s28+$0xFFFFFF80] =	vst v1;
	v9 =	vmul.f32 v14, v9  }
0x99: {  	v12 =	vld [tilespmem:s28+$0xFFFFFDA0];
	v19 =	vsel vm0, $0x3F800000, v25;
	[tilespmem:s28+$0xFFFFFC80] =	vst v17;
	v8 =	vmul.f32 v8, v20  }
0x9a: {  	v18 =	vmul.f32 v18, v19;
	[tilespmem:s28+$0xFFFFFEA0] =	vst v9;
	v9 =	vbroadcast v3, $0x3  }
0x9b: {  	v19 =	vld [tilespmem:s28+$0xFFFFFF90];
	[tilespmem:s28+$0x300] =	vst v8;
	v8 =	vbroadcast v3, $0x6  }
0x9c: {  	v27 =	vld [tilespmem:s28+$0xFFFFFF00];
	[tilespmem:s28+$0x120] =	vst v18;
	v6 =	vmul.f32 v11, v9  }
0x9d: {  	v10 =	vld [tilespmem:s28+$0xFFFFFFA0];
	[tilespmem:s28+$0xFFFFFE90] =	vst v15;
	v11 =	vbroadcast v3, $0x8;
	v1 =	vsel vm0, $0x3F800000, v9;
	v7 =	vmul.f32 v7, v8  }
0x9e: {  	v14 =	vld [tilespmem:s28+$0x320];
	v1 =	vmul.f32 v12, v1;
	[tilespmem:s28+$0xFFFFFD80] =	vst v6  }
0x9f: {  	v18 =	vld [tilespmem:s28+$0x10];
	v5 =	vmul.f32 v5, v11;
	[tilespmem:s28+$0xFFFFFF10] =	vst v7  }
0xa0: {  	v16 =	vld [tilespmem:s28+$0xFFFFFCA0];
	v7 =	vsel vm0, $0x3F800000, v4;
	v4 =	vmul.f32 v19, v4;
	[tilespmem:s28+$0xFFFFFDA0] =	vst v1  }
0xa1: {  	v6 =	vld [tilespmem:s28+$0x20];
	v1 =	vmul.f32 v27, v8;
	[tilespmem:s28+$0x0] =	vst v5  }
0xa2: {  	v17 =	vld [tilespmem:s28+$0x100];
	v5 =	vsel vm0, $0x3F800000, v20;
	v7 =	vmul.f32 v10, v7;
	[tilespmem:s28+$0xFFFFFF90] =	vst v4  }
0xa3: {  	v2 =	vld [tilespmem:s28+$0xFFFFFF20];
	v5 =	vmul.f32 v14, v5;
	[tilespmem:s28+$0xFFFFFF00] =	vst v1  }
0xa4: {  	v21 =	vld [tilespmem:s28+$0x190];
	v1 =	vsel vm0, $0x3F800000, v24;
	[tilespmem:s28+$0xFFFFFFA0] =	vst v7;
	v7 =	vmul.f32 v18, v11  }
0xa5: {  	v15 =	vld [tilespmem:s28+$0x310];
	v4 =	vsel vm0, $0x3F800000, v11;
	v1 =	vmul.f32 v16, v1;
	[tilespmem:s28+$0x320] =	vst v5  }
0xa6: {  	v23 =	vld [tilespmem:s28+$0xFFFFFC90];
	v4 =	vmul.f32 v6, v4;
	[tilespmem:s28+$0x10] =	vst v7  }
0xa7: {  	v26 =	vld [tilespmem:s28+$0xFFFFFD90];
	v5 =	vmul.f32 v17, v25;
	v6 =	vsel vm0, $0x3F800000, v8;
	[tilespmem:s28+$0xFFFFFCA0] =	vst v1  }
0xa8: {  	v13 =	vld [tilespmem:s28+$0x110];
	v2 =	vmul.f32 v2, v6;
	[tilespmem:s28+$0x20] =	vst v4  }
0xa9: {  	v4 =	vmul.f32 v21, v22;
	[tilespmem:s28+$0x100] =	vst v5;
	v5 =	vld [tilespmem:s28+$0x280]  }
0xaa: {  	v6 =	vmul.f32 v15, v20;
	[tilespmem:s28+$0xFFFFFF20] =	vst v2;
	v2 =	vld [tilespmem:s28+$0x290]  }
0xab: {  	v7 =	vmul.f32 v23, v24;
	[tilespmem:s28+$0x190] =	vst v4;
	v4 =	vld [tilespmem:s28+$0x2A0]  }
0xac: {  	v1 =	vbroadcast v3, $0xD;
	v3 =	vmul.f32 v26, v9;
	[tilespmem:s28+$0x310] =	vst v6  }
0xad: {  	v6 =	vmul.f32 v13, v25;
	[tilespmem:s28+$0xFFFFFC90] =	vst v7  }
0xae: {  	[tilespmem:s28+$0xFFFFFD90] =	vst v3;
	v5 =	vmul.f32 v5, v1  }
0xaf: {  	v3 =	vsel vm0, $0x3F800000, v1;
	[tilespmem:s28+$0x110] =	vst v6;
	v1 =	vmul.f32 v2, v1  }
0xb0: {  	v2 =	vmul.f32 v4, v3;
	[tilespmem:s28+$0x280] =	vst v5  }
0xb1: {  	s26 =	sshrl.u32 s26, $0x2;
	[tilespmem:s28+$0x290] =	vst v1  }
0xb2: {  	[tilespmem:s28+$0x2A0] =	vst v2;
	s28 =	sadd.s32 $0x1400, s26  }
0xb3: {  	[spmem:s2] =	stream.indirect.scatter.add.f32 [tilespmem:s16], [sflag:$0x3], $0x80, s28, s15, $0xb8;
	[tilespmem:$0x1FC00] =	vst v63  }
0xb4: {  	p0 =	seq.s32 s25, $0x13;
	_ =	swait.ge [sflag:s19], $0x4000  }
0xb5: {  	s29 =	simm.s32 @!p0 $0x80;
	[sflag:s19] =	ssyncset.done $0x0  }
0xb6: {  	s30 =	simm.s32 @!p0 $0x3C00;
	s28 =	sadd.s32 @!p0 $0x100, s26;
	[sflag:s19] =	ssyncadd.s32 $0xFFFFC000  }
0xb7: {  	[tilespmem:s30], [sflag:$0x1] =	stream.indirect.gather @!p0 [hbm4b:s4+s29], $0x80, s28, s29, $0xb8;
	[tilespmem:$0x1FC00] =	vst v63  }
0xb8: {  	_ =	swait.ge [sflag:s20], $0x4000  }
0xb9: {  	[sflag:s20] =	ssyncset.done $0x0  }
0xba: {  	s28 =	simm.s32 $0x8000;
	[sflag:s20] =	ssyncadd.s32 $0xFFFFC000  }
0xbb: {  	v10 =	vld [tilespmem:s28+$0x3A0]  }
0xbc: {  	v1 =	vld [tilespmem:s28+$0xFFFFFF80]  }
0xbd: {  	v2 =	vld [tilespmem:s28+$0xA0]  }
0xbe: {  	v4 =	vld [tilespmem:s28+$0x180]  }
0xbf: {  	v6 =	vld [tilespmem:s28+$0x90]  }
0xc0: {  	v8 =	vld [tilespmem:s28+$0x300]  }
0xc1: {  	v11 =	vld [tilespmem:s28+$0x1A0]  }
0xc2: {  	v15 =	vld [tilespmem:s28+$0x200]  }
0xc3: {  	v18 =	vld [tilespmem:s28+$0xFFFFFD10]  }
0xc4: {  	v29 =	vld [tilespmem:s28+$0xFFFFFD20]  }
0xc5: {  	v14 =	vld [tilespmem:s28+$0x390]  }
0xc6: {  	v9 =	vmov s24;
	v5 =	vld [tilespmem:s28+$0x0]  }
0xc7: {  	v7 =	vld [tilespmem:s28+$0xFFFFFF10]  }
0xc8: {  	v19 =	vld [tilespmem:s28+$0xFFFFFC10]  }
0xc9: {  	v12 =	vld [tilespmem:s28+$0xFFFFFE80]  }
0xca: {  	s29 =	simm.s32 $0x0;
	v16 =	vld [tilespmem:s28+$0xFFFFFE10]  }
0xcb: {  	v3 =	vld.idx.msk [tilespmem:v9+s29+$0x0 ss:$0x1], $0xffff  }
0xcc: {  	v33 =	vld [tilespmem:s28+$0x380]  }
0xcd: {  	v22 =	vld [tilespmem:s28+$0xFFFFFD00]  }
0xce: {  	v20 =	vld [tilespmem:s28+$0xFFFFFC20]  }
0xcf: {  	v28 =	vld [tilespmem:s28+$0xFFFFFC00]  }
0xd0: {  	v13 =	vld [tilespmem:s28+$0x80]  }
0xd1: {  	v26 =	vld [tilespmem:s28+$0x220];
	v23 =	vbroadcast v3, $0x0;
	v34 =	vbroadcast v3, $0xF  }
0xd2: {  	vm0 =	veq.s32 v0, $0x3;
	v17 =	vld [tilespmem:s28+$0xFFFFFE00];
	v25 =	vbroadcast v3, $0x2;
	v24 =	vbroadcast v3, $0xC  }
0xd3: {  	v27 =	vld [tilespmem:s28+$0x210];
	v31 =	vsel vm0, $0x3F800000, v23;
	v35 =	vmul.f32 v14, v34;
	v21 =	vsel vm0, $0x3F800000, v34  }
0xd4: {  	v30 =	vmul.f32 v23, v28;
	v14 =	vld [tilespmem:s28+$0xFFFFFEA0];
	v28 =	vmul.f32 v20, v31;
	v31 =	vsel vm0, $0x3F800000, v25  }
0xd5: {  	s30 =	simm.s32 $0x8000;
	s29 =	simm.s32 $0x40;
	v20 =	vld [tilespmem:s28+$0xFFFFFC80];
	v32 =	vmul.f32 v29, v31;
	v31 =	vsel vm0, $0x3F800000, v24;
	v29 =	vmul.f32 v33, v34;
	[tilespmem:s28+$0x390] =	vst v35  }
.LBB2_5:
0xd6: {  	p0 =	sne.s32 s29, $0x1C0  }
0xd7: {  	[tilespmem:s28+$0xFFFFFC00] =	vst v30;
	v30 =	vbroadcast v3, $0x4;
	v33 =	vld [tilespmem:s28+$0x120];
	v26 =	vmul.f32 v26, v31;
	s30 =	sadd.s32 $0x800, s30;
	s31 =	smov.u32 s29;
	s29 =	sadd.s32 $0x40, s29  }
0xd8: {  	v18 =	vmul.f32 v18, v25;
	[tilespmem:s28+$0xFFFFFD20] =	vst v32;
	v31 =	vld [tilespmem:s28+$0xFFFFFE20];
	v32 =	vbroadcast v3, $0xB  }
0xd9: {  	v22 =	vmul.f32 v22, v25;
	v25 =	vld [tilespmem:s28+$0xFFFFFD80];
	v27 =	vmul.f32 v27, v24;
	[tilespmem:s28+$0x380] =	vst v29  }
0xda: {  	v19 =	vmul.f32 v19, v23;
	v15 =	vmul.f32 v15, v24;
	[tilespmem:s28+$0xFFFFFD10] =	vst v18;
	v18 =	vld [tilespmem:s28+$0xFFFFFE90];
	v23 =	vsel vm0, $0x3F800000, v32  }
0xdb: {  	v24 =	vbroadcast v3, $0x1;
	[tilespmem:s28+$0xFFFFFC20] =	vst v28;
	v28 =	vbroadcast v3, $0x9;
	v29 =	vld [tilespmem:s28+$0x100]  }
0xdc: {  	v35 =	vbroadcast v3, $0x7;
	v10 =	vmul.f32 v10, v21;
	v34 =	vld [tilespmem:s28+$0xFFFFFCA0];
	[tilespmem:s28+$0x200] =	vst v15  }
0xdd: {  	v21 =	vbroadcast v3, $0x5;
	v16 =	vmul.f32 v16, v30;
	[tilespmem:s28+$0xFFFFFC10] =	vst v19;
	v15 =	vld [tilespmem:s28+$0xFFFFFDA0];
	v19 =	vsel vm0, $0x3F800000, v30  }
0xde: {  	v20 =	vmul.f32 v20, v24;
	v36 =	vsel vm0, $0x3F800000, v24;
	[tilespmem:s28+$0xFFFFFD00] =	vst v22;
	v22 =	vbroadcast v3, $0xA;
	v37 =	vld [tilespmem:s28+$0x190]  }
0xdf: {  	v19 =	vmul.f32 v31, v19;
	v31 =	vsel vm0, $0x3F800000, v21;
	v38 =	vld [tilespmem:s28+$0xFFFFFC90];
	[tilespmem:s28+$0x220] =	vst v26;
	v26 =	vbroadcast v3, $0xE  }
0xe0: {  	v39 =	vbroadcast v3, $0x3;
	v17 =	vmul.f32 v17, v30;
	v30 =	vsel vm0, $0x3F800000, v35;
	v40 =	vld [tilespmem:s28+$0xFFFFFD90];
	[tilespmem:s28+$0x210] =	vst v27  }
0xe1: {  	v27 =	vmul.f32 v34, v36;
	[tilespmem:s28+$0xFFFFFE10] =	vst v16;
	v16 =	vbroadcast v3, $0xD;
	v34 =	vld [tilespmem:s28+$0x2A0];
	v36 =	vsel vm0, $0x3F800000, v26  }
0xe2: {  	v41 =	vsel vm0, $0x3F800000, v39;
	v12 =	vmul.f32 v12, v21;
	v11 =	vmul.f32 v11, v23;
	[tilespmem:s28+$0xFFFFFE00] =	vst v17;
	v17 =	vld [tilespmem:s28+$0x280]  }
0xe3: {  	v15 =	vmul.f32 v15, v41;
	v23 =	vld [tilespmem:s28+$0x110];
	v37 =	vmul.f32 v37, v32;
	v41 =	vsel vm0, $0x3F800000, v16;
	[tilespmem:s28+$0x3A0] =	vst v10  }
0xe4: {  	v18 =	vmul.f32 v18, v21;
	v14 =	vmul.f32 v14, v31;
	[tilespmem:s28+$0x1A0] =	vst v11;
	v11 =	vld [tilespmem:s28+$0x290]  }
0xe5: {  	v13 =	vmul.f32 v13, v28;
	v10 =	vsel vm0, $0x3F800000, v22;
	[tilespmem:s28+$0xFFFFFC80] =	vst v20;
	v20 =	vmul.f32 v25, v39;
	v21 =	vld [tilespmem:s28+$0x320]  }
0xe6: {  	[tilespmem:s28+$0xFFFFFE80] =	vst v12;
	v12 =	vmul.f32 v33, v10;
	v25 =	vmul.f32 v34, v41;
	v31 =	vld [tilespmem:s28+$0x310]  }
0xe7: {  	v10 =	vld [tilespmem:s30+$0x3A0];
	[tilespmem:s28+$0xFFFFFE20] =	vst v19;
	v19 =	vmul.f32 v29, v22;
	v17 =	vmul.f32 v17, v16  }
0xe8: {  	v29 =	vmul.f32 v40, v39;
	v33 =	vld [tilespmem:s28+$0x10];
	[tilespmem:s28+$0x80] =	vst v13;
	v13 =	vmul.f32 v23, v22  }
0xe9: {  	v22 =	vmul.f32 v38, v24;
	[tilespmem:s28+$0xFFFFFE90] =	vst v18;
	v18 =	vld [tilespmem:s28+$0xFFFFFF00];
	v16 =	vmul.f32 v11, v16  }
0xea: {  	v8 =	vmul.f32 v8, v26;
	v11 =	vld [tilespmem:s28+$0xFFFFFF20];
	[tilespmem:s28+$0x120] =	vst v12;
	v12 =	vmul.f32 v21, v36  }
0xeb: {  	v6 =	vmul.f32 v6, v28;
	[tilespmem:s28+$0xFFFFFEA0] =	vst v14;
	v14 =	vld [tilespmem:s28+$0x20];
	v21 =	vmul.f32 v31, v26  }
0xec: {  	v4 =	vmul.f32 v4, v32;
	v23 =	vbroadcast v3, $0x6;
	v26 =	vsel vm0, $0x3F800000, v28;
	v24 =	vld [tilespmem:s28+$0xFFFFFFA0];
	[tilespmem:s28+$0x300] =	vst v8  }
0xed: {  	v3 =	vbroadcast v3, $0x8;
	v2 =	vmul.f32 v2, v26;
	v8 =	vld [tilespmem:s28+$0xFFFFFF90];
	[tilespmem:s28+$0x90] =	vst v6  }
0xee: {  	v6 =	vmul.f32 v7, v23;
	v7 =	vsel vm0, $0x3F800000, v23;
	v18 =	vmul.f32 v18, v23;
	[tilespmem:s28+$0x180] =	vst v4  }
0xef: {  	v4 =	vmul.f32 v5, v3;
	v5 =	vsel vm0, $0x3F800000, v3;
	v7 =	vmul.f32 v11, v7;
	[tilespmem:s28+$0xA0] =	vst v2  }
0xf0: {  	v3 =	vmul.f32 v33, v3;
	[tilespmem:s28+$0xFFFFFD80] =	vst v20;
	v5 =	vmul.f32 v14, v5  }
0xf1: {  	v1 =	vmul.f32 v1, v35;
	[tilespmem:s28+$0xFFFFFF10] =	vst v6;
	v2 =	vmul.f32 v24, v30  }
0xf2: {  	v6 =	vmul.f32 v8, v35;
	[tilespmem:s28+$0x0] =	vst v4  }
0xf3: {  	[tilespmem:s28+$0xFFFFFF80] =	vst v1  }
0xf4: {  	[tilespmem:s28+$0xFFFFFF90] =	vst v6  }
0xf5: {  	[tilespmem:s28+$0xFFFFFFA0] =	vst v2  }
0xf6: {  	[tilespmem:s28+$0x320] =	vst v12  }
0xf7: {  	v1 =	vld [tilespmem:s30+$0xFFFFFF80];
	[tilespmem:s28+$0xFFFFFDA0] =	vst v15  }
0xf8: {  	v2 =	vld [tilespmem:s30+$0xA0];
	[tilespmem:s28+$0x10] =	vst v3  }
0xf9: {  	v4 =	vld [tilespmem:s30+$0x180];
	[tilespmem:s28+$0x20] =	vst v5  }
0xfa: {  	v6 =	vld [tilespmem:s30+$0x90];
	[tilespmem:s28+$0xFFFFFF00] =	vst v18  }
0xfb: {  	v8 =	vld [tilespmem:s30+$0x300];
	[tilespmem:s28+$0x100] =	vst v19  }
0xfc: {  	v11 =	vld [tilespmem:s30+$0x1A0];
	[tilespmem:s28+$0xFFFFFF20] =	vst v7  }
0xfd: {  	v15 =	vld [tilespmem:s30+$0x200];
	[tilespmem:s28+$0x190] =	vst v37  }
0xfe: {  	v18 =	vld [tilespmem:s30+$0xFFFFFD10];
	[tilespmem:s28+$0xFFFFFCA0] =	vst v27  }
0xff: {  	v31 =	vld [tilespmem:s30+$0xFFFFFD20];
	[tilespmem:s28+$0x310] =	vst v21  }
0x100: {  	v14 =	vld [tilespmem:s30+$0x390];
	[tilespmem:s28+$0xFFFFFC90] =	vst v22  }
0x101: {  	v5 =	vld [tilespmem:s30+$0x0];
	[tilespmem:s28+$0xFFFFFD90] =	vst v29  }
0x102: {  	v7 =	vld [tilespmem:s30+$0xFFFFFF10];
	[tilespmem:s28+$0x110] =	vst v13  }
0x103: {  	v19 =	vld [tilespmem:s30+$0xFFFFFC10];
	[tilespmem:s28+$0x280] =	vst v17  }
0x104: {  	v12 =	vld [tilespmem:s30+$0xFFFFFE80];
	[tilespmem:s28+$0x290] =	vst v16  }
0x105: {  	s31 =	sshra.s32 s31, $0x2;
	v16 =	vld [tilespmem:s30+$0xFFFFFE10];
	[tilespmem:s28+$0x2A0] =	vst v25;
	s28 =	smov.u32 s30  }
0x106: {  	v3 =	vld.idx.msk [tilespmem:v9+s31+$0x0 ss:$0x1], $0xffff  }
0x107: {  	v29 =	vld [tilespmem:s30+$0x380]  }
0x108: {  	v22 =	vld [tilespmem:s30+$0xFFFFFD00]  }
0x109: {  	v20 =	vld [tilespmem:s30+$0xFFFFFC20]  }
0x10a: {  	v28 =	vld [tilespmem:s30+$0xFFFFFC00]  }
0x10b: {  	v13 =	vld [tilespmem:s30+$0x80]  }
.Ltmp1:
0x10c: {  	v23 =	vbroadcast v3, $0x0;
	v33 =	vbroadcast v3, $0xF;
	v26 =	vld [tilespmem:s30+$0x220];
	(pc) =	sbr.rel @p0 .LBB2_5-.Ltmp1, $4  }
0x10d: {  	v25 =	vbroadcast v3, $0x2;
	v24 =	vbroadcast v3, $0xC;
	v17 =	vld [tilespmem:s30+$0xFFFFFE00]  }
0x10e: {  	v32 =	vsel vm0, $0x3F800000, v23;
	v34 =	vmul.f32 v14, v33;
	v21 =	vsel vm0, $0x3F800000, v33;
	v27 =	vld [tilespmem:s30+$0x210]  }
0x10f: {  	v30 =	vmul.f32 v23, v28;
	v28 =	vmul.f32 v20, v32;
	v32 =	vsel vm0, $0x3F800000, v25;
	v14 =	vld [tilespmem:s30+$0xFFFFFEA0]  }
0x110: {  	v29 =	vmul.f32 v29, v33;
	v20 =	vld [tilespmem:s30+$0xFFFFFC80];
	v32 =	vmul.f32 v31, v32;
	v31 =	vsel vm0, $0x3F800000, v24;
	[tilespmem:s30+$0x390] =	vst v34  }
0x111: {  	[tilespmem:s28+$0xFFFFFC00] =	vst v30  }
0x112: {  	[tilespmem:s28+$0xFFFFFC20] =	vst v28  }
0x113: {  	v9 =	vmul.f32 v18, v25;
	[tilespmem:s28+$0xFFFFFD20] =	vst v32  }
0x114: {  	v50 =	vmul.f32 v15, v24;
	[tilespmem:s28+$0x380] =	vst v29  }
0x115: {  	v51 =	vmul.f32 v19, v23;
	[tilespmem:s28+$0xFFFFFD10] =	vst v9  }
0x116: {  	v52 =	vmul.f32 v22, v25;
	[tilespmem:s28+$0x200] =	vst v50  }
0x117: {  	v54 =	vmul.f32 v26, v31;
	[tilespmem:s28+$0xFFFFFC10] =	vst v51  }
0x118: {  	v53 =	vbroadcast v3, $0x4;
	v10 =	vmul.f32 v10, v21;
	[tilespmem:s28+$0xFFFFFD00] =	vst v52  }
0x119: {  	v55 =	vmul.f32 v27, v24;
	[tilespmem:s28+$0x220] =	vst v54  }
0x11a: {  	v61 =	vbroadcast v3, $0x5;
	v16 =	vmul.f32 v16, v53;
	[tilespmem:s28+$0x3A0] =	vst v10  }
0x11b: {  	v37 =	vbroadcast v3, $0xE;
	v17 =	vmul.f32 v17, v53;
	[tilespmem:s28+$0x210] =	vst v55  }
0x11c: {  	v22 =	vbroadcast v3, $0xB;
	v12 =	vmul.f32 v12, v61;
	[tilespmem:s28+$0xFFFFFE10] =	vst v16  }
0x11d: {  	v44 =	vbroadcast v3, $0x6;
	v8 =	vmul.f32 v8, v37;
	[tilespmem:s28+$0xFFFFFE00] =	vst v17  }
0x11e: {  	v48 =	vbroadcast v3, $0x8;
	v4 =	vmul.f32 v4, v22;
	[tilespmem:s28+$0xFFFFFE80] =	vst v12  }
0x11f: {  	v49 =	vbroadcast v3, $0x7;
	v7 =	vmul.f32 v7, v44;
	[tilespmem:s28+$0x300] =	vst v8  }
0x120: {  	v5 =	vmul.f32 v5, v48;
	[tilespmem:s28+$0x180] =	vst v4  }
0x121: {  	v29 =	vbroadcast v3, $0x9;
	v59 =	vsel vm0, $0x3F800000, v22;
	v1 =	vmul.f32 v1, v49;
	[tilespmem:s28+$0xFFFFFF10] =	vst v7  }
0x122: {  	v57 =	vld [tilespmem:s28+$0xFFFFFE20];
	v11 =	vmul.f32 v11, v59;
	[tilespmem:s28+$0x0] =	vst v5  }
0x123: {  	v58 =	vld [tilespmem:s28+$0xFFFFFE90];
	v24 =	vbroadcast v3, $0x1;
	v13 =	vmul.f32 v13, v29;
	[tilespmem:s28+$0xFFFFFF80] =	vst v1  }
0x124: {  	v56 =	vld [tilespmem:s28+$0x120];
	v6 =	vmul.f32 v6, v29;
	[tilespmem:s28+$0x1A0] =	vst v11  }
0x125: {  	v31 =	vld [tilespmem:s28+$0xFFFFFD80];
	v10 =	vsel vm0, $0x3F800000, v29;
	v62 =	vmul.f32 v20, v24;
	[tilespmem:s28+$0x80] =	vst v13  }
0x126: {  	v45 =	vld [tilespmem:s28+$0xFFFFFF90];
	v32 =	vbroadcast v3, $0xA;
	v9 =	vsel vm0, $0x3F800000, v53;
	v2 =	vmul.f32 v2, v10;
	[tilespmem:s28+$0x90] =	vst v6  }
0x127: {  	v47 =	vld [tilespmem:s28+$0xFFFFFFA0];
	v9 =	vmul.f32 v57, v9;
	[tilespmem:s28+$0xFFFFFC80] =	vst v62  }
0x128: {  	v40 =	vld [tilespmem:s28+$0x320];
	v42 =	vbroadcast v3, $0x3;
	v35 =	vsel vm0, $0x3F800000, v32;
	v15 =	vmul.f32 v58, v61;
	[tilespmem:s28+$0xA0] =	vst v2  }
0x129: {  	v34 =	vld [tilespmem:s28+$0xFFFFFDA0];
	v18 =	vmul.f32 v56, v35;
	[tilespmem:s28+$0xFFFFFE20] =	vst v9  }
0x12a: {  	v43 =	vld [tilespmem:s28+$0x10];
	v46 =	vmul.f32 v31, v42;
	[tilespmem:s28+$0xFFFFFE90] =	vst v15  }
0x12b: {  	v33 =	vld [tilespmem:s28+$0x100];
	v52 =	vsel vm0, $0x3F800000, v49;
	v4 =	vmul.f32 v45, v49;
	[tilespmem:s28+$0x120] =	vst v18  }
0x12c: {  	v63 =	vld [tilespmem:s28+$0x190];
	v53 =	vsel vm0, $0x3F800000, v37;
	v7 =	vmul.f32 v47, v52;
	[tilespmem:s28+$0xFFFFFD80] =	vst v46  }
0x12d: {  	v39 =	vld [tilespmem:s28+$0x110];
	v1 =	vsel vm0, $0x3F800000, v42;
	v5 =	vmul.f32 v40, v53;
	[tilespmem:s28+$0xFFFFFF90] =	vst v4  }
0x12e: {  	v30 =	vld [tilespmem:s28+$0xFFFFFC90];
	v1 =	vmul.f32 v34, v1;
	[tilespmem:s28+$0xFFFFFFA0] =	vst v7  }
0x12f: {  	v50 =	vld [tilespmem:s28+$0xFFFFFF00];
	v55 =	vmul.f32 v43, v48;
	[tilespmem:s28+$0x320] =	vst v5  }
0x130: {  	v56 =	vmul.f32 v33, v32;
	v2 =	vld [tilespmem:s28+$0xFFFFFF20];
	[tilespmem:s28+$0xFFFFFDA0] =	vst v1  }
0x131: {  	v58 =	vmul.f32 v63, v22;
	[tilespmem:s28+$0x10] =	vst v55  }
0x132: {  	v60 =	vld [tilespmem:s28+$0xFFFFFCA0];
	v63 =	vmul.f32 v39, v32;
	[tilespmem:s28+$0x100] =	vst v56  }
0x133: {  	v51 =	vld [tilespmem:s28+$0x20];
	v62 =	vmul.f32 v30, v24;
	[tilespmem:s28+$0x190] =	vst v58  }
0x134: {  	v41 =	vld [tilespmem:s28+$0x310];
	v57 =	vsel vm0, $0x3F800000, v44;
	v1 =	vmul.f32 v50, v44;
	[tilespmem:s28+$0x110] =	vst v63  }
0x135: {  	v38 =	vld [tilespmem:s28+$0xFFFFFD90];
	v36 =	vsel vm0, $0x3F800000, v61;
	[tilespmem:s28+$0xFFFFFC90] =	vst v62;
	v2 =	vmul.f32 v2, v57  }
0x136: {  	v59 =	vld [tilespmem:s28+$0x280];
	v9 =	vmul.f32 v14, v36;
	[tilespmem:s28+$0xFFFFFF00] =	vst v1;
	v1 =	vsel vm0, $0x3F800000, v24  }
0x137: {  	v54 =	vsel vm0, $0x3F800000, v48;
	v1 =	vmul.f32 v60, v1;
	[tilespmem:s28+$0xFFFFFF20] =	vst v2;
	v2 =	vld [tilespmem:s28+$0x290]  }
0x138: {  	v61 =	vld [tilespmem:s28+$0x2A0];
	v4 =	vmul.f32 v51, v54;
	[tilespmem:s28+$0xFFFFFEA0] =	vst v9  }
0x139: {  	v60 =	vmul.f32 v41, v37;
	[tilespmem:s28+$0xFFFFFCA0] =	vst v1;
	v1 =	vbroadcast v3, $0xD  }
0x13a: {  	s25 =	sadd.s32 $0x1, s25;
	[tilespmem:s28+$0x20] =	vst v4;
	v3 =	vmul.f32 v38, v42  }
0x13b: {  	p0 =	sne.s32 s25, $0x14;
	[tilespmem:s28+$0x310] =	vst v60;
	v5 =	vmul.f32 v59, v1  }
.Ltmp2:
0x13c: {  	[tilespmem:s28+$0xFFFFFD90] =	vst v3;
	v3 =	vsel vm0, $0x3F800000, v1;
	v1 =	vmul.f32 v2, v1;
	(pc) =	sbr.rel @p0 .LBB2_2-.Ltmp2, $4  }
0x13d: {  	[tilespmem:s28+$0x280] =	vst v5;
	v2 =	vmul.f32 v61, v3  }
0x13e: {  	[tilespmem:s28+$0x290] =	vst v1  }
0x13f: {  	s26 =	sadd.s32 $0x1480, s26;
	s23 =	sadd.s32 $0x100, s23;
	s24 =	sadd.s32 $0x100, s24;
	[tilespmem:s28+$0x2A0] =	vst v2  }
0x140: {  	[spmem:s2] =	stream.indirect.scatter.add.f32 [tilespmem:s17], [sflag:$0x4], $0x80, s26, s15, $0xb8;
	[tilespmem:$0x1FC00] =	vst v63  }
0x141: {  	_ =	swait.ge [sflag:s21], $0x4000  }
0x142: {  	s22 =	sadd.s32 $0x1, s22;
	[sflag:s21] =	ssyncset.done $0x0  }
0x143: {  	p0 =	sne.s32 s22, s11;
	[sflag:s21] =	ssyncadd.s32 $0xFFFFC000  }
.Ltmp3:
0x144: {  	[bflag:$0x0] =	sbarrier.arrive $0xFFFF;
	(pc) =	sbr.rel @p0 .LBB2_1-.Ltmp3, $4  }
0x145: {  	[hbm:s10], [sflag:s6] =	dma.local [spmem:s12], $0x2800  }
0x146: {  	_ =	swait.ge [sflag:s13], $0x2800  }
0x147: {  	[sflag:s13] =	ssyncset.done $0x0  }
0x148: {  	[sflag:s13] =	ssyncadd.s32 $0xFFFFD800  }
0x149: {  	_ =	sfence.sel $0x180000  }
0x14a: {  	[bflag:$0x0] =	sbarrier.arrive $0xFFFF  }
0x14b: {  	p0 =	sne.s32 s0, $0x0;
	_ =	strace $0x90000047  }
0x14c: {  	s0 =	sadd.s32 @!p0 $0x100000, s1;
	[bflag:$0x2] =	sbarrier.arrive $0xFFFF  }
0x14d: {  	[sflag:s0] =	ssyncadd.tile.s32 @!p0 $0x1;
	_ =	shalt  }
.Lfunc_end2:
_tile_overlayer_lowered:
.L_overlay_start_2:
0x14e: {  	(tag) =	ssettag $0x2  }
0x14f: {  	s0 =	rddreg [dreg:$0x0];
	s2 =	stileid.u32  }
0x150: {  	s1 =	rddreg [dreg:$0x1];
	p0 =	sne.s32 s2, $0x0  }
0x151: {  	s3 =	rddreg [dreg:$0x2];
	[bflag:$0x3] =	sbarrier.arrive $0xFFFF;
	s2 =	simm.s32 @!p0 $0x1C05  }
0x152: {  	[timem:s3], [sflag:s2] =	dma.local @!p0 [hbm:s0], s1  }
0x153: {  	s0 =	simm.s32 @!p0 $0x5  }
0x154: {  	_ =	swait.ge @!p0 [sflag:s0], s1  }
0x155: {  	s1 =	ssub.s32 @!p0 $0x0, s1;
	[sflag:s0] =	ssyncset.done @!p0 $0x0  }
0x156: {  	[sflag:s0] =	ssyncadd.s32 @!p0 s1  }
0x157: {  	[bflag:$0x3] =	sbarrier.arrive $0xFFFF  }
0x158: {  	_ =	shalt  }

</sc_bundles>
